<compile_context>
chip_gen: v7x
topology: tpu7x:2x2x1
jax: 0.10.2.dev20260603
libtpu: 0.0.44.dev20260713+nightly
codegen_flags: <defaults>
</compile_context>

<pallas_src>
import functools

import jax
import jax.numpy as jnp
from jax import lax
from jax.experimental import pallas as pl
from jax.experimental.pallas import tpu as pltpu
from jax.experimental.pallas import tpu_sc as plsc

N = 10000
E = 320000
D_IN = 128
H = 128
OUT = 64
FUS = 128

NC = 2
NS = 16
CHUNK = 80
EPW = E // (NC * NS)
NCHUNK = EPW // CHUNK
NBLK = 5
BCH = NCHUNK // NBLK
NPAD = 10240
RPT = NPAD // NS

BLK = 2000
GRID = N // BLK


@functools.cache
def _deg_kernel_build():
    mesh = plsc.VectorSubcoreMesh(core_axis_name="c", subcore_axis_name="s")
    return functools.partial(
        pl.kernel,
        out_type=jax.ShapeDtypeStruct((NC * NPAD,), jnp.float32),
        mesh=mesh,
        scratch_types=[
            pltpu.VMEM((BCH, CHUNK), jnp.int32),
            pltpu.VMEM((CHUNK,), jnp.float32),
            pltpu.VMEM_SHARED((NPAD,), jnp.float32),
            pltpu.SemaphoreType.DMA,
        ],
    )(_deg_body)


def _deg_body(dst4_hbm, ones_hbm, zeros_hbm, out_hbm, dst_v, ones_v, acc_sh,
              ssem):
    c = lax.axis_index("c")
    s = lax.axis_index("s")
    row0 = s * RPT
    pltpu.sync_copy(zeros_hbm, acc_sh.at[pl.ds(row0, RPT)])
    pltpu.sync_copy(ones_hbm, ones_v)
    wid = c * NS + s
    plsc.subcore_barrier()

    def blk(b, carry):
        pltpu.sync_copy(dst4_hbm.at[wid, b], dst_v)

        def step(j, c2):
            k0 = j * 5
            descs = [
                pltpu.async_copy(ones_v, acc_sh.at[dst_v.at[k0 + i]], ssem,
                                 add=True)
                for i in range(5)
            ]
            for d in descs:
                d.wait()
            return c2

        lax.fori_loop(0, BCH // 5, step, 0)
        return carry

    lax.fori_loop(0, NBLK, blk, 0)
    plsc.subcore_barrier()
    pltpu.sync_copy(acc_sh.at[pl.ds(row0, RPT)],
                    out_hbm.at[pl.ds(c * NPAD + row0, RPT)])


@functools.cache
def _agg_kernel_build():
    mesh = plsc.VectorSubcoreMesh(core_axis_name="c", subcore_axis_name="s")
    return functools.partial(
        pl.kernel,
        out_type=jax.ShapeDtypeStruct((NC * NPAD, H), jnp.float32),
        mesh=mesh,
        scratch_types=[
            pltpu.VMEM((BCH * CHUNK,), jnp.int32),
            pltpu.VMEM((BCH, CHUNK), jnp.int32),
            pltpu.VMEM((CHUNK, H), jnp.float32),
            pltpu.VMEM((CHUNK, H), jnp.float32),
            pltpu.VMEM((CHUNK, H), jnp.float32),
            pltpu.VMEM((CHUNK, H), jnp.float32),
            pltpu.VMEM_SHARED((NPAD, H), jnp.float32),
            pltpu.SemaphoreType.DMA,
            pltpu.SemaphoreType.DMA,
            pltpu.SemaphoreType.DMA,
            pltpu.SemaphoreType.DMA,
            pltpu.SemaphoreType.DMA,
            pltpu.SemaphoreType.DMA,
            pltpu.SemaphoreType.DMA,
            pltpu.SemaphoreType.DMA,
        ],
    )(_agg_body)


def _agg_body(src4_hbm, dst4_hbm, hs_hbm, zeros_hbm, out_hbm,
              src_v, dst_v, r0, r1, r2, r3, acc_sh,
              ga0, ga1, ga2, ga3, sa0, sa1, sa2, sa3):
    rows = (r0, r1, r2, r3)
    gsem = (ga0, ga1, ga2, ga3)
    ssem = (sa0, sa1, sa2, sa3)
    c = lax.axis_index("c")
    s = lax.axis_index("s")
    row0 = s * RPT
    pltpu.sync_copy(zeros_hbm, acc_sh.at[pl.ds(row0, RPT)])
    wid = c * NS + s
    plsc.subcore_barrier()

    def gath(k, i):
        return pltpu.async_copy(
            hs_hbm.at[src_v.at[pl.ds(k * CHUNK, CHUNK)]], rows[i], gsem[i])

    def wait_gath(i):
        pltpu.make_async_copy(hs_hbm.at[src_v.at[pl.ds(0, CHUNK)]], rows[i],
                              gsem[i]).wait()

    def scat(k, i):
        return pltpu.async_copy(rows[i], acc_sh.at[dst_v.at[k]], ssem[i],
                                add=True)

    def wait_scat(i):
        pltpu.make_async_copy(rows[i], acc_sh.at[dst_v.at[0]], ssem[i]).wait()

    def blk(b, carry):
        pltpu.sync_copy(src4_hbm.at[wid, b], src_v)
        pltpu.sync_copy(dst4_hbm.at[wid, b], dst_v)
        gath(0, 0)
        gath(1, 1)
        wait_gath(0)
        scat(0, 0)
        gath(2, 2)
        wait_gath(1)
        scat(1, 1)
        gath(3, 3)
        wait_gath(2)
        scat(2, 2)
        wait_scat(0)
        gath(4, 0)
        wait_gath(3)
        scat(3, 3)
        wait_scat(1)
        gath(5, 1)

        def body(j, c2):
            k0 = 4 * j
            for i in range(4):
                k = k0 + i
                wait_gath(i)
                scat(k, i)
                wait_scat((i + 2) % 4)
                gath(k + 2, (i + 2) % 4)
            return c2

        lax.fori_loop(1, BCH // 4 - 1, body, 0)
        wait_gath(0)
        scat(20, 0)
        wait_scat(2)
        gath(22, 2)
        wait_gath(1)
        scat(21, 1)
        wait_scat(3)
        gath(23, 3)
        wait_gath(2)
        scat(22, 2)
        wait_scat(0)
        gath(24, 0)
        wait_gath(3)
        scat(23, 3)
        wait_scat(1)
        wait_gath(0)
        scat(24, 0)
        wait_scat(2)
        wait_scat(3)
        wait_scat(0)
        return carry

    lax.fori_loop(0, NBLK, blk, 0)
    plsc.subcore_barrier()
    pltpu.sync_copy(acc_sh.at[pl.ds(row0, RPT)],
                    out_hbm.at[pl.ds(c * NPAD + row0, RPT)])



def _dinv(dega, degb):
    return 1.0 / jnp.sqrt(dega[:, :1] + degb[:, :1] + 1.0)


def _tc1_body(x_ref, dega_ref, degb_ref, w_ref, out_ref):
    dinv = _dinv(dega_ref[...], degb_ref[...])
    out_ref[...] = jnp.dot(x_ref[...], w_ref[...],
                           preferred_element_type=jnp.float32) * dinv


def _tc2_body(a1a_ref, a1b_ref, hs1_ref, dega_ref, degb_ref, gb1_ref, gw2_ref,
              out_ref):
    dinv = _dinv(dega_ref[...], degb_ref[...])
    h1 = jnp.maximum((a1a_ref[...] + a1b_ref[...] + hs1_ref[...]) * dinv
                     + gb1_ref[...], 0.0)
    out_ref[...] = jnp.dot(h1, gw2_ref[...],
                           preferred_element_type=jnp.float32) * dinv


def _tc3_body(a2a_ref, a2b_ref, hs2_ref, dega_ref, degb_ref, fem_ref, topo_ref,
              gb2_ref, fw0a_ref, fw0b_ref, fb0_ref, fw1_ref, fb1_ref,
              fwo_ref, fbo_ref, tw0a_ref, tw0b_ref, tb0_ref, tw1_ref, tb1_ref,
              two_ref, tbo_ref, uwh_ref, uwf_ref, uwt_ref, ub_ref,
              rw1_ref, rb1_ref, rw2_ref, rb2_ref, aw1_ref, ab1_ref,
              aw2_ref, ab2_ref, add_ref, rem_ref):
    mm = functools.partial(jnp.dot, preferred_element_type=jnp.float32)
    dinv = _dinv(dega_ref[...], degb_ref[...])
    h = jnp.maximum((a2a_ref[...] + a2b_ref[...] + hs2_ref[...]) * dinv
                    + gb2_ref[...], 0.0)
    def _bf(v):
        return v.astype(jnp.bfloat16).astype(jnp.float32)

    f = jnp.maximum(mm(h, fw0a_ref[...]) + _bf(fem_ref[...]) * _bf(fw0b_ref[...])
                    + fb0_ref[...], 0.0)
    f = jnp.maximum(mm(f, fw1_ref[...]) + fb1_ref[...], 0.0)
    f = mm(f, fwo_ref[...]) + fbo_ref[...]
    t = jnp.maximum(mm(h, tw0a_ref[...]) + _bf(topo_ref[...]) * _bf(tw0b_ref[...])
                    + tb0_ref[...], 0.0)
    t = jnp.maximum(mm(t, tw1_ref[...]) + tb1_ref[...], 0.0)
    t = mm(t, two_ref[...]) + tbo_ref[...]
    fus = jnp.maximum(mm(h, uwh_ref[...]) + mm(f, uwf_ref[...])
                      + mm(t, uwt_ref[...]) + ub_ref[...], 0.0)
    r = jnp.maximum(mm(fus, rw1_ref[...]) + rb1_ref[...], 0.0)
    rem_ref[...] = jnp.tanh(mm(r, rw2_ref[...]) + rb2_ref[...])
    a = jnp.maximum(mm(fus, aw1_ref[...]) + ab1_ref[...], 0.0)
    add_ref[...] = jnp.tanh(mm(a, aw2_ref[...]) + ab2_ref[...])


def _row_spec(width):
    return pl.BlockSpec((BLK, width), lambda i: (i, 0))


def _full_spec(shape):
    return pl.BlockSpec(shape, lambda i: (0,) * len(shape))


def _tc_call(body, ins, row_widths, full_shapes, out_widths):
    in_specs = ([_row_spec(w) for w in row_widths]
                + [_full_spec(s) for s in full_shapes])
    out_specs = [_row_spec(w) for w in out_widths]
    out_shape = [jax.ShapeDtypeStruct((N, w), jnp.float32) for w in out_widths]
    outs = pl.pallas_call(
        body,
        grid=(GRID,),
        in_specs=in_specs,
        out_specs=out_specs if len(out_specs) > 1 else out_specs[0],
        out_shape=out_shape if len(out_shape) > 1 else out_shape[0],
    )(*ins)
    return outs


def kernel(x, edge_index, fem_reward, topology_reward, gW1, gb1, gW2, gb2,
           fW0, fb0, fW1, fb1, fWo, fbo, tW0, tb0, tW1, tb1, tWo, tbo,
           uW, ub, rW1, rb1, rW2, rb2, aW1, ab1, aW2, ab2):
    src3 = edge_index[0].reshape(NC * NS, NBLK, BCH * CHUNK)
    dst4 = edge_index[1].reshape(NC * NS, NBLK, BCH, CHUNK)
    zeros_h = jnp.zeros((RPT, H), jnp.float32)
    zeros_d = jnp.zeros((RPT,), jnp.float32)
    ones_d = jnp.ones((CHUNK,), jnp.float32)

    deg_parts = _deg_kernel_build()(dst4, ones_d, zeros_d)
    dega = deg_parts[:N].reshape(N, 1)
    degb = deg_parts[NPAD:NPAD + N].reshape(N, 1)

    h1s = _tc_call(_tc1_body, (x, dega, degb, gW1), (D_IN, 1, 1),
                   ((D_IN, H),), (H,))
    agg1 = _agg_kernel_build()(src3, dst4, h1s, zeros_h)
    a1a = agg1[:N]
    a1b = agg1[NPAD:NPAD + N]

    h2s = _tc_call(_tc2_body,
                   (a1a, a1b, h1s, dega, degb, gb1.reshape(1, H), gW2),
                   (H, H, H, 1, 1), ((1, H), (H, H)), (H,))
    agg2 = _agg_kernel_build()(src3, dst4, h2s, zeros_h)
    a2a = agg2[:N]
    a2b = agg2[NPAD:NPAD + N]

    fW0a, fW0b = fW0[:H], fW0[H:H + 1]
    tW0a, tW0b = tW0[:H], tW0[H:H + 1]
    uWh, uWf, uWt = uW[:H], uW[H:H + OUT], uW[H + OUT:]
    rW2p = jnp.pad(rW2, ((0, 0), (0, 7)))
    rb2p = jnp.pad(rb2, (0, 7)).reshape(1, 8)
    aW2p = jnp.pad(aW2, ((0, 0), (0, 5)))
    ab2p = jnp.pad(ab2, (0, 5)).reshape(1, 8)

    add_p, rem_p = _tc_call(
        _tc3_body,
        (a2a, a2b, h2s, dega, degb, fem_reward, topology_reward,
         gb2.reshape(1, H),
         fW0a, fW0b, fb0.reshape(1, H), fW1, fb1.reshape(1, H),
         fWo, fbo.reshape(1, OUT),
         tW0a, tW0b, tb0.reshape(1, H), tW1, tb1.reshape(1, H),
         tWo, tbo.reshape(1, OUT),
         uWh, uWf, uWt, ub.reshape(1, FUS),
         rW1, rb1.reshape(1, FUS), rW2p, rb2p,
         aW1, ab1.reshape(1, FUS), aW2p, ab2p),
        (H, H, H, 1, 1, 1, 1),
        ((1, H), (H, H), (1, H), (1, H), (H, H), (1, H), (H, OUT), (1, OUT),
         (H, H), (1, H), (1, H), (H, H), (1, H), (H, OUT), (1, OUT),
         (H, FUS), (OUT, FUS), (OUT, FUS), (1, FUS),
         (FUS, FUS), (1, FUS), (FUS, 8), (1, 8),
         (FUS, FUS), (1, FUS), (FUS, 8), (1, 8)),
        (8, 8))
    return (add_p[:, :3], rem_p[:, :1])

# --- scband reference (transcript-rebuilt; emitter-appended) ---
"""Pipeline reference for scband-sacgnnmodel-88072599372371 (READ-ONLY COPY).

The authoritative reference and input builder live on the scoring server;
editing this copy changes nothing except your own understanding.
"""

import jax, jax.numpy as jnp
import numpy as np

N_NODES = 10000
N_EDGES = 320000
D_IN = 128
H = 128
OUT = 64
FUS = 128

def _lin(key, din, dout):
    k1, k2 = jax.random.split(key)
    s = 1.0 / np.sqrt(din)
    W = jax.random.uniform(k1, (din, dout), minval=-s, maxval=s, dtype=jnp.float32)
    b = jax.random.uniform(k2, (dout,), minval=-s, maxval=s, dtype=jnp.float32)
    return W, b

def setup_inputs(seed: int = 0):
    key = jax.random.key(seed)
    ks = jax.random.split(key, 20)
    inp = {}
    inp["x"] = jax.random.normal(ks[0], (N_NODES, D_IN), dtype=jnp.float32)
    inp["edge_index"] = jax.random.randint(ks[1], (2, N_EDGES), 0, N_NODES, dtype=jnp.int32)
    inp["fem_reward"] = jax.random.normal(ks[2], (N_NODES, 1), dtype=jnp.float32)
    inp["topology_reward"] = jax.random.normal(ks[3], (N_NODES, 1), dtype=jnp.float32)
    inp["gW1"], inp["gb1"] = _lin(ks[4], D_IN, H)
    inp["gW2"], inp["gb2"] = _lin(ks[5], H, H)
    inp["fW0"], inp["fb0"] = _lin(ks[6], H + 1, H)
    inp["fW1"], inp["fb1"] = _lin(ks[7], H, H)
    inp["fWo"], inp["fbo"] = _lin(ks[8], H, OUT)
    inp["tW0"], inp["tb0"] = _lin(ks[9], H + 1, H)
    inp["tW1"], inp["tb1"] = _lin(ks[10], H, H)
    inp["tWo"], inp["tbo"] = _lin(ks[11], H, OUT)
    inp["uW"], inp["ub"] = _lin(ks[12], H + 2 * OUT, FUS)
    inp["rW1"], inp["rb1"] = _lin(ks[13], FUS, FUS)
    inp["rW2"], inp["rb2"] = _lin(ks[14], FUS, 1)
    inp["aW1"], inp["ab1"] = _lin(ks[15], FUS, FUS)
    inp["aW2"], inp["ab2"] = _lin(ks[16], FUS, 3)
    return inp

def _gcn_conv(x, src, dst, W, b):
    h = x @ W
    deg = jnp.zeros((N_NODES,), dtype=x.dtype).at[dst].add(1.0)
    dinv = jnp.where(deg > 0, 1.0 / jnp.sqrt(deg), 0.0)
    norm = (dinv[src] * dinv[dst])[:, None]
    out = jnp.zeros_like(h).at[dst].add(h[src] * norm)
    return out + b

def _branch(z, W0, b0, W1, b1, Wo, bo):
    z = jax.nn.relu(z @ W0 + b0)
    z = jax.nn.relu(z @ W1 + b1)
    return z @ Wo + bo

def reference(x, edge_index, fem_reward, topology_reward, gW1, gb1, gW2, gb2, fW0, fb0, fW1, fb1, fWo, fbo, tW0, tb0, tW1, tb1, tWo, tbo, uW, ub, rW1, rb1, rW2, rb2, aW1, ab1, aW2, ab2):
    loop = jnp.arange(N_NODES, dtype=edge_index.dtype)
    src = jnp.concatenate([edge_index[0], loop])
    dst = jnp.concatenate([edge_index[1], loop])
    h = jax.nn.relu(_gcn_conv(x, src, dst, gW1, gb1))
    h = jax.nn.relu(_gcn_conv(h, src, dst, gW2, gb2))
    fem_in = jnp.concatenate([h, fem_reward], axis=1)
    topo_in = jnp.concatenate([h, topology_reward], axis=1)
    fem_out = _branch(fem_in, fW0, fb0, fW1, fb1, fWo, fbo)
    topo_out = _branch(topo_in, tW0, tb0, tW1, tb1, tWo, tbo)
    fus = jax.nn.relu(jnp.concatenate([h, fem_out, topo_out], axis=1) @ uW + ub)
    removal_score = 1.0 * jnp.tanh(jax.nn.relu(fus @ rW1 + rb1) @ rW2 + rb2)
    addition_offset = 1.0 * jnp.tanh(jax.nn.relu(fus @ aW1 + ab1) @ aW2 + ab2)
    return (addition_offset, removal_score)

if __name__ == "__main__":
    import jax
    _d = setup_inputs()
    print(jax.jit(kernel)(*tuple(_d.values())))

</pallas_src>

<mosaic_0001>
#map = affine_map<(d0, d1) -> (0, 0, 0, 0)>
#map1 = affine_map<(d0, d1) -> (0)>
module attributes {stable_mosaic.version = 14 : i64} {
  func.func @_deg_body(%arg0: i32, %arg1: i32, %arg2: memref<32x5x25x80xi32, #tpu.memory_space<hbm>>, %arg3: memref<80xf32, #tpu.memory_space<hbm>>, %arg4: memref<640xf32, #tpu.memory_space<hbm>>, %arg5: memref<20480xf32, #tpu.memory_space<hbm>>, %arg6: memref<25x80xi32, #tpu.memory_space<vmem>>, %arg7: memref<80xf32, #tpu.memory_space<vmem>>, %arg8: memref<10240xf32, #tpu.memory_space<vmem_shared>>, %arg9: memref<!tpu.dma_semaphore, #tpu.memory_space<semaphore_mem>>) attributes {dimension_semantics = [#tpu.dimension_semantics<core_parallel>, #tpu.dimension_semantics<subcore_parallel>], iteration_bounds = array<i64: 2, 16>, scalar_prefetch = 0 : i64, scratch_operands = 4 : i64, tpu.core_type = #tpu.core_type<sc_vector_subcore>, window_params = [{transform_indices = #map}, {transform_indices = #map1}, {transform_indices = #map1}, {transform_indices = #map1}]} {
    %mul3A = arith.constant 640 : i32
    %mul3A_0 = arith.muli %arg1, %mul3A : i32
    "tpu.region"() ({
      %run_scoped3A = tpu.sem_alloc : memref<!tpu.dma_semaphore, #tpu.memory_space<semaphore_mem>>
      %dma_start3A = tpu.memref_slice %arg8[%mul3A_0] : memref<10240xf32, #tpu.memory_space<vmem_shared>> -> memref<640xf32, #tpu.memory_space<vmem_shared>>
      tpu.enqueue_dma source(%arg4 : memref<640xf32, #tpu.memory_space<hbm>>) target(%dma_start3A : memref<640xf32, #tpu.memory_space<vmem_shared>>) target_semaphore(%run_scoped3A : memref<!tpu.dma_semaphore, #tpu.memory_space<semaphore_mem>>)
      %dma_wait3A = tpu.memref_slice %arg8[%mul3A_0] : memref<10240xf32, #tpu.memory_space<vmem_shared>> -> memref<640xf32, #tpu.memory_space<vmem_shared>>
      tpu.wait_dma2 semaphore(%run_scoped3A : memref<!tpu.dma_semaphore, #tpu.memory_space<semaphore_mem>>) src(%arg4 : memref<640xf32, #tpu.memory_space<hbm>>) dst(%dma_wait3A : memref<640xf32, #tpu.memory_space<vmem_shared>>)
      tpu.yield
    }) : () -> ()
    "tpu.region"() ({
      %run_scoped3A = tpu.sem_alloc : memref<!tpu.dma_semaphore, #tpu.memory_space<semaphore_mem>>
      tpu.enqueue_dma source(%arg3 : memref<80xf32, #tpu.memory_space<hbm>>) target(%arg7 : memref<80xf32, #tpu.memory_space<vmem>>) target_semaphore(%run_scoped3A : memref<!tpu.dma_semaphore, #tpu.memory_space<semaphore_mem>>)
      tpu.wait_dma2 semaphore(%run_scoped3A : memref<!tpu.dma_semaphore, #tpu.memory_space<semaphore_mem>>) src(%arg3 : memref<80xf32, #tpu.memory_space<hbm>>) dst(%arg7 : memref<80xf32, #tpu.memory_space<vmem>>)
      tpu.yield
    }) : () -> ()
    %mul3A_1 = arith.constant 16 : i32
    %mul3A_2 = arith.muli %arg0, %mul3A_1 : i32
    %add3A = arith.addi %mul3A_2, %arg1 : i32
    %barrier3A = arith.constant 0 : index
    tpu.barrier barrier_id(%barrier3A)
    %scan3A = arith.constant 0 : i32
    %scan3A_3 = arith.constant 0 : i32
    %scan3A_4 = arith.constant 5 : i32
    %scan3A_5 = arith.addi %scan3A_3, %scan3A_4 : i32
    %scan3A_6 = arith.constant 1 : i32
    scf.for %scan3A_12 = %scan3A_3 to %scan3A_5 step %scan3A_6  : i32 {
      "tpu.region"() ({
        %run_scoped3A = tpu.sem_alloc : memref<!tpu.dma_semaphore, #tpu.memory_space<semaphore_mem>>
        %dma_start3A = arith.constant 0 : i32
        %dma_start3A_19 = arith.constant 0 : i32
        %dma_start3A_20 = tpu.memref_slice %arg2[%add3A, %scan3A_12, %dma_start3A, %dma_start3A_19] : memref<32x5x25x80xi32, #tpu.memory_space<hbm>> -> memref<1x1x25x80xi32, #tpu.memory_space<hbm>>
        %dma_start3A_21 = tpu.memref_squeeze %dma_start3A_20 : memref<1x1x25x80xi32, #tpu.memory_space<hbm>> -> memref<25x80xi32, #tpu.memory_space<hbm>>
        %dma_start3A_22 = arith.constant 0 : i32
        %dma_start3A_23 = arith.constant 0 : i32
        %dma_start3A_24 = tpu.memref_slice %arg2[%add3A, %scan3A_12, %dma_start3A_22, %dma_start3A_23] : memref<32x5x25x80xi32, #tpu.memory_space<hbm>> -> memref<1x1x25x80xi32, #tpu.memory_space<hbm>>
        %dma_start3A_25 = tpu.memref_squeeze %dma_start3A_24 : memref<1x1x25x80xi32, #tpu.memory_space<hbm>> -> memref<25x80xi32, #tpu.memory_space<hbm>>
        tpu.enqueue_dma source(%dma_start3A_25 : memref<25x80xi32, #tpu.memory_space<hbm>>) target(%arg6 : memref<25x80xi32, #tpu.memory_space<vmem>>) target_semaphore(%run_scoped3A : memref<!tpu.dma_semaphore, #tpu.memory_space<semaphore_mem>>)
        %dma_wait3A = arith.constant 0 : i32
        %dma_wait3A_26 = arith.constant 0 : i32
        %dma_wait3A_27 = tpu.memref_slice %arg2[%add3A, %scan3A_12, %dma_wait3A, %dma_wait3A_26] : memref<32x5x25x80xi32, #tpu.memory_space<hbm>> -> memref<1x1x25x80xi32, #tpu.memory_space<hbm>>
        %dma_wait3A_28 = tpu.memref_squeeze %dma_wait3A_27 : memref<1x1x25x80xi32, #tpu.memory_space<hbm>> -> memref<25x80xi32, #tpu.memory_space<hbm>>
        %dma_wait3A_29 = arith.constant 0 : i32
        %dma_wait3A_30 = arith.constant 0 : i32
        %dma_wait3A_31 = tpu.memref_slice %arg2[%add3A, %scan3A_12, %dma_wait3A_29, %dma_wait3A_30] : memref<32x5x25x80xi32, #tpu.memory_space<hbm>> -> memref<1x1x25x80xi32, #tpu.memory_space<hbm>>
        %dma_wait3A_32 = tpu.memref_squeeze %dma_wait3A_31 : memref<1x1x25x80xi32, #tpu.memory_space<hbm>> -> memref<25x80xi32, #tpu.memory_space<hbm>>
        tpu.wait_dma2 semaphore(%run_scoped3A : memref<!tpu.dma_semaphore, #tpu.memory_space<semaphore_mem>>) src(%dma_wait3A_32 : memref<25x80xi32, #tpu.memory_space<hbm>>) dst(%arg6 : memref<25x80xi32, #tpu.memory_space<vmem>>)
        tpu.yield
      }) : () -> ()
      %scan3A_13 = arith.constant 0 : i32
      %scan3A_14 = arith.constant 0 : i32
      %scan3A_15 = arith.constant 5 : i32
      %scan3A_16 = arith.addi %scan3A_14, %scan3A_15 : i32
      %scan3A_17 = arith.constant 1 : i32
      scf.for %scan3A_19 = %scan3A_14 to %scan3A_16 step %scan3A_17  : i32 {
        %mul3A_20 = arith.constant 5 : i32
        %mul3A_21 = arith.muli %scan3A_19, %mul3A_20 : i32
        %add3A_22 = arith.constant 0 : i32
        %add3A_23 = arith.addi %mul3A_21, %add3A_22 : i32
        %dma_start3A = arith.constant 0 : i32
        %dma_start3A_24 = tpu.memref_slice %arg6[%add3A_23, %dma_start3A] : memref<25x80xi32, #tpu.memory_space<vmem>> -> memref<1x80xi32, #tpu.memory_space<vmem>>
        %dma_start3A_25 = tpu.memref_squeeze %dma_start3A_24 : memref<1x80xi32, #tpu.memory_space<vmem>> -> memref<80xi32, #tpu.memory_space<vmem>>
        %dma_start3A_26 = arith.constant 0 : i32
        %dma_start3A_27 = tpu.memref_slice %arg8[%dma_start3A_26] : memref<10240xf32, #tpu.memory_space<vmem_shared>> -> memref<10240xf32, #tpu.memory_space<vmem_shared>>
        tpu.enqueue_indirect_dma source(%arg7 : memref<80xf32, #tpu.memory_space<vmem>>) target(%dma_start3A_27 : memref<10240xf32, #tpu.memory_space<vmem_shared>>) offsets(%dma_start3A_25 : memref<80xi32, #tpu.memory_space<vmem>>) semaphore(%arg9 : memref<!tpu.dma_semaphore, #tpu.memory_space<semaphore_mem>>) {add = true}
        %add3A_28 = arith.constant 1 : i32
        %add3A_29 = arith.addi %mul3A_21, %add3A_28 : i32
        %dma_start3A_30 = arith.constant 0 : i32
        %dma_start3A_31 = tpu.memref_slice %arg6[%add3A_29, %dma_start3A_30] : memref<25x80xi32, #tpu.memory_space<vmem>> -> memref<1x80xi32, #tpu.memory_space<vmem>>
        %dma_start3A_32 = tpu.memref_squeeze %dma_start3A_31 : memref<1x80xi32, #tpu.memory_space<vmem>> -> memref<80xi32, #tpu.memory_space<vmem>>
        %dma_start3A_33 = arith.constant 0 : i32
        %dma_start3A_34 = tpu.memref_slice %arg8[%dma_start3A_33] : memref<10240xf32, #tpu.memory_space<vmem_shared>> -> memref<10240xf32, #tpu.memory_space<vmem_shared>>
        tpu.enqueue_indirect_dma source(%arg7 : memref<80xf32, #tpu.memory_space<vmem>>) target(%dma_start3A_34 : memref<10240xf32, #tpu.memory_space<vmem_shared>>) offsets(%dma_start3A_32 : memref<80xi32, #tpu.memory_space<vmem>>) semaphore(%arg9 : memref<!tpu.dma_semaphore, #tpu.memory_space<semaphore_mem>>) {add = true}
        %add3A_35 = arith.constant 2 : i32
        %add3A_36 = arith.addi %mul3A_21, %add3A_35 : i32
        %dma_start3A_37 = arith.constant 0 : i32
        %dma_start3A_38 = tpu.memref_slice %arg6[%add3A_36, %dma_start3A_37] : memref<25x80xi32, #tpu.memory_space<vmem>> -> memref<1x80xi32, #tpu.memory_space<vmem>>
        %dma_start3A_39 = tpu.memref_squeeze %dma_start3A_38 : memref<1x80xi32, #tpu.memory_space<vmem>> -> memref<80xi32, #tpu.memory_space<vmem>>
        %dma_start3A_40 = arith.constant 0 : i32
        %dma_start3A_41 = tpu.memref_slice %arg8[%dma_start3A_40] : memref<10240xf32, #tpu.memory_space<vmem_shared>> -> memref<10240xf32, #tpu.memory_space<vmem_shared>>
        tpu.enqueue_indirect_dma source(%arg7 : memref<80xf32, #tpu.memory_space<vmem>>) target(%dma_start3A_41 : memref<10240xf32, #tpu.memory_space<vmem_shared>>) offsets(%dma_start3A_39 : memref<80xi32, #tpu.memory_space<vmem>>) semaphore(%arg9 : memref<!tpu.dma_semaphore, #tpu.memory_space<semaphore_mem>>) {add = true}
        %add3A_42 = arith.constant 3 : i32
        %add3A_43 = arith.addi %mul3A_21, %add3A_42 : i32
        %dma_start3A_44 = arith.constant 0 : i32
        %dma_start3A_45 = tpu.memref_slice %arg6[%add3A_43, %dma_start3A_44] : memref<25x80xi32, #tpu.memory_space<vmem>> -> memref<1x80xi32, #tpu.memory_space<vmem>>
        %dma_start3A_46 = tpu.memref_squeeze %dma_start3A_45 : memref<1x80xi32, #tpu.memory_space<vmem>> -> memref<80xi32, #tpu.memory_space<vmem>>
        %dma_start3A_47 = arith.constant 0 : i32
        %dma_start3A_48 = tpu.memref_slice %arg8[%dma_start3A_47] : memref<10240xf32, #tpu.memory_space<vmem_shared>> -> memref<10240xf32, #tpu.memory_space<vmem_shared>>
        tpu.enqueue_indirect_dma source(%arg7 : memref<80xf32, #tpu.memory_space<vmem>>) target(%dma_start3A_48 : memref<10240xf32, #tpu.memory_space<vmem_shared>>) offsets(%dma_start3A_46 : memref<80xi32, #tpu.memory_space<vmem>>) semaphore(%arg9 : memref<!tpu.dma_semaphore, #tpu.memory_space<semaphore_mem>>) {add = true}
        %add3A_49 = arith.constant 4 : i32
        %add3A_50 = arith.addi %mul3A_21, %add3A_49 : i32
        %dma_start3A_51 = arith.constant 0 : i32
        %dma_start3A_52 = tpu.memref_slice %arg6[%add3A_50, %dma_start3A_51] : memref<25x80xi32, #tpu.memory_space<vmem>> -> memref<1x80xi32, #tpu.memory_space<vmem>>
        %dma_start3A_53 = tpu.memref_squeeze %dma_start3A_52 : memref<1x80xi32, #tpu.memory_space<vmem>> -> memref<80xi32, #tpu.memory_space<vmem>>
        %dma_start3A_54 = arith.constant 0 : i32
        %dma_start3A_55 = tpu.memref_slice %arg8[%dma_start3A_54] : memref<10240xf32, #tpu.memory_space<vmem_shared>> -> memref<10240xf32, #tpu.memory_space<vmem_shared>>
        tpu.enqueue_indirect_dma source(%arg7 : memref<80xf32, #tpu.memory_space<vmem>>) target(%dma_start3A_55 : memref<10240xf32, #tpu.memory_space<vmem_shared>>) offsets(%dma_start3A_53 : memref<80xi32, #tpu.memory_space<vmem>>) semaphore(%arg9 : memref<!tpu.dma_semaphore, #tpu.memory_space<semaphore_mem>>) {add = true}
        %dma_wait3A = arith.constant 0 : i32
        %dma_wait3A_56 = tpu.memref_slice %arg6[%add3A_23, %dma_wait3A] : memref<25x80xi32, #tpu.memory_space<vmem>> -> memref<1x80xi32, #tpu.memory_space<vmem>>
        %dma_wait3A_57 = tpu.memref_squeeze %dma_wait3A_56 : memref<1x80xi32, #tpu.memory_space<vmem>> -> memref<80xi32, #tpu.memory_space<vmem>>
        %dma_wait3A_58 = arith.constant 0 : i32
        %dma_wait3A_59 = tpu.memref_slice %arg8[%dma_wait3A_58] : memref<10240xf32, #tpu.memory_space<vmem_shared>> -> memref<10240xf32, #tpu.memory_space<vmem_shared>>
        tpu.wait_indirect_dma semaphore(%arg9 : memref<!tpu.dma_semaphore, #tpu.memory_space<semaphore_mem>>) src(%arg7 : memref<80xf32, #tpu.memory_space<vmem>>) dst(%dma_wait3A_59 : memref<10240xf32, #tpu.memory_space<vmem_shared>>)
        %dma_wait3A_60 = arith.constant 0 : i32
        %dma_wait3A_61 = tpu.memref_slice %arg6[%add3A_29, %dma_wait3A_60] : memref<25x80xi32, #tpu.memory_space<vmem>> -> memref<1x80xi32, #tpu.memory_space<vmem>>
        %dma_wait3A_62 = tpu.memref_squeeze %dma_wait3A_61 : memref<1x80xi32, #tpu.memory_space<vmem>> -> memref<80xi32, #tpu.memory_space<vmem>>
        %dma_wait3A_63 = arith.constant 0 : i32
        %dma_wait3A_64 = tpu.memref_slice %arg8[%dma_wait3A_63] : memref<10240xf32, #tpu.memory_space<vmem_shared>> -> memref<10240xf32, #tpu.memory_space<vmem_shared>>
        tpu.wait_indirect_dma semaphore(%arg9 : memref<!tpu.dma_semaphore, #tpu.memory_space<semaphore_mem>>) src(%arg7 : memref<80xf32, #tpu.memory_space<vmem>>) dst(%dma_wait3A_64 : memref<10240xf32, #tpu.memory_space<vmem_shared>>)
        %dma_wait3A_65 = arith.constant 0 : i32
        %dma_wait3A_66 = tpu.memref_slice %arg6[%add3A_36, %dma_wait3A_65] : memref<25x80xi32, #tpu.memory_space<vmem>> -> memref<1x80xi32, #tpu.memory_space<vmem>>
        %dma_wait3A_67 = tpu.memref_squeeze %dma_wait3A_66 : memref<1x80xi32, #tpu.memory_space<vmem>> -> memref<80xi32, #tpu.memory_space<vmem>>
        %dma_wait3A_68 = arith.constant 0 : i32
        %dma_wait3A_69 = tpu.memref_slice %arg8[%dma_wait3A_68] : memref<10240xf32, #tpu.memory_space<vmem_shared>> -> memref<10240xf32, #tpu.memory_space<vmem_shared>>
        tpu.wait_indirect_dma semaphore(%arg9 : memref<!tpu.dma_semaphore, #tpu.memory_space<semaphore_mem>>) src(%arg7 : memref<80xf32, #tpu.memory_space<vmem>>) dst(%dma_wait3A_69 : memref<10240xf32, #tpu.memory_space<vmem_shared>>)
        %dma_wait3A_70 = arith.constant 0 : i32
        %dma_wait3A_71 = tpu.memref_slice %arg6[%add3A_43, %dma_wait3A_70] : memref<25x80xi32, #tpu.memory_space<vmem>> -> memref<1x80xi32, #tpu.memory_space<vmem>>
        %dma_wait3A_72 = tpu.memref_squeeze %dma_wait3A_71 : memref<1x80xi32, #tpu.memory_space<vmem>> -> memref<80xi32, #tpu.memory_space<vmem>>
        %dma_wait3A_73 = arith.constant 0 : i32
        %dma_wait3A_74 = tpu.memref_slice %arg8[%dma_wait3A_73] : memref<10240xf32, #tpu.memory_space<vmem_shared>> -> memref<10240xf32, #tpu.memory_space<vmem_shared>>
        tpu.wait_indirect_dma semaphore(%arg9 : memref<!tpu.dma_semaphore, #tpu.memory_space<semaphore_mem>>) src(%arg7 : memref<80xf32, #tpu.memory_space<vmem>>) dst(%dma_wait3A_74 : memref<10240xf32, #tpu.memory_space<vmem_shared>>)
        %dma_wait3A_75 = arith.constant 0 : i32
        %dma_wait3A_76 = tpu.memref_slice %arg6[%add3A_50, %dma_wait3A_75] : memref<25x80xi32, #tpu.memory_space<vmem>> -> memref<1x80xi32, #tpu.memory_space<vmem>>
        %dma_wait3A_77 = tpu.memref_squeeze %dma_wait3A_76 : memref<1x80xi32, #tpu.memory_space<vmem>> -> memref<80xi32, #tpu.memory_space<vmem>>
        %dma_wait3A_78 = arith.constant 0 : i32
        %dma_wait3A_79 = tpu.memref_slice %arg8[%dma_wait3A_78] : memref<10240xf32, #tpu.memory_space<vmem_shared>> -> memref<10240xf32, #tpu.memory_space<vmem_shared>>
        tpu.wait_indirect_dma semaphore(%arg9 : memref<!tpu.dma_semaphore, #tpu.memory_space<semaphore_mem>>) src(%arg7 : memref<80xf32, #tpu.memory_space<vmem>>) dst(%dma_wait3A_79 : memref<10240xf32, #tpu.memory_space<vmem_shared>>)
      }
      %scan3A_18 = arith.constant 5 : i32
    }
    %scan3A_7 = arith.constant 5 : i32
    %barrier3A_8 = arith.constant 0 : index
    tpu.barrier barrier_id(%barrier3A_8)
    %mul3A_9 = arith.constant 10240 : i32
    %mul3A_10 = arith.muli %arg0, %mul3A_9 : i32
    %add3A_11 = arith.addi %mul3A_10, %mul3A_0 : i32
    "tpu.region"() ({
      %run_scoped3A = tpu.sem_alloc : memref<!tpu.dma_semaphore, #tpu.memory_space<semaphore_mem>>
      %dma_start3A = tpu.memref_slice %arg5[%add3A_11] : memref<20480xf32, #tpu.memory_space<hbm>> -> memref<640xf32, #tpu.memory_space<hbm>>
      %dma_start3A_12 = tpu.memref_slice %arg8[%mul3A_0] : memref<10240xf32, #tpu.memory_space<vmem_shared>> -> memref<640xf32, #tpu.memory_space<vmem_shared>>
      tpu.enqueue_dma source(%dma_start3A_12 : memref<640xf32, #tpu.memory_space<vmem_shared>>) target(%dma_start3A : memref<640xf32, #tpu.memory_space<hbm>>) target_semaphore(%run_scoped3A : memref<!tpu.dma_semaphore, #tpu.memory_space<semaphore_mem>>)
      %dma_wait3A = tpu.memref_slice %arg5[%add3A_11] : memref<20480xf32, #tpu.memory_space<hbm>> -> memref<640xf32, #tpu.memory_space<hbm>>
      %dma_wait3A_13 = tpu.memref_slice %arg8[%mul3A_0] : memref<10240xf32, #tpu.memory_space<vmem_shared>> -> memref<640xf32, #tpu.memory_space<vmem_shared>>
      tpu.wait_dma2 semaphore(%run_scoped3A : memref<!tpu.dma_semaphore, #tpu.memory_space<semaphore_mem>>) src(%dma_wait3A_13 : memref<640xf32, #tpu.memory_space<vmem_shared>>) dst(%dma_wait3A : memref<640xf32, #tpu.memory_space<hbm>>)
      tpu.yield
    }) : () -> ()
    return
  }
}

#map = affine_map<(d0, d1) -> (0, 0, 0)>
#map1 = affine_map<(d0, d1) -> (0, 0, 0, 0)>
#map2 = affine_map<(d0, d1) -> (0, 0)>
module attributes {stable_mosaic.version = 14 : i64} {
  func.func @_agg_body(%arg0: i32, %arg1: i32, %arg2: memref<32x5x2000xi32, #tpu.memory_space<hbm>>, %arg3: memref<32x5x25x80xi32, #tpu.memory_space<hbm>>, %arg4: memref<10000x128xf32, #tpu.memory_space<hbm>>, %arg5: memref<640x128xf32, #tpu.memory_space<hbm>>, %arg6: memref<20480x128xf32, #tpu.memory_space<hbm>>, %arg7: memref<2000xi32, #tpu.memory_space<vmem>>, %arg8: memref<25x80xi32, #tpu.memory_space<vmem>>, %arg9: memref<80x128xf32, #tpu.memory_space<vmem>>, %arg10: memref<80x128xf32, #tpu.memory_space<vmem>>, %arg11: memref<80x128xf32, #tpu.memory_space<vmem>>, %arg12: memref<80x128xf32, #tpu.memory_space<vmem>>, %arg13: memref<10240x128xf32, #tpu.memory_space<vmem_shared>>, %arg14: memref<!tpu.dma_semaphore, #tpu.memory_space<semaphore_mem>>, %arg15: memref<!tpu.dma_semaphore, #tpu.memory_space<semaphore_mem>>, %arg16: memref<!tpu.dma_semaphore, #tpu.memory_space<semaphore_mem>>, %arg17: memref<!tpu.dma_semaphore, #tpu.memory_space<semaphore_mem>>, %arg18: memref<!tpu.dma_semaphore, #tpu.memory_space<semaphore_mem>>, %arg19: memref<!tpu.dma_semaphore, #tpu.memory_space<semaphore_mem>>, %arg20: memref<!tpu.dma_semaphore, #tpu.memory_space<semaphore_mem>>, %arg21: memref<!tpu.dma_semaphore, #tpu.memory_space<semaphore_mem>>) attributes {dimension_semantics = [#tpu.dimension_semantics<core_parallel>, #tpu.dimension_semantics<subcore_parallel>], iteration_bounds = array<i64: 2, 16>, scalar_prefetch = 0 : i64, scratch_operands = 15 : i64, tpu.core_type = #tpu.core_type<sc_vector_subcore>, window_params = [{transform_indices = #map}, {transform_indices = #map1}, {transform_indices = #map2}, {transform_indices = #map2}, {transform_indices = #map2}]} {
    %mul3A = arith.constant 640 : i32
    %mul3A_0 = arith.muli %arg1, %mul3A : i32
    "tpu.region"() ({
      %run_scoped3A = tpu.sem_alloc : memref<!tpu.dma_semaphore, #tpu.memory_space<semaphore_mem>>
      %dma_start3A = arith.constant 0 : i32
      %dma_start3A_12 = tpu.memref_slice %arg13[%mul3A_0, %dma_start3A] : memref<10240x128xf32, #tpu.memory_space<vmem_shared>> -> memref<640x128xf32, #tpu.memory_space<vmem_shared>>
      tpu.enqueue_dma source(%arg5 : memref<640x128xf32, #tpu.memory_space<hbm>>) target(%dma_start3A_12 : memref<640x128xf32, #tpu.memory_space<vmem_shared>>) target_semaphore(%run_scoped3A : memref<!tpu.dma_semaphore, #tpu.memory_space<semaphore_mem>>)
      %dma_wait3A = arith.constant 0 : i32
      %dma_wait3A_13 = tpu.memref_slice %arg13[%mul3A_0, %dma_wait3A] : memref<10240x128xf32, #tpu.memory_space<vmem_shared>> -> memref<640x128xf32, #tpu.memory_space<vmem_shared>>
      tpu.wait_dma2 semaphore(%run_scoped3A : memref<!tpu.dma_semaphore, #tpu.memory_space<semaphore_mem>>) src(%arg5 : memref<640x128xf32, #tpu.memory_space<hbm>>) dst(%dma_wait3A_13 : memref<640x128xf32, #tpu.memory_space<vmem_shared>>)
      tpu.yield
    }) : () -> ()
    %mul3A_1 = arith.constant 16 : i32
    %mul3A_2 = arith.muli %arg0, %mul3A_1 : i32
    %add3A = arith.addi %mul3A_2, %arg1 : i32
    %barrier3A = arith.constant 0 : index
    tpu.barrier barrier_id(%barrier3A)
    %scan3A = arith.constant 0 : i32
    %scan3A_3 = arith.constant 0 : i32
    %scan3A_4 = arith.constant 5 : i32
    %scan3A_5 = arith.addi %scan3A_3, %scan3A_4 : i32
    %scan3A_6 = arith.constant 1 : i32
    scf.for %scan3A_12 = %scan3A_3 to %scan3A_5 step %scan3A_6  : i32 {
      "tpu.region"() ({
        %run_scoped3A = tpu.sem_alloc : memref<!tpu.dma_semaphore, #tpu.memory_space<semaphore_mem>>
        %dma_start3A_233 = arith.constant 0 : i32
        %dma_start3A_234 = tpu.memref_slice %arg2[%add3A, %scan3A_12, %dma_start3A_233] : memref<32x5x2000xi32, #tpu.memory_space<hbm>> -> memref<1x1x2000xi32, #tpu.memory_space<hbm>>
        %dma_start3A_235 = tpu.memref_squeeze %dma_start3A_234 : memref<1x1x2000xi32, #tpu.memory_space<hbm>> -> memref<2000xi32, #tpu.memory_space<hbm>>
        %dma_start3A_236 = arith.constant 0 : i32
        %dma_start3A_237 = tpu.memref_slice %arg2[%add3A, %scan3A_12, %dma_start3A_236] : memref<32x5x2000xi32, #tpu.memory_space<hbm>> -> memref<1x1x2000xi32, #tpu.memory_space<hbm>>
        %dma_start3A_238 = tpu.memref_squeeze %dma_start3A_237 : memref<1x1x2000xi32, #tpu.memory_space<hbm>> -> memref<2000xi32, #tpu.memory_space<hbm>>
        tpu.enqueue_dma source(%dma_start3A_238 : memref<2000xi32, #tpu.memory_space<hbm>>) target(%arg7 : memref<2000xi32, #tpu.memory_space<vmem>>) target_semaphore(%run_scoped3A : memref<!tpu.dma_semaphore, #tpu.memory_space<semaphore_mem>>)
        %dma_wait3A_239 = arith.constant 0 : i32
        %dma_wait3A_240 = tpu.memref_slice %arg2[%add3A, %scan3A_12, %dma_wait3A_239] : memref<32x5x2000xi32, #tpu.memory_space<hbm>> -> memref<1x1x2000xi32, #tpu.memory_space<hbm>>
        %dma_wait3A_241 = tpu.memref_squeeze %dma_wait3A_240 : memref<1x1x2000xi32, #tpu.memory_space<hbm>> -> memref<2000xi32, #tpu.memory_space<hbm>>
        %dma_wait3A_242 = arith.constant 0 : i32
        %dma_wait3A_243 = tpu.memref_slice %arg2[%add3A, %scan3A_12, %dma_wait3A_242] : memref<32x5x2000xi32, #tpu.memory_space<hbm>> -> memref<1x1x2000xi32, #tpu.memory_space<hbm>>
        %dma_wait3A_244 = tpu.memref_squeeze %dma_wait3A_243 : memref<1x1x2000xi32, #tpu.memory_space<hbm>> -> memref<2000xi32, #tpu.memory_space<hbm>>
        tpu.wait_dma2 semaphore(%run_scoped3A : memref<!tpu.dma_semaphore, #tpu.memory_space<semaphore_mem>>) src(%dma_wait3A_244 : memref<2000xi32, #tpu.memory_space<hbm>>) dst(%arg7 : memref<2000xi32, #tpu.memory_space<vmem>>)
        tpu.yield
      }) : () -> ()
      "tpu.region"() ({
        %run_scoped3A = tpu.sem_alloc : memref<!tpu.dma_semaphore, #tpu.memory_space<semaphore_mem>>
        %dma_start3A_233 = arith.constant 0 : i32
        %dma_start3A_234 = arith.constant 0 : i32
        %dma_start3A_235 = tpu.memref_slice %arg3[%add3A, %scan3A_12, %dma_start3A_233, %dma_start3A_234] : memref<32x5x25x80xi32, #tpu.memory_space<hbm>> -> memref<1x1x25x80xi32, #tpu.memory_space<hbm>>
        %dma_start3A_236 = tpu.memref_squeeze %dma_start3A_235 : memref<1x1x25x80xi32, #tpu.memory_space<hbm>> -> memref<25x80xi32, #tpu.memory_space<hbm>>
        %dma_start3A_237 = arith.constant 0 : i32
        %dma_start3A_238 = arith.constant 0 : i32
        %dma_start3A_239 = tpu.memref_slice %arg3[%add3A, %scan3A_12, %dma_start3A_237, %dma_start3A_238] : memref<32x5x25x80xi32, #tpu.memory_space<hbm>> -> memref<1x1x25x80xi32, #tpu.memory_space<hbm>>
        %dma_start3A_240 = tpu.memref_squeeze %dma_start3A_239 : memref<1x1x25x80xi32, #tpu.memory_space<hbm>> -> memref<25x80xi32, #tpu.memory_space<hbm>>
        tpu.enqueue_dma source(%dma_start3A_240 : memref<25x80xi32, #tpu.memory_space<hbm>>) target(%arg8 : memref<25x80xi32, #tpu.memory_space<vmem>>) target_semaphore(%run_scoped3A : memref<!tpu.dma_semaphore, #tpu.memory_space<semaphore_mem>>)
        %dma_wait3A_241 = arith.constant 0 : i32
        %dma_wait3A_242 = arith.constant 0 : i32
        %dma_wait3A_243 = tpu.memref_slice %arg3[%add3A, %scan3A_12, %dma_wait3A_241, %dma_wait3A_242] : memref<32x5x25x80xi32, #tpu.memory_space<hbm>> -> memref<1x1x25x80xi32, #tpu.memory_space<hbm>>
        %dma_wait3A_244 = tpu.memref_squeeze %dma_wait3A_243 : memref<1x1x25x80xi32, #tpu.memory_space<hbm>> -> memref<25x80xi32, #tpu.memory_space<hbm>>
        %dma_wait3A_245 = arith.constant 0 : i32
        %dma_wait3A_246 = arith.constant 0 : i32
        %dma_wait3A_247 = tpu.memref_slice %arg3[%add3A, %scan3A_12, %dma_wait3A_245, %dma_wait3A_246] : memref<32x5x25x80xi32, #tpu.memory_space<hbm>> -> memref<1x1x25x80xi32, #tpu.memory_space<hbm>>
        %dma_wait3A_248 = tpu.memref_squeeze %dma_wait3A_247 : memref<1x1x25x80xi32, #tpu.memory_space<hbm>> -> memref<25x80xi32, #tpu.memory_space<hbm>>
        tpu.wait_dma2 semaphore(%run_scoped3A : memref<!tpu.dma_semaphore, #tpu.memory_space<semaphore_mem>>) src(%dma_wait3A_248 : memref<25x80xi32, #tpu.memory_space<hbm>>) dst(%arg8 : memref<25x80xi32, #tpu.memory_space<vmem>>)
        tpu.yield
      }) : () -> ()
      %dma_start3A = arith.constant 0 : i32
      %dma_start3A_13 = tpu.memref_slice %arg7[%dma_start3A] : memref<2000xi32, #tpu.memory_space<vmem>> -> memref<80xi32, #tpu.memory_space<vmem>>
      %dma_start3A_14 = arith.constant 0 : i32
      %dma_start3A_15 = arith.constant 0 : i32
      %dma_start3A_16 = tpu.memref_slice %arg4[%dma_start3A_14, %dma_start3A_15] : memref<10000x128xf32, #tpu.memory_space<hbm>> -> memref<10000x128xf32, #tpu.memory_space<hbm>>
      tpu.enqueue_indirect_dma source(%dma_start3A_16 : memref<10000x128xf32, #tpu.memory_space<hbm>>) target(%arg9 : memref<80x128xf32, #tpu.memory_space<vmem>>) offsets(%dma_start3A_13 : memref<80xi32, #tpu.memory_space<vmem>>) semaphore(%arg14 : memref<!tpu.dma_semaphore, #tpu.memory_space<semaphore_mem>>)
      %dma_start3A_17 = arith.constant 80 : i32
      %dma_start3A_18 = tpu.memref_slice %arg7[%dma_start3A_17] : memref<2000xi32, #tpu.memory_space<vmem>> -> memref<80xi32, #tpu.memory_space<vmem>>
      %dma_start3A_19 = arith.constant 0 : i32
      %dma_start3A_20 = arith.constant 0 : i32
      %dma_start3A_21 = tpu.memref_slice %arg4[%dma_start3A_19, %dma_start3A_20] : memref<10000x128xf32, #tpu.memory_space<hbm>> -> memref<10000x128xf32, #tpu.memory_space<hbm>>
      tpu.enqueue_indirect_dma source(%dma_start3A_21 : memref<10000x128xf32, #tpu.memory_space<hbm>>) target(%arg10 : memref<80x128xf32, #tpu.memory_space<vmem>>) offsets(%dma_start3A_18 : memref<80xi32, #tpu.memory_space<vmem>>) semaphore(%arg15 : memref<!tpu.dma_semaphore, #tpu.memory_space<semaphore_mem>>)
      %dma_wait3A = arith.constant 0 : i32
      %dma_wait3A_22 = tpu.memref_slice %arg7[%dma_wait3A] : memref<2000xi32, #tpu.memory_space<vmem>> -> memref<80xi32, #tpu.memory_space<vmem>>
      %dma_wait3A_23 = arith.constant 0 : i32
      %dma_wait3A_24 = arith.constant 0 : i32
      %dma_wait3A_25 = tpu.memref_slice %arg4[%dma_wait3A_23, %dma_wait3A_24] : memref<10000x128xf32, #tpu.memory_space<hbm>> -> memref<10000x128xf32, #tpu.memory_space<hbm>>
      tpu.wait_indirect_dma semaphore(%arg14 : memref<!tpu.dma_semaphore, #tpu.memory_space<semaphore_mem>>) src(%dma_wait3A_25 : memref<10000x128xf32, #tpu.memory_space<hbm>>) dst(%arg9 : memref<80x128xf32, #tpu.memory_space<vmem>>)
      %dma_start3A_26 = arith.constant 0 : i32
      %dma_start3A_27 = arith.constant 0 : i32
      %dma_start3A_28 = tpu.memref_slice %arg8[%dma_start3A_26, %dma_start3A_27] : memref<25x80xi32, #tpu.memory_space<vmem>> -> memref<1x80xi32, #tpu.memory_space<vmem>>
      %dma_start3A_29 = tpu.memref_squeeze %dma_start3A_28 : memref<1x80xi32, #tpu.memory_space<vmem>> -> memref<80xi32, #tpu.memory_space<vmem>>
      %dma_start3A_30 = arith.constant 0 : i32
      %dma_start3A_31 = arith.constant 0 : i32
      %dma_start3A_32 = tpu.memref_slice %arg13[%dma_start3A_30, %dma_start3A_31] : memref<10240x128xf32, #tpu.memory_space<vmem_shared>> -> memref<10240x128xf32, #tpu.memory_space<vmem_shared>>
      tpu.enqueue_indirect_dma source(%arg9 : memref<80x128xf32, #tpu.memory_space<vmem>>) target(%dma_start3A_32 : memref<10240x128xf32, #tpu.memory_space<vmem_shared>>) offsets(%dma_start3A_29 : memref<80xi32, #tpu.memory_space<vmem>>) semaphore(%arg18 : memref<!tpu.dma_semaphore, #tpu.memory_space<semaphore_mem>>) {add = true}
      %dma_start3A_33 = arith.constant 160 : i32
      %dma_start3A_34 = tpu.memref_slice %arg7[%dma_start3A_33] : memref<2000xi32, #tpu.memory_space<vmem>> -> memref<80xi32, #tpu.memory_space<vmem>>
      %dma_start3A_35 = arith.constant 0 : i32
      %dma_start3A_36 = arith.constant 0 : i32
      %dma_start3A_37 = tpu.memref_slice %arg4[%dma_start3A_35, %dma_start3A_36] : memref<10000x128xf32, #tpu.memory_space<hbm>> -> memref<10000x128xf32, #tpu.memory_space<hbm>>
      tpu.enqueue_indirect_dma source(%dma_start3A_37 : memref<10000x128xf32, #tpu.memory_space<hbm>>) target(%arg11 : memref<80x128xf32, #tpu.memory_space<vmem>>) offsets(%dma_start3A_34 : memref<80xi32, #tpu.memory_space<vmem>>) semaphore(%arg16 : memref<!tpu.dma_semaphore, #tpu.memory_space<semaphore_mem>>)
      %dma_wait3A_38 = arith.constant 0 : i32
      %dma_wait3A_39 = tpu.memref_slice %arg7[%dma_wait3A_38] : memref<2000xi32, #tpu.memory_space<vmem>> -> memref<80xi32, #tpu.memory_space<vmem>>
      %dma_wait3A_40 = arith.constant 0 : i32
      %dma_wait3A_41 = arith.constant 0 : i32
      %dma_wait3A_42 = tpu.memref_slice %arg4[%dma_wait3A_40, %dma_wait3A_41] : memref<10000x128xf32, #tpu.memory_space<hbm>> -> memref<10000x128xf32, #tpu.memory_space<hbm>>
      tpu.wait_indirect_dma semaphore(%arg15 : memref<!tpu.dma_semaphore, #tpu.memory_space<semaphore_mem>>) src(%dma_wait3A_42 : memref<10000x128xf32, #tpu.memory_space<hbm>>) dst(%arg10 : memref<80x128xf32, #tpu.memory_space<vmem>>)
      %dma_start3A_43 = arith.constant 1 : i32
      %dma_start3A_44 = arith.constant 0 : i32
      %dma_start3A_45 = tpu.memref_slice %arg8[%dma_start3A_43, %dma_start3A_44] : memref<25x80xi32, #tpu.memory_space<vmem>> -> memref<1x80xi32, #tpu.memory_space<vmem>>
      %dma_start3A_46 = tpu.memref_squeeze %dma_start3A_45 : memref<1x80xi32, #tpu.memory_space<vmem>> -> memref<80xi32, #tpu.memory_space<vmem>>
      %dma_start3A_47 = arith.constant 0 : i32
      %dma_start3A_48 = arith.constant 0 : i32
      %dma_start3A_49 = tpu.memref_slice %arg13[%dma_start3A_47, %dma_start3A_48] : memref<10240x128xf32, #tpu.memory_space<vmem_shared>> -> memref<10240x128xf32, #tpu.memory_space<vmem_shared>>
      tpu.enqueue_indirect_dma source(%arg10 : memref<80x128xf32, #tpu.memory_space<vmem>>) target(%dma_start3A_49 : memref<10240x128xf32, #tpu.memory_space<vmem_shared>>) offsets(%dma_start3A_46 : memref<80xi32, #tpu.memory_space<vmem>>) semaphore(%arg19 : memref<!tpu.dma_semaphore, #tpu.memory_space<semaphore_mem>>) {add = true}
      %dma_start3A_50 = arith.constant 240 : i32
      %dma_start3A_51 = tpu.memref_slice %arg7[%dma_start3A_50] : memref<2000xi32, #tpu.memory_space<vmem>> -> memref<80xi32, #tpu.memory_space<vmem>>
      %dma_start3A_52 = arith.constant 0 : i32
      %dma_start3A_53 = arith.constant 0 : i32
      %dma_start3A_54 = tpu.memref_slice %arg4[%dma_start3A_52, %dma_start3A_53] : memref<10000x128xf32, #tpu.memory_space<hbm>> -> memref<10000x128xf32, #tpu.memory_space<hbm>>
      tpu.enqueue_indirect_dma source(%dma_start3A_54 : memref<10000x128xf32, #tpu.memory_space<hbm>>) target(%arg12 : memref<80x128xf32, #tpu.memory_space<vmem>>) offsets(%dma_start3A_51 : memref<80xi32, #tpu.memory_space<vmem>>) semaphore(%arg17 : memref<!tpu.dma_semaphore, #tpu.memory_space<semaphore_mem>>)
      %dma_wait3A_55 = arith.constant 0 : i32
      %dma_wait3A_56 = tpu.memref_slice %arg7[%dma_wait3A_55] : memref<2000xi32, #tpu.memory_space<vmem>> -> memref<80xi32, #tpu.memory_space<vmem>>
      %dma_wait3A_57 = arith.constant 0 : i32
      %dma_wait3A_58 = arith.constant 0 : i32
      %dma_wait3A_59 = tpu.memref_slice %arg4[%dma_wait3A_57, %dma_wait3A_58] : memref<10000x128xf32, #tpu.memory_space<hbm>> -> memref<10000x128xf32, #tpu.memory_space<hbm>>
      tpu.wait_indirect_dma semaphore(%arg16 : memref<!tpu.dma_semaphore, #tpu.memory_space<semaphore_mem>>) src(%dma_wait3A_59 : memref<10000x128xf32, #tpu.memory_space<hbm>>) dst(%arg11 : memref<80x128xf32, #tpu.memory_space<vmem>>)
      %dma_start3A_60 = arith.constant 2 : i32
      %dma_start3A_61 = arith.constant 0 : i32
      %dma_start3A_62 = tpu.memref_slice %arg8[%dma_start3A_60, %dma_start3A_61] : memref<25x80xi32, #tpu.memory_space<vmem>> -> memref<1x80xi32, #tpu.memory_space<vmem>>
      %dma_start3A_63 = tpu.memref_squeeze %dma_start3A_62 : memref<1x80xi32, #tpu.memory_space<vmem>> -> memref<80xi32, #tpu.memory_space<vmem>>
      %dma_start3A_64 = arith.constant 0 : i32
      %dma_start3A_65 = arith.constant 0 : i32
      %dma_start3A_66 = tpu.memref_slice %arg13[%dma_start3A_64, %dma_start3A_65] : memref<10240x128xf32, #tpu.memory_space<vmem_shared>> -> memref<10240x128xf32, #tpu.memory_space<vmem_shared>>
      tpu.enqueue_indirect_dma source(%arg11 : memref<80x128xf32, #tpu.memory_space<vmem>>) target(%dma_start3A_66 : memref<10240x128xf32, #tpu.memory_space<vmem_shared>>) offsets(%dma_start3A_63 : memref<80xi32, #tpu.memory_space<vmem>>) semaphore(%arg20 : memref<!tpu.dma_semaphore, #tpu.memory_space<semaphore_mem>>) {add = true}
      %dma_wait3A_67 = arith.constant 0 : i32
      %dma_wait3A_68 = arith.constant 0 : i32
      %dma_wait3A_69 = tpu.memref_slice %arg8[%dma_wait3A_67, %dma_wait3A_68] : memref<25x80xi32, #tpu.memory_space<vmem>> -> memref<1x80xi32, #tpu.memory_space<vmem>>
      %dma_wait3A_70 = tpu.memref_squeeze %dma_wait3A_69 : memref<1x80xi32, #tpu.memory_space<vmem>> -> memref<80xi32, #tpu.memory_space<vmem>>
      %dma_wait3A_71 = arith.constant 0 : i32
      %dma_wait3A_72 = arith.constant 0 : i32
      %dma_wait3A_73 = tpu.memref_slice %arg13[%dma_wait3A_71, %dma_wait3A_72] : memref<10240x128xf32, #tpu.memory_space<vmem_shared>> -> memref<10240x128xf32, #tpu.memory_space<vmem_shared>>
      tpu.wait_indirect_dma semaphore(%arg18 : memref<!tpu.dma_semaphore, #tpu.memory_space<semaphore_mem>>) src(%arg9 : memref<80x128xf32, #tpu.memory_space<vmem>>) dst(%dma_wait3A_73 : memref<10240x128xf32, #tpu.memory_space<vmem_shared>>)
      %dma_start3A_74 = arith.constant 320 : i32
      %dma_start3A_75 = tpu.memref_slice %arg7[%dma_start3A_74] : memref<2000xi32, #tpu.memory_space<vmem>> -> memref<80xi32, #tpu.memory_space<vmem>>
      %dma_start3A_76 = arith.constant 0 : i32
      %dma_start3A_77 = arith.constant 0 : i32
      %dma_start3A_78 = tpu.memref_slice %arg4[%dma_start3A_76, %dma_start3A_77] : memref<10000x128xf32, #tpu.memory_space<hbm>> -> memref<10000x128xf32, #tpu.memory_space<hbm>>
      tpu.enqueue_indirect_dma source(%dma_start3A_78 : memref<10000x128xf32, #tpu.memory_space<hbm>>) target(%arg9 : memref<80x128xf32, #tpu.memory_space<vmem>>) offsets(%dma_start3A_75 : memref<80xi32, #tpu.memory_space<vmem>>) semaphore(%arg14 : memref<!tpu.dma_semaphore, #tpu.memory_space<semaphore_mem>>)
      %dma_wait3A_79 = arith.constant 0 : i32
      %dma_wait3A_80 = tpu.memref_slice %arg7[%dma_wait3A_79] : memref<2000xi32, #tpu.memory_space<vmem>> -> memref<80xi32, #tpu.memory_space<vmem>>
      %dma_wait3A_81 = arith.constant 0 : i32
      %dma_wait3A_82 = arith.constant 0 : i32
      %dma_wait3A_83 = tpu.memref_slice %arg4[%dma_wait3A_81, %dma_wait3A_82] : memref<10000x128xf32, #tpu.memory_space<hbm>> -> memref<10000x128xf32, #tpu.memory_space<hbm>>
      tpu.wait_indirect_dma semaphore(%arg17 : memref<!tpu.dma_semaphore, #tpu.memory_space<semaphore_mem>>) src(%dma_wait3A_83 : memref<10000x128xf32, #tpu.memory_space<hbm>>) dst(%arg12 : memref<80x128xf32, #tpu.memory_space<vmem>>)
      %dma_start3A_84 = arith.constant 3 : i32
      %dma_start3A_85 = arith.constant 0 : i32
      %dma_start3A_86 = tpu.memref_slice %arg8[%dma_start3A_84, %dma_start3A_85] : memref<25x80xi32, #tpu.memory_space<vmem>> -> memref<1x80xi32, #tpu.memory_space<vmem>>
      %dma_start3A_87 = tpu.memref_squeeze %dma_start3A_86 : memref<1x80xi32, #tpu.memory_space<vmem>> -> memref<80xi32, #tpu.memory_space<vmem>>
      %dma_start3A_88 = arith.constant 0 : i32
      %dma_start3A_89 = arith.constant 0 : i32
      %dma_start3A_90 = tpu.memref_slice %arg13[%dma_start3A_88, %dma_start3A_89] : memref<10240x128xf32, #tpu.memory_space<vmem_shared>> -> memref<10240x128xf32, #tpu.memory_space<vmem_shared>>
      tpu.enqueue_indirect_dma source(%arg12 : memref<80x128xf32, #tpu.memory_space<vmem>>) target(%dma_start3A_90 : memref<10240x128xf32, #tpu.memory_space<vmem_shared>>) offsets(%dma_start3A_87 : memref<80xi32, #tpu.memory_space<vmem>>) semaphore(%arg21 : memref<!tpu.dma_semaphore, #tpu.memory_space<semaphore_mem>>) {add = true}
      %dma_wait3A_91 = arith.constant 0 : i32
      %dma_wait3A_92 = arith.constant 0 : i32
      %dma_wait3A_93 = tpu.memref_slice %arg8[%dma_wait3A_91, %dma_wait3A_92] : memref<25x80xi32, #tpu.memory_space<vmem>> -> memref<1x80xi32, #tpu.memory_space<vmem>>
      %dma_wait3A_94 = tpu.memref_squeeze %dma_wait3A_93 : memref<1x80xi32, #tpu.memory_space<vmem>> -> memref<80xi32, #tpu.memory_space<vmem>>
      %dma_wait3A_95 = arith.constant 0 : i32
      %dma_wait3A_96 = arith.constant 0 : i32
      %dma_wait3A_97 = tpu.memref_slice %arg13[%dma_wait3A_95, %dma_wait3A_96] : memref<10240x128xf32, #tpu.memory_space<vmem_shared>> -> memref<10240x128xf32, #tpu.memory_space<vmem_shared>>
      tpu.wait_indirect_dma semaphore(%arg19 : memref<!tpu.dma_semaphore, #tpu.memory_space<semaphore_mem>>) src(%arg10 : memref<80x128xf32, #tpu.memory_space<vmem>>) dst(%dma_wait3A_97 : memref<10240x128xf32, #tpu.memory_space<vmem_shared>>)
      %dma_start3A_98 = arith.constant 400 : i32
      %dma_start3A_99 = tpu.memref_slice %arg7[%dma_start3A_98] : memref<2000xi32, #tpu.memory_space<vmem>> -> memref<80xi32, #tpu.memory_space<vmem>>
      %dma_start3A_100 = arith.constant 0 : i32
      %dma_start3A_101 = arith.constant 0 : i32
      %dma_start3A_102 = tpu.memref_slice %arg4[%dma_start3A_100, %dma_start3A_101] : memref<10000x128xf32, #tpu.memory_space<hbm>> -> memref<10000x128xf32, #tpu.memory_space<hbm>>
      tpu.enqueue_indirect_dma source(%dma_start3A_102 : memref<10000x128xf32, #tpu.memory_space<hbm>>) target(%arg10 : memref<80x128xf32, #tpu.memory_space<vmem>>) offsets(%dma_start3A_99 : memref<80xi32, #tpu.memory_space<vmem>>) semaphore(%arg15 : memref<!tpu.dma_semaphore, #tpu.memory_space<semaphore_mem>>)
      %scan3A_103 = arith.constant 0 : i32
      %scan3A_104 = arith.constant 1 : i32
      %scan3A_105 = arith.constant 4 : i32
      %scan3A_106 = arith.addi %scan3A_104, %scan3A_105 : i32
      %scan3A_107 = arith.constant 1 : i32
      scf.for %scan3A_233 = %scan3A_104 to %scan3A_106 step %scan3A_107  : i32 {
        %mul3A_234 = arith.constant 4 : i32
        %mul3A_235 = arith.muli %mul3A_234, %scan3A_233 : i32
        %add3A_236 = arith.constant 0 : i32
        %add3A_237 = arith.addi %mul3A_235, %add3A_236 : i32
        %dma_wait3A_238 = arith.constant 0 : i32
        %dma_wait3A_239 = tpu.memref_slice %arg7[%dma_wait3A_238] : memref<2000xi32, #tpu.memory_space<vmem>> -> memref<80xi32, #tpu.memory_space<vmem>>
        %dma_wait3A_240 = arith.constant 0 : i32
        %dma_wait3A_241 = arith.constant 0 : i32
        %dma_wait3A_242 = tpu.memref_slice %arg4[%dma_wait3A_240, %dma_wait3A_241] : memref<10000x128xf32, #tpu.memory_space<hbm>> -> memref<10000x128xf32, #tpu.memory_space<hbm>>
        tpu.wait_indirect_dma semaphore(%arg14 : memref<!tpu.dma_semaphore, #tpu.memory_space<semaphore_mem>>) src(%dma_wait3A_242 : memref<10000x128xf32, #tpu.memory_space<hbm>>) dst(%arg9 : memref<80x128xf32, #tpu.memory_space<vmem>>)
        %dma_start3A_243 = arith.constant 0 : i32
        %dma_start3A_244 = tpu.memref_slice %arg8[%add3A_237, %dma_start3A_243] : memref<25x80xi32, #tpu.memory_space<vmem>> -> memref<1x80xi32, #tpu.memory_space<vmem>>
        %dma_start3A_245 = tpu.memref_squeeze %dma_start3A_244 : memref<1x80xi32, #tpu.memory_space<vmem>> -> memref<80xi32, #tpu.memory_space<vmem>>
        %dma_start3A_246 = arith.constant 0 : i32
        %dma_start3A_247 = arith.constant 0 : i32
        %dma_start3A_248 = tpu.memref_slice %arg13[%dma_start3A_246, %dma_start3A_247] : memref<10240x128xf32, #tpu.memory_space<vmem_shared>> -> memref<10240x128xf32, #tpu.memory_space<vmem_shared>>
        tpu.enqueue_indirect_dma source(%arg9 : memref<80x128xf32, #tpu.memory_space<vmem>>) target(%dma_start3A_248 : memref<10240x128xf32, #tpu.memory_space<vmem_shared>>) offsets(%dma_start3A_245 : memref<80xi32, #tpu.memory_space<vmem>>) semaphore(%arg18 : memref<!tpu.dma_semaphore, #tpu.memory_space<semaphore_mem>>) {add = true}
        %dma_wait3A_249 = arith.constant 0 : i32
        %dma_wait3A_250 = arith.constant 0 : i32
        %dma_wait3A_251 = tpu.memref_slice %arg8[%dma_wait3A_249, %dma_wait3A_250] : memref<25x80xi32, #tpu.memory_space<vmem>> -> memref<1x80xi32, #tpu.memory_space<vmem>>
        %dma_wait3A_252 = tpu.memref_squeeze %dma_wait3A_251 : memref<1x80xi32, #tpu.memory_space<vmem>> -> memref<80xi32, #tpu.memory_space<vmem>>
        %dma_wait3A_253 = arith.constant 0 : i32
        %dma_wait3A_254 = arith.constant 0 : i32
        %dma_wait3A_255 = tpu.memref_slice %arg13[%dma_wait3A_253, %dma_wait3A_254] : memref<10240x128xf32, #tpu.memory_space<vmem_shared>> -> memref<10240x128xf32, #tpu.memory_space<vmem_shared>>
        tpu.wait_indirect_dma semaphore(%arg20 : memref<!tpu.dma_semaphore, #tpu.memory_space<semaphore_mem>>) src(%arg11 : memref<80x128xf32, #tpu.memory_space<vmem>>) dst(%dma_wait3A_255 : memref<10240x128xf32, #tpu.memory_space<vmem_shared>>)
        %add3A_256 = arith.constant 2 : i32
        %add3A_257 = arith.addi %add3A_237, %add3A_256 : i32
        %mul3A_258 = arith.constant 80 : i32
        %mul3A_259 = arith.muli %add3A_257, %mul3A_258 : i32
        %dma_start3A_260 = tpu.memref_slice %arg7[%mul3A_259] : memref<2000xi32, #tpu.memory_space<vmem>> -> memref<80xi32, #tpu.memory_space<vmem>>
        %dma_start3A_261 = arith.constant 0 : i32
        %dma_start3A_262 = arith.constant 0 : i32
        %dma_start3A_263 = tpu.memref_slice %arg4[%dma_start3A_261, %dma_start3A_262] : memref<10000x128xf32, #tpu.memory_space<hbm>> -> memref<10000x128xf32, #tpu.memory_space<hbm>>
        tpu.enqueue_indirect_dma source(%dma_start3A_263 : memref<10000x128xf32, #tpu.memory_space<hbm>>) target(%arg11 : memref<80x128xf32, #tpu.memory_space<vmem>>) offsets(%dma_start3A_260 : memref<80xi32, #tpu.memory_space<vmem>>) semaphore(%arg16 : memref<!tpu.dma_semaphore, #tpu.memory_space<semaphore_mem>>)
        %add3A_264 = arith.constant 1 : i32
        %add3A_265 = arith.addi %mul3A_235, %add3A_264 : i32
        %dma_wait3A_266 = arith.constant 0 : i32
        %dma_wait3A_267 = tpu.memref_slice %arg7[%dma_wait3A_266] : memref<2000xi32, #tpu.memory_space<vmem>> -> memref<80xi32, #tpu.memory_space<vmem>>
        %dma_wait3A_268 = arith.constant 0 : i32
        %dma_wait3A_269 = arith.constant 0 : i32
        %dma_wait3A_270 = tpu.memref_slice %arg4[%dma_wait3A_268, %dma_wait3A_269] : memref<10000x128xf32, #tpu.memory_space<hbm>> -> memref<10000x128xf32, #tpu.memory_space<hbm>>
        tpu.wait_indirect_dma semaphore(%arg15 : memref<!tpu.dma_semaphore, #tpu.memory_space<semaphore_mem>>) src(%dma_wait3A_270 : memref<10000x128xf32, #tpu.memory_space<hbm>>) dst(%arg10 : memref<80x128xf32, #tpu.memory_space<vmem>>)
        %dma_start3A_271 = arith.constant 0 : i32
        %dma_start3A_272 = tpu.memref_slice %arg8[%add3A_265, %dma_start3A_271] : memref<25x80xi32, #tpu.memory_space<vmem>> -> memref<1x80xi32, #tpu.memory_space<vmem>>
        %dma_start3A_273 = tpu.memref_squeeze %dma_start3A_272 : memref<1x80xi32, #tpu.memory_space<vmem>> -> memref<80xi32, #tpu.memory_space<vmem>>
        %dma_start3A_274 = arith.constant 0 : i32
        %dma_start3A_275 = arith.constant 0 : i32
        %dma_start3A_276 = tpu.memref_slice %arg13[%dma_start3A_274, %dma_start3A_275] : memref<10240x128xf32, #tpu.memory_space<vmem_shared>> -> memref<10240x128xf32, #tpu.memory_space<vmem_shared>>
        tpu.enqueue_indirect_dma source(%arg10 : memref<80x128xf32, #tpu.memory_space<vmem>>) target(%dma_start3A_276 : memref<10240x128xf32, #tpu.memory_space<vmem_shared>>) offsets(%dma_start3A_273 : memref<80xi32, #tpu.memory_space<vmem>>) semaphore(%arg19 : memref<!tpu.dma_semaphore, #tpu.memory_space<semaphore_mem>>) {add = true}
        %dma_wait3A_277 = arith.constant 0 : i32
        %dma_wait3A_278 = arith.constant 0 : i32
        %dma_wait3A_279 = tpu.memref_slice %arg8[%dma_wait3A_277, %dma_wait3A_278] : memref<25x80xi32, #tpu.memory_space<vmem>> -> memref<1x80xi32, #tpu.memory_space<vmem>>
        %dma_wait3A_280 = tpu.memref_squeeze %dma_wait3A_279 : memref<1x80xi32, #tpu.memory_space<vmem>> -> memref<80xi32, #tpu.memory_space<vmem>>
        %dma_wait3A_281 = arith.constant 0 : i32
        %dma_wait3A_282 = arith.constant 0 : i32
        %dma_wait3A_283 = tpu.memref_slice %arg13[%dma_wait3A_281, %dma_wait3A_282] : memref<10240x128xf32, #tpu.memory_space<vmem_shared>> -> memref<10240x128xf32, #tpu.memory_space<vmem_shared>>
        tpu.wait_indirect_dma semaphore(%arg21 : memref<!tpu.dma_semaphore, #tpu.memory_space<semaphore_mem>>) src(%arg12 : memref<80x128xf32, #tpu.memory_space<vmem>>) dst(%dma_wait3A_283 : memref<10240x128xf32, #tpu.memory_space<vmem_shared>>)
        %add3A_284 = arith.constant 2 : i32
        %add3A_285 = arith.addi %add3A_265, %add3A_284 : i32
        %mul3A_286 = arith.constant 80 : i32
        %mul3A_287 = arith.muli %add3A_285, %mul3A_286 : i32
        %dma_start3A_288 = tpu.memref_slice %arg7[%mul3A_287] : memref<2000xi32, #tpu.memory_space<vmem>> -> memref<80xi32, #tpu.memory_space<vmem>>
        %dma_start3A_289 = arith.constant 0 : i32
        %dma_start3A_290 = arith.constant 0 : i32
        %dma_start3A_291 = tpu.memref_slice %arg4[%dma_start3A_289, %dma_start3A_290] : memref<10000x128xf32, #tpu.memory_space<hbm>> -> memref<10000x128xf32, #tpu.memory_space<hbm>>
        tpu.enqueue_indirect_dma source(%dma_start3A_291 : memref<10000x128xf32, #tpu.memory_space<hbm>>) target(%arg12 : memref<80x128xf32, #tpu.memory_space<vmem>>) offsets(%dma_start3A_288 : memref<80xi32, #tpu.memory_space<vmem>>) semaphore(%arg17 : memref<!tpu.dma_semaphore, #tpu.memory_space<semaphore_mem>>)
        %add3A_292 = arith.constant 2 : i32
        %add3A_293 = arith.addi %mul3A_235, %add3A_292 : i32
        %dma_wait3A_294 = arith.constant 0 : i32
        %dma_wait3A_295 = tpu.memref_slice %arg7[%dma_wait3A_294] : memref<2000xi32, #tpu.memory_space<vmem>> -> memref<80xi32, #tpu.memory_space<vmem>>
        %dma_wait3A_296 = arith.constant 0 : i32
        %dma_wait3A_297 = arith.constant 0 : i32
        %dma_wait3A_298 = tpu.memref_slice %arg4[%dma_wait3A_296, %dma_wait3A_297] : memref<10000x128xf32, #tpu.memory_space<hbm>> -> memref<10000x128xf32, #tpu.memory_space<hbm>>
        tpu.wait_indirect_dma semaphore(%arg16 : memref<!tpu.dma_semaphore, #tpu.memory_space<semaphore_mem>>) src(%dma_wait3A_298 : memref<10000x128xf32, #tpu.memory_space<hbm>>) dst(%arg11 : memref<80x128xf32, #tpu.memory_space<vmem>>)
        %dma_start3A_299 = arith.constant 0 : i32
        %dma_start3A_300 = tpu.memref_slice %arg8[%add3A_293, %dma_start3A_299] : memref<25x80xi32, #tpu.memory_space<vmem>> -> memref<1x80xi32, #tpu.memory_space<vmem>>
        %dma_start3A_301 = tpu.memref_squeeze %dma_start3A_300 : memref<1x80xi32, #tpu.memory_space<vmem>> -> memref<80xi32, #tpu.memory_space<vmem>>
        %dma_start3A_302 = arith.constant 0 : i32
        %dma_start3A_303 = arith.constant 0 : i32
        %dma_start3A_304 = tpu.memref_slice %arg13[%dma_start3A_302, %dma_start3A_303] : memref<10240x128xf32, #tpu.memory_space<vmem_shared>> -> memref<10240x128xf32, #tpu.memory_space<vmem_shared>>
        tpu.enqueue_indirect_dma source(%arg11 : memref<80x128xf32, #tpu.memory_space<vmem>>) target(%dma_start3A_304 : memref<10240x128xf32, #tpu.memory_space<vmem_shared>>) offsets(%dma_start3A_301 : memref<80xi32, #tpu.memory_space<vmem>>) semaphore(%arg20 : memref<!tpu.dma_semaphore, #tpu.memory_space<semaphore_mem>>) {add = true}
        %dma_wait3A_305 = arith.constant 0 : i32
        %dma_wait3A_306 = arith.constant 0 : i32
        %dma_wait3A_307 = tpu.memref_slice %arg8[%dma_wait3A_305, %dma_wait3A_306] : memref<25x80xi32, #tpu.memory_space<vmem>> -> memref<1x80xi32, #tpu.memory_space<vmem>>
        %dma_wait3A_308 = tpu.memref_squeeze %dma_wait3A_307 : memref<1x80xi32, #tpu.memory_space<vmem>> -> memref<80xi32, #tpu.memory_space<vmem>>
        %dma_wait3A_309 = arith.constant 0 : i32
        %dma_wait3A_310 = arith.constant 0 : i32
        %dma_wait3A_311 = tpu.memref_slice %arg13[%dma_wait3A_309, %dma_wait3A_310] : memref<10240x128xf32, #tpu.memory_space<vmem_shared>> -> memref<10240x128xf32, #tpu.memory_space<vmem_shared>>
        tpu.wait_indirect_dma semaphore(%arg18 : memref<!tpu.dma_semaphore, #tpu.memory_space<semaphore_mem>>) src(%arg9 : memref<80x128xf32, #tpu.memory_space<vmem>>) dst(%dma_wait3A_311 : memref<10240x128xf32, #tpu.memory_space<vmem_shared>>)
        %add3A_312 = arith.constant 2 : i32
        %add3A_313 = arith.addi %add3A_293, %add3A_312 : i32
        %mul3A_314 = arith.constant 80 : i32
        %mul3A_315 = arith.muli %add3A_313, %mul3A_314 : i32
        %dma_start3A_316 = tpu.memref_slice %arg7[%mul3A_315] : memref<2000xi32, #tpu.memory_space<vmem>> -> memref<80xi32, #tpu.memory_space<vmem>>
        %dma_start3A_317 = arith.constant 0 : i32
        %dma_start3A_318 = arith.constant 0 : i32
        %dma_start3A_319 = tpu.memref_slice %arg4[%dma_start3A_317, %dma_start3A_318] : memref<10000x128xf32, #tpu.memory_space<hbm>> -> memref<10000x128xf32, #tpu.memory_space<hbm>>
        tpu.enqueue_indirect_dma source(%dma_start3A_319 : memref<10000x128xf32, #tpu.memory_space<hbm>>) target(%arg9 : memref<80x128xf32, #tpu.memory_space<vmem>>) offsets(%dma_start3A_316 : memref<80xi32, #tpu.memory_space<vmem>>) semaphore(%arg14 : memref<!tpu.dma_semaphore, #tpu.memory_space<semaphore_mem>>)
        %add3A_320 = arith.constant 3 : i32
        %add3A_321 = arith.addi %mul3A_235, %add3A_320 : i32
        %dma_wait3A_322 = arith.constant 0 : i32
        %dma_wait3A_323 = tpu.memref_slice %arg7[%dma_wait3A_322] : memref<2000xi32, #tpu.memory_space<vmem>> -> memref<80xi32, #tpu.memory_space<vmem>>
        %dma_wait3A_324 = arith.constant 0 : i32
        %dma_wait3A_325 = arith.constant 0 : i32
        %dma_wait3A_326 = tpu.memref_slice %arg4[%dma_wait3A_324, %dma_wait3A_325] : memref<10000x128xf32, #tpu.memory_space<hbm>> -> memref<10000x128xf32, #tpu.memory_space<hbm>>
        tpu.wait_indirect_dma semaphore(%arg17 : memref<!tpu.dma_semaphore, #tpu.memory_space<semaphore_mem>>) src(%dma_wait3A_326 : memref<10000x128xf32, #tpu.memory_space<hbm>>) dst(%arg12 : memref<80x128xf32, #tpu.memory_space<vmem>>)
        %dma_start3A_327 = arith.constant 0 : i32
        %dma_start3A_328 = tpu.memref_slice %arg8[%add3A_321, %dma_start3A_327] : memref<25x80xi32, #tpu.memory_space<vmem>> -> memref<1x80xi32, #tpu.memory_space<vmem>>
        %dma_start3A_329 = tpu.memref_squeeze %dma_start3A_328 : memref<1x80xi32, #tpu.memory_space<vmem>> -> memref<80xi32, #tpu.memory_space<vmem>>
        %dma_start3A_330 = arith.constant 0 : i32
        %dma_start3A_331 = arith.constant 0 : i32
        %dma_start3A_332 = tpu.memref_slice %arg13[%dma_start3A_330, %dma_start3A_331] : memref<10240x128xf32, #tpu.memory_space<vmem_shared>> -> memref<10240x128xf32, #tpu.memory_space<vmem_shared>>
        tpu.enqueue_indirect_dma source(%arg12 : memref<80x128xf32, #tpu.memory_space<vmem>>) target(%dma_start3A_332 : memref<10240x128xf32, #tpu.memory_space<vmem_shared>>) offsets(%dma_start3A_329 : memref<80xi32, #tpu.memory_space<vmem>>) semaphore(%arg21 : memref<!tpu.dma_semaphore, #tpu.memory_space<semaphore_mem>>) {add = true}
        %dma_wait3A_333 = arith.constant 0 : i32
        %dma_wait3A_334 = arith.constant 0 : i32
        %dma_wait3A_335 = tpu.memref_slice %arg8[%dma_wait3A_333, %dma_wait3A_334] : memref<25x80xi32, #tpu.memory_space<vmem>> -> memref<1x80xi32, #tpu.memory_space<vmem>>
        %dma_wait3A_336 = tpu.memref_squeeze %dma_wait3A_335 : memref<1x80xi32, #tpu.memory_space<vmem>> -> memref<80xi32, #tpu.memory_space<vmem>>
        %dma_wait3A_337 = arith.constant 0 : i32
        %dma_wait3A_338 = arith.constant 0 : i32
        %dma_wait3A_339 = tpu.memref_slice %arg13[%dma_wait3A_337, %dma_wait3A_338] : memref<10240x128xf32, #tpu.memory_space<vmem_shared>> -> memref<10240x128xf32, #tpu.memory_space<vmem_shared>>
        tpu.wait_indirect_dma semaphore(%arg19 : memref<!tpu.dma_semaphore, #tpu.memory_space<semaphore_mem>>) src(%arg10 : memref<80x128xf32, #tpu.memory_space<vmem>>) dst(%dma_wait3A_339 : memref<10240x128xf32, #tpu.memory_space<vmem_shared>>)
        %add3A_340 = arith.constant 2 : i32
        %add3A_341 = arith.addi %add3A_321, %add3A_340 : i32
        %mul3A_342 = arith.constant 80 : i32
        %mul3A_343 = arith.muli %add3A_341, %mul3A_342 : i32
        %dma_start3A_344 = tpu.memref_slice %arg7[%mul3A_343] : memref<2000xi32, #tpu.memory_space<vmem>> -> memref<80xi32, #tpu.memory_space<vmem>>
        %dma_start3A_345 = arith.constant 0 : i32
        %dma_start3A_346 = arith.constant 0 : i32
        %dma_start3A_347 = tpu.memref_slice %arg4[%dma_start3A_345, %dma_start3A_346] : memref<10000x128xf32, #tpu.memory_space<hbm>> -> memref<10000x128xf32, #tpu.memory_space<hbm>>
        tpu.enqueue_indirect_dma source(%dma_start3A_347 : memref<10000x128xf32, #tpu.memory_space<hbm>>) target(%arg10 : memref<80x128xf32, #tpu.memory_space<vmem>>) offsets(%dma_start3A_344 : memref<80xi32, #tpu.memory_space<vmem>>) semaphore(%arg15 : memref<!tpu.dma_semaphore, #tpu.memory_space<semaphore_mem>>)
      }
      %scan3A_108 = arith.constant 4 : i32
      %dma_wait3A_109 = arith.constant 0 : i32
      %dma_wait3A_110 = tpu.memref_slice %arg7[%dma_wait3A_109] : memref<2000xi32, #tpu.memory_space<vmem>> -> memref<80xi32, #tpu.memory_space<vmem>>
      %dma_wait3A_111 = arith.constant 0 : i32
      %dma_wait3A_112 = arith.constant 0 : i32
      %dma_wait3A_113 = tpu.memref_slice %arg4[%dma_wait3A_111, %dma_wait3A_112] : memref<10000x128xf32, #tpu.memory_space<hbm>> -> memref<10000x128xf32, #tpu.memory_space<hbm>>
      tpu.wait_indirect_dma semaphore(%arg14 : memref<!tpu.dma_semaphore, #tpu.memory_space<semaphore_mem>>) src(%dma_wait3A_113 : memref<10000x128xf32, #tpu.memory_space<hbm>>) dst(%arg9 : memref<80x128xf32, #tpu.memory_space<vmem>>)
      %dma_start3A_114 = arith.constant 20 : i32
      %dma_start3A_115 = arith.constant 0 : i32
      %dma_start3A_116 = tpu.memref_slice %arg8[%dma_start3A_114, %dma_start3A_115] : memref<25x80xi32, #tpu.memory_space<vmem>> -> memref<1x80xi32, #tpu.memory_space<vmem>>
      %dma_start3A_117 = tpu.memref_squeeze %dma_start3A_116 : memref<1x80xi32, #tpu.memory_space<vmem>> -> memref<80xi32, #tpu.memory_space<vmem>>
      %dma_start3A_118 = arith.constant 0 : i32
      %dma_start3A_119 = arith.constant 0 : i32
      %dma_start3A_120 = tpu.memref_slice %arg13[%dma_start3A_118, %dma_start3A_119] : memref<10240x128xf32, #tpu.memory_space<vmem_shared>> -> memref<10240x128xf32, #tpu.memory_space<vmem_shared>>
      tpu.enqueue_indirect_dma source(%arg9 : memref<80x128xf32, #tpu.memory_space<vmem>>) target(%dma_start3A_120 : memref<10240x128xf32, #tpu.memory_space<vmem_shared>>) offsets(%dma_start3A_117 : memref<80xi32, #tpu.memory_space<vmem>>) semaphore(%arg18 : memref<!tpu.dma_semaphore, #tpu.memory_space<semaphore_mem>>) {add = true}
      %dma_wait3A_121 = arith.constant 0 : i32
      %dma_wait3A_122 = arith.constant 0 : i32
      %dma_wait3A_123 = tpu.memref_slice %arg8[%dma_wait3A_121, %dma_wait3A_122] : memref<25x80xi32, #tpu.memory_space<vmem>> -> memref<1x80xi32, #tpu.memory_space<vmem>>
      %dma_wait3A_124 = tpu.memref_squeeze %dma_wait3A_123 : memref<1x80xi32, #tpu.memory_space<vmem>> -> memref<80xi32, #tpu.memory_space<vmem>>
      %dma_wait3A_125 = arith.constant 0 : i32
      %dma_wait3A_126 = arith.constant 0 : i32
      %dma_wait3A_127 = tpu.memref_slice %arg13[%dma_wait3A_125, %dma_wait3A_126] : memref<10240x128xf32, #tpu.memory_space<vmem_shared>> -> memref<10240x128xf32, #tpu.memory_space<vmem_shared>>
      tpu.wait_indirect_dma semaphore(%arg20 : memref<!tpu.dma_semaphore, #tpu.memory_space<semaphore_mem>>) src(%arg11 : memref<80x128xf32, #tpu.memory_space<vmem>>) dst(%dma_wait3A_127 : memref<10240x128xf32, #tpu.memory_space<vmem_shared>>)
      %dma_start3A_128 = arith.constant 1760 : i32
      %dma_start3A_129 = tpu.memref_slice %arg7[%dma_start3A_128] : memref<2000xi32, #tpu.memory_space<vmem>> -> memref<80xi32, #tpu.memory_space<vmem>>
      %dma_start3A_130 = arith.constant 0 : i32
      %dma_start3A_131 = arith.constant 0 : i32
      %dma_start3A_132 = tpu.memref_slice %arg4[%dma_start3A_130, %dma_start3A_131] : memref<10000x128xf32, #tpu.memory_space<hbm>> -> memref<10000x128xf32, #tpu.memory_space<hbm>>
      tpu.enqueue_indirect_dma source(%dma_start3A_132 : memref<10000x128xf32, #tpu.memory_space<hbm>>) target(%arg11 : memref<80x128xf32, #tpu.memory_space<vmem>>) offsets(%dma_start3A_129 : memref<80xi32, #tpu.memory_space<vmem>>) semaphore(%arg16 : memref<!tpu.dma_semaphore, #tpu.memory_space<semaphore_mem>>)
      %dma_wait3A_133 = arith.constant 0 : i32
      %dma_wait3A_134 = tpu.memref_slice %arg7[%dma_wait3A_133] : memref<2000xi32, #tpu.memory_space<vmem>> -> memref<80xi32, #tpu.memory_space<vmem>>
      %dma_wait3A_135 = arith.constant 0 : i32
      %dma_wait3A_136 = arith.constant 0 : i32
      %dma_wait3A_137 = tpu.memref_slice %arg4[%dma_wait3A_135, %dma_wait3A_136] : memref<10000x128xf32, #tpu.memory_space<hbm>> -> memref<10000x128xf32, #tpu.memory_space<hbm>>
      tpu.wait_indirect_dma semaphore(%arg15 : memref<!tpu.dma_semaphore, #tpu.memory_space<semaphore_mem>>) src(%dma_wait3A_137 : memref<10000x128xf32, #tpu.memory_space<hbm>>) dst(%arg10 : memref<80x128xf32, #tpu.memory_space<vmem>>)
      %dma_start3A_138 = arith.constant 21 : i32
      %dma_start3A_139 = arith.constant 0 : i32
      %dma_start3A_140 = tpu.memref_slice %arg8[%dma_start3A_138, %dma_start3A_139] : memref<25x80xi32, #tpu.memory_space<vmem>> -> memref<1x80xi32, #tpu.memory_space<vmem>>
      %dma_start3A_141 = tpu.memref_squeeze %dma_start3A_140 : memref<1x80xi32, #tpu.memory_space<vmem>> -> memref<80xi32, #tpu.memory_space<vmem>>
      %dma_start3A_142 = arith.constant 0 : i32
      %dma_start3A_143 = arith.constant 0 : i32
      %dma_start3A_144 = tpu.memref_slice %arg13[%dma_start3A_142, %dma_start3A_143] : memref<10240x128xf32, #tpu.memory_space<vmem_shared>> -> memref<10240x128xf32, #tpu.memory_space<vmem_shared>>
      tpu.enqueue_indirect_dma source(%arg10 : memref<80x128xf32, #tpu.memory_space<vmem>>) target(%dma_start3A_144 : memref<10240x128xf32, #tpu.memory_space<vmem_shared>>) offsets(%dma_start3A_141 : memref<80xi32, #tpu.memory_space<vmem>>) semaphore(%arg19 : memref<!tpu.dma_semaphore, #tpu.memory_space<semaphore_mem>>) {add = true}
      %dma_wait3A_145 = arith.constant 0 : i32
      %dma_wait3A_146 = arith.constant 0 : i32
      %dma_wait3A_147 = tpu.memref_slice %arg8[%dma_wait3A_145, %dma_wait3A_146] : memref<25x80xi32, #tpu.memory_space<vmem>> -> memref<1x80xi32, #tpu.memory_space<vmem>>
      %dma_wait3A_148 = tpu.memref_squeeze %dma_wait3A_147 : memref<1x80xi32, #tpu.memory_space<vmem>> -> memref<80xi32, #tpu.memory_space<vmem>>
      %dma_wait3A_149 = arith.constant 0 : i32
      %dma_wait3A_150 = arith.constant 0 : i32
      %dma_wait3A_151 = tpu.memref_slice %arg13[%dma_wait3A_149, %dma_wait3A_150] : memref<10240x128xf32, #tpu.memory_space<vmem_shared>> -> memref<10240x128xf32, #tpu.memory_space<vmem_shared>>
      tpu.wait_indirect_dma semaphore(%arg21 : memref<!tpu.dma_semaphore, #tpu.memory_space<semaphore_mem>>) src(%arg12 : memref<80x128xf32, #tpu.memory_space<vmem>>) dst(%dma_wait3A_151 : memref<10240x128xf32, #tpu.memory_space<vmem_shared>>)
      %dma_start3A_152 = arith.constant 1840 : i32
      %dma_start3A_153 = tpu.memref_slice %arg7[%dma_start3A_152] : memref<2000xi32, #tpu.memory_space<vmem>> -> memref<80xi32, #tpu.memory_space<vmem>>
      %dma_start3A_154 = arith.constant 0 : i32
      %dma_start3A_155 = arith.constant 0 : i32
      %dma_start3A_156 = tpu.memref_slice %arg4[%dma_start3A_154, %dma_start3A_155] : memref<10000x128xf32, #tpu.memory_space<hbm>> -> memref<10000x128xf32, #tpu.memory_space<hbm>>
      tpu.enqueue_indirect_dma source(%dma_start3A_156 : memref<10000x128xf32, #tpu.memory_space<hbm>>) target(%arg12 : memref<80x128xf32, #tpu.memory_space<vmem>>) offsets(%dma_start3A_153 : memref<80xi32, #tpu.memory_space<vmem>>) semaphore(%arg17 : memref<!tpu.dma_semaphore, #tpu.memory_space<semaphore_mem>>)
      %dma_wait3A_157 = arith.constant 0 : i32
      %dma_wait3A_158 = tpu.memref_slice %arg7[%dma_wait3A_157] : memref<2000xi32, #tpu.memory_space<vmem>> -> memref<80xi32, #tpu.memory_space<vmem>>
      %dma_wait3A_159 = arith.constant 0 : i32
      %dma_wait3A_160 = arith.constant 0 : i32
      %dma_wait3A_161 = tpu.memref_slice %arg4[%dma_wait3A_159, %dma_wait3A_160] : memref<10000x128xf32, #tpu.memory_space<hbm>> -> memref<10000x128xf32, #tpu.memory_space<hbm>>
      tpu.wait_indirect_dma semaphore(%arg16 : memref<!tpu.dma_semaphore, #tpu.memory_space<semaphore_mem>>) src(%dma_wait3A_161 : memref<10000x128xf32, #tpu.memory_space<hbm>>) dst(%arg11 : memref<80x128xf32, #tpu.memory_space<vmem>>)
      %dma_start3A_162 = arith.constant 22 : i32
      %dma_start3A_163 = arith.constant 0 : i32
      %dma_start3A_164 = tpu.memref_slice %arg8[%dma_start3A_162, %dma_start3A_163] : memref<25x80xi32, #tpu.memory_space<vmem>> -> memref<1x80xi32, #tpu.memory_space<vmem>>
      %dma_start3A_165 = tpu.memref_squeeze %dma_start3A_164 : memref<1x80xi32, #tpu.memory_space<vmem>> -> memref<80xi32, #tpu.memory_space<vmem>>
      %dma_start3A_166 = arith.constant 0 : i32
      %dma_start3A_167 = arith.constant 0 : i32
      %dma_start3A_168 = tpu.memref_slice %arg13[%dma_start3A_166, %dma_start3A_167] : memref<10240x128xf32, #tpu.memory_space<vmem_shared>> -> memref<10240x128xf32, #tpu.memory_space<vmem_shared>>
      tpu.enqueue_indirect_dma source(%arg11 : memref<80x128xf32, #tpu.memory_space<vmem>>) target(%dma_start3A_168 : memref<10240x128xf32, #tpu.memory_space<vmem_shared>>) offsets(%dma_start3A_165 : memref<80xi32, #tpu.memory_space<vmem>>) semaphore(%arg20 : memref<!tpu.dma_semaphore, #tpu.memory_space<semaphore_mem>>) {add = true}
      %dma_wait3A_169 = arith.constant 0 : i32
      %dma_wait3A_170 = arith.constant 0 : i32
      %dma_wait3A_171 = tpu.memref_slice %arg8[%dma_wait3A_169, %dma_wait3A_170] : memref<25x80xi32, #tpu.memory_space<vmem>> -> memref<1x80xi32, #tpu.memory_space<vmem>>
      %dma_wait3A_172 = tpu.memref_squeeze %dma_wait3A_171 : memref<1x80xi32, #tpu.memory_space<vmem>> -> memref<80xi32, #tpu.memory_space<vmem>>
      %dma_wait3A_173 = arith.constant 0 : i32
      %dma_wait3A_174 = arith.constant 0 : i32
      %dma_wait3A_175 = tpu.memref_slice %arg13[%dma_wait3A_173, %dma_wait3A_174] : memref<10240x128xf32, #tpu.memory_space<vmem_shared>> -> memref<10240x128xf32, #tpu.memory_space<vmem_shared>>
      tpu.wait_indirect_dma semaphore(%arg18 : memref<!tpu.dma_semaphore, #tpu.memory_space<semaphore_mem>>) src(%arg9 : memref<80x128xf32, #tpu.memory_space<vmem>>) dst(%dma_wait3A_175 : memref<10240x128xf32, #tpu.memory_space<vmem_shared>>)
      %dma_start3A_176 = arith.constant 1920 : i32
      %dma_start3A_177 = tpu.memref_slice %arg7[%dma_start3A_176] : memref<2000xi32, #tpu.memory_space<vmem>> -> memref<80xi32, #tpu.memory_space<vmem>>
      %dma_start3A_178 = arith.constant 0 : i32
      %dma_start3A_179 = arith.constant 0 : i32
      %dma_start3A_180 = tpu.memref_slice %arg4[%dma_start3A_178, %dma_start3A_179] : memref<10000x128xf32, #tpu.memory_space<hbm>> -> memref<10000x128xf32, #tpu.memory_space<hbm>>
      tpu.enqueue_indirect_dma source(%dma_start3A_180 : memref<10000x128xf32, #tpu.memory_space<hbm>>) target(%arg9 : memref<80x128xf32, #tpu.memory_space<vmem>>) offsets(%dma_start3A_177 : memref<80xi32, #tpu.memory_space<vmem>>) semaphore(%arg14 : memref<!tpu.dma_semaphore, #tpu.memory_space<semaphore_mem>>)
      %dma_wait3A_181 = arith.constant 0 : i32
      %dma_wait3A_182 = tpu.memref_slice %arg7[%dma_wait3A_181] : memref<2000xi32, #tpu.memory_space<vmem>> -> memref<80xi32, #tpu.memory_space<vmem>>
      %dma_wait3A_183 = arith.constant 0 : i32
      %dma_wait3A_184 = arith.constant 0 : i32
      %dma_wait3A_185 = tpu.memref_slice %arg4[%dma_wait3A_183, %dma_wait3A_184] : memref<10000x128xf32, #tpu.memory_space<hbm>> -> memref<10000x128xf32, #tpu.memory_space<hbm>>
      tpu.wait_indirect_dma semaphore(%arg17 : memref<!tpu.dma_semaphore, #tpu.memory_space<semaphore_mem>>) src(%dma_wait3A_185 : memref<10000x128xf32, #tpu.memory_space<hbm>>) dst(%arg12 : memref<80x128xf32, #tpu.memory_space<vmem>>)
      %dma_start3A_186 = arith.constant 23 : i32
      %dma_start3A_187 = arith.constant 0 : i32
      %dma_start3A_188 = tpu.memref_slice %arg8[%dma_start3A_186, %dma_start3A_187] : memref<25x80xi32, #tpu.memory_space<vmem>> -> memref<1x80xi32, #tpu.memory_space<vmem>>
      %dma_start3A_189 = tpu.memref_squeeze %dma_start3A_188 : memref<1x80xi32, #tpu.memory_space<vmem>> -> memref<80xi32, #tpu.memory_space<vmem>>
      %dma_start3A_190 = arith.constant 0 : i32
      %dma_start3A_191 = arith.constant 0 : i32
      %dma_start3A_192 = tpu.memref_slice %arg13[%dma_start3A_190, %dma_start3A_191] : memref<10240x128xf32, #tpu.memory_space<vmem_shared>> -> memref<10240x128xf32, #tpu.memory_space<vmem_shared>>
      tpu.enqueue_indirect_dma source(%arg12 : memref<80x128xf32, #tpu.memory_space<vmem>>) target(%dma_start3A_192 : memref<10240x128xf32, #tpu.memory_space<vmem_shared>>) offsets(%dma_start3A_189 : memref<80xi32, #tpu.memory_space<vmem>>) semaphore(%arg21 : memref<!tpu.dma_semaphore, #tpu.memory_space<semaphore_mem>>) {add = true}
      %dma_wait3A_193 = arith.constant 0 : i32
      %dma_wait3A_194 = arith.constant 0 : i32
      %dma_wait3A_195 = tpu.memref_slice %arg8[%dma_wait3A_193, %dma_wait3A_194] : memref<25x80xi32, #tpu.memory_space<vmem>> -> memref<1x80xi32, #tpu.memory_space<vmem>>
      %dma_wait3A_196 = tpu.memref_squeeze %dma_wait3A_195 : memref<1x80xi32, #tpu.memory_space<vmem>> -> memref<80xi32, #tpu.memory_space<vmem>>
      %dma_wait3A_197 = arith.constant 0 : i32
      %dma_wait3A_198 = arith.constant 0 : i32
      %dma_wait3A_199 = tpu.memref_slice %arg13[%dma_wait3A_197, %dma_wait3A_198] : memref<10240x128xf32, #tpu.memory_space<vmem_shared>> -> memref<10240x128xf32, #tpu.memory_space<vmem_shared>>
      tpu.wait_indirect_dma semaphore(%arg19 : memref<!tpu.dma_semaphore, #tpu.memory_space<semaphore_mem>>) src(%arg10 : memref<80x128xf32, #tpu.memory_space<vmem>>) dst(%dma_wait3A_199 : memref<10240x128xf32, #tpu.memory_space<vmem_shared>>)
      %dma_wait3A_200 = arith.constant 0 : i32
      %dma_wait3A_201 = tpu.memref_slice %arg7[%dma_wait3A_200] : memref<2000xi32, #tpu.memory_space<vmem>> -> memref<80xi32, #tpu.memory_space<vmem>>
      %dma_wait3A_202 = arith.constant 0 : i32
      %dma_wait3A_203 = arith.constant 0 : i32
      %dma_wait3A_204 = tpu.memref_slice %arg4[%dma_wait3A_202, %dma_wait3A_203] : memref<10000x128xf32, #tpu.memory_space<hbm>> -> memref<10000x128xf32, #tpu.memory_space<hbm>>
      tpu.wait_indirect_dma semaphore(%arg14 : memref<!tpu.dma_semaphore, #tpu.memory_space<semaphore_mem>>) src(%dma_wait3A_204 : memref<10000x128xf32, #tpu.memory_space<hbm>>) dst(%arg9 : memref<80x128xf32, #tpu.memory_space<vmem>>)
      %dma_start3A_205 = arith.constant 24 : i32
      %dma_start3A_206 = arith.constant 0 : i32
      %dma_start3A_207 = tpu.memref_slice %arg8[%dma_start3A_205, %dma_start3A_206] : memref<25x80xi32, #tpu.memory_space<vmem>> -> memref<1x80xi32, #tpu.memory_space<vmem>>
      %dma_start3A_208 = tpu.memref_squeeze %dma_start3A_207 : memref<1x80xi32, #tpu.memory_space<vmem>> -> memref<80xi32, #tpu.memory_space<vmem>>
      %dma_start3A_209 = arith.constant 0 : i32
      %dma_start3A_210 = arith.constant 0 : i32
      %dma_start3A_211 = tpu.memref_slice %arg13[%dma_start3A_209, %dma_start3A_210] : memref<10240x128xf32, #tpu.memory_space<vmem_shared>> -> memref<10240x128xf32, #tpu.memory_space<vmem_shared>>
      tpu.enqueue_indirect_dma source(%arg9 : memref<80x128xf32, #tpu.memory_space<vmem>>) target(%dma_start3A_211 : memref<10240x128xf32, #tpu.memory_space<vmem_shared>>) offsets(%dma_start3A_208 : memref<80xi32, #tpu.memory_space<vmem>>) semaphore(%arg18 : memref<!tpu.dma_semaphore, #tpu.memory_space<semaphore_mem>>) {add = true}
      %dma_wait3A_212 = arith.constant 0 : i32
      %dma_wait3A_213 = arith.constant 0 : i32
      %dma_wait3A_214 = tpu.memref_slice %arg8[%dma_wait3A_212, %dma_wait3A_213] : memref<25x80xi32, #tpu.memory_space<vmem>> -> memref<1x80xi32, #tpu.memory_space<vmem>>
      %dma_wait3A_215 = tpu.memref_squeeze %dma_wait3A_214 : memref<1x80xi32, #tpu.memory_space<vmem>> -> memref<80xi32, #tpu.memory_space<vmem>>
      %dma_wait3A_216 = arith.constant 0 : i32
      %dma_wait3A_217 = arith.constant 0 : i32
      %dma_wait3A_218 = tpu.memref_slice %arg13[%dma_wait3A_216, %dma_wait3A_217] : memref<10240x128xf32, #tpu.memory_space<vmem_shared>> -> memref<10240x128xf32, #tpu.memory_space<vmem_shared>>
      tpu.wait_indirect_dma semaphore(%arg20 : memref<!tpu.dma_semaphore, #tpu.memory_space<semaphore_mem>>) src(%arg11 : memref<80x128xf32, #tpu.memory_space<vmem>>) dst(%dma_wait3A_218 : memref<10240x128xf32, #tpu.memory_space<vmem_shared>>)
      %dma_wait3A_219 = arith.constant 0 : i32
      %dma_wait3A_220 = arith.constant 0 : i32
      %dma_wait3A_221 = tpu.memref_slice %arg8[%dma_wait3A_219, %dma_wait3A_220] : memref<25x80xi32, #tpu.memory_space<vmem>> -> memref<1x80xi32, #tpu.memory_space<vmem>>
      %dma_wait3A_222 = tpu.memref_squeeze %dma_wait3A_221 : memref<1x80xi32, #tpu.memory_space<vmem>> -> memref<80xi32, #tpu.memory_space<vmem>>
      %dma_wait3A_223 = arith.constant 0 : i32
      %dma_wait3A_224 = arith.constant 0 : i32
      %dma_wait3A_225 = tpu.memref_slice %arg13[%dma_wait3A_223, %dma_wait3A_224] : memref<10240x128xf32, #tpu.memory_space<vmem_shared>> -> memref<10240x128xf32, #tpu.memory_space<vmem_shared>>
      tpu.wait_indirect_dma semaphore(%arg21 : memref<!tpu.dma_semaphore, #tpu.memory_space<semaphore_mem>>) src(%arg12 : memref<80x128xf32, #tpu.memory_space<vmem>>) dst(%dma_wait3A_225 : memref<10240x128xf32, #tpu.memory_space<vmem_shared>>)
      %dma_wait3A_226 = arith.constant 0 : i32
      %dma_wait3A_227 = arith.constant 0 : i32
      %dma_wait3A_228 = tpu.memref_slice %arg8[%dma_wait3A_226, %dma_wait3A_227] : memref<25x80xi32, #tpu.memory_space<vmem>> -> memref<1x80xi32, #tpu.memory_space<vmem>>
      %dma_wait3A_229 = tpu.memref_squeeze %dma_wait3A_228 : memref<1x80xi32, #tpu.memory_space<vmem>> -> memref<80xi32, #tpu.memory_space<vmem>>
      %dma_wait3A_230 = arith.constant 0 : i32
      %dma_wait3A_231 = arith.constant 0 : i32
      %dma_wait3A_232 = tpu.memref_slice %arg13[%dma_wait3A_230, %dma_wait3A_231] : memref<10240x128xf32, #tpu.memory_space<vmem_shared>> -> memref<10240x128xf32, #tpu.memory_space<vmem_shared>>
      tpu.wait_indirect_dma semaphore(%arg18 : memref<!tpu.dma_semaphore, #tpu.memory_space<semaphore_mem>>) src(%arg9 : memref<80x128xf32, #tpu.memory_space<vmem>>) dst(%dma_wait3A_232 : memref<10240x128xf32, #tpu.memory_space<vmem_shared>>)
    }
    %scan3A_7 = arith.constant 5 : i32
    %barrier3A_8 = arith.constant 0 : index
    tpu.barrier barrier_id(%barrier3A_8)
    %mul3A_9 = arith.constant 10240 : i32
    %mul3A_10 = arith.muli %arg0, %mul3A_9 : i32
    %add3A_11 = arith.addi %mul3A_10, %mul3A_0 : i32
    "tpu.region"() ({
      %run_scoped3A = tpu.sem_alloc : memref<!tpu.dma_semaphore, #tpu.memory_space<semaphore_mem>>
      %dma_start3A = arith.constant 0 : i32
      %dma_start3A_12 = tpu.memref_slice %arg6[%add3A_11, %dma_start3A] : memref<20480x128xf32, #tpu.memory_space<hbm>> -> memref<640x128xf32, #tpu.memory_space<hbm>>
      %dma_start3A_13 = arith.constant 0 : i32
      %dma_start3A_14 = tpu.memref_slice %arg13[%mul3A_0, %dma_start3A_13] : memref<10240x128xf32, #tpu.memory_space<vmem_shared>> -> memref<640x128xf32, #tpu.memory_space<vmem_shared>>
      tpu.enqueue_dma source(%dma_start3A_14 : memref<640x128xf32, #tpu.memory_space<vmem_shared>>) target(%dma_start3A_12 : memref<640x128xf32, #tpu.memory_space<hbm>>) target_semaphore(%run_scoped3A : memref<!tpu.dma_semaphore, #tpu.memory_space<semaphore_mem>>)
      %dma_wait3A = arith.constant 0 : i32
      %dma_wait3A_15 = tpu.memref_slice %arg6[%add3A_11, %dma_wait3A] : memref<20480x128xf32, #tpu.memory_space<hbm>> -> memref<640x128xf32, #tpu.memory_space<hbm>>
      %dma_wait3A_16 = arith.constant 0 : i32
      %dma_wait3A_17 = tpu.memref_slice %arg13[%mul3A_0, %dma_wait3A_16] : memref<10240x128xf32, #tpu.memory_space<vmem_shared>> -> memref<640x128xf32, #tpu.memory_space<vmem_shared>>
      tpu.wait_dma2 semaphore(%run_scoped3A : memref<!tpu.dma_semaphore, #tpu.memory_space<semaphore_mem>>) src(%dma_wait3A_17 : memref<640x128xf32, #tpu.memory_space<vmem_shared>>) dst(%dma_wait3A_15 : memref<640x128xf32, #tpu.memory_space<hbm>>)
      tpu.yield
    }) : () -> ()
    return
  }
}

#map = affine_map<(d0, d1) -> (0, 0, 0)>
#map1 = affine_map<(d0, d1) -> (0, 0, 0, 0)>
#map2 = affine_map<(d0, d1) -> (0, 0)>
module attributes {stable_mosaic.version = 14 : i64} {
  func.func @_agg_body(%arg0: i32, %arg1: i32, %arg2: memref<32x5x2000xi32, #tpu.memory_space<hbm>>, %arg3: memref<32x5x25x80xi32, #tpu.memory_space<hbm>>, %arg4: memref<10000x128xf32, #tpu.memory_space<hbm>>, %arg5: memref<640x128xf32, #tpu.memory_space<hbm>>, %arg6: memref<20480x128xf32, #tpu.memory_space<hbm>>, %arg7: memref<2000xi32, #tpu.memory_space<vmem>>, %arg8: memref<25x80xi32, #tpu.memory_space<vmem>>, %arg9: memref<80x128xf32, #tpu.memory_space<vmem>>, %arg10: memref<80x128xf32, #tpu.memory_space<vmem>>, %arg11: memref<80x128xf32, #tpu.memory_space<vmem>>, %arg12: memref<80x128xf32, #tpu.memory_space<vmem>>, %arg13: memref<10240x128xf32, #tpu.memory_space<vmem_shared>>, %arg14: memref<!tpu.dma_semaphore, #tpu.memory_space<semaphore_mem>>, %arg15: memref<!tpu.dma_semaphore, #tpu.memory_space<semaphore_mem>>, %arg16: memref<!tpu.dma_semaphore, #tpu.memory_space<semaphore_mem>>, %arg17: memref<!tpu.dma_semaphore, #tpu.memory_space<semaphore_mem>>, %arg18: memref<!tpu.dma_semaphore, #tpu.memory_space<semaphore_mem>>, %arg19: memref<!tpu.dma_semaphore, #tpu.memory_space<semaphore_mem>>, %arg20: memref<!tpu.dma_semaphore, #tpu.memory_space<semaphore_mem>>, %arg21: memref<!tpu.dma_semaphore, #tpu.memory_space<semaphore_mem>>) attributes {dimension_semantics = [#tpu.dimension_semantics<core_parallel>, #tpu.dimension_semantics<subcore_parallel>], iteration_bounds = array<i64: 2, 16>, scalar_prefetch = 0 : i64, scratch_operands = 15 : i64, tpu.core_type = #tpu.core_type<sc_vector_subcore>, window_params = [{transform_indices = #map}, {transform_indices = #map1}, {transform_indices = #map2}, {transform_indices = #map2}, {transform_indices = #map2}]} {
    %mul3A = arith.constant 640 : i32
    %mul3A_0 = arith.muli %arg1, %mul3A : i32
    "tpu.region"() ({
      %run_scoped3A = tpu.sem_alloc : memref<!tpu.dma_semaphore, #tpu.memory_space<semaphore_mem>>
      %dma_start3A = arith.constant 0 : i32
      %dma_start3A_12 = tpu.memref_slice %arg13[%mul3A_0, %dma_start3A] : memref<10240x128xf32, #tpu.memory_space<vmem_shared>> -> memref<640x128xf32, #tpu.memory_space<vmem_shared>>
      tpu.enqueue_dma source(%arg5 : memref<640x128xf32, #tpu.memory_space<hbm>>) target(%dma_start3A_12 : memref<640x128xf32, #tpu.memory_space<vmem_shared>>) target_semaphore(%run_scoped3A : memref<!tpu.dma_semaphore, #tpu.memory_space<semaphore_mem>>)
      %dma_wait3A = arith.constant 0 : i32
      %dma_wait3A_13 = tpu.memref_slice %arg13[%mul3A_0, %dma_wait3A] : memref<10240x128xf32, #tpu.memory_space<vmem_shared>> -> memref<640x128xf32, #tpu.memory_space<vmem_shared>>
      tpu.wait_dma2 semaphore(%run_scoped3A : memref<!tpu.dma_semaphore, #tpu.memory_space<semaphore_mem>>) src(%arg5 : memref<640x128xf32, #tpu.memory_space<hbm>>) dst(%dma_wait3A_13 : memref<640x128xf32, #tpu.memory_space<vmem_shared>>)
      tpu.yield
    }) : () -> ()
    %mul3A_1 = arith.constant 16 : i32
    %mul3A_2 = arith.muli %arg0, %mul3A_1 : i32
    %add3A = arith.addi %mul3A_2, %arg1 : i32
    %barrier3A = arith.constant 0 : index
    tpu.barrier barrier_id(%barrier3A)
    %scan3A = arith.constant 0 : i32
    %scan3A_3 = arith.constant 0 : i32
    %scan3A_4 = arith.constant 5 : i32
    %scan3A_5 = arith.addi %scan3A_3, %scan3A_4 : i32
    %scan3A_6 = arith.constant 1 : i32
    scf.for %scan3A_12 = %scan3A_3 to %scan3A_5 step %scan3A_6  : i32 {
      "tpu.region"() ({
        %run_scoped3A = tpu.sem_alloc : memref<!tpu.dma_semaphore, #tpu.memory_space<semaphore_mem>>
        %dma_start3A_233 = arith.constant 0 : i32
        %dma_start3A_234 = tpu.memref_slice %arg2[%add3A, %scan3A_12, %dma_start3A_233] : memref<32x5x2000xi32, #tpu.memory_space<hbm>> -> memref<1x1x2000xi32, #tpu.memory_space<hbm>>
        %dma_start3A_235 = tpu.memref_squeeze %dma_start3A_234 : memref<1x1x2000xi32, #tpu.memory_space<hbm>> -> memref<2000xi32, #tpu.memory_space<hbm>>
        %dma_start3A_236 = arith.constant 0 : i32
        %dma_start3A_237 = tpu.memref_slice %arg2[%add3A, %scan3A_12, %dma_start3A_236] : memref<32x5x2000xi32, #tpu.memory_space<hbm>> -> memref<1x1x2000xi32, #tpu.memory_space<hbm>>
        %dma_start3A_238 = tpu.memref_squeeze %dma_start3A_237 : memref<1x1x2000xi32, #tpu.memory_space<hbm>> -> memref<2000xi32, #tpu.memory_space<hbm>>
        tpu.enqueue_dma source(%dma_start3A_238 : memref<2000xi32, #tpu.memory_space<hbm>>) target(%arg7 : memref<2000xi32, #tpu.memory_space<vmem>>) target_semaphore(%run_scoped3A : memref<!tpu.dma_semaphore, #tpu.memory_space<semaphore_mem>>)
        %dma_wait3A_239 = arith.constant 0 : i32
        %dma_wait3A_240 = tpu.memref_slice %arg2[%add3A, %scan3A_12, %dma_wait3A_239] : memref<32x5x2000xi32, #tpu.memory_space<hbm>> -> memref<1x1x2000xi32, #tpu.memory_space<hbm>>
        %dma_wait3A_241 = tpu.memref_squeeze %dma_wait3A_240 : memref<1x1x2000xi32, #tpu.memory_space<hbm>> -> memref<2000xi32, #tpu.memory_space<hbm>>
        %dma_wait3A_242 = arith.constant 0 : i32
        %dma_wait3A_243 = tpu.memref_slice %arg2[%add3A, %scan3A_12, %dma_wait3A_242] : memref<32x5x2000xi32, #tpu.memory_space<hbm>> -> memref<1x1x2000xi32, #tpu.memory_space<hbm>>
        %dma_wait3A_244 = tpu.memref_squeeze %dma_wait3A_243 : memref<1x1x2000xi32, #tpu.memory_space<hbm>> -> memref<2000xi32, #tpu.memory_space<hbm>>
        tpu.wait_dma2 semaphore(%run_scoped3A : memref<!tpu.dma_semaphore, #tpu.memory_space<semaphore_mem>>) src(%dma_wait3A_244 : memref<2000xi32, #tpu.memory_space<hbm>>) dst(%arg7 : memref<2000xi32, #tpu.memory_space<vmem>>)
        tpu.yield
      }) : () -> ()
      "tpu.region"() ({
        %run_scoped3A = tpu.sem_alloc : memref<!tpu.dma_semaphore, #tpu.memory_space<semaphore_mem>>
        %dma_start3A_233 = arith.constant 0 : i32
        %dma_start3A_234 = arith.constant 0 : i32
        %dma_start3A_235 = tpu.memref_slice %arg3[%add3A, %scan3A_12, %dma_start3A_233, %dma_start3A_234] : memref<32x5x25x80xi32, #tpu.memory_space<hbm>> -> memref<1x1x25x80xi32, #tpu.memory_space<hbm>>
        %dma_start3A_236 = tpu.memref_squeeze %dma_start3A_235 : memref<1x1x25x80xi32, #tpu.memory_space<hbm>> -> memref<25x80xi32, #tpu.memory_space<hbm>>
        %dma_start3A_237 = arith.constant 0 : i32
        %dma_start3A_238 = arith.constant 0 : i32
        %dma_start3A_239 = tpu.memref_slice %arg3[%add3A, %scan3A_12, %dma_start3A_237, %dma_start3A_238] : memref<32x5x25x80xi32, #tpu.memory_space<hbm>> -> memref<1x1x25x80xi32, #tpu.memory_space<hbm>>
        %dma_start3A_240 = tpu.memref_squeeze %dma_start3A_239 : memref<1x1x25x80xi32, #tpu.memory_space<hbm>> -> memref<25x80xi32, #tpu.memory_space<hbm>>
        tpu.enqueue_dma source(%dma_start3A_240 : memref<25x80xi32, #tpu.memory_space<hbm>>) target(%arg8 : memref<25x80xi32, #tpu.memory_space<vmem>>) target_semaphore(%run_scoped3A : memref<!tpu.dma_semaphore, #tpu.memory_space<semaphore_mem>>)
        %dma_wait3A_241 = arith.constant 0 : i32
        %dma_wait3A_242 = arith.constant 0 : i32
        %dma_wait3A_243 = tpu.memref_slice %arg3[%add3A, %scan3A_12, %dma_wait3A_241, %dma_wait3A_242] : memref<32x5x25x80xi32, #tpu.memory_space<hbm>> -> memref<1x1x25x80xi32, #tpu.memory_space<hbm>>
        %dma_wait3A_244 = tpu.memref_squeeze %dma_wait3A_243 : memref<1x1x25x80xi32, #tpu.memory_space<hbm>> -> memref<25x80xi32, #tpu.memory_space<hbm>>
        %dma_wait3A_245 = arith.constant 0 : i32
        %dma_wait3A_246 = arith.constant 0 : i32
        %dma_wait3A_247 = tpu.memref_slice %arg3[%add3A, %scan3A_12, %dma_wait3A_245, %dma_wait3A_246] : memref<32x5x25x80xi32, #tpu.memory_space<hbm>> -> memref<1x1x25x80xi32, #tpu.memory_space<hbm>>
        %dma_wait3A_248 = tpu.memref_squeeze %dma_wait3A_247 : memref<1x1x25x80xi32, #tpu.memory_space<hbm>> -> memref<25x80xi32, #tpu.memory_space<hbm>>
        tpu.wait_dma2 semaphore(%run_scoped3A : memref<!tpu.dma_semaphore, #tpu.memory_space<semaphore_mem>>) src(%dma_wait3A_248 : memref<25x80xi32, #tpu.memory_space<hbm>>) dst(%arg8 : memref<25x80xi32, #tpu.memory_space<vmem>>)
        tpu.yield
      }) : () -> ()
      %dma_start3A = arith.constant 0 : i32
      %dma_start3A_13 = tpu.memref_slice %arg7[%dma_start3A] : memref<2000xi32, #tpu.memory_space<vmem>> -> memref<80xi32, #tpu.memory_space<vmem>>
      %dma_start3A_14 = arith.constant 0 : i32
      %dma_start3A_15 = arith.constant 0 : i32
      %dma_start3A_16 = tpu.memref_slice %arg4[%dma_start3A_14, %dma_start3A_15] : memref<10000x128xf32, #tpu.memory_space<hbm>> -> memref<10000x128xf32, #tpu.memory_space<hbm>>
      tpu.enqueue_indirect_dma source(%dma_start3A_16 : memref<10000x128xf32, #tpu.memory_space<hbm>>) target(%arg9 : memref<80x128xf32, #tpu.memory_space<vmem>>) offsets(%dma_start3A_13 : memref<80xi32, #tpu.memory_space<vmem>>) semaphore(%arg14 : memref<!tpu.dma_semaphore, #tpu.memory_space<semaphore_mem>>)
      %dma_start3A_17 = arith.constant 80 : i32
      %dma_start3A_18 = tpu.memref_slice %arg7[%dma_start3A_17] : memref<2000xi32, #tpu.memory_space<vmem>> -> memref<80xi32, #tpu.memory_space<vmem>>
      %dma_start3A_19 = arith.constant 0 : i32
      %dma_start3A_20 = arith.constant 0 : i32
      %dma_start3A_21 = tpu.memref_slice %arg4[%dma_start3A_19, %dma_start3A_20] : memref<10000x128xf32, #tpu.memory_space<hbm>> -> memref<10000x128xf32, #tpu.memory_space<hbm>>
      tpu.enqueue_indirect_dma source(%dma_start3A_21 : memref<10000x128xf32, #tpu.memory_space<hbm>>) target(%arg10 : memref<80x128xf32, #tpu.memory_space<vmem>>) offsets(%dma_start3A_18 : memref<80xi32, #tpu.memory_space<vmem>>) semaphore(%arg15 : memref<!tpu.dma_semaphore, #tpu.memory_space<semaphore_mem>>)
      %dma_wait3A = arith.constant 0 : i32
      %dma_wait3A_22 = tpu.memref_slice %arg7[%dma_wait3A] : memref<2000xi32, #tpu.memory_space<vmem>> -> memref<80xi32, #tpu.memory_space<vmem>>
      %dma_wait3A_23 = arith.constant 0 : i32
      %dma_wait3A_24 = arith.constant 0 : i32
      %dma_wait3A_25 = tpu.memref_slice %arg4[%dma_wait3A_23, %dma_wait3A_24] : memref<10000x128xf32, #tpu.memory_space<hbm>> -> memref<10000x128xf32, #tpu.memory_space<hbm>>
      tpu.wait_indirect_dma semaphore(%arg14 : memref<!tpu.dma_semaphore, #tpu.memory_space<semaphore_mem>>) src(%dma_wait3A_25 : memref<10000x128xf32, #tpu.memory_space<hbm>>) dst(%arg9 : memref<80x128xf32, #tpu.memory_space<vmem>>)
      %dma_start3A_26 = arith.constant 0 : i32
      %dma_start3A_27 = arith.constant 0 : i32
      %dma_start3A_28 = tpu.memref_slice %arg8[%dma_start3A_26, %dma_start3A_27] : memref<25x80xi32, #tpu.memory_space<vmem>> -> memref<1x80xi32, #tpu.memory_space<vmem>>
      %dma_start3A_29 = tpu.memref_squeeze %dma_start3A_28 : memref<1x80xi32, #tpu.memory_space<vmem>> -> memref<80xi32, #tpu.memory_space<vmem>>
      %dma_start3A_30 = arith.constant 0 : i32
      %dma_start3A_31 = arith.constant 0 : i32
      %dma_start3A_32 = tpu.memref_slice %arg13[%dma_start3A_30, %dma_start3A_31] : memref<10240x128xf32, #tpu.memory_space<vmem_shared>> -> memref<10240x128xf32, #tpu.memory_space<vmem_shared>>
      tpu.enqueue_indirect_dma source(%arg9 : memref<80x128xf32, #tpu.memory_space<vmem>>) target(%dma_start3A_32 : memref<10240x128xf32, #tpu.memory_space<vmem_shared>>) offsets(%dma_start3A_29 : memref<80xi32, #tpu.memory_space<vmem>>) semaphore(%arg18 : memref<!tpu.dma_semaphore, #tpu.memory_space<semaphore_mem>>) {add = true}
      %dma_start3A_33 = arith.constant 160 : i32
      %dma_start3A_34 = tpu.memref_slice %arg7[%dma_start3A_33] : memref<2000xi32, #tpu.memory_space<vmem>> -> memref<80xi32, #tpu.memory_space<vmem>>
      %dma_start3A_35 = arith.constant 0 : i32
      %dma_start3A_36 = arith.constant 0 : i32
      %dma_start3A_37 = tpu.memref_slice %arg4[%dma_start3A_35, %dma_start3A_36] : memref<10000x128xf32, #tpu.memory_space<hbm>> -> memref<10000x128xf32, #tpu.memory_space<hbm>>
      tpu.enqueue_indirect_dma source(%dma_start3A_37 : memref<10000x128xf32, #tpu.memory_space<hbm>>) target(%arg11 : memref<80x128xf32, #tpu.memory_space<vmem>>) offsets(%dma_start3A_34 : memref<80xi32, #tpu.memory_space<vmem>>) semaphore(%arg16 : memref<!tpu.dma_semaphore, #tpu.memory_space<semaphore_mem>>)
      %dma_wait3A_38 = arith.constant 0 : i32
      %dma_wait3A_39 = tpu.memref_slice %arg7[%dma_wait3A_38] : memref<2000xi32, #tpu.memory_space<vmem>> -> memref<80xi32, #tpu.memory_space<vmem>>
      %dma_wait3A_40 = arith.constant 0 : i32
      %dma_wait3A_41 = arith.constant 0 : i32
      %dma_wait3A_42 = tpu.memref_slice %arg4[%dma_wait3A_40, %dma_wait3A_41] : memref<10000x128xf32, #tpu.memory_space<hbm>> -> memref<10000x128xf32, #tpu.memory_space<hbm>>
      tpu.wait_indirect_dma semaphore(%arg15 : memref<!tpu.dma_semaphore, #tpu.memory_space<semaphore_mem>>) src(%dma_wait3A_42 : memref<10000x128xf32, #tpu.memory_space<hbm>>) dst(%arg10 : memref<80x128xf32, #tpu.memory_space<vmem>>)
      %dma_start3A_43 = arith.constant 1 : i32
      %dma_start3A_44 = arith.constant 0 : i32
      %dma_start3A_45 = tpu.memref_slice %arg8[%dma_start3A_43, %dma_start3A_44] : memref<25x80xi32, #tpu.memory_space<vmem>> -> memref<1x80xi32, #tpu.memory_space<vmem>>
      %dma_start3A_46 = tpu.memref_squeeze %dma_start3A_45 : memref<1x80xi32, #tpu.memory_space<vmem>> -> memref<80xi32, #tpu.memory_space<vmem>>
      %dma_start3A_47 = arith.constant 0 : i32
      %dma_start3A_48 = arith.constant 0 : i32
      %dma_start3A_49 = tpu.memref_slice %arg13[%dma_start3A_47, %dma_start3A_48] : memref<10240x128xf32, #tpu.memory_space<vmem_shared>> -> memref<10240x128xf32, #tpu.memory_space<vmem_shared>>
      tpu.enqueue_indirect_dma source(%arg10 : memref<80x128xf32, #tpu.memory_space<vmem>>) target(%dma_start3A_49 : memref<10240x128xf32, #tpu.memory_space<vmem_shared>>) offsets(%dma_start3A_46 : memref<80xi32, #tpu.memory_space<vmem>>) semaphore(%arg19 : memref<!tpu.dma_semaphore, #tpu.memory_space<semaphore_mem>>) {add = true}
      %dma_start3A_50 = arith.constant 240 : i32
      %dma_start3A_51 = tpu.memref_slice %arg7[%dma_start3A_50] : memref<2000xi32, #tpu.memory_space<vmem>> -> memref<80xi32, #tpu.memory_space<vmem>>
      %dma_start3A_52 = arith.constant 0 : i32
      %dma_start3A_53 = arith.constant 0 : i32
      %dma_start3A_54 = tpu.memref_slice %arg4[%dma_start3A_52, %dma_start3A_53] : memref<10000x128xf32, #tpu.memory_space<hbm>> -> memref<10000x128xf32, #tpu.memory_space<hbm>>
      tpu.enqueue_indirect_dma source(%dma_start3A_54 : memref<10000x128xf32, #tpu.memory_space<hbm>>) target(%arg12 : memref<80x128xf32, #tpu.memory_space<vmem>>) offsets(%dma_start3A_51 : memref<80xi32, #tpu.memory_space<vmem>>) semaphore(%arg17 : memref<!tpu.dma_semaphore, #tpu.memory_space<semaphore_mem>>)
      %dma_wait3A_55 = arith.constant 0 : i32
      %dma_wait3A_56 = tpu.memref_slice %arg7[%dma_wait3A_55] : memref<2000xi32, #tpu.memory_space<vmem>> -> memref<80xi32, #tpu.memory_space<vmem>>
      %dma_wait3A_57 = arith.constant 0 : i32
      %dma_wait3A_58 = arith.constant 0 : i32
      %dma_wait3A_59 = tpu.memref_slice %arg4[%dma_wait3A_57, %dma_wait3A_58] : memref<10000x128xf32, #tpu.memory_space<hbm>> -> memref<10000x128xf32, #tpu.memory_space<hbm>>
      tpu.wait_indirect_dma semaphore(%arg16 : memref<!tpu.dma_semaphore, #tpu.memory_space<semaphore_mem>>) src(%dma_wait3A_59 : memref<10000x128xf32, #tpu.memory_space<hbm>>) dst(%arg11 : memref<80x128xf32, #tpu.memory_space<vmem>>)
      %dma_start3A_60 = arith.constant 2 : i32
      %dma_start3A_61 = arith.constant 0 : i32
      %dma_start3A_62 = tpu.memref_slice %arg8[%dma_start3A_60, %dma_start3A_61] : memref<25x80xi32, #tpu.memory_space<vmem>> -> memref<1x80xi32, #tpu.memory_space<vmem>>
      %dma_start3A_63 = tpu.memref_squeeze %dma_start3A_62 : memref<1x80xi32, #tpu.memory_space<vmem>> -> memref<80xi32, #tpu.memory_space<vmem>>
      %dma_start3A_64 = arith.constant 0 : i32
      %dma_start3A_65 = arith.constant 0 : i32
      %dma_start3A_66 = tpu.memref_slice %arg13[%dma_start3A_64, %dma_start3A_65] : memref<10240x128xf32, #tpu.memory_space<vmem_shared>> -> memref<10240x128xf32, #tpu.memory_space<vmem_shared>>
      tpu.enqueue_indirect_dma source(%arg11 : memref<80x128xf32, #tpu.memory_space<vmem>>) target(%dma_start3A_66 : memref<10240x128xf32, #tpu.memory_space<vmem_shared>>) offsets(%dma_start3A_63 : memref<80xi32, #tpu.memory_space<vmem>>) semaphore(%arg20 : memref<!tpu.dma_semaphore, #tpu.memory_space<semaphore_mem>>) {add = true}
      %dma_wait3A_67 = arith.constant 0 : i32
      %dma_wait3A_68 = arith.constant 0 : i32
      %dma_wait3A_69 = tpu.memref_slice %arg8[%dma_wait3A_67, %dma_wait3A_68] : memref<25x80xi32, #tpu.memory_space<vmem>> -> memref<1x80xi32, #tpu.memory_space<vmem>>
      %dma_wait3A_70 = tpu.memref_squeeze %dma_wait3A_69 : memref<1x80xi32, #tpu.memory_space<vmem>> -> memref<80xi32, #tpu.memory_space<vmem>>
      %dma_wait3A_71 = arith.constant 0 : i32
      %dma_wait3A_72 = arith.constant 0 : i32
      %dma_wait3A_73 = tpu.memref_slice %arg13[%dma_wait3A_71, %dma_wait3A_72] : memref<10240x128xf32, #tpu.memory_space<vmem_shared>> -> memref<10240x128xf32, #tpu.memory_space<vmem_shared>>
      tpu.wait_indirect_dma semaphore(%arg18 : memref<!tpu.dma_semaphore, #tpu.memory_space<semaphore_mem>>) src(%arg9 : memref<80x128xf32, #tpu.memory_space<vmem>>) dst(%dma_wait3A_73 : memref<10240x128xf32, #tpu.memory_space<vmem_shared>>)
      %dma_start3A_74 = arith.constant 320 : i32
      %dma_start3A_75 = tpu.memref_slice %arg7[%dma_start3A_74] : memref<2000xi32, #tpu.memory_space<vmem>> -> memref<80xi32, #tpu.memory_space<vmem>>
      %dma_start3A_76 = arith.constant 0 : i32
      %dma_start3A_77 = arith.constant 0 : i32
      %dma_start3A_78 = tpu.memref_slice %arg4[%dma_start3A_76, %dma_start3A_77] : memref<10000x128xf32, #tpu.memory_space<hbm>> -> memref<10000x128xf32, #tpu.memory_space<hbm>>
      tpu.enqueue_indirect_dma source(%dma_start3A_78 : memref<10000x128xf32, #tpu.memory_space<hbm>>) target(%arg9 : memref<80x128xf32, #tpu.memory_space<vmem>>) offsets(%dma_start3A_75 : memref<80xi32, #tpu.memory_space<vmem>>) semaphore(%arg14 : memref<!tpu.dma_semaphore, #tpu.memory_space<semaphore_mem>>)
      %dma_wait3A_79 = arith.constant 0 : i32
      %dma_wait3A_80 = tpu.memref_slice %arg7[%dma_wait3A_79] : memref<2000xi32, #tpu.memory_space<vmem>> -> memref<80xi32, #tpu.memory_space<vmem>>
      %dma_wait3A_81 = arith.constant 0 : i32
      %dma_wait3A_82 = arith.constant 0 : i32
      %dma_wait3A_83 = tpu.memref_slice %arg4[%dma_wait3A_81, %dma_wait3A_82] : memref<10000x128xf32, #tpu.memory_space<hbm>> -> memref<10000x128xf32, #tpu.memory_space<hbm>>
      tpu.wait_indirect_dma semaphore(%arg17 : memref<!tpu.dma_semaphore, #tpu.memory_space<semaphore_mem>>) src(%dma_wait3A_83 : memref<10000x128xf32, #tpu.memory_space<hbm>>) dst(%arg12 : memref<80x128xf32, #tpu.memory_space<vmem>>)
      %dma_start3A_84 = arith.constant 3 : i32
      %dma_start3A_85 = arith.constant 0 : i32
      %dma_start3A_86 = tpu.memref_slice %arg8[%dma_start3A_84, %dma_start3A_85] : memref<25x80xi32, #tpu.memory_space<vmem>> -> memref<1x80xi32, #tpu.memory_space<vmem>>
      %dma_start3A_87 = tpu.memref_squeeze %dma_start3A_86 : memref<1x80xi32, #tpu.memory_space<vmem>> -> memref<80xi32, #tpu.memory_space<vmem>>
      %dma_start3A_88 = arith.constant 0 : i32
      %dma_start3A_89 = arith.constant 0 : i32
      %dma_start3A_90 = tpu.memref_slice %arg13[%dma_start3A_88, %dma_start3A_89] : memref<10240x128xf32, #tpu.memory_space<vmem_shared>> -> memref<10240x128xf32, #tpu.memory_space<vmem_shared>>
      tpu.enqueue_indirect_dma source(%arg12 : memref<80x128xf32, #tpu.memory_space<vmem>>) target(%dma_start3A_90 : memref<10240x128xf32, #tpu.memory_space<vmem_shared>>) offsets(%dma_start3A_87 : memref<80xi32, #tpu.memory_space<vmem>>) semaphore(%arg21 : memref<!tpu.dma_semaphore, #tpu.memory_space<semaphore_mem>>) {add = true}
      %dma_wait3A_91 = arith.constant 0 : i32
      %dma_wait3A_92 = arith.constant 0 : i32
      %dma_wait3A_93 = tpu.memref_slice %arg8[%dma_wait3A_91, %dma_wait3A_92] : memref<25x80xi32, #tpu.memory_space<vmem>> -> memref<1x80xi32, #tpu.memory_space<vmem>>
      %dma_wait3A_94 = tpu.memref_squeeze %dma_wait3A_93 : memref<1x80xi32, #tpu.memory_space<vmem>> -> memref<80xi32, #tpu.memory_space<vmem>>
      %dma_wait3A_95 = arith.constant 0 : i32
      %dma_wait3A_96 = arith.constant 0 : i32
      %dma_wait3A_97 = tpu.memref_slice %arg13[%dma_wait3A_95, %dma_wait3A_96] : memref<10240x128xf32, #tpu.memory_space<vmem_shared>> -> memref<10240x128xf32, #tpu.memory_space<vmem_shared>>
      tpu.wait_indirect_dma semaphore(%arg19 : memref<!tpu.dma_semaphore, #tpu.memory_space<semaphore_mem>>) src(%arg10 : memref<80x128xf32, #tpu.memory_space<vmem>>) dst(%dma_wait3A_97 : memref<10240x128xf32, #tpu.memory_space<vmem_shared>>)
      %dma_start3A_98 = arith.constant 400 : i32
      %dma_start3A_99 = tpu.memref_slice %arg7[%dma_start3A_98] : memref<2000xi32, #tpu.memory_space<vmem>> -> memref<80xi32, #tpu.memory_space<vmem>>
      %dma_start3A_100 = arith.constant 0 : i32
      %dma_start3A_101 = arith.constant 0 : i32
      %dma_start3A_102 = tpu.memref_slice %arg4[%dma_start3A_100, %dma_start3A_101] : memref<10000x128xf32, #tpu.memory_space<hbm>> -> memref<10000x128xf32, #tpu.memory_space<hbm>>
      tpu.enqueue_indirect_dma source(%dma_start3A_102 : memref<10000x128xf32, #tpu.memory_space<hbm>>) target(%arg10 : memref<80x128xf32, #tpu.memory_space<vmem>>) offsets(%dma_start3A_99 : memref<80xi32, #tpu.memory_space<vmem>>) semaphore(%arg15 : memref<!tpu.dma_semaphore, #tpu.memory_space<semaphore_mem>>)
      %scan3A_103 = arith.constant 0 : i32
      %scan3A_104 = arith.constant 1 : i32
      %scan3A_105 = arith.constant 4 : i32
      %scan3A_106 = arith.addi %scan3A_104, %scan3A_105 : i32
      %scan3A_107 = arith.constant 1 : i32
      scf.for %scan3A_233 = %scan3A_104 to %scan3A_106 step %scan3A_107  : i32 {
        %mul3A_234 = arith.constant 4 : i32
        %mul3A_235 = arith.muli %mul3A_234, %scan3A_233 : i32
        %add3A_236 = arith.constant 0 : i32
        %add3A_237 = arith.addi %mul3A_235, %add3A_236 : i32
        %dma_wait3A_238 = arith.constant 0 : i32
        %dma_wait3A_239 = tpu.memref_slice %arg7[%dma_wait3A_238] : memref<2000xi32, #tpu.memory_space<vmem>> -> memref<80xi32, #tpu.memory_space<vmem>>
        %dma_wait3A_240 = arith.constant 0 : i32
        %dma_wait3A_241 = arith.constant 0 : i32
        %dma_wait3A_242 = tpu.memref_slice %arg4[%dma_wait3A_240, %dma_wait3A_241] : memref<10000x128xf32, #tpu.memory_space<hbm>> -> memref<10000x128xf32, #tpu.memory_space<hbm>>
        tpu.wait_indirect_dma semaphore(%arg14 : memref<!tpu.dma_semaphore, #tpu.memory_space<semaphore_mem>>) src(%dma_wait3A_242 : memref<10000x128xf32, #tpu.memory_space<hbm>>) dst(%arg9 : memref<80x128xf32, #tpu.memory_space<vmem>>)
        %dma_start3A_243 = arith.constant 0 : i32
        %dma_start3A_244 = tpu.memref_slice %arg8[%add3A_237, %dma_start3A_243] : memref<25x80xi32, #tpu.memory_space<vmem>> -> memref<1x80xi32, #tpu.memory_space<vmem>>
        %dma_start3A_245 = tpu.memref_squeeze %dma_start3A_244 : memref<1x80xi32, #tpu.memory_space<vmem>> -> memref<80xi32, #tpu.memory_space<vmem>>
        %dma_start3A_246 = arith.constant 0 : i32
        %dma_start3A_247 = arith.constant 0 : i32
        %dma_start3A_248 = tpu.memref_slice %arg13[%dma_start3A_246, %dma_start3A_247] : memref<10240x128xf32, #tpu.memory_space<vmem_shared>> -> memref<10240x128xf32, #tpu.memory_space<vmem_shared>>
        tpu.enqueue_indirect_dma source(%arg9 : memref<80x128xf32, #tpu.memory_space<vmem>>) target(%dma_start3A_248 : memref<10240x128xf32, #tpu.memory_space<vmem_shared>>) offsets(%dma_start3A_245 : memref<80xi32, #tpu.memory_space<vmem>>) semaphore(%arg18 : memref<!tpu.dma_semaphore, #tpu.memory_space<semaphore_mem>>) {add = true}
        %dma_wait3A_249 = arith.constant 0 : i32
        %dma_wait3A_250 = arith.constant 0 : i32
        %dma_wait3A_251 = tpu.memref_slice %arg8[%dma_wait3A_249, %dma_wait3A_250] : memref<25x80xi32, #tpu.memory_space<vmem>> -> memref<1x80xi32, #tpu.memory_space<vmem>>
        %dma_wait3A_252 = tpu.memref_squeeze %dma_wait3A_251 : memref<1x80xi32, #tpu.memory_space<vmem>> -> memref<80xi32, #tpu.memory_space<vmem>>
        %dma_wait3A_253 = arith.constant 0 : i32
        %dma_wait3A_254 = arith.constant 0 : i32
        %dma_wait3A_255 = tpu.memref_slice %arg13[%dma_wait3A_253, %dma_wait3A_254] : memref<10240x128xf32, #tpu.memory_space<vmem_shared>> -> memref<10240x128xf32, #tpu.memory_space<vmem_shared>>
        tpu.wait_indirect_dma semaphore(%arg20 : memref<!tpu.dma_semaphore, #tpu.memory_space<semaphore_mem>>) src(%arg11 : memref<80x128xf32, #tpu.memory_space<vmem>>) dst(%dma_wait3A_255 : memref<10240x128xf32, #tpu.memory_space<vmem_shared>>)
        %add3A_256 = arith.constant 2 : i32
        %add3A_257 = arith.addi %add3A_237, %add3A_256 : i32
        %mul3A_258 = arith.constant 80 : i32
        %mul3A_259 = arith.muli %add3A_257, %mul3A_258 : i32
        %dma_start3A_260 = tpu.memref_slice %arg7[%mul3A_259] : memref<2000xi32, #tpu.memory_space<vmem>> -> memref<80xi32, #tpu.memory_space<vmem>>
        %dma_start3A_261 = arith.constant 0 : i32
        %dma_start3A_262 = arith.constant 0 : i32
        %dma_start3A_263 = tpu.memref_slice %arg4[%dma_start3A_261, %dma_start3A_262] : memref<10000x128xf32, #tpu.memory_space<hbm>> -> memref<10000x128xf32, #tpu.memory_space<hbm>>
        tpu.enqueue_indirect_dma source(%dma_start3A_263 : memref<10000x128xf32, #tpu.memory_space<hbm>>) target(%arg11 : memref<80x128xf32, #tpu.memory_space<vmem>>) offsets(%dma_start3A_260 : memref<80xi32, #tpu.memory_space<vmem>>) semaphore(%arg16 : memref<!tpu.dma_semaphore, #tpu.memory_space<semaphore_mem>>)
        %add3A_264 = arith.constant 1 : i32
        %add3A_265 = arith.addi %mul3A_235, %add3A_264 : i32
        %dma_wait3A_266 = arith.constant 0 : i32
        %dma_wait3A_267 = tpu.memref_slice %arg7[%dma_wait3A_266] : memref<2000xi32, #tpu.memory_space<vmem>> -> memref<80xi32, #tpu.memory_space<vmem>>
        %dma_wait3A_268 = arith.constant 0 : i32
        %dma_wait3A_269 = arith.constant 0 : i32
        %dma_wait3A_270 = tpu.memref_slice %arg4[%dma_wait3A_268, %dma_wait3A_269] : memref<10000x128xf32, #tpu.memory_space<hbm>> -> memref<10000x128xf32, #tpu.memory_space<hbm>>
        tpu.wait_indirect_dma semaphore(%arg15 : memref<!tpu.dma_semaphore, #tpu.memory_space<semaphore_mem>>) src(%dma_wait3A_270 : memref<10000x128xf32, #tpu.memory_space<hbm>>) dst(%arg10 : memref<80x128xf32, #tpu.memory_space<vmem>>)
        %dma_start3A_271 = arith.constant 0 : i32
        %dma_start3A_272 = tpu.memref_slice %arg8[%add3A_265, %dma_start3A_271] : memref<25x80xi32, #tpu.memory_space<vmem>> -> memref<1x80xi32, #tpu.memory_space<vmem>>
        %dma_start3A_273 = tpu.memref_squeeze %dma_start3A_272 : memref<1x80xi32, #tpu.memory_space<vmem>> -> memref<80xi32, #tpu.memory_space<vmem>>
        %dma_start3A_274 = arith.constant 0 : i32
        %dma_start3A_275 = arith.constant 0 : i32
        %dma_start3A_276 = tpu.memref_slice %arg13[%dma_start3A_274, %dma_start3A_275] : memref<10240x128xf32, #tpu.memory_space<vmem_shared>> -> memref<10240x128xf32, #tpu.memory_space<vmem_shared>>
        tpu.enqueue_indirect_dma source(%arg10 : memref<80x128xf32, #tpu.memory_space<vmem>>) target(%dma_start3A_276 : memref<10240x128xf32, #tpu.memory_space<vmem_shared>>) offsets(%dma_start3A_273 : memref<80xi32, #tpu.memory_space<vmem>>) semaphore(%arg19 : memref<!tpu.dma_semaphore, #tpu.memory_space<semaphore_mem>>) {add = true}
        %dma_wait3A_277 = arith.constant 0 : i32
        %dma_wait3A_278 = arith.constant 0 : i32
        %dma_wait3A_279 = tpu.memref_slice %arg8[%dma_wait3A_277, %dma_wait3A_278] : memref<25x80xi32, #tpu.memory_space<vmem>> -> memref<1x80xi32, #tpu.memory_space<vmem>>
        %dma_wait3A_280 = tpu.memref_squeeze %dma_wait3A_279 : memref<1x80xi32, #tpu.memory_space<vmem>> -> memref<80xi32, #tpu.memory_space<vmem>>
        %dma_wait3A_281 = arith.constant 0 : i32
        %dma_wait3A_282 = arith.constant 0 : i32
        %dma_wait3A_283 = tpu.memref_slice %arg13[%dma_wait3A_281, %dma_wait3A_282] : memref<10240x128xf32, #tpu.memory_space<vmem_shared>> -> memref<10240x128xf32, #tpu.memory_space<vmem_shared>>
        tpu.wait_indirect_dma semaphore(%arg21 : memref<!tpu.dma_semaphore, #tpu.memory_space<semaphore_mem>>) src(%arg12 : memref<80x128xf32, #tpu.memory_space<vmem>>) dst(%dma_wait3A_283 : memref<10240x128xf32, #tpu.memory_space<vmem_shared>>)
        %add3A_284 = arith.constant 2 : i32
        %add3A_285 = arith.addi %add3A_265, %add3A_284 : i32
        %mul3A_286 = arith.constant 80 : i32
        %mul3A_287 = arith.muli %add3A_285, %mul3A_286 : i32
        %dma_start3A_288 = tpu.memref_slice %arg7[%mul3A_287] : memref<2000xi32, #tpu.memory_space<vmem>> -> memref<80xi32, #tpu.memory_space<vmem>>
        %dma_start3A_289 = arith.constant 0 : i32
        %dma_start3A_290 = arith.constant 0 : i32
        %dma_start3A_291 = tpu.memref_slice %arg4[%dma_start3A_289, %dma_start3A_290] : memref<10000x128xf32, #tpu.memory_space<hbm>> -> memref<10000x128xf32, #tpu.memory_space<hbm>>
        tpu.enqueue_indirect_dma source(%dma_start3A_291 : memref<10000x128xf32, #tpu.memory_space<hbm>>) target(%arg12 : memref<80x128xf32, #tpu.memory_space<vmem>>) offsets(%dma_start3A_288 : memref<80xi32, #tpu.memory_space<vmem>>) semaphore(%arg17 : memref<!tpu.dma_semaphore, #tpu.memory_space<semaphore_mem>>)
        %add3A_292 = arith.constant 2 : i32
        %add3A_293 = arith.addi %mul3A_235, %add3A_292 : i32
        %dma_wait3A_294 = arith.constant 0 : i32
        %dma_wait3A_295 = tpu.memref_slice %arg7[%dma_wait3A_294] : memref<2000xi32, #tpu.memory_space<vmem>> -> memref<80xi32, #tpu.memory_space<vmem>>
        %dma_wait3A_296 = arith.constant 0 : i32
        %dma_wait3A_297 = arith.constant 0 : i32
        %dma_wait3A_298 = tpu.memref_slice %arg4[%dma_wait3A_296, %dma_wait3A_297] : memref<10000x128xf32, #tpu.memory_space<hbm>> -> memref<10000x128xf32, #tpu.memory_space<hbm>>
        tpu.wait_indirect_dma semaphore(%arg16 : memref<!tpu.dma_semaphore, #tpu.memory_space<semaphore_mem>>) src(%dma_wait3A_298 : memref<10000x128xf32, #tpu.memory_space<hbm>>) dst(%arg11 : memref<80x128xf32, #tpu.memory_space<vmem>>)
        %dma_start3A_299 = arith.constant 0 : i32
        %dma_start3A_300 = tpu.memref_slice %arg8[%add3A_293, %dma_start3A_299] : memref<25x80xi32, #tpu.memory_space<vmem>> -> memref<1x80xi32, #tpu.memory_space<vmem>>
        %dma_start3A_301 = tpu.memref_squeeze %dma_start3A_300 : memref<1x80xi32, #tpu.memory_space<vmem>> -> memref<80xi32, #tpu.memory_space<vmem>>
        %dma_start3A_302 = arith.constant 0 : i32
        %dma_start3A_303 = arith.constant 0 : i32
        %dma_start3A_304 = tpu.memref_slice %arg13[%dma_start3A_302, %dma_start3A_303] : memref<10240x128xf32, #tpu.memory_space<vmem_shared>> -> memref<10240x128xf32, #tpu.memory_space<vmem_shared>>
        tpu.enqueue_indirect_dma source(%arg11 : memref<80x128xf32, #tpu.memory_space<vmem>>) target(%dma_start3A_304 : memref<10240x128xf32, #tpu.memory_space<vmem_shared>>) offsets(%dma_start3A_301 : memref<80xi32, #tpu.memory_space<vmem>>) semaphore(%arg20 : memref<!tpu.dma_semaphore, #tpu.memory_space<semaphore_mem>>) {add = true}
        %dma_wait3A_305 = arith.constant 0 : i32
        %dma_wait3A_306 = arith.constant 0 : i32
        %dma_wait3A_307 = tpu.memref_slice %arg8[%dma_wait3A_305, %dma_wait3A_306] : memref<25x80xi32, #tpu.memory_space<vmem>> -> memref<1x80xi32, #tpu.memory_space<vmem>>
        %dma_wait3A_308 = tpu.memref_squeeze %dma_wait3A_307 : memref<1x80xi32, #tpu.memory_space<vmem>> -> memref<80xi32, #tpu.memory_space<vmem>>
        %dma_wait3A_309 = arith.constant 0 : i32
        %dma_wait3A_310 = arith.constant 0 : i32
        %dma_wait3A_311 = tpu.memref_slice %arg13[%dma_wait3A_309, %dma_wait3A_310] : memref<10240x128xf32, #tpu.memory_space<vmem_shared>> -> memref<10240x128xf32, #tpu.memory_space<vmem_shared>>
        tpu.wait_indirect_dma semaphore(%arg18 : memref<!tpu.dma_semaphore, #tpu.memory_space<semaphore_mem>>) src(%arg9 : memref<80x128xf32, #tpu.memory_space<vmem>>) dst(%dma_wait3A_311 : memref<10240x128xf32, #tpu.memory_space<vmem_shared>>)
        %add3A_312 = arith.constant 2 : i32
        %add3A_313 = arith.addi %add3A_293, %add3A_312 : i32
        %mul3A_314 = arith.constant 80 : i32
        %mul3A_315 = arith.muli %add3A_313, %mul3A_314 : i32
        %dma_start3A_316 = tpu.memref_slice %arg7[%mul3A_315] : memref<2000xi32, #tpu.memory_space<vmem>> -> memref<80xi32, #tpu.memory_space<vmem>>
        %dma_start3A_317 = arith.constant 0 : i32
        %dma_start3A_318 = arith.constant 0 : i32
        %dma_start3A_319 = tpu.memref_slice %arg4[%dma_start3A_317, %dma_start3A_318] : memref<10000x128xf32, #tpu.memory_space<hbm>> -> memref<10000x128xf32, #tpu.memory_space<hbm>>
        tpu.enqueue_indirect_dma source(%dma_start3A_319 : memref<10000x128xf32, #tpu.memory_space<hbm>>) target(%arg9 : memref<80x128xf32, #tpu.memory_space<vmem>>) offsets(%dma_start3A_316 : memref<80xi32, #tpu.memory_space<vmem>>) semaphore(%arg14 : memref<!tpu.dma_semaphore, #tpu.memory_space<semaphore_mem>>)
        %add3A_320 = arith.constant 3 : i32
        %add3A_321 = arith.addi %mul3A_235, %add3A_320 : i32
        %dma_wait3A_322 = arith.constant 0 : i32
        %dma_wait3A_323 = tpu.memref_slice %arg7[%dma_wait3A_322] : memref<2000xi32, #tpu.memory_space<vmem>> -> memref<80xi32, #tpu.memory_space<vmem>>
        %dma_wait3A_324 = arith.constant 0 : i32
        %dma_wait3A_325 = arith.constant 0 : i32
        %dma_wait3A_326 = tpu.memref_slice %arg4[%dma_wait3A_324, %dma_wait3A_325] : memref<10000x128xf32, #tpu.memory_space<hbm>> -> memref<10000x128xf32, #tpu.memory_space<hbm>>
        tpu.wait_indirect_dma semaphore(%arg17 : memref<!tpu.dma_semaphore, #tpu.memory_space<semaphore_mem>>) src(%dma_wait3A_326 : memref<10000x128xf32, #tpu.memory_space<hbm>>) dst(%arg12 : memref<80x128xf32, #tpu.memory_space<vmem>>)
        %dma_start3A_327 = arith.constant 0 : i32
        %dma_start3A_328 = tpu.memref_slice %arg8[%add3A_321, %dma_start3A_327] : memref<25x80xi32, #tpu.memory_space<vmem>> -> memref<1x80xi32, #tpu.memory_space<vmem>>
        %dma_start3A_329 = tpu.memref_squeeze %dma_start3A_328 : memref<1x80xi32, #tpu.memory_space<vmem>> -> memref<80xi32, #tpu.memory_space<vmem>>
        %dma_start3A_330 = arith.constant 0 : i32
        %dma_start3A_331 = arith.constant 0 : i32
        %dma_start3A_332 = tpu.memref_slice %arg13[%dma_start3A_330, %dma_start3A_331] : memref<10240x128xf32, #tpu.memory_space<vmem_shared>> -> memref<10240x128xf32, #tpu.memory_space<vmem_shared>>
        tpu.enqueue_indirect_dma source(%arg12 : memref<80x128xf32, #tpu.memory_space<vmem>>) target(%dma_start3A_332 : memref<10240x128xf32, #tpu.memory_space<vmem_shared>>) offsets(%dma_start3A_329 : memref<80xi32, #tpu.memory_space<vmem>>) semaphore(%arg21 : memref<!tpu.dma_semaphore, #tpu.memory_space<semaphore_mem>>) {add = true}
        %dma_wait3A_333 = arith.constant 0 : i32
        %dma_wait3A_334 = arith.constant 0 : i32
        %dma_wait3A_335 = tpu.memref_slice %arg8[%dma_wait3A_333, %dma_wait3A_334] : memref<25x80xi32, #tpu.memory_space<vmem>> -> memref<1x80xi32, #tpu.memory_space<vmem>>
        %dma_wait3A_336 = tpu.memref_squeeze %dma_wait3A_335 : memref<1x80xi32, #tpu.memory_space<vmem>> -> memref<80xi32, #tpu.memory_space<vmem>>
        %dma_wait3A_337 = arith.constant 0 : i32
        %dma_wait3A_338 = arith.constant 0 : i32
        %dma_wait3A_339 = tpu.memref_slice %arg13[%dma_wait3A_337, %dma_wait3A_338] : memref<10240x128xf32, #tpu.memory_space<vmem_shared>> -> memref<10240x128xf32, #tpu.memory_space<vmem_shared>>
        tpu.wait_indirect_dma semaphore(%arg19 : memref<!tpu.dma_semaphore, #tpu.memory_space<semaphore_mem>>) src(%arg10 : memref<80x128xf32, #tpu.memory_space<vmem>>) dst(%dma_wait3A_339 : memref<10240x128xf32, #tpu.memory_space<vmem_shared>>)
        %add3A_340 = arith.constant 2 : i32
        %add3A_341 = arith.addi %add3A_321, %add3A_340 : i32
        %mul3A_342 = arith.constant 80 : i32
        %mul3A_343 = arith.muli %add3A_341, %mul3A_342 : i32
        %dma_start3A_344 = tpu.memref_slice %arg7[%mul3A_343] : memref<2000xi32, #tpu.memory_space<vmem>> -> memref<80xi32, #tpu.memory_space<vmem>>
        %dma_start3A_345 = arith.constant 0 : i32
        %dma_start3A_346 = arith.constant 0 : i32
        %dma_start3A_347 = tpu.memref_slice %arg4[%dma_start3A_345, %dma_start3A_346] : memref<10000x128xf32, #tpu.memory_space<hbm>> -> memref<10000x128xf32, #tpu.memory_space<hbm>>
        tpu.enqueue_indirect_dma source(%dma_start3A_347 : memref<10000x128xf32, #tpu.memory_space<hbm>>) target(%arg10 : memref<80x128xf32, #tpu.memory_space<vmem>>) offsets(%dma_start3A_344 : memref<80xi32, #tpu.memory_space<vmem>>) semaphore(%arg15 : memref<!tpu.dma_semaphore, #tpu.memory_space<semaphore_mem>>)
      }
      %scan3A_108 = arith.constant 4 : i32
      %dma_wait3A_109 = arith.constant 0 : i32
      %dma_wait3A_110 = tpu.memref_slice %arg7[%dma_wait3A_109] : memref<2000xi32, #tpu.memory_space<vmem>> -> memref<80xi32, #tpu.memory_space<vmem>>
      %dma_wait3A_111 = arith.constant 0 : i32
      %dma_wait3A_112 = arith.constant 0 : i32
      %dma_wait3A_113 = tpu.memref_slice %arg4[%dma_wait3A_111, %dma_wait3A_112] : memref<10000x128xf32, #tpu.memory_space<hbm>> -> memref<10000x128xf32, #tpu.memory_space<hbm>>
      tpu.wait_indirect_dma semaphore(%arg14 : memref<!tpu.dma_semaphore, #tpu.memory_space<semaphore_mem>>) src(%dma_wait3A_113 : memref<10000x128xf32, #tpu.memory_space<hbm>>) dst(%arg9 : memref<80x128xf32, #tpu.memory_space<vmem>>)
      %dma_start3A_114 = arith.constant 20 : i32
      %dma_start3A_115 = arith.constant 0 : i32
      %dma_start3A_116 = tpu.memref_slice %arg8[%dma_start3A_114, %dma_start3A_115] : memref<25x80xi32, #tpu.memory_space<vmem>> -> memref<1x80xi32, #tpu.memory_space<vmem>>
      %dma_start3A_117 = tpu.memref_squeeze %dma_start3A_116 : memref<1x80xi32, #tpu.memory_space<vmem>> -> memref<80xi32, #tpu.memory_space<vmem>>
      %dma_start3A_118 = arith.constant 0 : i32
      %dma_start3A_119 = arith.constant 0 : i32
      %dma_start3A_120 = tpu.memref_slice %arg13[%dma_start3A_118, %dma_start3A_119] : memref<10240x128xf32, #tpu.memory_space<vmem_shared>> -> memref<10240x128xf32, #tpu.memory_space<vmem_shared>>
      tpu.enqueue_indirect_dma source(%arg9 : memref<80x128xf32, #tpu.memory_space<vmem>>) target(%dma_start3A_120 : memref<10240x128xf32, #tpu.memory_space<vmem_shared>>) offsets(%dma_start3A_117 : memref<80xi32, #tpu.memory_space<vmem>>) semaphore(%arg18 : memref<!tpu.dma_semaphore, #tpu.memory_space<semaphore_mem>>) {add = true}
      %dma_wait3A_121 = arith.constant 0 : i32
      %dma_wait3A_122 = arith.constant 0 : i32
      %dma_wait3A_123 = tpu.memref_slice %arg8[%dma_wait3A_121, %dma_wait3A_122] : memref<25x80xi32, #tpu.memory_space<vmem>> -> memref<1x80xi32, #tpu.memory_space<vmem>>
      %dma_wait3A_124 = tpu.memref_squeeze %dma_wait3A_123 : memref<1x80xi32, #tpu.memory_space<vmem>> -> memref<80xi32, #tpu.memory_space<vmem>>
      %dma_wait3A_125 = arith.constant 0 : i32
      %dma_wait3A_126 = arith.constant 0 : i32
      %dma_wait3A_127 = tpu.memref_slice %arg13[%dma_wait3A_125, %dma_wait3A_126] : memref<10240x128xf32, #tpu.memory_space<vmem_shared>> -> memref<10240x128xf32, #tpu.memory_space<vmem_shared>>
      tpu.wait_indirect_dma semaphore(%arg20 : memref<!tpu.dma_semaphore, #tpu.memory_space<semaphore_mem>>) src(%arg11 : memref<80x128xf32, #tpu.memory_space<vmem>>) dst(%dma_wait3A_127 : memref<10240x128xf32, #tpu.memory_space<vmem_shared>>)
      %dma_start3A_128 = arith.constant 1760 : i32
      %dma_start3A_129 = tpu.memref_slice %arg7[%dma_start3A_128] : memref<2000xi32, #tpu.memory_space<vmem>> -> memref<80xi32, #tpu.memory_space<vmem>>
      %dma_start3A_130 = arith.constant 0 : i32
      %dma_start3A_131 = arith.constant 0 : i32
      %dma_start3A_132 = tpu.memref_slice %arg4[%dma_start3A_130, %dma_start3A_131] : memref<10000x128xf32, #tpu.memory_space<hbm>> -> memref<10000x128xf32, #tpu.memory_space<hbm>>
      tpu.enqueue_indirect_dma source(%dma_start3A_132 : memref<10000x128xf32, #tpu.memory_space<hbm>>) target(%arg11 : memref<80x128xf32, #tpu.memory_space<vmem>>) offsets(%dma_start3A_129 : memref<80xi32, #tpu.memory_space<vmem>>) semaphore(%arg16 : memref<!tpu.dma_semaphore, #tpu.memory_space<semaphore_mem>>)
      %dma_wait3A_133 = arith.constant 0 : i32
      %dma_wait3A_134 = tpu.memref_slice %arg7[%dma_wait3A_133] : memref<2000xi32, #tpu.memory_space<vmem>> -> memref<80xi32, #tpu.memory_space<vmem>>
      %dma_wait3A_135 = arith.constant 0 : i32
      %dma_wait3A_136 = arith.constant 0 : i32
      %dma_wait3A_137 = tpu.memref_slice %arg4[%dma_wait3A_135, %dma_wait3A_136] : memref<10000x128xf32, #tpu.memory_space<hbm>> -> memref<10000x128xf32, #tpu.memory_space<hbm>>
      tpu.wait_indirect_dma semaphore(%arg15 : memref<!tpu.dma_semaphore, #tpu.memory_space<semaphore_mem>>) src(%dma_wait3A_137 : memref<10000x128xf32, #tpu.memory_space<hbm>>) dst(%arg10 : memref<80x128xf32, #tpu.memory_space<vmem>>)
      %dma_start3A_138 = arith.constant 21 : i32
      %dma_start3A_139 = arith.constant 0 : i32
      %dma_start3A_140 = tpu.memref_slice %arg8[%dma_start3A_138, %dma_start3A_139] : memref<25x80xi32, #tpu.memory_space<vmem>> -> memref<1x80xi32, #tpu.memory_space<vmem>>
      %dma_start3A_141 = tpu.memref_squeeze %dma_start3A_140 : memref<1x80xi32, #tpu.memory_space<vmem>> -> memref<80xi32, #tpu.memory_space<vmem>>
      %dma_start3A_142 = arith.constant 0 : i32
      %dma_start3A_143 = arith.constant 0 : i32
      %dma_start3A_144 = tpu.memref_slice %arg13[%dma_start3A_142, %dma_start3A_143] : memref<10240x128xf32, #tpu.memory_space<vmem_shared>> -> memref<10240x128xf32, #tpu.memory_space<vmem_shared>>
      tpu.enqueue_indirect_dma source(%arg10 : memref<80x128xf32, #tpu.memory_space<vmem>>) target(%dma_start3A_144 : memref<10240x128xf32, #tpu.memory_space<vmem_shared>>) offsets(%dma_start3A_141 : memref<80xi32, #tpu.memory_space<vmem>>) semaphore(%arg19 : memref<!tpu.dma_semaphore, #tpu.memory_space<semaphore_mem>>) {add = true}
      %dma_wait3A_145 = arith.constant 0 : i32
      %dma_wait3A_146 = arith.constant 0 : i32
      %dma_wait3A_147 = tpu.memref_slice %arg8[%dma_wait3A_145, %dma_wait3A_146] : memref<25x80xi32, #tpu.memory_space<vmem>> -> memref<1x80xi32, #tpu.memory_space<vmem>>
      %dma_wait3A_148 = tpu.memref_squeeze %dma_wait3A_147 : memref<1x80xi32, #tpu.memory_space<vmem>> -> memref<80xi32, #tpu.memory_space<vmem>>
      %dma_wait3A_149 = arith.constant 0 : i32
      %dma_wait3A_150 = arith.constant 0 : i32
      %dma_wait3A_151 = tpu.memref_slice %arg13[%dma_wait3A_149, %dma_wait3A_150] : memref<10240x128xf32, #tpu.memory_space<vmem_shared>> -> memref<10240x128xf32, #tpu.memory_space<vmem_shared>>
      tpu.wait_indirect_dma semaphore(%arg21 : memref<!tpu.dma_semaphore, #tpu.memory_space<semaphore_mem>>) src(%arg12 : memref<80x128xf32, #tpu.memory_space<vmem>>) dst(%dma_wait3A_151 : memref<10240x128xf32, #tpu.memory_space<vmem_shared>>)
      %dma_start3A_152 = arith.constant 1840 : i32
      %dma_start3A_153 = tpu.memref_slice %arg7[%dma_start3A_152] : memref<2000xi32, #tpu.memory_space<vmem>> -> memref<80xi32, #tpu.memory_space<vmem>>
      %dma_start3A_154 = arith.constant 0 : i32
      %dma_start3A_155 = arith.constant 0 : i32
      %dma_start3A_156 = tpu.memref_slice %arg4[%dma_start3A_154, %dma_start3A_155] : memref<10000x128xf32, #tpu.memory_space<hbm>> -> memref<10000x128xf32, #tpu.memory_space<hbm>>
      tpu.enqueue_indirect_dma source(%dma_start3A_156 : memref<10000x128xf32, #tpu.memory_space<hbm>>) target(%arg12 : memref<80x128xf32, #tpu.memory_space<vmem>>) offsets(%dma_start3A_153 : memref<80xi32, #tpu.memory_space<vmem>>) semaphore(%arg17 : memref<!tpu.dma_semaphore, #tpu.memory_space<semaphore_mem>>)
      %dma_wait3A_157 = arith.constant 0 : i32
      %dma_wait3A_158 = tpu.memref_slice %arg7[%dma_wait3A_157] : memref<2000xi32, #tpu.memory_space<vmem>> -> memref<80xi32, #tpu.memory_space<vmem>>
      %dma_wait3A_159 = arith.constant 0 : i32
      %dma_wait3A_160 = arith.constant 0 : i32
      %dma_wait3A_161 = tpu.memref_slice %arg4[%dma_wait3A_159, %dma_wait3A_160] : memref<10000x128xf32, #tpu.memory_space<hbm>> -> memref<10000x128xf32, #tpu.memory_space<hbm>>
      tpu.wait_indirect_dma semaphore(%arg16 : memref<!tpu.dma_semaphore, #tpu.memory_space<semaphore_mem>>) src(%dma_wait3A_161 : memref<10000x128xf32, #tpu.memory_space<hbm>>) dst(%arg11 : memref<80x128xf32, #tpu.memory_space<vmem>>)
      %dma_start3A_162 = arith.constant 22 : i32
      %dma_start3A_163 = arith.constant 0 : i32
      %dma_start3A_164 = tpu.memref_slice %arg8[%dma_start3A_162, %dma_start3A_163] : memref<25x80xi32, #tpu.memory_space<vmem>> -> memref<1x80xi32, #tpu.memory_space<vmem>>
      %dma_start3A_165 = tpu.memref_squeeze %dma_start3A_164 : memref<1x80xi32, #tpu.memory_space<vmem>> -> memref<80xi32, #tpu.memory_space<vmem>>
      %dma_start3A_166 = arith.constant 0 : i32
      %dma_start3A_167 = arith.constant 0 : i32
      %dma_start3A_168 = tpu.memref_slice %arg13[%dma_start3A_166, %dma_start3A_167] : memref<10240x128xf32, #tpu.memory_space<vmem_shared>> -> memref<10240x128xf32, #tpu.memory_space<vmem_shared>>
      tpu.enqueue_indirect_dma source(%arg11 : memref<80x128xf32, #tpu.memory_space<vmem>>) target(%dma_start3A_168 : memref<10240x128xf32, #tpu.memory_space<vmem_shared>>) offsets(%dma_start3A_165 : memref<80xi32, #tpu.memory_space<vmem>>) semaphore(%arg20 : memref<!tpu.dma_semaphore, #tpu.memory_space<semaphore_mem>>) {add = true}
      %dma_wait3A_169 = arith.constant 0 : i32
      %dma_wait3A_170 = arith.constant 0 : i32
      %dma_wait3A_171 = tpu.memref_slice %arg8[%dma_wait3A_169, %dma_wait3A_170] : memref<25x80xi32, #tpu.memory_space<vmem>> -> memref<1x80xi32, #tpu.memory_space<vmem>>
      %dma_wait3A_172 = tpu.memref_squeeze %dma_wait3A_171 : memref<1x80xi32, #tpu.memory_space<vmem>> -> memref<80xi32, #tpu.memory_space<vmem>>
      %dma_wait3A_173 = arith.constant 0 : i32
      %dma_wait3A_174 = arith.constant 0 : i32
      %dma_wait3A_175 = tpu.memref_slice %arg13[%dma_wait3A_173, %dma_wait3A_174] : memref<10240x128xf32, #tpu.memory_space<vmem_shared>> -> memref<10240x128xf32, #tpu.memory_space<vmem_shared>>
      tpu.wait_indirect_dma semaphore(%arg18 : memref<!tpu.dma_semaphore, #tpu.memory_space<semaphore_mem>>) src(%arg9 : memref<80x128xf32, #tpu.memory_space<vmem>>) dst(%dma_wait3A_175 : memref<10240x128xf32, #tpu.memory_space<vmem_shared>>)
      %dma_start3A_176 = arith.constant 1920 : i32
      %dma_start3A_177 = tpu.memref_slice %arg7[%dma_start3A_176] : memref<2000xi32, #tpu.memory_space<vmem>> -> memref<80xi32, #tpu.memory_space<vmem>>
      %dma_start3A_178 = arith.constant 0 : i32
      %dma_start3A_179 = arith.constant 0 : i32
      %dma_start3A_180 = tpu.memref_slice %arg4[%dma_start3A_178, %dma_start3A_179] : memref<10000x128xf32, #tpu.memory_space<hbm>> -> memref<10000x128xf32, #tpu.memory_space<hbm>>
      tpu.enqueue_indirect_dma source(%dma_start3A_180 : memref<10000x128xf32, #tpu.memory_space<hbm>>) target(%arg9 : memref<80x128xf32, #tpu.memory_space<vmem>>) offsets(%dma_start3A_177 : memref<80xi32, #tpu.memory_space<vmem>>) semaphore(%arg14 : memref<!tpu.dma_semaphore, #tpu.memory_space<semaphore_mem>>)
      %dma_wait3A_181 = arith.constant 0 : i32
      %dma_wait3A_182 = tpu.memref_slice %arg7[%dma_wait3A_181] : memref<2000xi32, #tpu.memory_space<vmem>> -> memref<80xi32, #tpu.memory_space<vmem>>
      %dma_wait3A_183 = arith.constant 0 : i32
      %dma_wait3A_184 = arith.constant 0 : i32
      %dma_wait3A_185 = tpu.memref_slice %arg4[%dma_wait3A_183, %dma_wait3A_184] : memref<10000x128xf32, #tpu.memory_space<hbm>> -> memref<10000x128xf32, #tpu.memory_space<hbm>>
      tpu.wait_indirect_dma semaphore(%arg17 : memref<!tpu.dma_semaphore, #tpu.memory_space<semaphore_mem>>) src(%dma_wait3A_185 : memref<10000x128xf32, #tpu.memory_space<hbm>>) dst(%arg12 : memref<80x128xf32, #tpu.memory_space<vmem>>)
      %dma_start3A_186 = arith.constant 23 : i32
      %dma_start3A_187 = arith.constant 0 : i32
      %dma_start3A_188 = tpu.memref_slice %arg8[%dma_start3A_186, %dma_start3A_187] : memref<25x80xi32, #tpu.memory_space<vmem>> -> memref<1x80xi32, #tpu.memory_space<vmem>>
      %dma_start3A_189 = tpu.memref_squeeze %dma_start3A_188 : memref<1x80xi32, #tpu.memory_space<vmem>> -> memref<80xi32, #tpu.memory_space<vmem>>
      %dma_start3A_190 = arith.constant 0 : i32
      %dma_start3A_191 = arith.constant 0 : i32
      %dma_start3A_192 = tpu.memref_slice %arg13[%dma_start3A_190, %dma_start3A_191] : memref<10240x128xf32, #tpu.memory_space<vmem_shared>> -> memref<10240x128xf32, #tpu.memory_space<vmem_shared>>
      tpu.enqueue_indirect_dma source(%arg12 : memref<80x128xf32, #tpu.memory_space<vmem>>) target(%dma_start3A_192 : memref<10240x128xf32, #tpu.memory_space<vmem_shared>>) offsets(%dma_start3A_189 : memref<80xi32, #tpu.memory_space<vmem>>) semaphore(%arg21 : memref<!tpu.dma_semaphore, #tpu.memory_space<semaphore_mem>>) {add = true}
      %dma_wait3A_193 = arith.constant 0 : i32
      %dma_wait3A_194 = arith.constant 0 : i32
      %dma_wait3A_195 = tpu.memref_slice %arg8[%dma_wait3A_193, %dma_wait3A_194] : memref<25x80xi32, #tpu.memory_space<vmem>> -> memref<1x80xi32, #tpu.memory_space<vmem>>
      %dma_wait3A_196 = tpu.memref_squeeze %dma_wait3A_195 : memref<1x80xi32, #tpu.memory_space<vmem>> -> memref<80xi32, #tpu.memory_space<vmem>>
      %dma_wait3A_197 = arith.constant 0 : i32
      %dma_wait3A_198 = arith.constant 0 : i32
      %dma_wait3A_199 = tpu.memref_slice %arg13[%dma_wait3A_197, %dma_wait3A_198] : memref<10240x128xf32, #tpu.memory_space<vmem_shared>> -> memref<10240x128xf32, #tpu.memory_space<vmem_shared>>
      tpu.wait_indirect_dma semaphore(%arg19 : memref<!tpu.dma_semaphore, #tpu.memory_space<semaphore_mem>>) src(%arg10 : memref<80x128xf32, #tpu.memory_space<vmem>>) dst(%dma_wait3A_199 : memref<10240x128xf32, #tpu.memory_space<vmem_shared>>)
      %dma_wait3A_200 = arith.constant 0 : i32
      %dma_wait3A_201 = tpu.memref_slice %arg7[%dma_wait3A_200] : memref<2000xi32, #tpu.memory_space<vmem>> -> memref<80xi32, #tpu.memory_space<vmem>>
      %dma_wait3A_202 = arith.constant 0 : i32
      %dma_wait3A_203 = arith.constant 0 : i32
      %dma_wait3A_204 = tpu.memref_slice %arg4[%dma_wait3A_202, %dma_wait3A_203] : memref<10000x128xf32, #tpu.memory_space<hbm>> -> memref<10000x128xf32, #tpu.memory_space<hbm>>
      tpu.wait_indirect_dma semaphore(%arg14 : memref<!tpu.dma_semaphore, #tpu.memory_space<semaphore_mem>>) src(%dma_wait3A_204 : memref<10000x128xf32, #tpu.memory_space<hbm>>) dst(%arg9 : memref<80x128xf32, #tpu.memory_space<vmem>>)
      %dma_start3A_205 = arith.constant 24 : i32
      %dma_start3A_206 = arith.constant 0 : i32
      %dma_start3A_207 = tpu.memref_slice %arg8[%dma_start3A_205, %dma_start3A_206] : memref<25x80xi32, #tpu.memory_space<vmem>> -> memref<1x80xi32, #tpu.memory_space<vmem>>
      %dma_start3A_208 = tpu.memref_squeeze %dma_start3A_207 : memref<1x80xi32, #tpu.memory_space<vmem>> -> memref<80xi32, #tpu.memory_space<vmem>>
      %dma_start3A_209 = arith.constant 0 : i32
      %dma_start3A_210 = arith.constant 0 : i32
      %dma_start3A_211 = tpu.memref_slice %arg13[%dma_start3A_209, %dma_start3A_210] : memref<10240x128xf32, #tpu.memory_space<vmem_shared>> -> memref<10240x128xf32, #tpu.memory_space<vmem_shared>>
      tpu.enqueue_indirect_dma source(%arg9 : memref<80x128xf32, #tpu.memory_space<vmem>>) target(%dma_start3A_211 : memref<10240x128xf32, #tpu.memory_space<vmem_shared>>) offsets(%dma_start3A_208 : memref<80xi32, #tpu.memory_space<vmem>>) semaphore(%arg18 : memref<!tpu.dma_semaphore, #tpu.memory_space<semaphore_mem>>) {add = true}
      %dma_wait3A_212 = arith.constant 0 : i32
      %dma_wait3A_213 = arith.constant 0 : i32
      %dma_wait3A_214 = tpu.memref_slice %arg8[%dma_wait3A_212, %dma_wait3A_213] : memref<25x80xi32, #tpu.memory_space<vmem>> -> memref<1x80xi32, #tpu.memory_space<vmem>>
      %dma_wait3A_215 = tpu.memref_squeeze %dma_wait3A_214 : memref<1x80xi32, #tpu.memory_space<vmem>> -> memref<80xi32, #tpu.memory_space<vmem>>
      %dma_wait3A_216 = arith.constant 0 : i32
      %dma_wait3A_217 = arith.constant 0 : i32
      %dma_wait3A_218 = tpu.memref_slice %arg13[%dma_wait3A_216, %dma_wait3A_217] : memref<10240x128xf32, #tpu.memory_space<vmem_shared>> -> memref<10240x128xf32, #tpu.memory_space<vmem_shared>>
      tpu.wait_indirect_dma semaphore(%arg20 : memref<!tpu.dma_semaphore, #tpu.memory_space<semaphore_mem>>) src(%arg11 : memref<80x128xf32, #tpu.memory_space<vmem>>) dst(%dma_wait3A_218 : memref<10240x128xf32, #tpu.memory_space<vmem_shared>>)
      %dma_wait3A_219 = arith.constant 0 : i32
      %dma_wait3A_220 = arith.constant 0 : i32
      %dma_wait3A_221 = tpu.memref_slice %arg8[%dma_wait3A_219, %dma_wait3A_220] : memref<25x80xi32, #tpu.memory_space<vmem>> -> memref<1x80xi32, #tpu.memory_space<vmem>>
      %dma_wait3A_222 = tpu.memref_squeeze %dma_wait3A_221 : memref<1x80xi32, #tpu.memory_space<vmem>> -> memref<80xi32, #tpu.memory_space<vmem>>
      %dma_wait3A_223 = arith.constant 0 : i32
      %dma_wait3A_224 = arith.constant 0 : i32
      %dma_wait3A_225 = tpu.memref_slice %arg13[%dma_wait3A_223, %dma_wait3A_224] : memref<10240x128xf32, #tpu.memory_space<vmem_shared>> -> memref<10240x128xf32, #tpu.memory_space<vmem_shared>>
      tpu.wait_indirect_dma semaphore(%arg21 : memref<!tpu.dma_semaphore, #tpu.memory_space<semaphore_mem>>) src(%arg12 : memref<80x128xf32, #tpu.memory_space<vmem>>) dst(%dma_wait3A_225 : memref<10240x128xf32, #tpu.memory_space<vmem_shared>>)
      %dma_wait3A_226 = arith.constant 0 : i32
      %dma_wait3A_227 = arith.constant 0 : i32
      %dma_wait3A_228 = tpu.memref_slice %arg8[%dma_wait3A_226, %dma_wait3A_227] : memref<25x80xi32, #tpu.memory_space<vmem>> -> memref<1x80xi32, #tpu.memory_space<vmem>>
      %dma_wait3A_229 = tpu.memref_squeeze %dma_wait3A_228 : memref<1x80xi32, #tpu.memory_space<vmem>> -> memref<80xi32, #tpu.memory_space<vmem>>
      %dma_wait3A_230 = arith.constant 0 : i32
      %dma_wait3A_231 = arith.constant 0 : i32
      %dma_wait3A_232 = tpu.memref_slice %arg13[%dma_wait3A_230, %dma_wait3A_231] : memref<10240x128xf32, #tpu.memory_space<vmem_shared>> -> memref<10240x128xf32, #tpu.memory_space<vmem_shared>>
      tpu.wait_indirect_dma semaphore(%arg18 : memref<!tpu.dma_semaphore, #tpu.memory_space<semaphore_mem>>) src(%arg9 : memref<80x128xf32, #tpu.memory_space<vmem>>) dst(%dma_wait3A_232 : memref<10240x128xf32, #tpu.memory_space<vmem_shared>>)
    }
    %scan3A_7 = arith.constant 5 : i32
    %barrier3A_8 = arith.constant 0 : index
    tpu.barrier barrier_id(%barrier3A_8)
    %mul3A_9 = arith.constant 10240 : i32
    %mul3A_10 = arith.muli %arg0, %mul3A_9 : i32
    %add3A_11 = arith.addi %mul3A_10, %mul3A_0 : i32
    "tpu.region"() ({
      %run_scoped3A = tpu.sem_alloc : memref<!tpu.dma_semaphore, #tpu.memory_space<semaphore_mem>>
      %dma_start3A = arith.constant 0 : i32
      %dma_start3A_12 = tpu.memref_slice %arg6[%add3A_11, %dma_start3A] : memref<20480x128xf32, #tpu.memory_space<hbm>> -> memref<640x128xf32, #tpu.memory_space<hbm>>
      %dma_start3A_13 = arith.constant 0 : i32
      %dma_start3A_14 = tpu.memref_slice %arg13[%mul3A_0, %dma_start3A_13] : memref<10240x128xf32, #tpu.memory_space<vmem_shared>> -> memref<640x128xf32, #tpu.memory_space<vmem_shared>>
      tpu.enqueue_dma source(%dma_start3A_14 : memref<640x128xf32, #tpu.memory_space<vmem_shared>>) target(%dma_start3A_12 : memref<640x128xf32, #tpu.memory_space<hbm>>) target_semaphore(%run_scoped3A : memref<!tpu.dma_semaphore, #tpu.memory_space<semaphore_mem>>)
      %dma_wait3A = arith.constant 0 : i32
      %dma_wait3A_15 = tpu.memref_slice %arg6[%add3A_11, %dma_wait3A] : memref<20480x128xf32, #tpu.memory_space<hbm>> -> memref<640x128xf32, #tpu.memory_space<hbm>>
      %dma_wait3A_16 = arith.constant 0 : i32
      %dma_wait3A_17 = tpu.memref_slice %arg13[%mul3A_0, %dma_wait3A_16] : memref<10240x128xf32, #tpu.memory_space<vmem_shared>> -> memref<640x128xf32, #tpu.memory_space<vmem_shared>>
      tpu.wait_dma2 semaphore(%run_scoped3A : memref<!tpu.dma_semaphore, #tpu.memory_space<semaphore_mem>>) src(%dma_wait3A_17 : memref<640x128xf32, #tpu.memory_space<vmem_shared>>) dst(%dma_wait3A_15 : memref<640x128xf32, #tpu.memory_space<hbm>>)
      tpu.yield
    }) : () -> ()
    return
  }
}

module attributes {stable_mosaic.version = 14 : i64} {
  func.func @_tc1_body(%arg0: i32, %arg1: memref<2000x128xf32, #tpu.memory_space<vmem>>, %arg2: memref<2000x1xf32, #tpu.memory_space<vmem>>, %arg3: memref<2000x1xf32, #tpu.memory_space<vmem>>, %arg4: memref<128x128xf32, #tpu.memory_space<vmem>>, %arg5: memref<2000x128xf32, #tpu.memory_space<vmem>>) attributes {dimension_semantics = [#tpu.dimension_semantics<arbitrary>], iteration_bounds = array<i64: 5>, scalar_prefetch = 0 : i64, scratch_operands = 0 : i64, tpu.core_type = #tpu.core_type<tc>, window_params = [{transform_indices = @transform_0, window_bounds = array<i64: 2000, 128>}, {transform_indices = @transform_1, window_bounds = array<i64: 2000, 1>}, {transform_indices = @transform_2, window_bounds = array<i64: 2000, 1>}, {pipeline_mode = #tpu.pipeline_mode<synchronous>, transform_indices = @transform_3, window_bounds = array<i64: 128, 128>}, {transform_indices = @transform_4, window_bounds = array<i64: 2000, 128>}]} {
    %get3A = arith.constant 0 : index
    %get3A_0 = arith.constant 0 : index
    %get3A_1 = vector.load %arg2[%get3A, %get3A_0] : memref<2000x1xf32, #tpu.memory_space<vmem>>, vector<2000x1xf32>
    %get3A_2 = arith.constant 0 : index
    %get3A_3 = arith.constant 0 : index
    %get3A_4 = vector.load %arg3[%get3A_2, %get3A_3] : memref<2000x1xf32, #tpu.memory_space<vmem>>, vector<2000x1xf32>
    %add3A = arith.addf %get3A_1, %get3A_4 : vector<2000x1xf32>
    %add3A_5 = arith.constant 1.000000e+00 : f32
    %add3A_6 = vector.broadcast %add3A_5 : f32 to vector<2000x1xf32>
    %add3A_7 = arith.addf %add3A, %add3A_6 : vector<2000x1xf32>
    %sqrt3A = math.sqrt %add3A_7 : vector<2000x1xf32>
    %div3A = arith.constant 1.000000e+00 : f32
    %div3A_8 = vector.broadcast %div3A : f32 to vector<2000x1xf32>
    %div3A_9 = arith.divf %div3A_8, %sqrt3A : vector<2000x1xf32>
    %get3A_10 = arith.constant 0 : index
    %get3A_11 = arith.constant 0 : index
    %get3A_12 = vector.load %arg1[%get3A_10, %get3A_11] : memref<2000x128xf32, #tpu.memory_space<vmem>>, vector<2000x128xf32>
    %get3A_13 = arith.constant 0 : index
    %get3A_14 = arith.constant 0 : index
    %get3A_15 = vector.load %arg4[%get3A_13, %get3A_14] : memref<128x128xf32, #tpu.memory_space<vmem>>, vector<128x128xf32>
    %dot_general3A = arith.constant dense<0.000000e+00> : vector<2000x128xf32>
    %dot_general3A_16 = tpu.matmul %get3A_12, %get3A_15, %dot_general3A {dimension_numbers = #tpu.dot_dimension_numbers<[1], [0], [0], [1], [0, 0, 1, 1], [], []>, transpose_lhs_hint = false} : vector<2000x128xf32>, vector<128x128xf32>, vector<2000x128xf32> -> vector<2000x128xf32>
    %mul3A = vector.broadcast %div3A_9 : vector<2000x1xf32> to vector<2000x128xf32>
    %mul3A_17 = arith.mulf %dot_general3A_16, %mul3A : vector<2000x128xf32>
    %swap3A = arith.constant 0 : index
    %swap3A_18 = arith.constant 0 : index
    %swap3A_19 = vector.load %arg5[%swap3A, %swap3A_18] : memref<2000x128xf32, #tpu.memory_space<vmem>>, vector<2000x128xf32>
    tpu.vector_store %arg5[%swap3A, %swap3A_18], %mul3A_17 {strides = array<i32>} : memref<2000x128xf32, #tpu.memory_space<vmem>>, vector<2000x128xf32>,
    return
  }
  func.func @transform_0(%arg0: i32) -> (i32, i32) {
    %c0_i32 = arith.constant 0 : i32
    %c0_i32_0 = arith.constant 0 : i32
    return %arg0, %c0_i32 : i32, i32
  }
  func.func @transform_1(%arg0: i32) -> (i32, i32) {
    %c0_i32 = arith.constant 0 : i32
    %c0_i32_0 = arith.constant 0 : i32
    return %arg0, %c0_i32 : i32, i32
  }
  func.func @transform_2(%arg0: i32) -> (i32, i32) {
    %c0_i32 = arith.constant 0 : i32
    %c0_i32_0 = arith.constant 0 : i32
    return %arg0, %c0_i32 : i32, i32
  }
  func.func @transform_3(%arg0: i32) -> (i32, i32) {
    %c0_i32 = arith.constant 0 : i32
    %c0_i32_0 = arith.constant 0 : i32
    %c0_i32_1 = arith.constant 0 : i32
    return %c0_i32, %c0_i32_0 : i32, i32
  }
  func.func @transform_4(%arg0: i32) -> (i32, i32) {
    %c0_i32 = arith.constant 0 : i32
    %c0_i32_0 = arith.constant 0 : i32
    return %arg0, %c0_i32 : i32, i32
  }
}

module attributes {stable_mosaic.version = 14 : i64} {
  func.func @_tc2_body(%arg0: i32, %arg1: memref<2000x128xf32, #tpu.memory_space<vmem>>, %arg2: memref<2000x128xf32, #tpu.memory_space<vmem>>, %arg3: memref<2000x128xf32, #tpu.memory_space<vmem>>, %arg4: memref<2000x1xf32, #tpu.memory_space<vmem>>, %arg5: memref<2000x1xf32, #tpu.memory_space<vmem>>, %arg6: memref<1x128xf32, #tpu.memory_space<vmem>>, %arg7: memref<128x128xf32, #tpu.memory_space<vmem>>, %arg8: memref<2000x128xf32, #tpu.memory_space<vmem>>) attributes {dimension_semantics = [#tpu.dimension_semantics<arbitrary>], iteration_bounds = array<i64: 5>, scalar_prefetch = 0 : i64, scratch_operands = 0 : i64, tpu.core_type = #tpu.core_type<tc>, window_params = [{transform_indices = @transform_0, window_bounds = array<i64: 2000, 128>}, {transform_indices = @transform_1, window_bounds = array<i64: 2000, 128>}, {transform_indices = @transform_2, window_bounds = array<i64: 2000, 128>}, {transform_indices = @transform_3, window_bounds = array<i64: 2000, 1>}, {transform_indices = @transform_4, window_bounds = array<i64: 2000, 1>}, {pipeline_mode = #tpu.pipeline_mode<synchronous>, transform_indices = @transform_5, window_bounds = array<i64: 1, 128>}, {pipeline_mode = #tpu.pipeline_mode<synchronous>, transform_indices = @transform_6, window_bounds = array<i64: 128, 128>}, {transform_indices = @transform_7, window_bounds = array<i64: 2000, 128>}]} {
    %get3A = arith.constant 0 : index
    %get3A_0 = arith.constant 0 : index
    %get3A_1 = vector.load %arg4[%get3A, %get3A_0] : memref<2000x1xf32, #tpu.memory_space<vmem>>, vector<2000x1xf32>
    %get3A_2 = arith.constant 0 : index
    %get3A_3 = arith.constant 0 : index
    %get3A_4 = vector.load %arg5[%get3A_2, %get3A_3] : memref<2000x1xf32, #tpu.memory_space<vmem>>, vector<2000x1xf32>
    %add3A = arith.addf %get3A_1, %get3A_4 : vector<2000x1xf32>
    %add3A_5 = arith.constant 1.000000e+00 : f32
    %add3A_6 = vector.broadcast %add3A_5 : f32 to vector<2000x1xf32>
    %add3A_7 = arith.addf %add3A, %add3A_6 : vector<2000x1xf32>
    %sqrt3A = math.sqrt %add3A_7 : vector<2000x1xf32>
    %div3A = arith.constant 1.000000e+00 : f32
    %div3A_8 = vector.broadcast %div3A : f32 to vector<2000x1xf32>
    %div3A_9 = arith.divf %div3A_8, %sqrt3A : vector<2000x1xf32>
    %get3A_10 = arith.constant 0 : index
    %get3A_11 = arith.constant 0 : index
    %get3A_12 = vector.load %arg1[%get3A_10, %get3A_11] : memref<2000x128xf32, #tpu.memory_space<vmem>>, vector<2000x128xf32>
    %get3A_13 = arith.constant 0 : index
    %get3A_14 = arith.constant 0 : index
    %get3A_15 = vector.load %arg2[%get3A_13, %get3A_14] : memref<2000x128xf32, #tpu.memory_space<vmem>>, vector<2000x128xf32>
    %add3A_16 = arith.addf %get3A_12, %get3A_15 : vector<2000x128xf32>
    %get3A_17 = arith.constant 0 : index
    %get3A_18 = arith.constant 0 : index
    %get3A_19 = vector.load %arg3[%get3A_17, %get3A_18] : memref<2000x128xf32, #tpu.memory_space<vmem>>, vector<2000x128xf32>
    %add3A_20 = arith.addf %add3A_16, %get3A_19 : vector<2000x128xf32>
    %mul3A = vector.broadcast %div3A_9 : vector<2000x1xf32> to vector<2000x128xf32>
    %mul3A_21 = arith.mulf %add3A_20, %mul3A : vector<2000x128xf32>
    %get3A_22 = arith.constant 0 : index
    %get3A_23 = arith.constant 0 : index
    %get3A_24 = vector.load %arg6[%get3A_22, %get3A_23] : memref<1x128xf32, #tpu.memory_space<vmem>>, vector<1x128xf32>
    %add3A_25 = vector.broadcast %get3A_24 : vector<1x128xf32> to vector<2000x128xf32>
    %add3A_26 = arith.addf %mul3A_21, %add3A_25 : vector<2000x128xf32>
    %max3A = arith.constant 0.000000e+00 : f32
    %max3A_27 = vector.broadcast %max3A : f32 to vector<2000x128xf32>
    %max3A_28 = arith.maximumf %add3A_26, %max3A_27 : vector<2000x128xf32>
    %get3A_29 = arith.constant 0 : index
    %get3A_30 = arith.constant 0 : index
    %get3A_31 = vector.load %arg7[%get3A_29, %get3A_30] : memref<128x128xf32, #tpu.memory_space<vmem>>, vector<128x128xf32>
    %dot_general3A = arith.constant dense<0.000000e+00> : vector<2000x128xf32>
    %dot_general3A_32 = tpu.matmul %max3A_28, %get3A_31, %dot_general3A {dimension_numbers = #tpu.dot_dimension_numbers<[1], [0], [0], [1], [0, 0, 1, 1], [], []>, transpose_lhs_hint = false} : vector<2000x128xf32>, vector<128x128xf32>, vector<2000x128xf32> -> vector<2000x128xf32>
    %mul3A_33 = vector.broadcast %div3A_9 : vector<2000x1xf32> to vector<2000x128xf32>
    %mul3A_34 = arith.mulf %dot_general3A_32, %mul3A_33 : vector<2000x128xf32>
    %swap3A = arith.constant 0 : index
    %swap3A_35 = arith.constant 0 : index
    %swap3A_36 = vector.load %arg8[%swap3A, %swap3A_35] : memref<2000x128xf32, #tpu.memory_space<vmem>>, vector<2000x128xf32>
    tpu.vector_store %arg8[%swap3A, %swap3A_35], %mul3A_34 {strides = array<i32>} : memref<2000x128xf32, #tpu.memory_space<vmem>>, vector<2000x128xf32>,
    return
  }
  func.func @transform_0(%arg0: i32) -> (i32, i32) {
    %c0_i32 = arith.constant 0 : i32
    %c0_i32_0 = arith.constant 0 : i32
    return %arg0, %c0_i32 : i32, i32
  }
  func.func @transform_1(%arg0: i32) -> (i32, i32) {
    %c0_i32 = arith.constant 0 : i32
    %c0_i32_0 = arith.constant 0 : i32
    return %arg0, %c0_i32 : i32, i32
  }
  func.func @transform_2(%arg0: i32) -> (i32, i32) {
    %c0_i32 = arith.constant 0 : i32
    %c0_i32_0 = arith.constant 0 : i32
    return %arg0, %c0_i32 : i32, i32
  }
  func.func @transform_3(%arg0: i32) -> (i32, i32) {
    %c0_i32 = arith.constant 0 : i32
    %c0_i32_0 = arith.constant 0 : i32
    return %arg0, %c0_i32 : i32, i32
  }
  func.func @transform_4(%arg0: i32) -> (i32, i32) {
    %c0_i32 = arith.constant 0 : i32
    %c0_i32_0 = arith.constant 0 : i32
    return %arg0, %c0_i32 : i32, i32
  }
  func.func @transform_5(%arg0: i32) -> (i32, i32) {
    %c0_i32 = arith.constant 0 : i32
    %c0_i32_0 = arith.constant 0 : i32
    %c0_i32_1 = arith.constant 0 : i32
    return %c0_i32, %c0_i32_0 : i32, i32
  }
  func.func @transform_6(%arg0: i32) -> (i32, i32) {
    %c0_i32 = arith.constant 0 : i32
    %c0_i32_0 = arith.constant 0 : i32
    %c0_i32_1 = arith.constant 0 : i32
    return %c0_i32, %c0_i32_0 : i32, i32
  }
  func.func @transform_7(%arg0: i32) -> (i32, i32) {
    %c0_i32 = arith.constant 0 : i32
    %c0_i32_0 = arith.constant 0 : i32
    return %arg0, %c0_i32 : i32, i32
  }
}

module attributes {stable_mosaic.version = 14 : i64} {
  func.func @_tc3_body(%arg0: i32, %arg1: memref<2000x128xf32, #tpu.memory_space<vmem>>, %arg2: memref<2000x128xf32, #tpu.memory_space<vmem>>, %arg3: memref<2000x128xf32, #tpu.memory_space<vmem>>, %arg4: memref<2000x1xf32, #tpu.memory_space<vmem>>, %arg5: memref<2000x1xf32, #tpu.memory_space<vmem>>, %arg6: memref<2000x1xf32, #tpu.memory_space<vmem>>, %arg7: memref<2000x1xf32, #tpu.memory_space<vmem>>, %arg8: memref<1x128xf32, #tpu.memory_space<vmem>>, %arg9: memref<128x128xf32, #tpu.memory_space<vmem>>, %arg10: memref<1x128xf32, #tpu.memory_space<vmem>>, %arg11: memref<1x128xf32, #tpu.memory_space<vmem>>, %arg12: memref<128x128xf32, #tpu.memory_space<vmem>>, %arg13: memref<1x128xf32, #tpu.memory_space<vmem>>, %arg14: memref<128x64xf32, #tpu.memory_space<vmem>>, %arg15: memref<1x64xf32, #tpu.memory_space<vmem>>, %arg16: memref<128x128xf32, #tpu.memory_space<vmem>>, %arg17: memref<1x128xf32, #tpu.memory_space<vmem>>, %arg18: memref<1x128xf32, #tpu.memory_space<vmem>>, %arg19: memref<128x128xf32, #tpu.memory_space<vmem>>, %arg20: memref<1x128xf32, #tpu.memory_space<vmem>>, %arg21: memref<128x64xf32, #tpu.memory_space<vmem>>, %arg22: memref<1x64xf32, #tpu.memory_space<vmem>>, %arg23: memref<128x128xf32, #tpu.memory_space<vmem>>, %arg24: memref<64x128xf32, #tpu.memory_space<vmem>>, %arg25: memref<64x128xf32, #tpu.memory_space<vmem>>, %arg26: memref<1x128xf32, #tpu.memory_space<vmem>>, %arg27: memref<128x128xf32, #tpu.memory_space<vmem>>, %arg28: memref<1x128xf32, #tpu.memory_space<vmem>>, %arg29: memref<128x8xf32, #tpu.memory_space<vmem>>, %arg30: memref<1x8xf32, #tpu.memory_space<vmem>>, %arg31: memref<128x128xf32, #tpu.memory_space<vmem>>, %arg32: memref<1x128xf32, #tpu.memory_space<vmem>>, %arg33: memref<128x8xf32, #tpu.memory_space<vmem>>, %arg34: memref<1x8xf32, #tpu.memory_space<vmem>>, %arg35: memref<2000x8xf32, #tpu.memory_space<vmem>>, %arg36: memref<2000x8xf32, #tpu.memory_space<vmem>>) attributes {dimension_semantics = [#tpu.dimension_semantics<arbitrary>], iteration_bounds = array<i64: 5>, scalar_prefetch = 0 : i64, scratch_operands = 0 : i64, tpu.core_type = #tpu.core_type<tc>, window_params = [{transform_indices = @transform_0, window_bounds = array<i64: 2000, 128>}, {transform_indices = @transform_1, window_bounds = array<i64: 2000, 128>}, {transform_indices = @transform_2, window_bounds = array<i64: 2000, 128>}, {transform_indices = @transform_3, window_bounds = array<i64: 2000, 1>}, {transform_indices = @transform_4, window_bounds = array<i64: 2000, 1>}, {transform_indices = @transform_5, window_bounds = array<i64: 2000, 1>}, {transform_indices = @transform_6, window_bounds = array<i64: 2000, 1>}, {pipeline_mode = #tpu.pipeline_mode<synchronous>, transform_indices = @transform_7, window_bounds = array<i64: 1, 128>}, {pipeline_mode = #tpu.pipeline_mode<synchronous>, transform_indices = @transform_8, window_bounds = array<i64: 128, 128>}, {pipeline_mode = #tpu.pipeline_mode<synchronous>, transform_indices = @transform_9, window_bounds = array<i64: 1, 128>}, {pipeline_mode = #tpu.pipeline_mode<synchronous>, transform_indices = @transform_10, window_bounds = array<i64: 1, 128>}, {pipeline_mode = #tpu.pipeline_mode<synchronous>, transform_indices = @transform_11, window_bounds = array<i64: 128, 128>}, {pipeline_mode = #tpu.pipeline_mode<synchronous>, transform_indices = @transform_12, window_bounds = array<i64: 1, 128>}, {pipeline_mode = #tpu.pipeline_mode<synchronous>, transform_indices = @transform_13, window_bounds = array<i64: 128, 64>}, {pipeline_mode = #tpu.pipeline_mode<synchronous>, transform_indices = @transform_14, window_bounds = array<i64: 1, 64>}, {pipeline_mode = #tpu.pipeline_mode<synchronous>, transform_indices = @transform_15, window_bounds = array<i64: 128, 128>}, {pipeline_mode = #tpu.pipeline_mode<synchronous>, transform_indices = @transform_16, window_bounds = array<i64: 1, 128>}, {pipeline_mode = #tpu.pipeline_mode<synchronous>, transform_indices = @transform_17, window_bounds = array<i64: 1, 128>}, {pipeline_mode = #tpu.pipeline_mode<synchronous>, transform_indices = @transform_18, window_bounds = array<i64: 128, 128>}, {pipeline_mode = #tpu.pipeline_mode<synchronous>, transform_indices = @transform_19, window_bounds = array<i64: 1, 128>}, {pipeline_mode = #tpu.pipeline_mode<synchronous>, transform_indices = @transform_20, window_bounds = array<i64: 128, 64>}, {pipeline_mode = #tpu.pipeline_mode<synchronous>, transform_indices = @transform_21, window_bounds = array<i64: 1, 64>}, {pipeline_mode = #tpu.pipeline_mode<synchronous>, transform_indices = @transform_22, window_bounds = array<i64: 128, 128>}, {pipeline_mode = #tpu.pipeline_mode<synchronous>, transform_indices = @transform_23, window_bounds = array<i64: 64, 128>}, {pipeline_mode = #tpu.pipeline_mode<synchronous>, transform_indices = @transform_24, window_bounds = array<i64: 64, 128>}, {pipeline_mode = #tpu.pipeline_mode<synchronous>, transform_indices = @transform_25, window_bounds = array<i64: 1, 128>}, {pipeline_mode = #tpu.pipeline_mode<synchronous>, transform_indices = @transform_26, window_bounds = array<i64: 128, 128>}, {pipeline_mode = #tpu.pipeline_mode<synchronous>, transform_indices = @transform_27, window_bounds = array<i64: 1, 128>}, {pipeline_mode = #tpu.pipeline_mode<synchronous>, transform_indices = @transform_28, window_bounds = array<i64: 128, 8>}, {pipeline_mode = #tpu.pipeline_mode<synchronous>, transform_indices = @transform_29, window_bounds = array<i64: 1, 8>}, {pipeline_mode = #tpu.pipeline_mode<synchronous>, transform_indices = @transform_30, window_bounds = array<i64: 128, 128>}, {pipeline_mode = #tpu.pipeline_mode<synchronous>, transform_indices = @transform_31, window_bounds = array<i64: 1, 128>}, {pipeline_mode = #tpu.pipeline_mode<synchronous>, transform_indices = @transform_32, window_bounds = array<i64: 128, 8>}, {pipeline_mode = #tpu.pipeline_mode<synchronous>, transform_indices = @transform_33, window_bounds = array<i64: 1, 8>}, {transform_indices = @transform_34, window_bounds = array<i64: 2000, 8>}, {transform_indices = @transform_35, window_bounds = array<i64: 2000, 8>}]} {
    %get3A = arith.constant 0 : index
    %get3A_0 = arith.constant 0 : index
    %get3A_1 = vector.load %arg4[%get3A, %get3A_0] : memref<2000x1xf32, #tpu.memory_space<vmem>>, vector<2000x1xf32>
    %get3A_2 = arith.constant 0 : index
    %get3A_3 = arith.constant 0 : index
    %get3A_4 = vector.load %arg5[%get3A_2, %get3A_3] : memref<2000x1xf32, #tpu.memory_space<vmem>>, vector<2000x1xf32>
    %add3A = arith.addf %get3A_1, %get3A_4 : vector<2000x1xf32>
    %add3A_5 = arith.constant 1.000000e+00 : f32
    %add3A_6 = vector.broadcast %add3A_5 : f32 to vector<2000x1xf32>
    %add3A_7 = arith.addf %add3A, %add3A_6 : vector<2000x1xf32>
    %sqrt3A = math.sqrt %add3A_7 : vector<2000x1xf32>
    %div3A = arith.constant 1.000000e+00 : f32
    %div3A_8 = vector.broadcast %div3A : f32 to vector<2000x1xf32>
    %div3A_9 = arith.divf %div3A_8, %sqrt3A : vector<2000x1xf32>
    %get3A_10 = arith.constant 0 : index
    %get3A_11 = arith.constant 0 : index
    %get3A_12 = vector.load %arg1[%get3A_10, %get3A_11] : memref<2000x128xf32, #tpu.memory_space<vmem>>, vector<2000x128xf32>
    %get3A_13 = arith.constant 0 : index
    %get3A_14 = arith.constant 0 : index
    %get3A_15 = vector.load %arg2[%get3A_13, %get3A_14] : memref<2000x128xf32, #tpu.memory_space<vmem>>, vector<2000x128xf32>
    %add3A_16 = arith.addf %get3A_12, %get3A_15 : vector<2000x128xf32>
    %get3A_17 = arith.constant 0 : index
    %get3A_18 = arith.constant 0 : index
    %get3A_19 = vector.load %arg3[%get3A_17, %get3A_18] : memref<2000x128xf32, #tpu.memory_space<vmem>>, vector<2000x128xf32>
    %add3A_20 = arith.addf %add3A_16, %get3A_19 : vector<2000x128xf32>
    %mul3A = vector.broadcast %div3A_9 : vector<2000x1xf32> to vector<2000x128xf32>
    %mul3A_21 = arith.mulf %add3A_20, %mul3A : vector<2000x128xf32>
    %get3A_22 = arith.constant 0 : index
    %get3A_23 = arith.constant 0 : index
    %get3A_24 = vector.load %arg8[%get3A_22, %get3A_23] : memref<1x128xf32, #tpu.memory_space<vmem>>, vector<1x128xf32>
    %add3A_25 = vector.broadcast %get3A_24 : vector<1x128xf32> to vector<2000x128xf32>
    %add3A_26 = arith.addf %mul3A_21, %add3A_25 : vector<2000x128xf32>
    %max3A = arith.constant 0.000000e+00 : f32
    %max3A_27 = vector.broadcast %max3A : f32 to vector<2000x128xf32>
    %max3A_28 = arith.maximumf %add3A_26, %max3A_27 : vector<2000x128xf32>
    %get3A_29 = arith.constant 0 : index
    %get3A_30 = arith.constant 0 : index
    %get3A_31 = vector.load %arg9[%get3A_29, %get3A_30] : memref<128x128xf32, #tpu.memory_space<vmem>>, vector<128x128xf32>
    %dot_general3A = arith.constant dense<0.000000e+00> : vector<2000x128xf32>
    %dot_general3A_32 = tpu.matmul %max3A_28, %get3A_31, %dot_general3A {dimension_numbers = #tpu.dot_dimension_numbers<[1], [0], [0], [1], [0, 0, 1, 1], [], []>, transpose_lhs_hint = false} : vector<2000x128xf32>, vector<128x128xf32>, vector<2000x128xf32> -> vector<2000x128xf32>
    %get3A_33 = arith.constant 0 : index
    %get3A_34 = arith.constant 0 : index
    %get3A_35 = vector.load %arg6[%get3A_33, %get3A_34] : memref<2000x1xf32, #tpu.memory_space<vmem>>, vector<2000x1xf32>
    %convert_element_type3A = arith.truncf %get3A_35 : vector<2000x1xf32> to vector<2000x1xbf16>
    %convert_element_type3A_36 = arith.extf %convert_element_type3A : vector<2000x1xbf16> to vector<2000x1xf32>
    %get3A_37 = arith.constant 0 : index
    %get3A_38 = arith.constant 0 : index
    %get3A_39 = vector.load %arg10[%get3A_37, %get3A_38] : memref<1x128xf32, #tpu.memory_space<vmem>>, vector<1x128xf32>
    %convert_element_type3A_40 = arith.truncf %get3A_39 : vector<1x128xf32> to vector<1x128xbf16>
    %convert_element_type3A_41 = arith.extf %convert_element_type3A_40 : vector<1x128xbf16> to vector<1x128xf32>
    %mul3A_42 = vector.broadcast %convert_element_type3A_36 : vector<2000x1xf32> to vector<2000x128xf32>
    %mul3A_43 = vector.broadcast %convert_element_type3A_41 : vector<1x128xf32> to vector<2000x128xf32>
    %mul3A_44 = arith.mulf %mul3A_42, %mul3A_43 : vector<2000x128xf32>
    %add3A_45 = arith.addf %dot_general3A_32, %mul3A_44 : vector<2000x128xf32>
    %get3A_46 = arith.constant 0 : index
    %get3A_47 = arith.constant 0 : index
    %get3A_48 = vector.load %arg11[%get3A_46, %get3A_47] : memref<1x128xf32, #tpu.memory_space<vmem>>, vector<1x128xf32>
    %add3A_49 = vector.broadcast %get3A_48 : vector<1x128xf32> to vector<2000x128xf32>
    %add3A_50 = arith.addf %add3A_45, %add3A_49 : vector<2000x128xf32>
    %max3A_51 = arith.constant 0.000000e+00 : f32
    %max3A_52 = vector.broadcast %max3A_51 : f32 to vector<2000x128xf32>
    %max3A_53 = arith.maximumf %add3A_50, %max3A_52 : vector<2000x128xf32>
    %get3A_54 = arith.constant 0 : index
    %get3A_55 = arith.constant 0 : index
    %get3A_56 = vector.load %arg12[%get3A_54, %get3A_55] : memref<128x128xf32, #tpu.memory_space<vmem>>, vector<128x128xf32>
    %dot_general3A_57 = arith.constant dense<0.000000e+00> : vector<2000x128xf32>
    %dot_general3A_58 = tpu.matmul %max3A_53, %get3A_56, %dot_general3A_57 {dimension_numbers = #tpu.dot_dimension_numbers<[1], [0], [0], [1], [0, 0, 1, 1], [], []>, transpose_lhs_hint = false} : vector<2000x128xf32>, vector<128x128xf32>, vector<2000x128xf32> -> vector<2000x128xf32>
    %get3A_59 = arith.constant 0 : index
    %get3A_60 = arith.constant 0 : index
    %get3A_61 = vector.load %arg13[%get3A_59, %get3A_60] : memref<1x128xf32, #tpu.memory_space<vmem>>, vector<1x128xf32>
    %add3A_62 = vector.broadcast %get3A_61 : vector<1x128xf32> to vector<2000x128xf32>
    %add3A_63 = arith.addf %dot_general3A_58, %add3A_62 : vector<2000x128xf32>
    %max3A_64 = arith.constant 0.000000e+00 : f32
    %max3A_65 = vector.broadcast %max3A_64 : f32 to vector<2000x128xf32>
    %max3A_66 = arith.maximumf %add3A_63, %max3A_65 : vector<2000x128xf32>
    %get3A_67 = arith.constant 0 : index
    %get3A_68 = arith.constant 0 : index
    %get3A_69 = vector.load %arg14[%get3A_67, %get3A_68] : memref<128x64xf32, #tpu.memory_space<vmem>>, vector<128x64xf32>
    %dot_general3A_70 = arith.constant dense<0.000000e+00> : vector<2000x64xf32>
    %dot_general3A_71 = tpu.matmul %max3A_66, %get3A_69, %dot_general3A_70 {dimension_numbers = #tpu.dot_dimension_numbers<[1], [0], [0], [1], [0, 0, 1, 1], [], []>, transpose_lhs_hint = false} : vector<2000x128xf32>, vector<128x64xf32>, vector<2000x64xf32> -> vector<2000x64xf32>
    %get3A_72 = arith.constant 0 : index
    %get3A_73 = arith.constant 0 : index
    %get3A_74 = vector.load %arg15[%get3A_72, %get3A_73] : memref<1x64xf32, #tpu.memory_space<vmem>>, vector<1x64xf32>
    %add3A_75 = vector.broadcast %get3A_74 : vector<1x64xf32> to vector<2000x64xf32>
    %add3A_76 = arith.addf %dot_general3A_71, %add3A_75 : vector<2000x64xf32>
    %get3A_77 = arith.constant 0 : index
    %get3A_78 = arith.constant 0 : index
    %get3A_79 = vector.load %arg16[%get3A_77, %get3A_78] : memref<128x128xf32, #tpu.memory_space<vmem>>, vector<128x128xf32>
    %dot_general3A_80 = arith.constant dense<0.000000e+00> : vector<2000x128xf32>
    %dot_general3A_81 = tpu.matmul %max3A_28, %get3A_79, %dot_general3A_80 {dimension_numbers = #tpu.dot_dimension_numbers<[1], [0], [0], [1], [0, 0, 1, 1], [], []>, transpose_lhs_hint = false} : vector<2000x128xf32>, vector<128x128xf32>, vector<2000x128xf32> -> vector<2000x128xf32>
    %get3A_82 = arith.constant 0 : index
    %get3A_83 = arith.constant 0 : index
    %get3A_84 = vector.load %arg7[%get3A_82, %get3A_83] : memref<2000x1xf32, #tpu.memory_space<vmem>>, vector<2000x1xf32>
    %convert_element_type3A_85 = arith.truncf %get3A_84 : vector<2000x1xf32> to vector<2000x1xbf16>
    %convert_element_type3A_86 = arith.extf %convert_element_type3A_85 : vector<2000x1xbf16> to vector<2000x1xf32>
    %get3A_87 = arith.constant 0 : index
    %get3A_88 = arith.constant 0 : index
    %get3A_89 = vector.load %arg17[%get3A_87, %get3A_88] : memref<1x128xf32, #tpu.memory_space<vmem>>, vector<1x128xf32>
    %convert_element_type3A_90 = arith.truncf %get3A_89 : vector<1x128xf32> to vector<1x128xbf16>
    %convert_element_type3A_91 = arith.extf %convert_element_type3A_90 : vector<1x128xbf16> to vector<1x128xf32>
    %mul3A_92 = vector.broadcast %convert_element_type3A_86 : vector<2000x1xf32> to vector<2000x128xf32>
    %mul3A_93 = vector.broadcast %convert_element_type3A_91 : vector<1x128xf32> to vector<2000x128xf32>
    %mul3A_94 = arith.mulf %mul3A_92, %mul3A_93 : vector<2000x128xf32>
    %add3A_95 = arith.addf %dot_general3A_81, %mul3A_94 : vector<2000x128xf32>
    %get3A_96 = arith.constant 0 : index
    %get3A_97 = arith.constant 0 : index
    %get3A_98 = vector.load %arg18[%get3A_96, %get3A_97] : memref<1x128xf32, #tpu.memory_space<vmem>>, vector<1x128xf32>
    %add3A_99 = vector.broadcast %get3A_98 : vector<1x128xf32> to vector<2000x128xf32>
    %add3A_100 = arith.addf %add3A_95, %add3A_99 : vector<2000x128xf32>
    %max3A_101 = arith.constant 0.000000e+00 : f32
    %max3A_102 = vector.broadcast %max3A_101 : f32 to vector<2000x128xf32>
    %max3A_103 = arith.maximumf %add3A_100, %max3A_102 : vector<2000x128xf32>
    %get3A_104 = arith.constant 0 : index
    %get3A_105 = arith.constant 0 : index
    %get3A_106 = vector.load %arg19[%get3A_104, %get3A_105] : memref<128x128xf32, #tpu.memory_space<vmem>>, vector<128x128xf32>
    %dot_general3A_107 = arith.constant dense<0.000000e+00> : vector<2000x128xf32>
    %dot_general3A_108 = tpu.matmul %max3A_103, %get3A_106, %dot_general3A_107 {dimension_numbers = #tpu.dot_dimension_numbers<[1], [0], [0], [1], [0, 0, 1, 1], [], []>, transpose_lhs_hint = false} : vector<2000x128xf32>, vector<128x128xf32>, vector<2000x128xf32> -> vector<2000x128xf32>
    %get3A_109 = arith.constant 0 : index
    %get3A_110 = arith.constant 0 : index
    %get3A_111 = vector.load %arg20[%get3A_109, %get3A_110] : memref<1x128xf32, #tpu.memory_space<vmem>>, vector<1x128xf32>
    %add3A_112 = vector.broadcast %get3A_111 : vector<1x128xf32> to vector<2000x128xf32>
    %add3A_113 = arith.addf %dot_general3A_108, %add3A_112 : vector<2000x128xf32>
    %max3A_114 = arith.constant 0.000000e+00 : f32
    %max3A_115 = vector.broadcast %max3A_114 : f32 to vector<2000x128xf32>
    %max3A_116 = arith.maximumf %add3A_113, %max3A_115 : vector<2000x128xf32>
    %get3A_117 = arith.constant 0 : index
    %get3A_118 = arith.constant 0 : index
    %get3A_119 = vector.load %arg21[%get3A_117, %get3A_118] : memref<128x64xf32, #tpu.memory_space<vmem>>, vector<128x64xf32>
    %dot_general3A_120 = arith.constant dense<0.000000e+00> : vector<2000x64xf32>
    %dot_general3A_121 = tpu.matmul %max3A_116, %get3A_119, %dot_general3A_120 {dimension_numbers = #tpu.dot_dimension_numbers<[1], [0], [0], [1], [0, 0, 1, 1], [], []>, transpose_lhs_hint = false} : vector<2000x128xf32>, vector<128x64xf32>, vector<2000x64xf32> -> vector<2000x64xf32>
    %get3A_122 = arith.constant 0 : index
    %get3A_123 = arith.constant 0 : index
    %get3A_124 = vector.load %arg22[%get3A_122, %get3A_123] : memref<1x64xf32, #tpu.memory_space<vmem>>, vector<1x64xf32>
    %add3A_125 = vector.broadcast %get3A_124 : vector<1x64xf32> to vector<2000x64xf32>
    %add3A_126 = arith.addf %dot_general3A_121, %add3A_125 : vector<2000x64xf32>
    %get3A_127 = arith.constant 0 : index
    %get3A_128 = arith.constant 0 : index
    %get3A_129 = vector.load %arg23[%get3A_127, %get3A_128] : memref<128x128xf32, #tpu.memory_space<vmem>>, vector<128x128xf32>
    %dot_general3A_130 = arith.constant dense<0.000000e+00> : vector<2000x128xf32>
    %dot_general3A_131 = tpu.matmul %max3A_28, %get3A_129, %dot_general3A_130 {dimension_numbers = #tpu.dot_dimension_numbers<[1], [0], [0], [1], [0, 0, 1, 1], [], []>, transpose_lhs_hint = false} : vector<2000x128xf32>, vector<128x128xf32>, vector<2000x128xf32> -> vector<2000x128xf32>
    %get3A_132 = arith.constant 0 : index
    %get3A_133 = arith.constant 0 : index
    %get3A_134 = vector.load %arg24[%get3A_132, %get3A_133] : memref<64x128xf32, #tpu.memory_space<vmem>>, vector<64x128xf32>
    %dot_general3A_135 = arith.constant dense<0.000000e+00> : vector<2000x128xf32>
    %dot_general3A_136 = tpu.matmul %add3A_76, %get3A_134, %dot_general3A_135 {dimension_numbers = #tpu.dot_dimension_numbers<[1], [0], [0], [1], [0, 0, 1, 1], [], []>, transpose_lhs_hint = false} : vector<2000x64xf32>, vector<64x128xf32>, vector<2000x128xf32> -> vector<2000x128xf32>
    %add3A_137 = arith.addf %dot_general3A_131, %dot_general3A_136 : vector<2000x128xf32>
    %get3A_138 = arith.constant 0 : index
    %get3A_139 = arith.constant 0 : index
    %get3A_140 = vector.load %arg25[%get3A_138, %get3A_139] : memref<64x128xf32, #tpu.memory_space<vmem>>, vector<64x128xf32>
    %dot_general3A_141 = arith.constant dense<0.000000e+00> : vector<2000x128xf32>
    %dot_general3A_142 = tpu.matmul %add3A_126, %get3A_140, %dot_general3A_141 {dimension_numbers = #tpu.dot_dimension_numbers<[1], [0], [0], [1], [0, 0, 1, 1], [], []>, transpose_lhs_hint = false} : vector<2000x64xf32>, vector<64x128xf32>, vector<2000x128xf32> -> vector<2000x128xf32>
    %add3A_143 = arith.addf %add3A_137, %dot_general3A_142 : vector<2000x128xf32>
    %get3A_144 = arith.constant 0 : index
    %get3A_145 = arith.constant 0 : index
    %get3A_146 = vector.load %arg26[%get3A_144, %get3A_145] : memref<1x128xf32, #tpu.memory_space<vmem>>, vector<1x128xf32>
    %add3A_147 = vector.broadcast %get3A_146 : vector<1x128xf32> to vector<2000x128xf32>
    %add3A_148 = arith.addf %add3A_143, %add3A_147 : vector<2000x128xf32>
    %max3A_149 = arith.constant 0.000000e+00 : f32
    %max3A_150 = vector.broadcast %max3A_149 : f32 to vector<2000x128xf32>
    %max3A_151 = arith.maximumf %add3A_148, %max3A_150 : vector<2000x128xf32>
    %get3A_152 = arith.constant 0 : index
    %get3A_153 = arith.constant 0 : index
    %get3A_154 = vector.load %arg27[%get3A_152, %get3A_153] : memref<128x128xf32, #tpu.memory_space<vmem>>, vector<128x128xf32>
    %dot_general3A_155 = arith.constant dense<0.000000e+00> : vector<2000x128xf32>
    %dot_general3A_156 = tpu.matmul %max3A_151, %get3A_154, %dot_general3A_155 {dimension_numbers = #tpu.dot_dimension_numbers<[1], [0], [0], [1], [0, 0, 1, 1], [], []>, transpose_lhs_hint = false} : vector<2000x128xf32>, vector<128x128xf32>, vector<2000x128xf32> -> vector<2000x128xf32>
    %get3A_157 = arith.constant 0 : index
    %get3A_158 = arith.constant 0 : index
    %get3A_159 = vector.load %arg28[%get3A_157, %get3A_158] : memref<1x128xf32, #tpu.memory_space<vmem>>, vector<1x128xf32>
    %add3A_160 = vector.broadcast %get3A_159 : vector<1x128xf32> to vector<2000x128xf32>
    %add3A_161 = arith.addf %dot_general3A_156, %add3A_160 : vector<2000x128xf32>
    %max3A_162 = arith.constant 0.000000e+00 : f32
    %max3A_163 = vector.broadcast %max3A_162 : f32 to vector<2000x128xf32>
    %max3A_164 = arith.maximumf %add3A_161, %max3A_163 : vector<2000x128xf32>
    %get3A_165 = arith.constant 0 : index
    %get3A_166 = arith.constant 0 : index
    %get3A_167 = vector.load %arg29[%get3A_165, %get3A_166] : memref<128x8xf32, #tpu.memory_space<vmem>>, vector<128x8xf32>
    %dot_general3A_168 = arith.constant dense<0.000000e+00> : vector<2000x8xf32>
    %dot_general3A_169 = tpu.matmul %max3A_164, %get3A_167, %dot_general3A_168 {dimension_numbers = #tpu.dot_dimension_numbers<[1], [0], [0], [1], [0, 0, 1, 1], [], []>, transpose_lhs_hint = false} : vector<2000x128xf32>, vector<128x8xf32>, vector<2000x8xf32> -> vector<2000x8xf32>
    %get3A_170 = arith.constant 0 : index
    %get3A_171 = arith.constant 0 : index
    %get3A_172 = vector.load %arg30[%get3A_170, %get3A_171] : memref<1x8xf32, #tpu.memory_space<vmem>>, vector<1x8xf32>
    %add3A_173 = vector.broadcast %get3A_172 : vector<1x8xf32> to vector<2000x8xf32>
    %add3A_174 = arith.addf %dot_general3A_169, %add3A_173 : vector<2000x8xf32>
    %tanh3A = math.tanh %add3A_174 : vector<2000x8xf32>
    %swap3A = arith.constant 0 : index
    %swap3A_175 = arith.constant 0 : index
    %swap3A_176 = vector.load %arg36[%swap3A, %swap3A_175] : memref<2000x8xf32, #tpu.memory_space<vmem>>, vector<2000x8xf32>
    tpu.vector_store %arg36[%swap3A, %swap3A_175], %tanh3A {strides = array<i32>} : memref<2000x8xf32, #tpu.memory_space<vmem>>, vector<2000x8xf32>,
    %get3A_177 = arith.constant 0 : index
    %get3A_178 = arith.constant 0 : index
    %get3A_179 = vector.load %arg31[%get3A_177, %get3A_178] : memref<128x128xf32, #tpu.memory_space<vmem>>, vector<128x128xf32>
    %dot_general3A_180 = arith.constant dense<0.000000e+00> : vector<2000x128xf32>
    %dot_general3A_181 = tpu.matmul %max3A_151, %get3A_179, %dot_general3A_180 {dimension_numbers = #tpu.dot_dimension_numbers<[1], [0], [0], [1], [0, 0, 1, 1], [], []>, transpose_lhs_hint = false} : vector<2000x128xf32>, vector<128x128xf32>, vector<2000x128xf32> -> vector<2000x128xf32>
    %get3A_182 = arith.constant 0 : index
    %get3A_183 = arith.constant 0 : index
    %get3A_184 = vector.load %arg32[%get3A_182, %get3A_183] : memref<1x128xf32, #tpu.memory_space<vmem>>, vector<1x128xf32>
    %add3A_185 = vector.broadcast %get3A_184 : vector<1x128xf32> to vector<2000x128xf32>
    %add3A_186 = arith.addf %dot_general3A_181, %add3A_185 : vector<2000x128xf32>
    %max3A_187 = arith.constant 0.000000e+00 : f32
    %max3A_188 = vector.broadcast %max3A_187 : f32 to vector<2000x128xf32>
    %max3A_189 = arith.maximumf %add3A_186, %max3A_188 : vector<2000x128xf32>
    %get3A_190 = arith.constant 0 : index
    %get3A_191 = arith.constant 0 : index
    %get3A_192 = vector.load %arg33[%get3A_190, %get3A_191] : memref<128x8xf32, #tpu.memory_space<vmem>>, vector<128x8xf32>
    %dot_general3A_193 = arith.constant dense<0.000000e+00> : vector<2000x8xf32>
    %dot_general3A_194 = tpu.matmul %max3A_189, %get3A_192, %dot_general3A_193 {dimension_numbers = #tpu.dot_dimension_numbers<[1], [0], [0], [1], [0, 0, 1, 1], [], []>, transpose_lhs_hint = false} : vector<2000x128xf32>, vector<128x8xf32>, vector<2000x8xf32> -> vector<2000x8xf32>
    %get3A_195 = arith.constant 0 : index
    %get3A_196 = arith.constant 0 : index
    %get3A_197 = vector.load %arg34[%get3A_195, %get3A_196] : memref<1x8xf32, #tpu.memory_space<vmem>>, vector<1x8xf32>
    %add3A_198 = vector.broadcast %get3A_197 : vector<1x8xf32> to vector<2000x8xf32>
    %add3A_199 = arith.addf %dot_general3A_194, %add3A_198 : vector<2000x8xf32>
    %tanh3A_200 = math.tanh %add3A_199 : vector<2000x8xf32>
    %swap3A_201 = arith.constant 0 : index
    %swap3A_202 = arith.constant 0 : index
    %swap3A_203 = vector.load %arg35[%swap3A_201, %swap3A_202] : memref<2000x8xf32, #tpu.memory_space<vmem>>, vector<2000x8xf32>
    tpu.vector_store %arg35[%swap3A_201, %swap3A_202], %tanh3A_200 {strides = array<i32>} : memref<2000x8xf32, #tpu.memory_space<vmem>>, vector<2000x8xf32>,
    return
  }
  func.func @transform_0(%arg0: i32) -> (i32, i32) {
    %c0_i32 = arith.constant 0 : i32
    %c0_i32_0 = arith.constant 0 : i32
    return %arg0, %c0_i32 : i32, i32
  }
  func.func @transform_1(%arg0: i32) -> (i32, i32) {
    %c0_i32 = arith.constant 0 : i32
    %c0_i32_0 = arith.constant 0 : i32
    return %arg0, %c0_i32 : i32, i32
  }
  func.func @transform_2(%arg0: i32) -> (i32, i32) {
    %c0_i32 = arith.constant 0 : i32
    %c0_i32_0 = arith.constant 0 : i32
    return %arg0, %c0_i32 : i32, i32
  }
  func.func @transform_3(%arg0: i32) -> (i32, i32) {
    %c0_i32 = arith.constant 0 : i32
    %c0_i32_0 = arith.constant 0 : i32
    return %arg0, %c0_i32 : i32, i32
  }
  func.func @transform_4(%arg0: i32) -> (i32, i32) {
    %c0_i32 = arith.constant 0 : i32
    %c0_i32_0 = arith.constant 0 : i32
    return %arg0, %c0_i32 : i32, i32
  }
  func.func @transform_5(%arg0: i32) -> (i32, i32) {
    %c0_i32 = arith.constant 0 : i32
    %c0_i32_0 = arith.constant 0 : i32
    return %arg0, %c0_i32 : i32, i32
  }
  func.func @transform_6(%arg0: i32) -> (i32, i32) {
    %c0_i32 = arith.constant 0 : i32
    %c0_i32_0 = arith.constant 0 : i32
    return %arg0, %c0_i32 : i32, i32
  }
  func.func @transform_7(%arg0: i32) -> (i32, i32) {
    %c0_i32 = arith.constant 0 : i32
    %c0_i32_0 = arith.constant 0 : i32
    %c0_i32_1 = arith.constant 0 : i32
    return %c0_i32, %c0_i32_0 : i32, i32
  }
  func.func @transform_8(%arg0: i32) -> (i32, i32) {
    %c0_i32 = arith.constant 0 : i32
    %c0_i32_0 = arith.constant 0 : i32
    %c0_i32_1 = arith.constant 0 : i32
    return %c0_i32, %c0_i32_0 : i32, i32
  }
  func.func @transform_9(%arg0: i32) -> (i32, i32) {
    %c0_i32 = arith.constant 0 : i32
    %c0_i32_0 = arith.constant 0 : i32
    %c0_i32_1 = arith.constant 0 : i32
    return %c0_i32, %c0_i32_0 : i32, i32
  }
  func.func @transform_10(%arg0: i32) -> (i32, i32) {
    %c0_i32 = arith.constant 0 : i32
    %c0_i32_0 = arith.constant 0 : i32
    %c0_i32_1 = arith.constant 0 : i32
    return %c0_i32, %c0_i32_0 : i32, i32
  }
  func.func @transform_11(%arg0: i32) -> (i32, i32) {
    %c0_i32 = arith.constant 0 : i32
    %c0_i32_0 = arith.constant 0 : i32
    %c0_i32_1 = arith.constant 0 : i32
    return %c0_i32, %c0_i32_0 : i32, i32
  }
  func.func @transform_12(%arg0: i32) -> (i32, i32) {
    %c0_i32 = arith.constant 0 : i32
    %c0_i32_0 = arith.constant 0 : i32
    %c0_i32_1 = arith.constant 0 : i32
    return %c0_i32, %c0_i32_0 : i32, i32
  }
  func.func @transform_13(%arg0: i32) -> (i32, i32) {
    %c0_i32 = arith.constant 0 : i32
    %c0_i32_0 = arith.constant 0 : i32
    %c0_i32_1 = arith.constant 0 : i32
    return %c0_i32, %c0_i32_0 : i32, i32
  }
  func.func @transform_14(%arg0: i32) -> (i32, i32) {
    %c0_i32 = arith.constant 0 : i32
    %c0_i32_0 = arith.constant 0 : i32
    %c0_i32_1 = arith.constant 0 : i32
    return %c0_i32, %c0_i32_0 : i32, i32
  }
  func.func @transform_15(%arg0: i32) -> (i32, i32) {
    %c0_i32 = arith.constant 0 : i32
    %c0_i32_0 = arith.constant 0 : i32
    %c0_i32_1 = arith.constant 0 : i32
    return %c0_i32, %c0_i32_0 : i32, i32
  }
  func.func @transform_16(%arg0: i32) -> (i32, i32) {
    %c0_i32 = arith.constant 0 : i32
    %c0_i32_0 = arith.constant 0 : i32
    %c0_i32_1 = arith.constant 0 : i32
    return %c0_i32, %c0_i32_0 : i32, i32
  }
  func.func @transform_17(%arg0: i32) -> (i32, i32) {
    %c0_i32 = arith.constant 0 : i32
    %c0_i32_0 = arith.constant 0 : i32
    %c0_i32_1 = arith.constant 0 : i32
    return %c0_i32, %c0_i32_0 : i32, i32
  }
  func.func @transform_18(%arg0: i32) -> (i32, i32) {
    %c0_i32 = arith.constant 0 : i32
    %c0_i32_0 = arith.constant 0 : i32
    %c0_i32_1 = arith.constant 0 : i32
    return %c0_i32, %c0_i32_0 : i32, i32
  }
  func.func @transform_19(%arg0: i32) -> (i32, i32) {
    %c0_i32 = arith.constant 0 : i32
    %c0_i32_0 = arith.constant 0 : i32
    %c0_i32_1 = arith.constant 0 : i32
    return %c0_i32, %c0_i32_0 : i32, i32
  }
  func.func @transform_20(%arg0: i32) -> (i32, i32) {
    %c0_i32 = arith.constant 0 : i32
    %c0_i32_0 = arith.constant 0 : i32
    %c0_i32_1 = arith.constant 0 : i32
    return %c0_i32, %c0_i32_0 : i32, i32
  }
  func.func @transform_21(%arg0: i32) -> (i32, i32) {
    %c0_i32 = arith.constant 0 : i32
    %c0_i32_0 = arith.constant 0 : i32
    %c0_i32_1 = arith.constant 0 : i32
    return %c0_i32, %c0_i32_0 : i32, i32
  }
  func.func @transform_22(%arg0: i32) -> (i32, i32) {
    %c0_i32 = arith.constant 0 : i32
    %c0_i32_0 = arith.constant 0 : i32
    %c0_i32_1 = arith.constant 0 : i32
    return %c0_i32, %c0_i32_0 : i32, i32
  }
  func.func @transform_23(%arg0: i32) -> (i32, i32) {
    %c0_i32 = arith.constant 0 : i32
    %c0_i32_0 = arith.constant 0 : i32
    %c0_i32_1 = arith.constant 0 : i32
    return %c0_i32, %c0_i32_0 : i32, i32
  }
  func.func @transform_24(%arg0: i32) -> (i32, i32) {
    %c0_i32 = arith.constant 0 : i32
    %c0_i32_0 = arith.constant 0 : i32
    %c0_i32_1 = arith.constant 0 : i32
    return %c0_i32, %c0_i32_0 : i32, i32
  }
  func.func @transform_25(%arg0: i32) -> (i32, i32) {
    %c0_i32 = arith.constant 0 : i32
    %c0_i32_0 = arith.constant 0 : i32
    %c0_i32_1 = arith.constant 0 : i32
    return %c0_i32, %c0_i32_0 : i32, i32
  }
  func.func @transform_26(%arg0: i32) -> (i32, i32) {
    %c0_i32 = arith.constant 0 : i32
    %c0_i32_0 = arith.constant 0 : i32
    %c0_i32_1 = arith.constant 0 : i32
    return %c0_i32, %c0_i32_0 : i32, i32
  }
  func.func @transform_27(%arg0: i32) -> (i32, i32) {
    %c0_i32 = arith.constant 0 : i32
    %c0_i32_0 = arith.constant 0 : i32
    %c0_i32_1 = arith.constant 0 : i32
    return %c0_i32, %c0_i32_0 : i32, i32
  }
  func.func @transform_28(%arg0: i32) -> (i32, i32) {
    %c0_i32 = arith.constant 0 : i32
    %c0_i32_0 = arith.constant 0 : i32
    %c0_i32_1 = arith.constant 0 : i32
    return %c0_i32, %c0_i32_0 : i32, i32
  }
  func.func @transform_29(%arg0: i32) -> (i32, i32) {
    %c0_i32 = arith.constant 0 : i32
    %c0_i32_0 = arith.constant 0 : i32
    %c0_i32_1 = arith.constant 0 : i32
    return %c0_i32, %c0_i32_0 : i32, i32
  }
  func.func @transform_30(%arg0: i32) -> (i32, i32) {
    %c0_i32 = arith.constant 0 : i32
    %c0_i32_0 = arith.constant 0 : i32
    %c0_i32_1 = arith.constant 0 : i32
    return %c0_i32, %c0_i32_0 : i32, i32
  }
  func.func @transform_31(%arg0: i32) -> (i32, i32) {
    %c0_i32 = arith.constant 0 : i32
    %c0_i32_0 = arith.constant 0 : i32
    %c0_i32_1 = arith.constant 0 : i32
    return %c0_i32, %c0_i32_0 : i32, i32
  }
  func.func @transform_32(%arg0: i32) -> (i32, i32) {
    %c0_i32 = arith.constant 0 : i32
    %c0_i32_0 = arith.constant 0 : i32
    %c0_i32_1 = arith.constant 0 : i32
    return %c0_i32, %c0_i32_0 : i32, i32
  }
  func.func @transform_33(%arg0: i32) -> (i32, i32) {
    %c0_i32 = arith.constant 0 : i32
    %c0_i32_0 = arith.constant 0 : i32
    %c0_i32_1 = arith.constant 0 : i32
    return %c0_i32, %c0_i32_0 : i32, i32
  }
  func.func @transform_34(%arg0: i32) -> (i32, i32) {
    %c0_i32 = arith.constant 0 : i32
    %c0_i32_0 = arith.constant 0 : i32
    return %arg0, %c0_i32 : i32, i32
  }
  func.func @transform_35(%arg0: i32) -> (i32, i32) {
    %c0_i32 = arith.constant 0 : i32
    %c0_i32_0 = arith.constant 0 : i32
    return %arg0, %c0_i32 : i32, i32
  }
}

</mosaic_0001>

<sc_bundles>
// kernel: kernel.11.cloned.1.call-start
scs
__scs_entry_jumppad:
0x0: {  	(pc) =	sbr.rel $0x88, $3  }
0x1: {  	(tag) =	ssettag $0x0;
	lr =	simm.s32 $0x1  }
0x2: {  	[smem:$0x3F83] =	sst lr;
	_ =	strace $0xD0000000  }
0x3: {  	_ = 	snop  }
0x4: {  	_ = 	snop  }
0x5: {  	_ = 	snop  }
0x6: {  	_ = 	snop  }
0x7: {  	_ = 	snop  }
__scs_overlays_trampoline_lowered:
0x8: {  	[smem:$0x3F92] =	sst s0  }
0x9: {  	[smem:$0x3F93] =	sst s1  }
0xa: {  	[smem:$0x3F94] =	sst s2  }
0xb: {  	[smem:$0x3F95] =	sst s3  }
0xc: {  	[smem:$0x3F96] =	sst s4  }
0xd: {  	[smem:$0x3F97] =	sst s5  }
0xe: {  	[smem:$0x3F98] =	sst s6  }
0xf: {  	[smem:$0x3F99] =	sst s7  }
0x10: {  	[smem:$0x3F9A] =	sst s8  }
0x11: {  	[smem:$0x3F9B] =	sst s9;
	s0 =	simm.s32 @!p0 $0x0  }
0x12: {  	s1 =	sld [smem:$0x3F81];
	s0 =	simm.s32 @p0 $0x1  }
0x13: {  	[smem:$0x3F9C] =	sst s0;
	s0 =	simm.s32 @!p1 $0x0  }
0x14: {  	s2 =	sld [smem:$0x3F80];
	s0 =	simm.s32 @p1 $0x1  }
0x15: {  	[smem:$0x3F9D] =	sst s0;
	s0 =	simm.s32 @!p2 $0x0  }
0x16: {  	s3 =	sld [smem:$0x3FDB];
	s0 =	simm.s32 @p2 $0x1  }
0x17: {  	s4 =	simm.s32 $0x1BF5;
	[smem:$0x3F9F] =	sst s0  }
0x18: {  	s0 =	sld [smem:$0x3F82];
	_ =	swait.ge [sflag:s4], $0x0  }
0x19: {  	s7 =	sld [smem:$0x3F83]  }
0x1a: {  	s8 =	sadd.s32 $0xFFFFE003, lr  }
0x1b: {  	s9 =	sadd.s32 $0xFFFFFEF7, lr;
	s5 =	simm.s32 $0xFFFFFFFF;
	p2 =	slt.u32 s8, $0xFFFFF086  }
0x1c: {  	p1 =	slt.u32 s9, $0xF7A;
	s5 =	simm.s32 @!p2 $0x0  }
0x1d: {  	s5 =	simm.s32 @p1 $0x1;
	p0 =	seq.s32 s7, s2  }
0x1e: {  	s7 =	smul.u32 @!p0 $0xF7A, s2;
	p2 =	seq.s32 @!p0 s5, $0x0  }
0x1f: {  	s9 =	smul.u32 $0xF7A, s1;
	s8 =	simm.s32 @!p0 $0x1BF5;
	p2 =	por !p2, p0  }
0x20: {  	[sflag:s8] =	ssyncset.s32 @!p0 $0xFFFFF086;
	s6 =	sadd.s32 @!p0 s3, s7;
	s7 =	simm.s32 @!p0 $0x108  }
0x21: {  	s3 =	sadd.s32 s3, s9;
	s6 =	sadd.s32 @!p0 $0x88, s6;
	s7 =	simm.s32 @p2 $0x1082  }
0x22: {  	[simem:s7], [sflag:s8] =	dma.local @!p0 [hbm:s6], $0xF7A  }
0x23: {  	s9 =	sor.u32 $0xD0000000, s2;
	s6 =	simm.s32 $0x108;
	_ =	swait.ge @!p0 [sflag:s8], $0x0  }
0x24: {  	s3 =	sadd.s32 $0x88, s3;
	s6 =	simm.s32 @!p1 $0x1082;
	[sflag:s4] =	ssyncset.s32 $0xFFFFF086  }
0x25: {  	[simem:s6], [sflag:s4] =	dma.local [hbm:s3], $0xF7A  }
0x26: {  	[smem:$0x3F83] =	sst s1;
	(tag) =	ssettag s2;
	_ =	strace s9  }
0x27: {  	s1 =	sld [smem:$0x3F93]  }
0x28: {  	s2 =	sld [smem:$0x3F94]  }
0x29: {  	s4 =	sld [smem:$0x3F96]  }
0x2a: {  	p0 =	seq.s32 s5, $0x0;
	s5 =	sld [smem:$0x3F97]  }
0x2b: {  	s6 =	sld [smem:$0x3F98]  }
0x2c: {  	s7 =	sld [smem:$0x3F99]  }
0x2d: {  	s3 =	simm.s32 $0x108;
	s8 =	sld [smem:$0x3F9A]  }
0x2e: {  	s3 =	simm.s32 @!p0 $0x1082;
	s9 =	sld [smem:$0x3F9B]  }
0x2f: {  	lr =	sadd.s32 s0, s3;
	s0 =	sld [smem:$0x3F92]  }
0x30: {  	s3 =	sld [smem:$0x3F95]  }
0x31: {  	[smem:$0x3F9E] =	sst s10  }
0x32: {  	s10 =	sld [smem:$0x3F9C];
	_ =	sdelay $0x3  }
0x33: {  	p0 =	seq.s32 s10, $0x1;
	s10 =	sld [smem:$0x3F9E];
	_ =	sdelay $0x3  }
0x34: {  	[smem:$0x3F9E] =	sst s10  }
0x35: {  	s10 =	sld [smem:$0x3F9D];
	_ =	sdelay $0x3  }
0x36: {  	p1 =	seq.s32 s10, $0x1;
	s10 =	sld [smem:$0x3F9E];
	_ =	sdelay $0x3  }
0x37: {  	[smem:$0x3F9E] =	sst s10  }
0x38: {  	s10 =	sld [smem:$0x3F9F]  }
0x39: {  	_ = 	snop;
	(pc) =	sbr.ind lr, $3  }
0x3a: {  	_ = 	snop  }
0x3b: {  	_ = 	snop  }
0x3c: {  	p2 =	seq.s32 s10, $0x1;
	s10 =	sld [smem:$0x3F9E]  }
0x3d: {  	_ =	shalt  }
0x3e: {  	_ =	shalt  }
0x3f: {  	_ =	shalt  }
0x40: {  	_ =	shalt  }
0x41: {  	_ =	shalt  }
0x42: {  	_ =	shalt  }
0x43: {  	_ =	shalt  }
0x44: {  	_ =	shalt  }
0x45: {  	_ =	shalt  }
0x46: {  	_ =	shalt  }
0x47: {  	_ =	shalt  }
0x48: {  	_ =	shalt  }
0x49: {  	_ =	shalt  }
0x4a: {  	_ =	shalt  }
0x4b: {  	_ =	shalt  }
0x4c: {  	_ =	shalt  }
0x4d: {  	_ =	shalt  }
0x4e: {  	_ =	shalt  }
0x4f: {  	_ =	shalt  }
0x50: {  	_ =	shalt  }
0x51: {  	_ =	shalt  }
0x52: {  	_ =	shalt  }
0x53: {  	_ =	shalt  }
0x54: {  	_ =	shalt  }
0x55: {  	_ =	shalt  }
0x56: {  	_ =	shalt  }
0x57: {  	_ =	shalt  }
0x58: {  	_ =	shalt  }
0x59: {  	_ =	shalt  }
0x5a: {  	_ =	shalt  }
0x5b: {  	_ =	shalt  }
0x5c: {  	_ =	shalt  }
0x5d: {  	_ =	shalt  }
0x5e: {  	_ =	shalt  }
0x5f: {  	_ =	shalt  }
0x60: {  	_ =	shalt  }
0x61: {  	_ =	shalt  }
0x62: {  	_ =	shalt  }
0x63: {  	_ =	shalt  }
0x64: {  	_ =	shalt  }
0x65: {  	_ =	shalt  }
0x66: {  	_ =	shalt  }
0x67: {  	_ =	shalt  }
0x68: {  	_ =	shalt  }
0x69: {  	_ =	shalt  }
0x6a: {  	_ =	shalt  }
0x6b: {  	_ =	shalt  }
0x6c: {  	_ =	shalt  }
0x6d: {  	_ =	shalt  }
0x6e: {  	_ =	shalt  }
0x6f: {  	_ =	shalt  }
0x70: {  	_ =	shalt  }
0x71: {  	_ =	shalt  }
0x72: {  	_ =	shalt  }
0x73: {  	_ =	shalt  }
0x74: {  	_ =	shalt  }
0x75: {  	_ =	shalt  }
0x76: {  	_ =	shalt  }
0x77: {  	_ =	shalt  }
0x78: {  	_ =	shalt  }
0x79: {  	_ =	shalt  }
0x7a: {  	_ =	shalt  }
0x7b: {  	_ =	shalt  }
0x7c: {  	_ =	shalt  }
0x7d: {  	_ =	shalt  }
0x7e: {  	_ =	shalt  }
0x7f: {  	_ =	shalt  }
0x80: {  	_ =	shalt  }
0x81: {  	_ =	shalt  }
0x82: {  	_ =	shalt  }
0x83: {  	_ =	shalt  }
0x84: {  	_ =	shalt  }
0x85: {  	_ =	shalt  }
0x86: {  	_ =	shalt  }
0x87: {  	_ =	shalt  }
.Lfunc_end0:
.L_simem_size_0:
called_computation.1_lowered:
.L_overlay_start_0:
0x88: {  	s2 =	sld [smem:$0x3FD9]  }
0x89: {  	s3 =	sld [smem:$0x3FFE];
	_ =	sdelay $0x1  }
0x8a: {  	s1 =	srdreg.scid  }
0x8b: {  	s0 =	sand.u32 $0x1, s1  }
0x8c: {  	s16 =	sshll.u32 s0, $0xA;
	s2 =	sadd.s32 s3, s2  }
0x8d: {  	s2 =	sadd.s32 s2, s16  }
0x8e: {  	[smem:$0x3FAA] =	sst s2  }
0x8f: {  	_ = 	snop  }
0x90: {  	(tm) =	ssettm $0x1  }
0x91: {  	s17 =	sld [smem:$0x3FFB];
	_ =	sdelay $0x3  }
0x92: {  	_ =	strace s17  }
0x93: {  	s2 =	sld [smem:$0x3FFC];
	_ =	sdelay $0x3  }
0x94: {  	_ =	strace s2  }
0x95: {  	s2 =	sld [smem:$0x3FFD];
	_ =	sdelay $0x3  }
0x96: {  	_ =	strace s2  }
0x97: {  	_ =	strace $0x8FFFFFFF  }
0x98: {  	s18 =	sld [smem:$0x3FDB];
	_ =	sdelay $0x1  }
0x99: {  	s19 =	simm.s32 $_scs_section_size  }
0x9a: {  	s4 =	simm.s32 $_size__tile_overlayer_lowered;
	s5 =	simm.s32 $_tile_overlayer_lowered  }
0x9b: {  	s22 =	simm.s32 $0x1BFF;
	s21 =	sshll.u32 s5, $0x1;
	s2 =	sadd.s32 s19, s18  }
0x9c: {  	s6 =	simm.s32 $0x0;
	s20 =	sshll.u32 s4, $0x1;
	s4 =	sadd.s32 s21, s2  }
0x9d: {  	[timem:s6], [sflag:s22] =	dma.local [hbm:s4], s20  }
0x9e: {  	_ =	swait.ge [sflag:s22], s20  }
0x9f: {  	s3 =	ssub.s32 $0x0, s20;
	[sflag:s22] =	ssyncset.done $0x0  }
0xa0: {  	[sflag:s22] =	ssyncadd.s32 s3;
	_ =	sdelay $0x1  }
0xa1: {  	s23 =	simm.s32 $0x1B8B  }
0xa2: {  	_ =	swait.ge [sflag:s23], $0x1  }
0xa3: {  	[sflag:s23] =	ssyncset.done $0x0  }
0xa4: {  	s25 =	simm.s32 $0x1B8E;
	s24 =	sld [smem:$0x3FFE];
	[sflag:s23] =	ssyncadd.s32 $0xFFFFFFFF  }
0xa5: {  	s26 =	simm.s32 $execute0_lowered;
	[smem:$0x3FD2] =	sst s25  }
0xa6: {  	s4 =	sshll.u32 s26, $0x1;
	_ =	strace $0x80000049;
	[dreg:$0x1] =	wrdreg $0xFFFFFFFF  }
0xa7: {  	s28 =	simm.s32 $_size_execute0_lowered;
	s2 =	sadd.s32 s2, s4;
	[dreg:$0x0] =	wrdreg $0x0  }
0xa8: {  	s4 =	sshll.u32 s28, $0x1;
	[dreg:$0x2] =	wrdreg s2  }
0xa9: {  	[dreg:$0x3] =	wrdreg s4  }
0xaa: {  	[dreg:$0x4] =	wrdreg $0xC0  }
0xab: {  	_ =	task [dreg:s6], $0x5FFFF  }
0xac: {  	[dreg:$0x1] =	wrdreg $0xFFFFFFFF  }
0xad: {  	[dreg:$0x0] =	wrdreg $0x60  }
0xae: {  	[dreg:$0x2] =	wrdreg s24  }
0xaf: {  	[dreg:$0x3] =	wrdreg $0xB8000  }
0xb0: {  	[dreg:$0x4] =	wrdreg $0x9  }
0xb1: {  	_ =	task.clear_ibuf [dreg:s6], $0x5FFFF;
	_ =	strace $0x90000049  }
0xb2: {  	s29 =	simm.s32 $0x9;
	_ =	strace $0x8000004B  }
0xb3: {  	_ =	swait.ge [sflag:s29], $0x1  }
0xb4: {  	[sflag:s29] =	ssyncadd.s32 $0xFFFFFFFF  }
0xb5: {  	_ =	strace $0x9000004B  }
0xb6: {  	_ =	sfence  }
0xb7: {  	s30 =	sld [smem:$0x0];
	_ =	sdelay $0x2  }
0xb8: {  	s31 =	sshll.u32 s1, $0xD;
	s1 =	sshrl.u32 s1, $0x2  }
0xb9: {  	s3 =	sand.u32 $0x4000, s31;
	s1 =	sadd.s32 s1, s30  }
0xba: {  	s0 =	sor.u32 s3, s0;
	s1 =	sshll.u32 s1, $0x11  }
0xbb: {  	s0 =	sor.u32 s1, s0  }
0xbc: {  	s0 =	sadd.s32 $0x8F2B, s0  }
0xbd: {  	[sflag:s0] =	ssyncadd.remote.s32 $0x1  }
0xbe: {  	_ =	sfence.sel $0xFFFF  }
0xbf: {  	[dreg:$0x0] =	wrdreg $0xFFFFFFFF;
	(pc) =	sbr.abs _section_cstart, $3  }
0xc0: {  	[dreg:$0x1] =	wrdreg $0xFFFFFFFF  }
0xc1: {  	_ =	task.clear_ibuf [dreg:s6], $0x2FFFF;
	_ =	strace $0x9FFFFFFF  }
0xc2: {  	(tm) =	ssettm $0x7FFFFFFF  }
0xc3: {  	_ =	shalt  }
tec
execute0_lowered:
.L_overlay_start_1:
0x0: {  	(tag) =	ssettag $0x1  }
0x1: {  	s0 =	rddreg [dreg:$0x0]  }
0x2: {  	s2 =	rddreg [dreg:$0x1];
	s3 =	simm.s32 $0x0  }
0x3: {  	s20 =	simm.s32 $0x80;
	[smem:$0x7FF] =	sst s3  }
0x4: {  	s21 =	simm.s32 $0x400;
	_ =	strace $0x8000004A;
	[dreg:$0x4] =	wrdreg s20  }
0x5: {  	s22 =	simm.s32 $0xA0;
	[dreg:$0x5] =	wrdreg s21  }
0x6: {  	s23 =	simm.s32 $0x880;
	[dreg:$0x6] =	wrdreg s22  }
0x7: {  	s25 =	simm.s32 $0xF0;
	[dreg:$0x7] =	wrdreg s23  }
0x8: {  	s26 =	simm.s32 $0x900;
	[dreg:$0x8] =	wrdreg s25  }
0x9: {  	s28 =	simm.s32 $0x140;
	[dreg:$0x9] =	wrdreg s26  }
0xa: {  	s7 =	simm.s32 $0x980;
	[dreg:$0xa] =	wrdreg s28  }
0xb: {  	s8 =	simm.s32 $0x190;
	[dreg:$0xb] =	wrdreg s7  }
0xc: {  	s10 =	simm.s32 $0xA00;
	[dreg:$0xc] =	wrdreg s8  }
0xd: {  	s1 =	srdreg.scid;
	s11 =	simm.s32 $0x1E0;
	[dreg:$0xd] =	wrdreg s10  }
0xe: {  	s9 =	stileid.u32;
	s12 =	simm.s32 $0xA80;
	[dreg:$0xe] =	wrdreg s11  }
0xf: {  	s13 =	simm.s32 $0x230;
	s14 =	simm.s32 $0xB00;
	[dreg:$0xf] =	wrdreg s12  }
0x10: {  	s15 =	simm.s32 $0x280;
	s16 =	simm.s32 $0xB80;
	[dreg:$0x10] =	wrdreg s13  }
0x11: {  	s17 =	simm.s32 $0x2D0;
	s19 =	simm.s32 $0xC00;
	[dreg:$0x11] =	wrdreg s14  }
0x12: {  	s29 =	simm.s32 $0x1280;
	s30 =	simm.s32 $0x730;
	[dreg:$0x12] =	wrdreg s15  }
0x13: {  	s31 =	simm.s32 $0x1300;
	s1 =	sand.u32 $0x1, s1;
	[dreg:$0x13] =	wrdreg s16  }
0x14: {  	s5 =	sshll.u32 s9, $0xB;
	s6 =	smul.u32 $0x5000, s9;
	[dreg:$0x14] =	wrdreg s17  }
0x15: {  	s4 =	sshll.u32 s1, $0xF;
	s10 =	sadd.s32 $0x9F600, s0;
	[dreg:$0x15] =	wrdreg s19  }
0x16: {  	s24 =	smul.u32 $0x50000, s1;
	s21 =	simm.s32 $0x320;
	[smem:$0x7EB] =	sst s10  }
0x17: {  	s7 =	smul.u32 $0x2800, s9;
	s22 =	simm.s32 $0xC80;
	[dreg:$0x16] =	wrdreg s21  }
0x18: {  	s8 =	smul.u32 $0x28000, s1;
	s25 =	simm.s32 $0xD00;
	[dreg:$0x17] =	wrdreg s22  }
0x19: {  	s20 =	smul.u32 $0x50000, s9;
	s28 =	simm.s32 $0x3C0;
	[dreg:$0x19] =	wrdreg s25  }
0x1a: {  	s26 =	sshll.u32 s9, $0x6;
	s9 =	simm.s32 $0xD80;
	[dreg:$0x1a] =	wrdreg s28  }
0x1b: {  	s1 =	ssub.s32 $0x2, s1;
	s11 =	simm.s32 $0xE00;
	[dreg:$0x1b] =	wrdreg s9  }
0x1c: {  	s13 =	simm.s32 $0x460;
	s14 =	simm.s32 $0xE80;
	[dreg:$0x1d] =	wrdreg s11  }
0x1d: {  	s15 =	simm.s32 $0x4B0;
	s16 =	simm.s32 $0xF00;
	[dreg:$0x1e] =	wrdreg s13  }
0x1e: {  	s17 =	simm.s32 $0x500;
	s19 =	simm.s32 $0x550;
	[dreg:$0x1f] =	wrdreg s14  }
0x1f: {  	s4 =	sadd.s32 s4, s0;
	s18 =	sshrl.u32 s1, $0x1;
	[smem:$0x7EF] =	sst s15  }
0x20: {  	s10 =	simm.s32 $0x410;
	s11 =	simm.s32 $0x9;
	[smem:$0x7F0] =	sst s16  }
0x21: {  	s13 =	simm.s32 $0x50;
	s14 =	simm.s32 $0x1800;
	[smem:$0x7F1] =	sst s17  }
0x22: {  	s15 =	simm.s32 $0x4000;
	s16 =	simm.s32 $0x1;
	[smem:$0x7F3] =	sst s19  }
0x23: {  	s17 =	simm.s32 $0x6800;
	s21 =	simm.s32 $0x5A0;
	s22 =	simm.s32 $0x1080  }
0x24: {  	s19 =	simm.s32 $0x9000;
	s25 =	simm.s32 $0x640;
	s28 =	simm.s32 $0x690  }
0x25: {  	s9 =	simm.s32 $0x0;
	s4 =	sadd.s32 s5, s4;
	[dreg:$0x1c] =	wrdreg s10  }
0x26: {  	s5 =	sadd.s32 s6, s24;
	s7 =	sadd.s32 s7, s8;
	[smem:$0x7F5] =	sst s21  }
0x27: {  	s1 =	ssub.s32 s1, s18;
	s23 =	sshrl.u32 s20, $0x2;
	[smem:$0x7F6] =	sst s22  }
0x28: {  	s24 =	simm.s32 $0x370;
	s8 =	sor.u32 $0x1C09, s26;
	[smem:$0x7F9] =	sst s25  }
0x29: {  	s18 =	simm.s32 $0xF80;
	s20 =	simm.s32 $0x1000;
	[smem:$0x7FB] =	sst s28  }
0x2a: {  	s21 =	simm.s32 $0x5;
	s22 =	simm.s32 $0x4;
	[dreg:$0x18] =	wrdreg s24  }
0x2b: {  	s26 =	simm.s32 $0x1180;
	s25 =	simm.s32 $0x8;
	[smem:$0x7F2] =	sst s18  }
0x2c: {  	s4 =	sadd.s32 $0x1A000, s4;
	s5 =	sshrl.u32 s5, $0x3;
	[smem:$0x7F4] =	sst s20  }
0x2d: {  	s1 =	smax.u32 s1, $0x1;
	s18 =	simm.s32 $0x2;
	[smem:$0x7FA] =	sst s26  }
0x2e: {  	s20 =	simm.s32 $0x3;
	s24 =	simm.s32 $0x1100;
	[smem:$0x7FC] =	sst s8  }
0x2f: {  	[dreg:$0x3] =	wrdreg s4;
	s5 =	sadd.s32 s5, s0;
	s4 =	sadd.s32 $0x78400, s0  }
0x30: {  	s0 =	sadd.s32 s7, s0;
	s7 =	sadd.s32 s23, s2;
	[smem:$0x7ED] =	sst s1  }
0x31: {  	s23 =	simm.s32 $0x5F0;
	[smem:$0x7F8] =	sst s24;
	s24 =	simm.s32 $0x7  }
0x32: {  	s1 =	simm.s32 $0x1380;
	s0 =	sadd.s32 $0xA1E00, s0;
	[smem:$0x7F7] =	sst s23  }
0x33: {  	s12 =	sadd.s32 $0x5E00, s5;
	s7 =	sshrl.u32 s7, $0x3;
	[smem:$0x7EC] =	sst s0  }
0x34: {  	s23 =	simm.s32 $0x6;
	s5 =	simm.s32 $0x1400;
	[smem:$0x7EE] =	sst s12  }
0x35: {  	s12 =	simm.s32 $0x800;
	s0 =	simm.s32 $0x780;
	[smem:$0x7FD] =	sst s7  }
.LBB2_1:
0x36: {  	s6 =	sld [smem:$0x7EB];
	_ =	sdelay $0x1  }
0x37: {  	[smem:$0x7EA] =	sst s9  }
0x38: {  	[spmem:s7], [sflag:s8] =	dma.local [hbm:s6], $0x2800  }
0x39: {  	_ =	swait.ge [sflag:s11], $0x2800  }
0x3a: {  	[sflag:s11] =	ssyncset.done $0x0  }
0x3b: {  	[sflag:s11] =	ssyncadd.s32 $0xFFFFD800  }
0x3c: {  	[bflag:$0x0] =	sbarrier.arrive $0xFFFF  }
0x3d: {  	s7 =	rddreg [dreg:$0x5]  }
0x3e: {  	s9 =	rddreg [dreg:$0x3]  }
0x3f: {  	s10 =	rddreg [dreg:$0x4];
	s8 =	sadd.s32 $0x0, s9  }
0x40: {  	[tilespmem:s3], [sflag:$0x9] =	stream.strided.gather [hbm4b:s8+s10], $0x800, s7, s10, $0x38;
	[tilespmem:$0x1F800] =	vst v63  }
0x41: {  	_ =	swait.ge [sflag:s11], $0x800  }
0x42: {  	s9 =	sld [smem:$0x7EE]  }
0x43: {  	[sflag:s11] =	ssyncset.done $0x0  }
0x44: {  	[sflag:s11] =	ssyncadd.s32 $0xFFFFF800  }
0x45: {  	[tilespmem:s12], [sflag:$0x9] =	stream.linear.gather [hbm4b:s9+s3], $0xC80, $0x38;
	[tilespmem:$0x1F800] =	vst v63  }
0x46: {  	_ =	swait.ge [sflag:s11], $0xC80  }
0x47: {  	[sflag:s11] =	ssyncset.done $0x0  }
0x48: {  	[sflag:s11] =	ssyncadd.s32 $0xFFFFF380  }
0x49: {  	[tilespmem:s14], [sflag:$0x1] =	stream.indirect.gather [hbm4b:s4+s13], $0x80, s3, s13, $0xb8;
	[tilespmem:$0x1F800] =	vst v63  }
0x4a: {  	_ = 	snop  }
0x4b: {  	[tilespmem:s15], [sflag:$0x2] =	stream.indirect.gather [hbm4b:s4+s13], $0x80, s13, s13, $0xb8;
	[tilespmem:$0x1F800] =	vst v63  }
0x4c: {  	_ =	swait.ge [sflag:s16], $0x2800  }
0x4d: {  	[sflag:s16] =	ssyncset.done $0x0  }
0x4e: {  	[sflag:s16] =	ssyncadd.s32 $0xFFFFD800  }
0x4f: {  	[spmem:s2] =	stream.indirect.scatter.add.f32 [tilespmem:s14], [sflag:$0x5], $0x80, s12, s13, $0xb8;
	[tilespmem:$0x1F800] =	vst v63  }
0x50: {  	s26 =	rddreg [dreg:$0x6]  }
0x51: {  	[tilespmem:s17], [sflag:$0x3] =	stream.indirect.gather [hbm4b:s4+s13], $0x80, s26, s13, $0xb8;
	[tilespmem:$0x1F800] =	vst v63  }
0x52: {  	_ =	swait.ge [sflag:s18], $0x2800  }
0x53: {  	[sflag:s18] =	ssyncset.done $0x0  }
0x54: {  	s28 =	rddreg [dreg:$0x7];
	[sflag:s18] =	ssyncadd.s32 $0xFFFFD800  }
0x55: {  	[spmem:s2] =	stream.indirect.scatter.add.f32 [tilespmem:s15], [sflag:$0x6], $0x80, s28, s13, $0xb8;
	[tilespmem:$0x1F800] =	vst v63  }
0x56: {  	s7 =	rddreg [dreg:$0x8]  }
0x57: {  	[tilespmem:s19], [sflag:$0x4] =	stream.indirect.gather [hbm4b:s4+s13], $0x80, s7, s13, $0xb8;
	[tilespmem:$0x1F800] =	vst v63  }
0x58: {  	_ =	swait.ge [sflag:s20], $0x2800  }
0x59: {  	[sflag:s20] =	ssyncset.done $0x0  }
0x5a: {  	s10 =	rddreg [dreg:$0x9];
	[sflag:s20] =	ssyncadd.s32 $0xFFFFD800  }
0x5b: {  	[spmem:s2] =	stream.indirect.scatter.add.f32 [tilespmem:s17], [sflag:$0x7], $0x80, s10, s13, $0xb8;
	[tilespmem:$0x1F800] =	vst v63  }
0x5c: {  	_ =	swait.ge [sflag:s21], $0x2800  }
0x5d: {  	[sflag:s21] =	ssyncset.done $0x0  }
0x5e: {  	s26 =	rddreg [dreg:$0xa];
	[sflag:s21] =	ssyncadd.s32 $0xFFFFD800  }
0x5f: {  	[tilespmem:s14], [sflag:$0x1] =	stream.indirect.gather [hbm4b:s4+s13], $0x80, s26, s13, $0xb8;
	[tilespmem:$0x1F800] =	vst v63  }
0x60: {  	_ =	swait.ge [sflag:s22], $0x2800  }
0x61: {  	[sflag:s22] =	ssyncset.done $0x0  }
0x62: {  	s28 =	rddreg [dreg:$0xb];
	[sflag:s22] =	ssyncadd.s32 $0xFFFFD800  }
0x63: {  	[spmem:s2] =	stream.indirect.scatter.add.f32 [tilespmem:s19], [sflag:$0x8], $0x80, s28, s13, $0xb8;
	[tilespmem:$0x1F800] =	vst v63  }
0x64: {  	_ =	swait.ge [sflag:s23], $0x2800  }
0x65: {  	[sflag:s23] =	ssyncset.done $0x0  }
0x66: {  	s7 =	rddreg [dreg:$0xc];
	[sflag:s23] =	ssyncadd.s32 $0xFFFFD800  }
0x67: {  	[tilespmem:s15], [sflag:$0x2] =	stream.indirect.gather [hbm4b:s4+s13], $0x80, s7, s13, $0xb8;
	[tilespmem:$0x1F800] =	vst v63  }
0x68: {  	_ =	swait.ge [sflag:s16], $0x2800  }
0x69: {  	[sflag:s16] =	ssyncset.done $0x0  }
0x6a: {  	s8 =	rddreg [dreg:$0xd];
	[sflag:s16] =	ssyncadd.s32 $0xFFFFD800  }
0x6b: {  	[spmem:s2] =	stream.indirect.scatter.add.f32 [tilespmem:s14], [sflag:$0x5], $0x80, s8, s13, $0xb8;
	[tilespmem:$0x1F800] =	vst v63  }
0x6c: {  	_ =	swait.ge [sflag:s24], $0x2800  }
0x6d: {  	[sflag:s24] =	ssyncset.done $0x0  }
0x6e: {  	s10 =	rddreg [dreg:$0xe];
	[sflag:s24] =	ssyncadd.s32 $0xFFFFD800  }
0x6f: {  	[tilespmem:s17], [sflag:$0x3] =	stream.indirect.gather [hbm4b:s4+s13], $0x80, s10, s13, $0xb8;
	[tilespmem:$0x1F800] =	vst v63  }
0x70: {  	_ =	swait.ge [sflag:s18], $0x2800  }
0x71: {  	[sflag:s18] =	ssyncset.done $0x0  }
0x72: {  	s26 =	rddreg [dreg:$0xf];
	[sflag:s18] =	ssyncadd.s32 $0xFFFFD800  }
0x73: {  	[spmem:s2] =	stream.indirect.scatter.add.f32 [tilespmem:s15], [sflag:$0x6], $0x80, s26, s13, $0xb8;
	[tilespmem:$0x1F800] =	vst v63  }
0x74: {  	_ =	swait.ge [sflag:s25], $0x2800  }
0x75: {  	[sflag:s25] =	ssyncset.done $0x0  }
0x76: {  	s28 =	rddreg [dreg:$0x10];
	[sflag:s25] =	ssyncadd.s32 $0xFFFFD800  }
0x77: {  	[tilespmem:s19], [sflag:$0x4] =	stream.indirect.gather [hbm4b:s4+s13], $0x80, s28, s13, $0xb8;
	[tilespmem:$0x1F800] =	vst v63  }
0x78: {  	_ =	swait.ge [sflag:s20], $0x2800  }
0x79: {  	[sflag:s20] =	ssyncset.done $0x0  }
0x7a: {  	s7 =	rddreg [dreg:$0x11];
	[sflag:s20] =	ssyncadd.s32 $0xFFFFD800  }
0x7b: {  	[spmem:s2] =	stream.indirect.scatter.add.f32 [tilespmem:s17], [sflag:$0x7], $0x80, s7, s13, $0xb8;
	[tilespmem:$0x1F800] =	vst v63  }
0x7c: {  	_ =	swait.ge [sflag:s21], $0x2800  }
0x7d: {  	[sflag:s21] =	ssyncset.done $0x0  }
0x7e: {  	s8 =	rddreg [dreg:$0x12];
	[sflag:s21] =	ssyncadd.s32 $0xFFFFD800  }
0x7f: {  	[tilespmem:s14], [sflag:$0x1] =	stream.indirect.gather [hbm4b:s4+s13], $0x80, s8, s13, $0xb8;
	[tilespmem:$0x1F800] =	vst v63  }
0x80: {  	_ =	swait.ge [sflag:s22], $0x2800  }
0x81: {  	[sflag:s22] =	ssyncset.done $0x0  }
0x82: {  	s10 =	rddreg [dreg:$0x13];
	[sflag:s22] =	ssyncadd.s32 $0xFFFFD800  }
0x83: {  	[spmem:s2] =	stream.indirect.scatter.add.f32 [tilespmem:s19], [sflag:$0x8], $0x80, s10, s13, $0xb8;
	[tilespmem:$0x1F800] =	vst v63  }
0x84: {  	_ =	swait.ge [sflag:s23], $0x2800  }
0x85: {  	[sflag:s23] =	ssyncset.done $0x0  }
0x86: {  	s26 =	rddreg [dreg:$0x14];
	[sflag:s23] =	ssyncadd.s32 $0xFFFFD800  }
0x87: {  	[tilespmem:s15], [sflag:$0x2] =	stream.indirect.gather [hbm4b:s4+s13], $0x80, s26, s13, $0xb8;
	[tilespmem:$0x1F800] =	vst v63  }
0x88: {  	_ =	swait.ge [sflag:s16], $0x2800  }
0x89: {  	[sflag:s16] =	ssyncset.done $0x0  }
0x8a: {  	s28 =	rddreg [dreg:$0x15];
	[sflag:s16] =	ssyncadd.s32 $0xFFFFD800  }
0x8b: {  	[spmem:s2] =	stream.indirect.scatter.add.f32 [tilespmem:s14], [sflag:$0x5], $0x80, s28, s13, $0xb8;
	[tilespmem:$0x1F800] =	vst v63  }
0x8c: {  	_ =	swait.ge [sflag:s24], $0x2800  }
0x8d: {  	[sflag:s24] =	ssyncset.done $0x0  }
0x8e: {  	s7 =	rddreg [dreg:$0x16];
	[sflag:s24] =	ssyncadd.s32 $0xFFFFD800  }
0x8f: {  	[tilespmem:s17], [sflag:$0x3] =	stream.indirect.gather [hbm4b:s4+s13], $0x80, s7, s13, $0xb8;
	[tilespmem:$0x1F800] =	vst v63  }
0x90: {  	_ =	swait.ge [sflag:s18], $0x2800  }
0x91: {  	[sflag:s18] =	ssyncset.done $0x0  }
0x92: {  	s8 =	rddreg [dreg:$0x17];
	[sflag:s18] =	ssyncadd.s32 $0xFFFFD800  }
0x93: {  	[spmem:s2] =	stream.indirect.scatter.add.f32 [tilespmem:s15], [sflag:$0x6], $0x80, s8, s13, $0xb8;
	[tilespmem:$0x1F800] =	vst v63  }
0x94: {  	_ =	swait.ge [sflag:s25], $0x2800  }
0x95: {  	[sflag:s25] =	ssyncset.done $0x0  }
0x96: {  	s10 =	rddreg [dreg:$0x18];
	[sflag:s25] =	ssyncadd.s32 $0xFFFFD800  }
0x97: {  	[tilespmem:s19], [sflag:$0x4] =	stream.indirect.gather [hbm4b:s4+s13], $0x80, s10, s13, $0xb8;
	[tilespmem:$0x1F800] =	vst v63  }
0x98: {  	_ =	swait.ge [sflag:s20], $0x2800  }
0x99: {  	[sflag:s20] =	ssyncset.done $0x0  }
0x9a: {  	s26 =	rddreg [dreg:$0x19];
	[sflag:s20] =	ssyncadd.s32 $0xFFFFD800  }
0x9b: {  	[spmem:s2] =	stream.indirect.scatter.add.f32 [tilespmem:s17], [sflag:$0x7], $0x80, s26, s13, $0xb8;
	[tilespmem:$0x1F800] =	vst v63  }
0x9c: {  	_ =	swait.ge [sflag:s21], $0x2800  }
0x9d: {  	[sflag:s21] =	ssyncset.done $0x0  }
0x9e: {  	s28 =	rddreg [dreg:$0x1a];
	[sflag:s21] =	ssyncadd.s32 $0xFFFFD800  }
0x9f: {  	[tilespmem:s14], [sflag:$0x1] =	stream.indirect.gather [hbm4b:s4+s13], $0x80, s28, s13, $0xb8;
	[tilespmem:$0x1F800] =	vst v63  }
0xa0: {  	_ =	swait.ge [sflag:s22], $0x2800  }
0xa1: {  	[sflag:s22] =	ssyncset.done $0x0  }
0xa2: {  	s7 =	rddreg [dreg:$0x1b];
	[sflag:s22] =	ssyncadd.s32 $0xFFFFD800  }
0xa3: {  	[spmem:s2] =	stream.indirect.scatter.add.f32 [tilespmem:s19], [sflag:$0x8], $0x80, s7, s13, $0xb8;
	[tilespmem:$0x1F800] =	vst v63  }
0xa4: {  	_ =	swait.ge [sflag:s23], $0x2800  }
0xa5: {  	[sflag:s23] =	ssyncset.done $0x0  }
0xa6: {  	s8 =	rddreg [dreg:$0x1c];
	[sflag:s23] =	ssyncadd.s32 $0xFFFFD800  }
0xa7: {  	[tilespmem:s15], [sflag:$0x2] =	stream.indirect.gather [hbm4b:s4+s13], $0x80, s8, s13, $0xb8;
	[tilespmem:$0x1F800] =	vst v63  }
0xa8: {  	_ =	swait.ge [sflag:s16], $0x2800  }
0xa9: {  	[sflag:s16] =	ssyncset.done $0x0  }
0xaa: {  	s10 =	rddreg [dreg:$0x1d];
	[sflag:s16] =	ssyncadd.s32 $0xFFFFD800  }
0xab: {  	[spmem:s2] =	stream.indirect.scatter.add.f32 [tilespmem:s14], [sflag:$0x5], $0x80, s10, s13, $0xb8;
	[tilespmem:$0x1F800] =	vst v63  }
0xac: {  	_ =	swait.ge [sflag:s24], $0x2800  }
0xad: {  	[sflag:s24] =	ssyncset.done $0x0  }
0xae: {  	s26 =	rddreg [dreg:$0x1e];
	[sflag:s24] =	ssyncadd.s32 $0xFFFFD800  }
0xaf: {  	[tilespmem:s17], [sflag:$0x3] =	stream.indirect.gather [hbm4b:s4+s13], $0x80, s26, s13, $0xb8;
	[tilespmem:$0x1F800] =	vst v63  }
0xb0: {  	_ =	swait.ge [sflag:s18], $0x2800  }
0xb1: {  	[sflag:s18] =	ssyncset.done $0x0  }
0xb2: {  	s28 =	rddreg [dreg:$0x1f];
	[sflag:s18] =	ssyncadd.s32 $0xFFFFD800  }
0xb3: {  	[spmem:s2] =	stream.indirect.scatter.add.f32 [tilespmem:s15], [sflag:$0x6], $0x80, s28, s13, $0xb8;
	[tilespmem:$0x1F800] =	vst v63  }
0xb4: {  	_ =	swait.ge [sflag:s25], $0x2800  }
0xb5: {  	s7 =	sld [smem:$0x7EF]  }
0xb6: {  	[sflag:s25] =	ssyncset.done $0x0  }
0xb7: {  	[sflag:s25] =	ssyncadd.s32 $0xFFFFD800  }
0xb8: {  	[tilespmem:s19], [sflag:$0x4] =	stream.indirect.gather [hbm4b:s4+s13], $0x80, s7, s13, $0xb8;
	[tilespmem:$0x1F800] =	vst v63  }
0xb9: {  	_ =	swait.ge [sflag:s20], $0x2800  }
0xba: {  	s8 =	sld [smem:$0x7F0]  }
0xbb: {  	[sflag:s20] =	ssyncset.done $0x0  }
0xbc: {  	[sflag:s20] =	ssyncadd.s32 $0xFFFFD800  }
0xbd: {  	[spmem:s2] =	stream.indirect.scatter.add.f32 [tilespmem:s17], [sflag:$0x7], $0x80, s8, s13, $0xb8;
	[tilespmem:$0x1F800] =	vst v63  }
0xbe: {  	_ =	swait.ge [sflag:s21], $0x2800  }
0xbf: {  	s10 =	sld [smem:$0x7F1]  }
0xc0: {  	[sflag:s21] =	ssyncset.done $0x0  }
0xc1: {  	[sflag:s21] =	ssyncadd.s32 $0xFFFFD800  }
0xc2: {  	[tilespmem:s14], [sflag:$0x1] =	stream.indirect.gather [hbm4b:s4+s13], $0x80, s10, s13, $0xb8;
	[tilespmem:$0x1F800] =	vst v63  }
0xc3: {  	_ =	swait.ge [sflag:s22], $0x2800  }
0xc4: {  	s26 =	sld [smem:$0x7F2]  }
0xc5: {  	[sflag:s22] =	ssyncset.done $0x0  }
0xc6: {  	[sflag:s22] =	ssyncadd.s32 $0xFFFFD800  }
0xc7: {  	[spmem:s2] =	stream.indirect.scatter.add.f32 [tilespmem:s19], [sflag:$0x8], $0x80, s26, s13, $0xb8;
	[tilespmem:$0x1F800] =	vst v63  }
0xc8: {  	_ =	swait.ge [sflag:s23], $0x2800  }
0xc9: {  	s28 =	sld [smem:$0x7F3]  }
0xca: {  	[sflag:s23] =	ssyncset.done $0x0  }
0xcb: {  	[sflag:s23] =	ssyncadd.s32 $0xFFFFD800  }
0xcc: {  	[tilespmem:s15], [sflag:$0x2] =	stream.indirect.gather [hbm4b:s4+s13], $0x80, s28, s13, $0xb8;
	[tilespmem:$0x1F800] =	vst v63  }
0xcd: {  	_ =	swait.ge [sflag:s16], $0x2800  }
0xce: {  	s7 =	sld [smem:$0x7F4]  }
0xcf: {  	[sflag:s16] =	ssyncset.done $0x0  }
0xd0: {  	[sflag:s16] =	ssyncadd.s32 $0xFFFFD800  }
0xd1: {  	[spmem:s2] =	stream.indirect.scatter.add.f32 [tilespmem:s14], [sflag:$0x5], $0x80, s7, s13, $0xb8;
	[tilespmem:$0x1F800] =	vst v63  }
0xd2: {  	_ =	swait.ge [sflag:s24], $0x2800  }
0xd3: {  	s8 =	sld [smem:$0x7F5]  }
0xd4: {  	[sflag:s24] =	ssyncset.done $0x0  }
0xd5: {  	[sflag:s24] =	ssyncadd.s32 $0xFFFFD800  }
0xd6: {  	[tilespmem:s17], [sflag:$0x3] =	stream.indirect.gather [hbm4b:s4+s13], $0x80, s8, s13, $0xb8;
	[tilespmem:$0x1F800] =	vst v63  }
0xd7: {  	_ =	swait.ge [sflag:s18], $0x2800  }
0xd8: {  	s10 =	sld [smem:$0x7F6]  }
0xd9: {  	[sflag:s18] =	ssyncset.done $0x0  }
0xda: {  	[sflag:s18] =	ssyncadd.s32 $0xFFFFD800  }
0xdb: {  	[spmem:s2] =	stream.indirect.scatter.add.f32 [tilespmem:s15], [sflag:$0x6], $0x80, s10, s13, $0xb8;
	[tilespmem:$0x1F800] =	vst v63  }
0xdc: {  	_ =	swait.ge [sflag:s25], $0x2800  }
0xdd: {  	s26 =	sld [smem:$0x7F7]  }
0xde: {  	[sflag:s25] =	ssyncset.done $0x0  }
0xdf: {  	[sflag:s25] =	ssyncadd.s32 $0xFFFFD800  }
0xe0: {  	[tilespmem:s19], [sflag:$0x4] =	stream.indirect.gather [hbm4b:s4+s13], $0x80, s26, s13, $0xb8;
	[tilespmem:$0x1F800] =	vst v63  }
0xe1: {  	_ =	swait.ge [sflag:s20], $0x2800  }
0xe2: {  	s28 =	sld [smem:$0x7F8]  }
0xe3: {  	[sflag:s20] =	ssyncset.done $0x0  }
0xe4: {  	[sflag:s20] =	ssyncadd.s32 $0xFFFFD800  }
0xe5: {  	[spmem:s2] =	stream.indirect.scatter.add.f32 [tilespmem:s17], [sflag:$0x7], $0x80, s28, s13, $0xb8;
	[tilespmem:$0x1F800] =	vst v63  }
0xe6: {  	_ =	swait.ge [sflag:s21], $0x2800  }
0xe7: {  	s7 =	sld [smem:$0x7F9]  }
0xe8: {  	[sflag:s21] =	ssyncset.done $0x0  }
0xe9: {  	[sflag:s21] =	ssyncadd.s32 $0xFFFFD800  }
0xea: {  	[tilespmem:s14], [sflag:$0x1] =	stream.indirect.gather [hbm4b:s4+s13], $0x80, s7, s13, $0xb8;
	[tilespmem:$0x1F800] =	vst v63  }
0xeb: {  	_ =	swait.ge [sflag:s22], $0x2800  }
0xec: {  	s8 =	sld [smem:$0x7FA]  }
0xed: {  	[sflag:s22] =	ssyncset.done $0x0  }
0xee: {  	[sflag:s22] =	ssyncadd.s32 $0xFFFFD800  }
0xef: {  	[spmem:s2] =	stream.indirect.scatter.add.f32 [tilespmem:s19], [sflag:$0x8], $0x80, s8, s13, $0xb8;
	[tilespmem:$0x1F800] =	vst v63  }
0xf0: {  	_ =	swait.ge [sflag:s23], $0x2800  }
0xf1: {  	s10 =	sld [smem:$0x7FB]  }
0xf2: {  	[sflag:s23] =	ssyncset.done $0x0  }
0xf3: {  	[sflag:s23] =	ssyncadd.s32 $0xFFFFD800  }
0xf4: {  	[tilespmem:s15], [sflag:$0x2] =	stream.indirect.gather [hbm4b:s4+s13], $0x80, s10, s13, $0xb8;
	[tilespmem:$0x1F800] =	vst v63  }
0xf5: {  	_ =	swait.ge [sflag:s16], $0x2800  }
0xf6: {  	[sflag:s16] =	ssyncset.done $0x0  }
0xf7: {  	s26 =	simm.s32 $0x1200;
	[sflag:s16] =	ssyncadd.s32 $0xFFFFD800  }
0xf8: {  	[spmem:s2] =	stream.indirect.scatter.add.f32 [tilespmem:s14], [sflag:$0x5], $0x80, s26, s13, $0xb8;
	[tilespmem:$0x1F800] =	vst v63  }
0xf9: {  	_ =	swait.ge [sflag:s24], $0x2800  }
0xfa: {  	[sflag:s24] =	ssyncset.done $0x0  }
0xfb: {  	s28 =	simm.s32 $0x6E0;
	[sflag:s24] =	ssyncadd.s32 $0xFFFFD800  }
0xfc: {  	[tilespmem:s17], [sflag:$0x3] =	stream.indirect.gather [hbm4b:s4+s13], $0x80, s28, s13, $0xb8;
	[tilespmem:$0x1F800] =	vst v63  }
0xfd: {  	_ =	swait.ge [sflag:s18], $0x2800  }
0xfe: {  	[sflag:s18] =	ssyncset.done $0x0  }
0xff: {  	[sflag:s18] =	ssyncadd.s32 $0xFFFFD800  }
0x100: {  	[spmem:s2] =	stream.indirect.scatter.add.f32 [tilespmem:s15], [sflag:$0x6], $0x80, s29, s13, $0xb8;
	[tilespmem:$0x1F800] =	vst v63  }
0x101: {  	_ =	swait.ge [sflag:s25], $0x2800  }
0x102: {  	[sflag:s25] =	ssyncset.done $0x0  }
0x103: {  	[sflag:s25] =	ssyncadd.s32 $0xFFFFD800  }
0x104: {  	[tilespmem:s19], [sflag:$0x4] =	stream.indirect.gather [hbm4b:s4+s13], $0x80, s30, s13, $0xb8;
	[tilespmem:$0x1F800] =	vst v63  }
0x105: {  	_ =	swait.ge [sflag:s20], $0x2800  }
0x106: {  	[sflag:s20] =	ssyncset.done $0x0  }
0x107: {  	[sflag:s20] =	ssyncadd.s32 $0xFFFFD800  }
0x108: {  	[spmem:s2] =	stream.indirect.scatter.add.f32 [tilespmem:s17], [sflag:$0x7], $0x80, s31, s13, $0xb8;
	[tilespmem:$0x1F800] =	vst v63  }
0x109: {  	_ =	swait.ge [sflag:s21], $0x2800  }
0x10a: {  	[sflag:s21] =	ssyncset.done $0x0  }
0x10b: {  	[sflag:s21] =	ssyncadd.s32 $0xFFFFD800  }
0x10c: {  	[tilespmem:s14], [sflag:$0x1] =	stream.indirect.gather [hbm4b:s4+s13], $0x80, s0, s13, $0xb8;
	[tilespmem:$0x1F800] =	vst v63  }
0x10d: {  	_ =	swait.ge [sflag:s22], $0x2800  }
0x10e: {  	[sflag:s22] =	ssyncset.done $0x0  }
0x10f: {  	[sflag:s22] =	ssyncadd.s32 $0xFFFFD800  }
0x110: {  	[spmem:s2] =	stream.indirect.scatter.add.f32 [tilespmem:s19], [sflag:$0x8], $0x80, s1, s13, $0xb8;
	[tilespmem:$0x1F800] =	vst v63  }
0x111: {  	_ =	swait.ge [sflag:s23], $0x2800  }
0x112: {  	[sflag:s23] =	ssyncset.done $0x0  }
0x113: {  	[sflag:s23] =	ssyncadd.s32 $0xFFFFD800  }
0x114: {  	_ =	swait.ge [sflag:s16], $0x2800  }
0x115: {  	[sflag:s16] =	ssyncset.done $0x0  }
0x116: {  	[sflag:s16] =	ssyncadd.s32 $0xFFFFD800  }
0x117: {  	[spmem:s2] =	stream.indirect.scatter.add.f32 [tilespmem:s14], [sflag:$0x5], $0x80, s5, s13, $0xb8;
	[tilespmem:$0x1F800] =	vst v63  }
0x118: {  	_ =	swait.ge [sflag:s24], $0x2800  }
0x119: {  	[sflag:s24] =	ssyncset.done $0x0  }
0x11a: {  	[sflag:s24] =	ssyncadd.s32 $0xFFFFD800  }
0x11b: {  	_ =	swait.ge [sflag:s25], $0x2800  }
0x11c: {  	[sflag:s25] =	ssyncset.done $0x0  }
0x11d: {  	[sflag:s25] =	ssyncadd.s32 $0xFFFFD800  }
0x11e: {  	s6 =	simm.s32 $0x10;
	_ =	swait.ge [sflag:s21], $0x2800  }
0x11f: {  	s10 =	simm.s32 $0x20;
	s8 =	rddreg [dreg:$0x5];
	[sflag:s21] =	ssyncset.done $0x0  }
.LBB2_2:
0x120: {  	s7 =	rddreg [dreg:$0x3]  }
0x121: {  	[sflag:s21] =	ssyncadd.s32 $0xFFFFD800;
	s28 =	rddreg [dreg:$0x4];
	s7 =	sadd.s32 s6, s7  }
0x122: {  	[tilespmem:s3], [sflag:$0x9] =	stream.strided.gather [hbm4b:s7+s28], $0x800, s8, s28, $0x38;
	[tilespmem:$0x1F800] =	vst v63  }
0x123: {  	_ =	swait.ge [sflag:s11], $0x800  }
0x124: {  	[sflag:s11] =	ssyncset.done $0x0  }
0x125: {  	s9 =	sadd.s32 $0x200, s9;
	[sflag:s11] =	ssyncadd.s32 $0xFFFFF800  }
0x126: {  	[tilespmem:s12], [sflag:$0x9] =	stream.linear.gather [hbm4b:s9+s3], $0xC80, $0x38;
	[tilespmem:$0x1F800] =	vst v63  }
0x127: {  	_ =	swait.ge [sflag:s11], $0xC80  }
0x128: {  	[sflag:s11] =	ssyncset.done $0x0  }
0x129: {  	[sflag:s11] =	ssyncadd.s32 $0xFFFFF380  }
0x12a: {  	[tilespmem:s14], [sflag:$0x1] =	stream.indirect.gather [hbm4b:s4+s13], $0x80, s3, s13, $0xb8;
	[tilespmem:$0x1F800] =	vst v63  }
0x12b: {  	_ = 	snop  }
0x12c: {  	[tilespmem:s15], [sflag:$0x2] =	stream.indirect.gather [hbm4b:s4+s13], $0x80, s13, s13, $0xb8;
	[tilespmem:$0x1F800] =	vst v63  }
0x12d: {  	_ =	swait.ge [sflag:s16], $0x2800  }
0x12e: {  	[sflag:s16] =	ssyncset.done $0x0  }
0x12f: {  	[sflag:s16] =	ssyncadd.s32 $0xFFFFD800  }
0x130: {  	[spmem:s2] =	stream.indirect.scatter.add.f32 [tilespmem:s14], [sflag:$0x5], $0x80, s12, s13, $0xb8;
	[tilespmem:$0x1F800] =	vst v63  }
0x131: {  	s8 =	rddreg [dreg:$0x6]  }
0x132: {  	[tilespmem:s17], [sflag:$0x3] =	stream.indirect.gather [hbm4b:s4+s13], $0x80, s8, s13, $0xb8;
	[tilespmem:$0x1F800] =	vst v63  }
0x133: {  	_ =	swait.ge [sflag:s18], $0x2800  }
0x134: {  	s26 =	smov.u32 s10;
	[sflag:s18] =	ssyncset.done $0x0  }
0x135: {  	s6 =	smov.u32 s26;
	s26 =	rddreg [dreg:$0x7];
	[sflag:s18] =	ssyncadd.s32 $0xFFFFD800  }
0x136: {  	[spmem:s2] =	stream.indirect.scatter.add.f32 [tilespmem:s15], [sflag:$0x6], $0x80, s26, s13, $0xb8;
	[tilespmem:$0x1F800] =	vst v63  }
0x137: {  	s28 =	rddreg [dreg:$0x8]  }
0x138: {  	[tilespmem:s19], [sflag:$0x4] =	stream.indirect.gather [hbm4b:s4+s13], $0x80, s28, s13, $0xb8;
	[tilespmem:$0x1F800] =	vst v63  }
0x139: {  	_ =	swait.ge [sflag:s20], $0x2800  }
0x13a: {  	[sflag:s20] =	ssyncset.done $0x0  }
0x13b: {  	s26 =	rddreg [dreg:$0x9];
	[sflag:s20] =	ssyncadd.s32 $0xFFFFD800  }
0x13c: {  	[spmem:s2] =	stream.indirect.scatter.add.f32 [tilespmem:s17], [sflag:$0x7], $0x80, s26, s13, $0xb8;
	[tilespmem:$0x1F800] =	vst v63  }
0x13d: {  	_ =	swait.ge [sflag:s21], $0x2800  }
0x13e: {  	[sflag:s21] =	ssyncset.done $0x0  }
0x13f: {  	s28 =	rddreg [dreg:$0xa];
	[sflag:s21] =	ssyncadd.s32 $0xFFFFD800  }
0x140: {  	[tilespmem:s14], [sflag:$0x1] =	stream.indirect.gather [hbm4b:s4+s13], $0x80, s28, s13, $0xb8;
	[tilespmem:$0x1F800] =	vst v63  }
0x141: {  	_ =	swait.ge [sflag:s22], $0x2800  }
0x142: {  	[sflag:s22] =	ssyncset.done $0x0  }
0x143: {  	s8 =	rddreg [dreg:$0xb];
	[sflag:s22] =	ssyncadd.s32 $0xFFFFD800  }
0x144: {  	[spmem:s2] =	stream.indirect.scatter.add.f32 [tilespmem:s19], [sflag:$0x8], $0x80, s8, s13, $0xb8;
	[tilespmem:$0x1F800] =	vst v63  }
0x145: {  	_ =	swait.ge [sflag:s23], $0x2800  }
0x146: {  	[sflag:s23] =	ssyncset.done $0x0  }
0x147: {  	s26 =	rddreg [dreg:$0xc];
	[sflag:s23] =	ssyncadd.s32 $0xFFFFD800  }
0x148: {  	[tilespmem:s15], [sflag:$0x2] =	stream.indirect.gather [hbm4b:s4+s13], $0x80, s26, s13, $0xb8;
	[tilespmem:$0x1F800] =	vst v63  }
0x149: {  	_ =	swait.ge [sflag:s16], $0x2800  }
0x14a: {  	[sflag:s16] =	ssyncset.done $0x0  }
0x14b: {  	s28 =	rddreg [dreg:$0xd];
	[sflag:s16] =	ssyncadd.s32 $0xFFFFD800  }
0x14c: {  	[spmem:s2] =	stream.indirect.scatter.add.f32 [tilespmem:s14], [sflag:$0x5], $0x80, s28, s13, $0xb8;
	[tilespmem:$0x1F800] =	vst v63  }
0x14d: {  	_ =	swait.ge [sflag:s24], $0x2800  }
0x14e: {  	[sflag:s24] =	ssyncset.done $0x0  }
0x14f: {  	s8 =	rddreg [dreg:$0xe];
	[sflag:s24] =	ssyncadd.s32 $0xFFFFD800  }
0x150: {  	[tilespmem:s17], [sflag:$0x3] =	stream.indirect.gather [hbm4b:s4+s13], $0x80, s8, s13, $0xb8;
	[tilespmem:$0x1F800] =	vst v63  }
0x151: {  	_ =	swait.ge [sflag:s18], $0x2800  }
0x152: {  	[sflag:s18] =	ssyncset.done $0x0  }
0x153: {  	s26 =	rddreg [dreg:$0xf];
	[sflag:s18] =	ssyncadd.s32 $0xFFFFD800  }
0x154: {  	[spmem:s2] =	stream.indirect.scatter.add.f32 [tilespmem:s15], [sflag:$0x6], $0x80, s26, s13, $0xb8;
	[tilespmem:$0x1F800] =	vst v63  }
0x155: {  	_ =	swait.ge [sflag:s25], $0x2800  }
0x156: {  	[sflag:s25] =	ssyncset.done $0x0  }
0x157: {  	s28 =	rddreg [dreg:$0x10];
	[sflag:s25] =	ssyncadd.s32 $0xFFFFD800  }
0x158: {  	[tilespmem:s19], [sflag:$0x4] =	stream.indirect.gather [hbm4b:s4+s13], $0x80, s28, s13, $0xb8;
	[tilespmem:$0x1F800] =	vst v63  }
0x159: {  	_ =	swait.ge [sflag:s20], $0x2800  }
0x15a: {  	[sflag:s20] =	ssyncset.done $0x0  }
0x15b: {  	s8 =	rddreg [dreg:$0x11];
	[sflag:s20] =	ssyncadd.s32 $0xFFFFD800  }
0x15c: {  	[spmem:s2] =	stream.indirect.scatter.add.f32 [tilespmem:s17], [sflag:$0x7], $0x80, s8, s13, $0xb8;
	[tilespmem:$0x1F800] =	vst v63  }
0x15d: {  	_ =	swait.ge [sflag:s21], $0x2800  }
0x15e: {  	[sflag:s21] =	ssyncset.done $0x0  }
0x15f: {  	s26 =	rddreg [dreg:$0x12];
	[sflag:s21] =	ssyncadd.s32 $0xFFFFD800  }
0x160: {  	[tilespmem:s14], [sflag:$0x1] =	stream.indirect.gather [hbm4b:s4+s13], $0x80, s26, s13, $0xb8;
	[tilespmem:$0x1F800] =	vst v63  }
0x161: {  	_ =	swait.ge [sflag:s22], $0x2800  }
0x162: {  	[sflag:s22] =	ssyncset.done $0x0  }
0x163: {  	s28 =	rddreg [dreg:$0x13];
	[sflag:s22] =	ssyncadd.s32 $0xFFFFD800  }
0x164: {  	[spmem:s2] =	stream.indirect.scatter.add.f32 [tilespmem:s19], [sflag:$0x8], $0x80, s28, s13, $0xb8;
	[tilespmem:$0x1F800] =	vst v63  }
0x165: {  	_ =	swait.ge [sflag:s23], $0x2800  }
0x166: {  	[sflag:s23] =	ssyncset.done $0x0  }
0x167: {  	s8 =	rddreg [dreg:$0x14];
	[sflag:s23] =	ssyncadd.s32 $0xFFFFD800  }
0x168: {  	[tilespmem:s15], [sflag:$0x2] =	stream.indirect.gather [hbm4b:s4+s13], $0x80, s8, s13, $0xb8;
	[tilespmem:$0x1F800] =	vst v63  }
0x169: {  	_ =	swait.ge [sflag:s16], $0x2800  }
0x16a: {  	[sflag:s16] =	ssyncset.done $0x0  }
0x16b: {  	s26 =	rddreg [dreg:$0x15];
	[sflag:s16] =	ssyncadd.s32 $0xFFFFD800  }
0x16c: {  	[spmem:s2] =	stream.indirect.scatter.add.f32 [tilespmem:s14], [sflag:$0x5], $0x80, s26, s13, $0xb8;
	[tilespmem:$0x1F800] =	vst v63  }
0x16d: {  	_ =	swait.ge [sflag:s24], $0x2800  }
0x16e: {  	[sflag:s24] =	ssyncset.done $0x0  }
0x16f: {  	s28 =	rddreg [dreg:$0x16];
	[sflag:s24] =	ssyncadd.s32 $0xFFFFD800  }
0x170: {  	[tilespmem:s17], [sflag:$0x3] =	stream.indirect.gather [hbm4b:s4+s13], $0x80, s28, s13, $0xb8;
	[tilespmem:$0x1F800] =	vst v63  }
0x171: {  	_ =	swait.ge [sflag:s18], $0x2800  }
0x172: {  	[sflag:s18] =	ssyncset.done $0x0  }
0x173: {  	s8 =	rddreg [dreg:$0x17];
	[sflag:s18] =	ssyncadd.s32 $0xFFFFD800  }
0x174: {  	[spmem:s2] =	stream.indirect.scatter.add.f32 [tilespmem:s15], [sflag:$0x6], $0x80, s8, s13, $0xb8;
	[tilespmem:$0x1F800] =	vst v63  }
0x175: {  	_ =	swait.ge [sflag:s25], $0x2800  }
0x176: {  	[sflag:s25] =	ssyncset.done $0x0  }
0x177: {  	s26 =	rddreg [dreg:$0x18];
	[sflag:s25] =	ssyncadd.s32 $0xFFFFD800  }
0x178: {  	[tilespmem:s19], [sflag:$0x4] =	stream.indirect.gather [hbm4b:s4+s13], $0x80, s26, s13, $0xb8;
	[tilespmem:$0x1F800] =	vst v63  }
0x179: {  	_ =	swait.ge [sflag:s20], $0x2800  }
0x17a: {  	[sflag:s20] =	ssyncset.done $0x0  }
0x17b: {  	s28 =	rddreg [dreg:$0x19];
	[sflag:s20] =	ssyncadd.s32 $0xFFFFD800  }
0x17c: {  	[spmem:s2] =	stream.indirect.scatter.add.f32 [tilespmem:s17], [sflag:$0x7], $0x80, s28, s13, $0xb8;
	[tilespmem:$0x1F800] =	vst v63  }
0x17d: {  	_ =	swait.ge [sflag:s21], $0x2800  }
0x17e: {  	[sflag:s21] =	ssyncset.done $0x0  }
0x17f: {  	s8 =	rddreg [dreg:$0x1a];
	[sflag:s21] =	ssyncadd.s32 $0xFFFFD800  }
0x180: {  	[tilespmem:s14], [sflag:$0x1] =	stream.indirect.gather [hbm4b:s4+s13], $0x80, s8, s13, $0xb8;
	[tilespmem:$0x1F800] =	vst v63  }
0x181: {  	_ =	swait.ge [sflag:s22], $0x2800  }
0x182: {  	[sflag:s22] =	ssyncset.done $0x0  }
0x183: {  	s26 =	rddreg [dreg:$0x1b];
	[sflag:s22] =	ssyncadd.s32 $0xFFFFD800  }
0x184: {  	[spmem:s2] =	stream.indirect.scatter.add.f32 [tilespmem:s19], [sflag:$0x8], $0x80, s26, s13, $0xb8;
	[tilespmem:$0x1F800] =	vst v63  }
0x185: {  	_ =	swait.ge [sflag:s23], $0x2800  }
0x186: {  	[sflag:s23] =	ssyncset.done $0x0  }
0x187: {  	s28 =	rddreg [dreg:$0x1c];
	[sflag:s23] =	ssyncadd.s32 $0xFFFFD800  }
0x188: {  	[tilespmem:s15], [sflag:$0x2] =	stream.indirect.gather [hbm4b:s4+s13], $0x80, s28, s13, $0xb8;
	[tilespmem:$0x1F800] =	vst v63  }
0x189: {  	_ =	swait.ge [sflag:s16], $0x2800  }
0x18a: {  	[sflag:s16] =	ssyncset.done $0x0  }
0x18b: {  	s8 =	rddreg [dreg:$0x1d];
	[sflag:s16] =	ssyncadd.s32 $0xFFFFD800  }
0x18c: {  	[spmem:s2] =	stream.indirect.scatter.add.f32 [tilespmem:s14], [sflag:$0x5], $0x80, s8, s13, $0xb8;
	[tilespmem:$0x1F800] =	vst v63  }
0x18d: {  	_ =	swait.ge [sflag:s24], $0x2800  }
0x18e: {  	[sflag:s24] =	ssyncset.done $0x0  }
0x18f: {  	s26 =	rddreg [dreg:$0x1e];
	[sflag:s24] =	ssyncadd.s32 $0xFFFFD800  }
0x190: {  	[tilespmem:s17], [sflag:$0x3] =	stream.indirect.gather [hbm4b:s4+s13], $0x80, s26, s13, $0xb8;
	[tilespmem:$0x1F800] =	vst v63  }
0x191: {  	_ =	swait.ge [sflag:s18], $0x2800  }
0x192: {  	[sflag:s18] =	ssyncset.done $0x0  }
0x193: {  	s28 =	rddreg [dreg:$0x1f];
	[sflag:s18] =	ssyncadd.s32 $0xFFFFD800  }
0x194: {  	[spmem:s2] =	stream.indirect.scatter.add.f32 [tilespmem:s15], [sflag:$0x6], $0x80, s28, s13, $0xb8;
	[tilespmem:$0x1F800] =	vst v63  }
0x195: {  	_ =	swait.ge [sflag:s25], $0x2800  }
0x196: {  	s8 =	sld [smem:$0x7EF]  }
0x197: {  	[sflag:s25] =	ssyncset.done $0x0  }
0x198: {  	[sflag:s25] =	ssyncadd.s32 $0xFFFFD800  }
0x199: {  	[tilespmem:s19], [sflag:$0x4] =	stream.indirect.gather [hbm4b:s4+s13], $0x80, s8, s13, $0xb8;
	[tilespmem:$0x1F800] =	vst v63  }
0x19a: {  	_ =	swait.ge [sflag:s20], $0x2800  }
0x19b: {  	s26 =	sld [smem:$0x7F0]  }
0x19c: {  	[sflag:s20] =	ssyncset.done $0x0  }
0x19d: {  	[sflag:s20] =	ssyncadd.s32 $0xFFFFD800  }
0x19e: {  	[spmem:s2] =	stream.indirect.scatter.add.f32 [tilespmem:s17], [sflag:$0x7], $0x80, s26, s13, $0xb8;
	[tilespmem:$0x1F800] =	vst v63  }
0x19f: {  	_ =	swait.ge [sflag:s21], $0x2800  }
0x1a0: {  	s28 =	sld [smem:$0x7F1]  }
0x1a1: {  	[sflag:s21] =	ssyncset.done $0x0  }
0x1a2: {  	[sflag:s21] =	ssyncadd.s32 $0xFFFFD800  }
0x1a3: {  	[tilespmem:s14], [sflag:$0x1] =	stream.indirect.gather [hbm4b:s4+s13], $0x80, s28, s13, $0xb8;
	[tilespmem:$0x1F800] =	vst v63  }
0x1a4: {  	_ =	swait.ge [sflag:s22], $0x2800  }
0x1a5: {  	s8 =	sld [smem:$0x7F2]  }
0x1a6: {  	[sflag:s22] =	ssyncset.done $0x0  }
0x1a7: {  	[sflag:s22] =	ssyncadd.s32 $0xFFFFD800  }
0x1a8: {  	[spmem:s2] =	stream.indirect.scatter.add.f32 [tilespmem:s19], [sflag:$0x8], $0x80, s8, s13, $0xb8;
	[tilespmem:$0x1F800] =	vst v63  }
0x1a9: {  	_ =	swait.ge [sflag:s23], $0x2800  }
0x1aa: {  	s26 =	sld [smem:$0x7F3]  }
0x1ab: {  	[sflag:s23] =	ssyncset.done $0x0  }
0x1ac: {  	[sflag:s23] =	ssyncadd.s32 $0xFFFFD800  }
0x1ad: {  	[tilespmem:s15], [sflag:$0x2] =	stream.indirect.gather [hbm4b:s4+s13], $0x80, s26, s13, $0xb8;
	[tilespmem:$0x1F800] =	vst v63  }
0x1ae: {  	_ =	swait.ge [sflag:s16], $0x2800  }
0x1af: {  	s28 =	sld [smem:$0x7F4]  }
0x1b0: {  	[sflag:s16] =	ssyncset.done $0x0  }
0x1b1: {  	[sflag:s16] =	ssyncadd.s32 $0xFFFFD800  }
0x1b2: {  	[spmem:s2] =	stream.indirect.scatter.add.f32 [tilespmem:s14], [sflag:$0x5], $0x80, s28, s13, $0xb8;
	[tilespmem:$0x1F800] =	vst v63  }
0x1b3: {  	_ =	swait.ge [sflag:s24], $0x2800  }
0x1b4: {  	s8 =	sld [smem:$0x7F5]  }
0x1b5: {  	[sflag:s24] =	ssyncset.done $0x0  }
0x1b6: {  	[sflag:s24] =	ssyncadd.s32 $0xFFFFD800  }
0x1b7: {  	[tilespmem:s17], [sflag:$0x3] =	stream.indirect.gather [hbm4b:s4+s13], $0x80, s8, s13, $0xb8;
	[tilespmem:$0x1F800] =	vst v63  }
0x1b8: {  	_ =	swait.ge [sflag:s18], $0x2800  }
0x1b9: {  	s26 =	sld [smem:$0x7F6]  }
0x1ba: {  	[sflag:s18] =	ssyncset.done $0x0  }
0x1bb: {  	[sflag:s18] =	ssyncadd.s32 $0xFFFFD800  }
0x1bc: {  	[spmem:s2] =	stream.indirect.scatter.add.f32 [tilespmem:s15], [sflag:$0x6], $0x80, s26, s13, $0xb8;
	[tilespmem:$0x1F800] =	vst v63  }
0x1bd: {  	_ =	swait.ge [sflag:s25], $0x2800  }
0x1be: {  	s28 =	sld [smem:$0x7F7]  }
0x1bf: {  	[sflag:s25] =	ssyncset.done $0x0  }
0x1c0: {  	[sflag:s25] =	ssyncadd.s32 $0xFFFFD800  }
0x1c1: {  	[tilespmem:s19], [sflag:$0x4] =	stream.indirect.gather [hbm4b:s4+s13], $0x80, s28, s13, $0xb8;
	[tilespmem:$0x1F800] =	vst v63  }
0x1c2: {  	_ =	swait.ge [sflag:s20], $0x2800  }
0x1c3: {  	s8 =	sld [smem:$0x7F8]  }
0x1c4: {  	[sflag:s20] =	ssyncset.done $0x0  }
0x1c5: {  	[sflag:s20] =	ssyncadd.s32 $0xFFFFD800  }
0x1c6: {  	[spmem:s2] =	stream.indirect.scatter.add.f32 [tilespmem:s17], [sflag:$0x7], $0x80, s8, s13, $0xb8;
	[tilespmem:$0x1F800] =	vst v63  }
0x1c7: {  	_ =	swait.ge [sflag:s21], $0x2800  }
0x1c8: {  	s26 =	sld [smem:$0x7F9]  }
0x1c9: {  	[sflag:s21] =	ssyncset.done $0x0  }
0x1ca: {  	[sflag:s21] =	ssyncadd.s32 $0xFFFFD800  }
0x1cb: {  	[tilespmem:s14], [sflag:$0x1] =	stream.indirect.gather [hbm4b:s4+s13], $0x80, s26, s13, $0xb8;
	[tilespmem:$0x1F800] =	vst v63  }
0x1cc: {  	_ =	swait.ge [sflag:s22], $0x2800  }
0x1cd: {  	s28 =	sld [smem:$0x7FA]  }
0x1ce: {  	[sflag:s22] =	ssyncset.done $0x0  }
0x1cf: {  	[sflag:s22] =	ssyncadd.s32 $0xFFFFD800  }
0x1d0: {  	[spmem:s2] =	stream.indirect.scatter.add.f32 [tilespmem:s19], [sflag:$0x8], $0x80, s28, s13, $0xb8;
	[tilespmem:$0x1F800] =	vst v63  }
0x1d1: {  	_ =	swait.ge [sflag:s23], $0x2800  }
0x1d2: {  	s8 =	sld [smem:$0x7FB]  }
0x1d3: {  	[sflag:s23] =	ssyncset.done $0x0  }
0x1d4: {  	[sflag:s23] =	ssyncadd.s32 $0xFFFFD800  }
0x1d5: {  	[tilespmem:s15], [sflag:$0x2] =	stream.indirect.gather [hbm4b:s4+s13], $0x80, s8, s13, $0xb8;
	[tilespmem:$0x1F800] =	vst v63  }
0x1d6: {  	_ =	swait.ge [sflag:s16], $0x2800  }
0x1d7: {  	[sflag:s16] =	ssyncset.done $0x0  }
0x1d8: {  	s26 =	simm.s32 $0x1200;
	[sflag:s16] =	ssyncadd.s32 $0xFFFFD800  }
0x1d9: {  	[spmem:s2] =	stream.indirect.scatter.add.f32 [tilespmem:s14], [sflag:$0x5], $0x80, s26, s13, $0xb8;
	[tilespmem:$0x1F800] =	vst v63  }
0x1da: {  	_ =	swait.ge [sflag:s24], $0x2800  }
0x1db: {  	[sflag:s24] =	ssyncset.done $0x0  }
0x1dc: {  	s28 =	simm.s32 $0x6E0;
	[sflag:s24] =	ssyncadd.s32 $0xFFFFD800  }
0x1dd: {  	[tilespmem:s17], [sflag:$0x3] =	stream.indirect.gather [hbm4b:s4+s13], $0x80, s28, s13, $0xb8;
	[tilespmem:$0x1F800] =	vst v63  }
0x1de: {  	_ =	swait.ge [sflag:s18], $0x2800  }
0x1df: {  	[sflag:s18] =	ssyncset.done $0x0  }
0x1e0: {  	[sflag:s18] =	ssyncadd.s32 $0xFFFFD800  }
0x1e1: {  	[spmem:s2] =	stream.indirect.scatter.add.f32 [tilespmem:s15], [sflag:$0x6], $0x80, s29, s13, $0xb8;
	[tilespmem:$0x1F800] =	vst v63  }
0x1e2: {  	_ =	swait.ge [sflag:s25], $0x2800  }
0x1e3: {  	[sflag:s25] =	ssyncset.done $0x0  }
0x1e4: {  	[sflag:s25] =	ssyncadd.s32 $0xFFFFD800  }
0x1e5: {  	[tilespmem:s19], [sflag:$0x4] =	stream.indirect.gather [hbm4b:s4+s13], $0x80, s30, s13, $0xb8;
	[tilespmem:$0x1F800] =	vst v63  }
0x1e6: {  	_ =	swait.ge [sflag:s20], $0x2800  }
0x1e7: {  	[sflag:s20] =	ssyncset.done $0x0  }
0x1e8: {  	[sflag:s20] =	ssyncadd.s32 $0xFFFFD800  }
0x1e9: {  	[spmem:s2] =	stream.indirect.scatter.add.f32 [tilespmem:s17], [sflag:$0x7], $0x80, s31, s13, $0xb8;
	[tilespmem:$0x1F800] =	vst v63  }
0x1ea: {  	_ =	swait.ge [sflag:s21], $0x2800  }
0x1eb: {  	[sflag:s21] =	ssyncset.done $0x0  }
0x1ec: {  	[sflag:s21] =	ssyncadd.s32 $0xFFFFD800  }
0x1ed: {  	[tilespmem:s14], [sflag:$0x1] =	stream.indirect.gather [hbm4b:s4+s13], $0x80, s0, s13, $0xb8;
	[tilespmem:$0x1F800] =	vst v63  }
0x1ee: {  	_ =	swait.ge [sflag:s22], $0x2800  }
0x1ef: {  	[sflag:s22] =	ssyncset.done $0x0  }
0x1f0: {  	[sflag:s22] =	ssyncadd.s32 $0xFFFFD800  }
0x1f1: {  	[spmem:s2] =	stream.indirect.scatter.add.f32 [tilespmem:s19], [sflag:$0x8], $0x80, s1, s13, $0xb8;
	[tilespmem:$0x1F800] =	vst v63  }
0x1f2: {  	_ =	swait.ge [sflag:s23], $0x2800  }
0x1f3: {  	[sflag:s23] =	ssyncset.done $0x0  }
0x1f4: {  	[sflag:s23] =	ssyncadd.s32 $0xFFFFD800  }
0x1f5: {  	_ =	swait.ge [sflag:s16], $0x2800  }
0x1f6: {  	[sflag:s16] =	ssyncset.done $0x0  }
0x1f7: {  	[sflag:s16] =	ssyncadd.s32 $0xFFFFD800  }
0x1f8: {  	[spmem:s2] =	stream.indirect.scatter.add.f32 [tilespmem:s14], [sflag:$0x5], $0x80, s5, s13, $0xb8;
	[tilespmem:$0x1F800] =	vst v63  }
0x1f9: {  	_ =	swait.ge [sflag:s24], $0x2800  }
0x1fa: {  	[sflag:s24] =	ssyncset.done $0x0  }
0x1fb: {  	p0 =	sne.s32 s10, $0x40;
	[sflag:s24] =	ssyncadd.s32 $0xFFFFD800  }
.Ltmp0:
0x1fc: {  	_ =	swait.ge [sflag:s25], $0x2800;
	(pc) =	sbr.rel @p0 .LBB2_2-.Ltmp0, $4  }
0x1fd: {  	[sflag:s25] =	ssyncset.done $0x0  }
0x1fe: {  	[sflag:s25] =	ssyncadd.s32 $0xFFFFD800  }
0x1ff: {  	_ =	swait.ge [sflag:s21], $0x2800  }
0x200: {  	s10 =	sadd.s32 $0x10, s10;
	s8 =	rddreg [dreg:$0x5];
	[sflag:s21] =	ssyncset.done $0x0  }
0x201: {  	s7 =	rddreg [dreg:$0x3]  }
0x202: {  	s10 =	rddreg [dreg:$0x4];
	[sflag:s21] =	ssyncadd.s32 $0xFFFFD800;
	s6 =	sadd.s32 s6, s7  }
0x203: {  	[tilespmem:s3], [sflag:$0x9] =	stream.strided.gather [hbm4b:s6+s10], $0x800, s8, s10, $0x38;
	[tilespmem:$0x1F800] =	vst v63  }
0x204: {  	_ =	swait.ge [sflag:s11], $0x800  }
0x205: {  	[sflag:s11] =	ssyncset.done $0x0  }
0x206: {  	s9 =	sadd.s32 $0x200, s9;
	[sflag:s11] =	ssyncadd.s32 $0xFFFFF800  }
0x207: {  	[tilespmem:s12], [sflag:$0x9] =	stream.linear.gather [hbm4b:s9+s3], $0xC80, $0x38;
	[tilespmem:$0x1F800] =	vst v63  }
0x208: {  	_ =	swait.ge [sflag:s11], $0xC80  }
0x209: {  	[sflag:s11] =	ssyncset.done $0x0  }
0x20a: {  	[sflag:s11] =	ssyncadd.s32 $0xFFFFF380  }
0x20b: {  	[tilespmem:s14], [sflag:$0x1] =	stream.indirect.gather [hbm4b:s4+s13], $0x80, s3, s13, $0xb8;
	[tilespmem:$0x1F800] =	vst v63  }
0x20c: {  	_ = 	snop  }
0x20d: {  	[tilespmem:s15], [sflag:$0x2] =	stream.indirect.gather [hbm4b:s4+s13], $0x80, s13, s13, $0xb8;
	[tilespmem:$0x1F800] =	vst v63  }
0x20e: {  	_ =	swait.ge [sflag:s16], $0x2800  }
0x20f: {  	[sflag:s16] =	ssyncset.done $0x0  }
0x210: {  	[sflag:s16] =	ssyncadd.s32 $0xFFFFD800  }
0x211: {  	[spmem:s2] =	stream.indirect.scatter.add.f32 [tilespmem:s14], [sflag:$0x5], $0x80, s12, s13, $0xb8;
	[tilespmem:$0x1F800] =	vst v63  }
0x212: {  	s10 =	rddreg [dreg:$0x6]  }
0x213: {  	[tilespmem:s17], [sflag:$0x3] =	stream.indirect.gather [hbm4b:s4+s13], $0x80, s10, s13, $0xb8;
	[tilespmem:$0x1F800] =	vst v63  }
0x214: {  	_ =	swait.ge [sflag:s18], $0x2800  }
0x215: {  	[sflag:s18] =	ssyncset.done $0x0  }
0x216: {  	s26 =	rddreg [dreg:$0x7];
	[sflag:s18] =	ssyncadd.s32 $0xFFFFD800  }
0x217: {  	[spmem:s2] =	stream.indirect.scatter.add.f32 [tilespmem:s15], [sflag:$0x6], $0x80, s26, s13, $0xb8;
	[tilespmem:$0x1F800] =	vst v63  }
0x218: {  	s28 =	rddreg [dreg:$0x8]  }
0x219: {  	[tilespmem:s19], [sflag:$0x4] =	stream.indirect.gather [hbm4b:s4+s13], $0x80, s28, s13, $0xb8;
	[tilespmem:$0x1F800] =	vst v63  }
0x21a: {  	_ =	swait.ge [sflag:s20], $0x2800  }
0x21b: {  	[sflag:s20] =	ssyncset.done $0x0  }
0x21c: {  	s8 =	rddreg [dreg:$0x9];
	[sflag:s20] =	ssyncadd.s32 $0xFFFFD800  }
0x21d: {  	[spmem:s2] =	stream.indirect.scatter.add.f32 [tilespmem:s17], [sflag:$0x7], $0x80, s8, s13, $0xb8;
	[tilespmem:$0x1F800] =	vst v63  }
0x21e: {  	_ =	swait.ge [sflag:s21], $0x2800  }
0x21f: {  	[sflag:s21] =	ssyncset.done $0x0  }
0x220: {  	s9 =	rddreg [dreg:$0xa];
	[sflag:s21] =	ssyncadd.s32 $0xFFFFD800  }
0x221: {  	[tilespmem:s14], [sflag:$0x1] =	stream.indirect.gather [hbm4b:s4+s13], $0x80, s9, s13, $0xb8;
	[tilespmem:$0x1F800] =	vst v63  }
0x222: {  	_ =	swait.ge [sflag:s22], $0x2800  }
0x223: {  	[sflag:s22] =	ssyncset.done $0x0  }
0x224: {  	s10 =	rddreg [dreg:$0xb];
	[sflag:s22] =	ssyncadd.s32 $0xFFFFD800  }
0x225: {  	[spmem:s2] =	stream.indirect.scatter.add.f32 [tilespmem:s19], [sflag:$0x8], $0x80, s10, s13, $0xb8;
	[tilespmem:$0x1F800] =	vst v63  }
0x226: {  	_ =	swait.ge [sflag:s23], $0x2800  }
0x227: {  	[sflag:s23] =	ssyncset.done $0x0  }
0x228: {  	s26 =	rddreg [dreg:$0xc];
	[sflag:s23] =	ssyncadd.s32 $0xFFFFD800  }
0x229: {  	[tilespmem:s15], [sflag:$0x2] =	stream.indirect.gather [hbm4b:s4+s13], $0x80, s26, s13, $0xb8;
	[tilespmem:$0x1F800] =	vst v63  }
0x22a: {  	_ =	swait.ge [sflag:s16], $0x2800  }
0x22b: {  	[sflag:s16] =	ssyncset.done $0x0  }
0x22c: {  	s28 =	rddreg [dreg:$0xd];
	[sflag:s16] =	ssyncadd.s32 $0xFFFFD800  }
0x22d: {  	[spmem:s2] =	stream.indirect.scatter.add.f32 [tilespmem:s14], [sflag:$0x5], $0x80, s28, s13, $0xb8;
	[tilespmem:$0x1F800] =	vst v63  }
0x22e: {  	_ =	swait.ge [sflag:s24], $0x2800  }
0x22f: {  	[sflag:s24] =	ssyncset.done $0x0  }
0x230: {  	s7 =	rddreg [dreg:$0xe];
	[sflag:s24] =	ssyncadd.s32 $0xFFFFD800  }
0x231: {  	[tilespmem:s17], [sflag:$0x3] =	stream.indirect.gather [hbm4b:s4+s13], $0x80, s7, s13, $0xb8;
	[tilespmem:$0x1F800] =	vst v63  }
0x232: {  	_ =	swait.ge [sflag:s18], $0x2800  }
0x233: {  	[sflag:s18] =	ssyncset.done $0x0  }
0x234: {  	s8 =	rddreg [dreg:$0xf];
	[sflag:s18] =	ssyncadd.s32 $0xFFFFD800  }
0x235: {  	[spmem:s2] =	stream.indirect.scatter.add.f32 [tilespmem:s15], [sflag:$0x6], $0x80, s8, s13, $0xb8;
	[tilespmem:$0x1F800] =	vst v63  }
0x236: {  	_ =	swait.ge [sflag:s25], $0x2800  }
0x237: {  	[sflag:s25] =	ssyncset.done $0x0  }
0x238: {  	s9 =	rddreg [dreg:$0x10];
	[sflag:s25] =	ssyncadd.s32 $0xFFFFD800  }
0x239: {  	[tilespmem:s19], [sflag:$0x4] =	stream.indirect.gather [hbm4b:s4+s13], $0x80, s9, s13, $0xb8;
	[tilespmem:$0x1F800] =	vst v63  }
0x23a: {  	_ =	swait.ge [sflag:s20], $0x2800  }
0x23b: {  	[sflag:s20] =	ssyncset.done $0x0  }
0x23c: {  	s10 =	rddreg [dreg:$0x11];
	[sflag:s20] =	ssyncadd.s32 $0xFFFFD800  }
0x23d: {  	[spmem:s2] =	stream.indirect.scatter.add.f32 [tilespmem:s17], [sflag:$0x7], $0x80, s10, s13, $0xb8;
	[tilespmem:$0x1F800] =	vst v63  }
0x23e: {  	_ =	swait.ge [sflag:s21], $0x2800  }
0x23f: {  	[sflag:s21] =	ssyncset.done $0x0  }
0x240: {  	s26 =	rddreg [dreg:$0x12];
	[sflag:s21] =	ssyncadd.s32 $0xFFFFD800  }
0x241: {  	[tilespmem:s14], [sflag:$0x1] =	stream.indirect.gather [hbm4b:s4+s13], $0x80, s26, s13, $0xb8;
	[tilespmem:$0x1F800] =	vst v63  }
0x242: {  	_ =	swait.ge [sflag:s22], $0x2800  }
0x243: {  	[sflag:s22] =	ssyncset.done $0x0  }
0x244: {  	s28 =	rddreg [dreg:$0x13];
	[sflag:s22] =	ssyncadd.s32 $0xFFFFD800  }
0x245: {  	[spmem:s2] =	stream.indirect.scatter.add.f32 [tilespmem:s19], [sflag:$0x8], $0x80, s28, s13, $0xb8;
	[tilespmem:$0x1F800] =	vst v63  }
0x246: {  	_ =	swait.ge [sflag:s23], $0x2800  }
0x247: {  	[sflag:s23] =	ssyncset.done $0x0  }
0x248: {  	s7 =	rddreg [dreg:$0x14];
	[sflag:s23] =	ssyncadd.s32 $0xFFFFD800  }
0x249: {  	[tilespmem:s15], [sflag:$0x2] =	stream.indirect.gather [hbm4b:s4+s13], $0x80, s7, s13, $0xb8;
	[tilespmem:$0x1F800] =	vst v63  }
0x24a: {  	_ =	swait.ge [sflag:s16], $0x2800  }
0x24b: {  	[sflag:s16] =	ssyncset.done $0x0  }
0x24c: {  	s8 =	rddreg [dreg:$0x15];
	[sflag:s16] =	ssyncadd.s32 $0xFFFFD800  }
0x24d: {  	[spmem:s2] =	stream.indirect.scatter.add.f32 [tilespmem:s14], [sflag:$0x5], $0x80, s8, s13, $0xb8;
	[tilespmem:$0x1F800] =	vst v63  }
0x24e: {  	_ =	swait.ge [sflag:s24], $0x2800  }
0x24f: {  	[sflag:s24] =	ssyncset.done $0x0  }
0x250: {  	s9 =	rddreg [dreg:$0x16];
	[sflag:s24] =	ssyncadd.s32 $0xFFFFD800  }
0x251: {  	[tilespmem:s17], [sflag:$0x3] =	stream.indirect.gather [hbm4b:s4+s13], $0x80, s9, s13, $0xb8;
	[tilespmem:$0x1F800] =	vst v63  }
0x252: {  	_ =	swait.ge [sflag:s18], $0x2800  }
0x253: {  	[sflag:s18] =	ssyncset.done $0x0  }
0x254: {  	s10 =	rddreg [dreg:$0x17];
	[sflag:s18] =	ssyncadd.s32 $0xFFFFD800  }
0x255: {  	[spmem:s2] =	stream.indirect.scatter.add.f32 [tilespmem:s15], [sflag:$0x6], $0x80, s10, s13, $0xb8;
	[tilespmem:$0x1F800] =	vst v63  }
0x256: {  	_ =	swait.ge [sflag:s25], $0x2800  }
0x257: {  	[sflag:s25] =	ssyncset.done $0x0  }
0x258: {  	s26 =	rddreg [dreg:$0x18];
	[sflag:s25] =	ssyncadd.s32 $0xFFFFD800  }
0x259: {  	[tilespmem:s19], [sflag:$0x4] =	stream.indirect.gather [hbm4b:s4+s13], $0x80, s26, s13, $0xb8;
	[tilespmem:$0x1F800] =	vst v63  }
0x25a: {  	_ =	swait.ge [sflag:s20], $0x2800  }
0x25b: {  	[sflag:s20] =	ssyncset.done $0x0  }
0x25c: {  	s28 =	rddreg [dreg:$0x19];
	[sflag:s20] =	ssyncadd.s32 $0xFFFFD800  }
0x25d: {  	[spmem:s2] =	stream.indirect.scatter.add.f32 [tilespmem:s17], [sflag:$0x7], $0x80, s28, s13, $0xb8;
	[tilespmem:$0x1F800] =	vst v63  }
0x25e: {  	_ =	swait.ge [sflag:s21], $0x2800  }
0x25f: {  	[sflag:s21] =	ssyncset.done $0x0  }
0x260: {  	s7 =	rddreg [dreg:$0x1a];
	[sflag:s21] =	ssyncadd.s32 $0xFFFFD800  }
0x261: {  	[tilespmem:s14], [sflag:$0x1] =	stream.indirect.gather [hbm4b:s4+s13], $0x80, s7, s13, $0xb8;
	[tilespmem:$0x1F800] =	vst v63  }
0x262: {  	_ =	swait.ge [sflag:s22], $0x2800  }
0x263: {  	[sflag:s22] =	ssyncset.done $0x0  }
0x264: {  	s8 =	rddreg [dreg:$0x1b];
	[sflag:s22] =	ssyncadd.s32 $0xFFFFD800  }
0x265: {  	[spmem:s2] =	stream.indirect.scatter.add.f32 [tilespmem:s19], [sflag:$0x8], $0x80, s8, s13, $0xb8;
	[tilespmem:$0x1F800] =	vst v63  }
0x266: {  	_ =	swait.ge [sflag:s23], $0x2800  }
0x267: {  	[sflag:s23] =	ssyncset.done $0x0  }
0x268: {  	s9 =	rddreg [dreg:$0x1c];
	[sflag:s23] =	ssyncadd.s32 $0xFFFFD800  }
0x269: {  	[tilespmem:s15], [sflag:$0x2] =	stream.indirect.gather [hbm4b:s4+s13], $0x80, s9, s13, $0xb8;
	[tilespmem:$0x1F800] =	vst v63  }
0x26a: {  	_ =	swait.ge [sflag:s16], $0x2800  }
0x26b: {  	[sflag:s16] =	ssyncset.done $0x0  }
0x26c: {  	s10 =	rddreg [dreg:$0x1d];
	[sflag:s16] =	ssyncadd.s32 $0xFFFFD800  }
0x26d: {  	[spmem:s2] =	stream.indirect.scatter.add.f32 [tilespmem:s14], [sflag:$0x5], $0x80, s10, s13, $0xb8;
	[tilespmem:$0x1F800] =	vst v63  }
0x26e: {  	_ =	swait.ge [sflag:s24], $0x2800  }
0x26f: {  	[sflag:s24] =	ssyncset.done $0x0  }
0x270: {  	s26 =	rddreg [dreg:$0x1e];
	[sflag:s24] =	ssyncadd.s32 $0xFFFFD800  }
0x271: {  	[tilespmem:s17], [sflag:$0x3] =	stream.indirect.gather [hbm4b:s4+s13], $0x80, s26, s13, $0xb8;
	[tilespmem:$0x1F800] =	vst v63  }
0x272: {  	_ =	swait.ge [sflag:s18], $0x2800  }
0x273: {  	[sflag:s18] =	ssyncset.done $0x0  }
0x274: {  	s28 =	rddreg [dreg:$0x1f];
	[sflag:s18] =	ssyncadd.s32 $0xFFFFD800  }
0x275: {  	[spmem:s2] =	stream.indirect.scatter.add.f32 [tilespmem:s15], [sflag:$0x6], $0x80, s28, s13, $0xb8;
	[tilespmem:$0x1F800] =	vst v63  }
0x276: {  	_ =	swait.ge [sflag:s25], $0x2800  }
0x277: {  	s7 =	sld [smem:$0x7EF]  }
0x278: {  	[sflag:s25] =	ssyncset.done $0x0  }
0x279: {  	[sflag:s25] =	ssyncadd.s32 $0xFFFFD800  }
0x27a: {  	[tilespmem:s19], [sflag:$0x4] =	stream.indirect.gather [hbm4b:s4+s13], $0x80, s7, s13, $0xb8;
	[tilespmem:$0x1F800] =	vst v63  }
0x27b: {  	_ =	swait.ge [sflag:s20], $0x2800  }
0x27c: {  	s8 =	sld [smem:$0x7F0]  }
0x27d: {  	[sflag:s20] =	ssyncset.done $0x0  }
0x27e: {  	[sflag:s20] =	ssyncadd.s32 $0xFFFFD800  }
0x27f: {  	[spmem:s2] =	stream.indirect.scatter.add.f32 [tilespmem:s17], [sflag:$0x7], $0x80, s8, s13, $0xb8;
	[tilespmem:$0x1F800] =	vst v63  }
0x280: {  	_ =	swait.ge [sflag:s21], $0x2800  }
0x281: {  	s9 =	sld [smem:$0x7F1]  }
0x282: {  	[sflag:s21] =	ssyncset.done $0x0  }
0x283: {  	[sflag:s21] =	ssyncadd.s32 $0xFFFFD800  }
0x284: {  	[tilespmem:s14], [sflag:$0x1] =	stream.indirect.gather [hbm4b:s4+s13], $0x80, s9, s13, $0xb8;
	[tilespmem:$0x1F800] =	vst v63  }
0x285: {  	_ =	swait.ge [sflag:s22], $0x2800  }
0x286: {  	s10 =	sld [smem:$0x7F2]  }
0x287: {  	[sflag:s22] =	ssyncset.done $0x0  }
0x288: {  	[sflag:s22] =	ssyncadd.s32 $0xFFFFD800  }
0x289: {  	[spmem:s2] =	stream.indirect.scatter.add.f32 [tilespmem:s19], [sflag:$0x8], $0x80, s10, s13, $0xb8;
	[tilespmem:$0x1F800] =	vst v63  }
0x28a: {  	_ =	swait.ge [sflag:s23], $0x2800  }
0x28b: {  	s26 =	sld [smem:$0x7F3]  }
0x28c: {  	[sflag:s23] =	ssyncset.done $0x0  }
0x28d: {  	[sflag:s23] =	ssyncadd.s32 $0xFFFFD800  }
0x28e: {  	[tilespmem:s15], [sflag:$0x2] =	stream.indirect.gather [hbm4b:s4+s13], $0x80, s26, s13, $0xb8;
	[tilespmem:$0x1F800] =	vst v63  }
0x28f: {  	_ =	swait.ge [sflag:s16], $0x2800  }
0x290: {  	s28 =	sld [smem:$0x7F4]  }
0x291: {  	[sflag:s16] =	ssyncset.done $0x0  }
0x292: {  	[sflag:s16] =	ssyncadd.s32 $0xFFFFD800  }
0x293: {  	[spmem:s2] =	stream.indirect.scatter.add.f32 [tilespmem:s14], [sflag:$0x5], $0x80, s28, s13, $0xb8;
	[tilespmem:$0x1F800] =	vst v63  }
0x294: {  	_ =	swait.ge [sflag:s24], $0x2800  }
0x295: {  	s7 =	sld [smem:$0x7F5]  }
0x296: {  	[sflag:s24] =	ssyncset.done $0x0  }
0x297: {  	[sflag:s24] =	ssyncadd.s32 $0xFFFFD800  }
0x298: {  	[tilespmem:s17], [sflag:$0x3] =	stream.indirect.gather [hbm4b:s4+s13], $0x80, s7, s13, $0xb8;
	[tilespmem:$0x1F800] =	vst v63  }
0x299: {  	_ =	swait.ge [sflag:s18], $0x2800  }
0x29a: {  	s8 =	sld [smem:$0x7F6]  }
0x29b: {  	[sflag:s18] =	ssyncset.done $0x0  }
0x29c: {  	[sflag:s18] =	ssyncadd.s32 $0xFFFFD800  }
0x29d: {  	[spmem:s2] =	stream.indirect.scatter.add.f32 [tilespmem:s15], [sflag:$0x6], $0x80, s8, s13, $0xb8;
	[tilespmem:$0x1F800] =	vst v63  }
0x29e: {  	_ =	swait.ge [sflag:s25], $0x2800  }
0x29f: {  	s9 =	sld [smem:$0x7F7]  }
0x2a0: {  	[sflag:s25] =	ssyncset.done $0x0  }
0x2a1: {  	[sflag:s25] =	ssyncadd.s32 $0xFFFFD800  }
0x2a2: {  	[tilespmem:s19], [sflag:$0x4] =	stream.indirect.gather [hbm4b:s4+s13], $0x80, s9, s13, $0xb8;
	[tilespmem:$0x1F800] =	vst v63  }
0x2a3: {  	_ =	swait.ge [sflag:s20], $0x2800  }
0x2a4: {  	s10 =	sld [smem:$0x7F8]  }
0x2a5: {  	[sflag:s20] =	ssyncset.done $0x0  }
0x2a6: {  	[sflag:s20] =	ssyncadd.s32 $0xFFFFD800  }
0x2a7: {  	[spmem:s2] =	stream.indirect.scatter.add.f32 [tilespmem:s17], [sflag:$0x7], $0x80, s10, s13, $0xb8;
	[tilespmem:$0x1F800] =	vst v63  }
0x2a8: {  	_ =	swait.ge [sflag:s21], $0x2800  }
0x2a9: {  	s26 =	sld [smem:$0x7F9]  }
0x2aa: {  	[sflag:s21] =	ssyncset.done $0x0  }
0x2ab: {  	[sflag:s21] =	ssyncadd.s32 $0xFFFFD800  }
0x2ac: {  	[tilespmem:s14], [sflag:$0x1] =	stream.indirect.gather [hbm4b:s4+s13], $0x80, s26, s13, $0xb8;
	[tilespmem:$0x1F800] =	vst v63  }
0x2ad: {  	_ =	swait.ge [sflag:s22], $0x2800  }
0x2ae: {  	s28 =	sld [smem:$0x7FA]  }
0x2af: {  	[sflag:s22] =	ssyncset.done $0x0  }
0x2b0: {  	[sflag:s22] =	ssyncadd.s32 $0xFFFFD800  }
0x2b1: {  	[spmem:s2] =	stream.indirect.scatter.add.f32 [tilespmem:s19], [sflag:$0x8], $0x80, s28, s13, $0xb8;
	[tilespmem:$0x1F800] =	vst v63  }
0x2b2: {  	_ =	swait.ge [sflag:s23], $0x2800  }
0x2b3: {  	s7 =	sld [smem:$0x7FB]  }
0x2b4: {  	[sflag:s23] =	ssyncset.done $0x0  }
0x2b5: {  	[sflag:s23] =	ssyncadd.s32 $0xFFFFD800  }
0x2b6: {  	[tilespmem:s15], [sflag:$0x2] =	stream.indirect.gather [hbm4b:s4+s13], $0x80, s7, s13, $0xb8;
	[tilespmem:$0x1F800] =	vst v63  }
0x2b7: {  	_ =	swait.ge [sflag:s16], $0x2800  }
0x2b8: {  	[sflag:s16] =	ssyncset.done $0x0  }
0x2b9: {  	s8 =	simm.s32 $0x1200;
	[sflag:s16] =	ssyncadd.s32 $0xFFFFD800  }
0x2ba: {  	[spmem:s2] =	stream.indirect.scatter.add.f32 [tilespmem:s14], [sflag:$0x5], $0x80, s8, s13, $0xb8;
	[tilespmem:$0x1F800] =	vst v63  }
0x2bb: {  	_ =	swait.ge [sflag:s24], $0x2800  }
0x2bc: {  	[sflag:s24] =	ssyncset.done $0x0  }
0x2bd: {  	s9 =	simm.s32 $0x6E0;
	[sflag:s24] =	ssyncadd.s32 $0xFFFFD800  }
0x2be: {  	[tilespmem:s17], [sflag:$0x3] =	stream.indirect.gather [hbm4b:s4+s13], $0x80, s9, s13, $0xb8;
	[tilespmem:$0x1F800] =	vst v63  }
0x2bf: {  	_ =	swait.ge [sflag:s18], $0x2800  }
0x2c0: {  	[sflag:s18] =	ssyncset.done $0x0  }
0x2c1: {  	[sflag:s18] =	ssyncadd.s32 $0xFFFFD800  }
0x2c2: {  	[spmem:s2] =	stream.indirect.scatter.add.f32 [tilespmem:s15], [sflag:$0x6], $0x80, s29, s13, $0xb8;
	[tilespmem:$0x1F800] =	vst v63  }
0x2c3: {  	_ =	swait.ge [sflag:s25], $0x2800  }
0x2c4: {  	[sflag:s25] =	ssyncset.done $0x0  }
0x2c5: {  	[sflag:s25] =	ssyncadd.s32 $0xFFFFD800  }
0x2c6: {  	[tilespmem:s19], [sflag:$0x4] =	stream.indirect.gather [hbm4b:s4+s13], $0x80, s30, s13, $0xb8;
	[tilespmem:$0x1F800] =	vst v63  }
0x2c7: {  	_ =	swait.ge [sflag:s20], $0x2800  }
0x2c8: {  	[sflag:s20] =	ssyncset.done $0x0  }
0x2c9: {  	[sflag:s20] =	ssyncadd.s32 $0xFFFFD800  }
0x2ca: {  	[spmem:s2] =	stream.indirect.scatter.add.f32 [tilespmem:s17], [sflag:$0x7], $0x80, s31, s13, $0xb8;
	[tilespmem:$0x1F800] =	vst v63  }
0x2cb: {  	_ =	swait.ge [sflag:s21], $0x2800  }
0x2cc: {  	[sflag:s21] =	ssyncset.done $0x0  }
0x2cd: {  	[sflag:s21] =	ssyncadd.s32 $0xFFFFD800  }
0x2ce: {  	[tilespmem:s14], [sflag:$0x1] =	stream.indirect.gather [hbm4b:s4+s13], $0x80, s0, s13, $0xb8;
	[tilespmem:$0x1F800] =	vst v63  }
0x2cf: {  	_ =	swait.ge [sflag:s22], $0x2800  }
0x2d0: {  	[sflag:s22] =	ssyncset.done $0x0  }
0x2d1: {  	[sflag:s22] =	ssyncadd.s32 $0xFFFFD800  }
0x2d2: {  	[spmem:s2] =	stream.indirect.scatter.add.f32 [tilespmem:s19], [sflag:$0x8], $0x80, s1, s13, $0xb8;
	[tilespmem:$0x1F800] =	vst v63  }
0x2d3: {  	_ =	swait.ge [sflag:s23], $0x2800  }
0x2d4: {  	[sflag:s23] =	ssyncset.done $0x0  }
0x2d5: {  	[sflag:s23] =	ssyncadd.s32 $0xFFFFD800  }
0x2d6: {  	_ =	swait.ge [sflag:s16], $0x2800  }
0x2d7: {  	[sflag:s16] =	ssyncset.done $0x0  }
0x2d8: {  	[sflag:s16] =	ssyncadd.s32 $0xFFFFD800  }
0x2d9: {  	[spmem:s2] =	stream.indirect.scatter.add.f32 [tilespmem:s14], [sflag:$0x5], $0x80, s5, s13, $0xb8;
	[tilespmem:$0x1F800] =	vst v63  }
0x2da: {  	_ =	swait.ge [sflag:s24], $0x2800  }
0x2db: {  	[sflag:s24] =	ssyncset.done $0x0  }
0x2dc: {  	[sflag:s24] =	ssyncadd.s32 $0xFFFFD800  }
0x2dd: {  	_ =	swait.ge [sflag:s25], $0x2800  }
0x2de: {  	[sflag:s25] =	ssyncset.done $0x0  }
0x2df: {  	[sflag:s25] =	ssyncadd.s32 $0xFFFFD800  }
0x2e0: {  	_ =	swait.ge [sflag:s21], $0x2800  }
0x2e1: {  	[sflag:s21] =	ssyncset.done $0x0  }
0x2e2: {  	[sflag:s21] =	ssyncadd.s32 $0xFFFFD800  }
0x2e3: {  	[bflag:$0x0] =	sbarrier.arrive $0xFFFF  }
0x2e4: {  	s8 =	sld [smem:$0x7FC]  }
0x2e5: {  	s10 =	sld [smem:$0x7EC]  }
0x2e6: {  	s7 =	sld [smem:$0x7FD];
	_ =	sdelay $0x2  }
0x2e7: {  	[hbm:s10], [sflag:s8] =	dma.local [spmem:s7], $0x2800  }
0x2e8: {  	_ =	swait.ge [sflag:s11], $0x2800  }
0x2e9: {  	s26 =	sld [smem:$0x7EA]  }
0x2ea: {  	s28 =	sld [smem:$0x7ED];
	_ =	sdelay $0x1  }
0x2eb: {  	s9 =	sadd.s32 $0x1, s26  }
0x2ec: {  	p0 =	sne.s32 s9, s28  }
.Ltmp1:
0x2ed: {  	_ = 	snop;
	(pc) =	sbr.rel @p0 .LBB2_1-.Ltmp1, $3  }
0x2ee: {  	_ =	sdelay $0x1  }
0x2ef: {  	[sflag:s11] =	ssyncset.done $0x0  }
0x2f0: {  	[sflag:s11] =	ssyncadd.s32 $0xFFFFD800  }
0x2f1: {  	_ =	sfence.sel $0x180000  }
0x2f2: {  	[bflag:$0x0] =	sbarrier.arrive $0xFFFF  }
0x2f3: {  	_ =	strace $0x9000004A  }
0x2f4: {  	s0 =	stileid.u32;
	[bflag:$0x2] =	sbarrier.arrive $0xFFFF  }
0x2f5: {  	p0 =	sne.s32 s0, $0x0;
	s0 =	rddreg [dreg:$0x2]  }
0x2f6: {  	s0 =	sadd.s32 @!p0 $0x100000, s0  }
0x2f7: {  	[sflag:s0] =	ssyncadd.tile.s32 @!p0 $0x1;
	_ =	shalt  }
.Lfunc_end2:
_tile_overlayer_lowered:
.L_overlay_start_2:
0x2f8: {  	(tag) =	ssettag $0x2  }
0x2f9: {  	s0 =	rddreg [dreg:$0x0];
	s2 =	stileid.u32  }
0x2fa: {  	s1 =	rddreg [dreg:$0x1];
	p0 =	sne.s32 s2, $0x0  }
0x2fb: {  	s3 =	rddreg [dreg:$0x2];
	[bflag:$0x3] =	sbarrier.arrive $0xFFFF;
	s2 =	simm.s32 @!p0 $0x1C09  }
0x2fc: {  	[timem:s3], [sflag:s2] =	dma.local @!p0 [hbm:s0], s1  }
0x2fd: {  	s0 =	simm.s32 @!p0 $0x9  }
0x2fe: {  	_ =	swait.ge @!p0 [sflag:s0], s1  }
0x2ff: {  	s1 =	ssub.s32 @!p0 $0x0, s1;
	[sflag:s0] =	ssyncset.done @!p0 $0x0  }
0x300: {  	[sflag:s0] =	ssyncadd.s32 @!p0 s1  }
0x301: {  	[bflag:$0x3] =	sbarrier.arrive $0xFFFF  }
0x302: {  	_ =	shalt  }

// kernel: kernel.14.cloned.1.call-start
scs
__scs_entry_jumppad:
0x0: {  	(pc) =	sbr.rel $0x88, $3  }
0x1: {  	(tag) =	ssettag $0x0;
	lr =	simm.s32 $0x1  }
0x2: {  	[smem:$0x3F83] =	sst lr;
	_ =	strace $0xD0000000  }
0x3: {  	_ = 	snop  }
0x4: {  	_ = 	snop  }
0x5: {  	_ = 	snop  }
0x6: {  	_ = 	snop  }
0x7: {  	_ = 	snop  }
__scs_overlays_trampoline_lowered:
0x8: {  	[smem:$0x3F92] =	sst s0  }
0x9: {  	[smem:$0x3F93] =	sst s1  }
0xa: {  	[smem:$0x3F94] =	sst s2  }
0xb: {  	[smem:$0x3F95] =	sst s3  }
0xc: {  	[smem:$0x3F96] =	sst s4  }
0xd: {  	[smem:$0x3F97] =	sst s5  }
0xe: {  	[smem:$0x3F98] =	sst s6  }
0xf: {  	[smem:$0x3F99] =	sst s7  }
0x10: {  	[smem:$0x3F9A] =	sst s8  }
0x11: {  	[smem:$0x3F9B] =	sst s9;
	s0 =	simm.s32 @!p0 $0x0  }
0x12: {  	s1 =	sld [smem:$0x3F81];
	s0 =	simm.s32 @p0 $0x1  }
0x13: {  	[smem:$0x3F9C] =	sst s0;
	s0 =	simm.s32 @!p1 $0x0  }
0x14: {  	s2 =	sld [smem:$0x3F80];
	s0 =	simm.s32 @p1 $0x1  }
0x15: {  	[smem:$0x3F9D] =	sst s0;
	s0 =	simm.s32 @!p2 $0x0  }
0x16: {  	s3 =	sld [smem:$0x3FDB];
	s0 =	simm.s32 @p2 $0x1  }
0x17: {  	s4 =	simm.s32 $0x1BF5;
	[smem:$0x3F9F] =	sst s0  }
0x18: {  	s0 =	sld [smem:$0x3F82];
	_ =	swait.ge [sflag:s4], $0x0  }
0x19: {  	s7 =	sld [smem:$0x3F83]  }
0x1a: {  	s8 =	sadd.s32 $0xFFFFE003, lr  }
0x1b: {  	s9 =	sadd.s32 $0xFFFFFEF7, lr;
	s5 =	simm.s32 $0xFFFFFFFF;
	p2 =	slt.u32 s8, $0xFFFFF086  }
0x1c: {  	p1 =	slt.u32 s9, $0xF7A;
	s5 =	simm.s32 @!p2 $0x0  }
0x1d: {  	s5 =	simm.s32 @p1 $0x1;
	p0 =	seq.s32 s7, s2  }
0x1e: {  	s7 =	smul.u32 @!p0 $0xF7A, s2;
	p2 =	seq.s32 @!p0 s5, $0x0  }
0x1f: {  	s9 =	smul.u32 $0xF7A, s1;
	s8 =	simm.s32 @!p0 $0x1BF5;
	p2 =	por !p2, p0  }
0x20: {  	[sflag:s8] =	ssyncset.s32 @!p0 $0xFFFFF086;
	s6 =	sadd.s32 @!p0 s3, s7;
	s7 =	simm.s32 @!p0 $0x108  }
0x21: {  	s3 =	sadd.s32 s3, s9;
	s6 =	sadd.s32 @!p0 $0x88, s6;
	s7 =	simm.s32 @p2 $0x1082  }
0x22: {  	[simem:s7], [sflag:s8] =	dma.local @!p0 [hbm:s6], $0xF7A  }
0x23: {  	s9 =	sor.u32 $0xD0000000, s2;
	s6 =	simm.s32 $0x108;
	_ =	swait.ge @!p0 [sflag:s8], $0x0  }
0x24: {  	s3 =	sadd.s32 $0x88, s3;
	s6 =	simm.s32 @!p1 $0x1082;
	[sflag:s4] =	ssyncset.s32 $0xFFFFF086  }
0x25: {  	[simem:s6], [sflag:s4] =	dma.local [hbm:s3], $0xF7A  }
0x26: {  	[smem:$0x3F83] =	sst s1;
	(tag) =	ssettag s2;
	_ =	strace s9  }
0x27: {  	s1 =	sld [smem:$0x3F93]  }
0x28: {  	s2 =	sld [smem:$0x3F94]  }
0x29: {  	s4 =	sld [smem:$0x3F96]  }
0x2a: {  	p0 =	seq.s32 s5, $0x0;
	s5 =	sld [smem:$0x3F97]  }
0x2b: {  	s6 =	sld [smem:$0x3F98]  }
0x2c: {  	s7 =	sld [smem:$0x3F99]  }
0x2d: {  	s3 =	simm.s32 $0x108;
	s8 =	sld [smem:$0x3F9A]  }
0x2e: {  	s3 =	simm.s32 @!p0 $0x1082;
	s9 =	sld [smem:$0x3F9B]  }
0x2f: {  	lr =	sadd.s32 s0, s3;
	s0 =	sld [smem:$0x3F92]  }
0x30: {  	s3 =	sld [smem:$0x3F95]  }
0x31: {  	[smem:$0x3F9E] =	sst s10  }
0x32: {  	s10 =	sld [smem:$0x3F9C];
	_ =	sdelay $0x3  }
0x33: {  	p0 =	seq.s32 s10, $0x1;
	s10 =	sld [smem:$0x3F9E];
	_ =	sdelay $0x3  }
0x34: {  	[smem:$0x3F9E] =	sst s10  }
0x35: {  	s10 =	sld [smem:$0x3F9D];
	_ =	sdelay $0x3  }
0x36: {  	p1 =	seq.s32 s10, $0x1;
	s10 =	sld [smem:$0x3F9E];
	_ =	sdelay $0x3  }
0x37: {  	[smem:$0x3F9E] =	sst s10  }
0x38: {  	s10 =	sld [smem:$0x3F9F]  }
0x39: {  	_ = 	snop;
	(pc) =	sbr.ind lr, $3  }
0x3a: {  	_ = 	snop  }
0x3b: {  	_ = 	snop  }
0x3c: {  	p2 =	seq.s32 s10, $0x1;
	s10 =	sld [smem:$0x3F9E]  }
0x3d: {  	_ =	shalt  }
0x3e: {  	_ =	shalt  }
0x3f: {  	_ =	shalt  }
0x40: {  	_ =	shalt  }
0x41: {  	_ =	shalt  }
0x42: {  	_ =	shalt  }
0x43: {  	_ =	shalt  }
0x44: {  	_ =	shalt  }
0x45: {  	_ =	shalt  }
0x46: {  	_ =	shalt  }
0x47: {  	_ =	shalt  }
0x48: {  	_ =	shalt  }
0x49: {  	_ =	shalt  }
0x4a: {  	_ =	shalt  }
0x4b: {  	_ =	shalt  }
0x4c: {  	_ =	shalt  }
0x4d: {  	_ =	shalt  }
0x4e: {  	_ =	shalt  }
0x4f: {  	_ =	shalt  }
0x50: {  	_ =	shalt  }
0x51: {  	_ =	shalt  }
0x52: {  	_ =	shalt  }
0x53: {  	_ =	shalt  }
0x54: {  	_ =	shalt  }
0x55: {  	_ =	shalt  }
0x56: {  	_ =	shalt  }
0x57: {  	_ =	shalt  }
0x58: {  	_ =	shalt  }
0x59: {  	_ =	shalt  }
0x5a: {  	_ =	shalt  }
0x5b: {  	_ =	shalt  }
0x5c: {  	_ =	shalt  }
0x5d: {  	_ =	shalt  }
0x5e: {  	_ =	shalt  }
0x5f: {  	_ =	shalt  }
0x60: {  	_ =	shalt  }
0x61: {  	_ =	shalt  }
0x62: {  	_ =	shalt  }
0x63: {  	_ =	shalt  }
0x64: {  	_ =	shalt  }
0x65: {  	_ =	shalt  }
0x66: {  	_ =	shalt  }
0x67: {  	_ =	shalt  }
0x68: {  	_ =	shalt  }
0x69: {  	_ =	shalt  }
0x6a: {  	_ =	shalt  }
0x6b: {  	_ =	shalt  }
0x6c: {  	_ =	shalt  }
0x6d: {  	_ =	shalt  }
0x6e: {  	_ =	shalt  }
0x6f: {  	_ =	shalt  }
0x70: {  	_ =	shalt  }
0x71: {  	_ =	shalt  }
0x72: {  	_ =	shalt  }
0x73: {  	_ =	shalt  }
0x74: {  	_ =	shalt  }
0x75: {  	_ =	shalt  }
0x76: {  	_ =	shalt  }
0x77: {  	_ =	shalt  }
0x78: {  	_ =	shalt  }
0x79: {  	_ =	shalt  }
0x7a: {  	_ =	shalt  }
0x7b: {  	_ =	shalt  }
0x7c: {  	_ =	shalt  }
0x7d: {  	_ =	shalt  }
0x7e: {  	_ =	shalt  }
0x7f: {  	_ =	shalt  }
0x80: {  	_ =	shalt  }
0x81: {  	_ =	shalt  }
0x82: {  	_ =	shalt  }
0x83: {  	_ =	shalt  }
0x84: {  	_ =	shalt  }
0x85: {  	_ =	shalt  }
0x86: {  	_ =	shalt  }
0x87: {  	_ =	shalt  }
.Lfunc_end0:
.L_simem_size_0:
called_computation.2_lowered:
.L_overlay_start_0:
0x88: {  	s2 =	sld [smem:$0x3FD9]  }
0x89: {  	s3 =	sld [smem:$0x3FFE];
	_ =	sdelay $0x1  }
0x8a: {  	s1 =	srdreg.scid  }
0x8b: {  	s0 =	sand.u32 $0x1, s1  }
0x8c: {  	s16 =	sshll.u32 s0, $0xA;
	s2 =	sadd.s32 s3, s2  }
0x8d: {  	s2 =	sadd.s32 s2, s16  }
0x8e: {  	[smem:$0x3FAA] =	sst s2  }
0x8f: {  	_ = 	snop  }
0x90: {  	(tm) =	ssettm $0x1  }
0x91: {  	s17 =	sld [smem:$0x3FFB];
	_ =	sdelay $0x3  }
0x92: {  	_ =	strace s17  }
0x93: {  	s2 =	sld [smem:$0x3FFC];
	_ =	sdelay $0x3  }
0x94: {  	_ =	strace s2  }
0x95: {  	s2 =	sld [smem:$0x3FFD];
	_ =	sdelay $0x3  }
0x96: {  	_ =	strace s2  }
0x97: {  	_ =	strace $0x8FFFFFFF  }
0x98: {  	s18 =	sld [smem:$0x3FDB];
	_ =	sdelay $0x1  }
0x99: {  	s19 =	simm.s32 $_scs_section_size  }
0x9a: {  	s4 =	simm.s32 $_size__tile_overlayer_lowered;
	s5 =	simm.s32 $_tile_overlayer_lowered  }
0x9b: {  	s22 =	simm.s32 $0x1BFF;
	s21 =	sshll.u32 s5, $0x1;
	s2 =	sadd.s32 s19, s18  }
0x9c: {  	s6 =	simm.s32 $0x0;
	s20 =	sshll.u32 s4, $0x1;
	s4 =	sadd.s32 s21, s2  }
0x9d: {  	[timem:s6], [sflag:s22] =	dma.local [hbm:s4], s20  }
0x9e: {  	_ =	swait.ge [sflag:s22], s20  }
0x9f: {  	s3 =	ssub.s32 $0x0, s20;
	[sflag:s22] =	ssyncset.done $0x0  }
0xa0: {  	[sflag:s22] =	ssyncadd.s32 s3;
	_ =	sdelay $0x1  }
0xa1: {  	s23 =	simm.s32 $0x1B8B  }
0xa2: {  	_ =	swait.ge [sflag:s23], $0x1  }
0xa3: {  	[sflag:s23] =	ssyncset.done $0x0  }
0xa4: {  	s25 =	simm.s32 $0x1B8E;
	s24 =	sld [smem:$0x3FFE];
	[sflag:s23] =	ssyncadd.s32 $0xFFFFFFFF  }
0xa5: {  	s26 =	simm.s32 $execute0_lowered;
	[smem:$0x3FD2] =	sst s25  }
0xa6: {  	s4 =	sshll.u32 s26, $0x1;
	_ =	strace $0x8000004C;
	[dreg:$0x1] =	wrdreg $0xFFFFFFFF  }
0xa7: {  	s28 =	simm.s32 $_size_execute0_lowered;
	s2 =	sadd.s32 s2, s4;
	[dreg:$0x0] =	wrdreg $0x0  }
0xa8: {  	s4 =	sshll.u32 s28, $0x1;
	[dreg:$0x2] =	wrdreg s2  }
0xa9: {  	[dreg:$0x3] =	wrdreg s4  }
0xaa: {  	[dreg:$0x4] =	wrdreg $0xC0  }
0xab: {  	_ =	task [dreg:s6], $0x5FFFF  }
0xac: {  	[dreg:$0x1] =	wrdreg $0xFFFFFFFF  }
0xad: {  	[dreg:$0x0] =	wrdreg $0x60  }
0xae: {  	[dreg:$0x2] =	wrdreg s24  }
0xaf: {  	[dreg:$0x3] =	wrdreg $0xB8000  }
0xb0: {  	[dreg:$0x4] =	wrdreg $0x9  }
0xb1: {  	_ =	task.clear_ibuf [dreg:s6], $0x5FFFF;
	_ =	strace $0x9000004C  }
0xb2: {  	s29 =	simm.s32 $0x9;
	_ =	strace $0x8000004E  }
0xb3: {  	_ =	swait.ge [sflag:s29], $0x1  }
0xb4: {  	[sflag:s29] =	ssyncadd.s32 $0xFFFFFFFF  }
0xb5: {  	_ =	strace $0x9000004E  }
0xb6: {  	_ =	sfence  }
0xb7: {  	s30 =	sld [smem:$0x0];
	_ =	sdelay $0x2  }
0xb8: {  	s31 =	sshll.u32 s1, $0xD;
	s1 =	sshrl.u32 s1, $0x2  }
0xb9: {  	s3 =	sand.u32 $0x4000, s31;
	s1 =	sadd.s32 s1, s30  }
0xba: {  	s0 =	sor.u32 s3, s0;
	s1 =	sshll.u32 s1, $0x11  }
0xbb: {  	s0 =	sor.u32 s1, s0  }
0xbc: {  	s0 =	sadd.s32 $0x8F2B, s0  }
0xbd: {  	[sflag:s0] =	ssyncadd.remote.s32 $0x1  }
0xbe: {  	_ =	sfence.sel $0xFFFF  }
0xbf: {  	[dreg:$0x0] =	wrdreg $0xFFFFFFFF;
	(pc) =	sbr.abs _section_cstart, $3  }
0xc0: {  	[dreg:$0x1] =	wrdreg $0xFFFFFFFF  }
0xc1: {  	_ =	task.clear_ibuf [dreg:s6], $0x2FFFF;
	_ =	strace $0x9FFFFFFF  }
0xc2: {  	(tm) =	ssettm $0x7FFFFFFF  }
0xc3: {  	_ =	shalt  }
tec
execute0_lowered:
.L_overlay_start_1:
0x0: {  	(tag) =	ssettag $0x1  }
0x1: {  	s0 =	rddreg [dreg:$0x0]  }
0x2: {  	s2 =	rddreg [dreg:$0x1];
	s3 =	simm.s32 $0x0  }
0x3: {  	s20 =	simm.s32 $0x80;
	[smem:$0x7FF] =	sst s3  }
0x4: {  	s21 =	simm.s32 $0x400;
	_ =	strace $0x8000004D;
	[dreg:$0x4] =	wrdreg s20  }
0x5: {  	s22 =	simm.s32 $0xA0;
	[dreg:$0x5] =	wrdreg s21  }
0x6: {  	s23 =	simm.s32 $0x880;
	[dreg:$0x6] =	wrdreg s22  }
0x7: {  	s25 =	simm.s32 $0xF0;
	[dreg:$0x7] =	wrdreg s23  }
0x8: {  	s26 =	simm.s32 $0x900;
	[dreg:$0x8] =	wrdreg s25  }
0x9: {  	s28 =	simm.s32 $0x140;
	[dreg:$0x9] =	wrdreg s26  }
0xa: {  	s7 =	simm.s32 $0x980;
	[dreg:$0xa] =	wrdreg s28  }
0xb: {  	s8 =	simm.s32 $0x190;
	[dreg:$0xb] =	wrdreg s7  }
0xc: {  	s10 =	simm.s32 $0xA00;
	[dreg:$0xc] =	wrdreg s8  }
0xd: {  	s1 =	srdreg.scid;
	s11 =	simm.s32 $0x1E0;
	[dreg:$0xd] =	wrdreg s10  }
0xe: {  	s9 =	stileid.u32;
	s12 =	simm.s32 $0xA80;
	[dreg:$0xe] =	wrdreg s11  }
0xf: {  	s13 =	simm.s32 $0x230;
	s14 =	simm.s32 $0xB00;
	[dreg:$0xf] =	wrdreg s12  }
0x10: {  	s15 =	simm.s32 $0x280;
	s16 =	simm.s32 $0xB80;
	[dreg:$0x10] =	wrdreg s13  }
0x11: {  	s17 =	simm.s32 $0x2D0;
	s19 =	simm.s32 $0xC00;
	[dreg:$0x11] =	wrdreg s14  }
0x12: {  	s29 =	simm.s32 $0x1280;
	s30 =	simm.s32 $0x730;
	[dreg:$0x12] =	wrdreg s15  }
0x13: {  	s31 =	simm.s32 $0x1300;
	s1 =	sand.u32 $0x1, s1;
	[dreg:$0x13] =	wrdreg s16  }
0x14: {  	s5 =	sshll.u32 s9, $0xB;
	s6 =	smul.u32 $0x5000, s9;
	[dreg:$0x14] =	wrdreg s17  }
0x15: {  	s4 =	sshll.u32 s1, $0xF;
	s10 =	sadd.s32 $0x9F600, s0;
	[dreg:$0x15] =	wrdreg s19  }
0x16: {  	s24 =	smul.u32 $0x50000, s1;
	s21 =	simm.s32 $0x320;
	[smem:$0x7EB] =	sst s10  }
0x17: {  	s7 =	smul.u32 $0x2800, s9;
	s22 =	simm.s32 $0xC80;
	[dreg:$0x16] =	wrdreg s21  }
0x18: {  	s8 =	smul.u32 $0x28000, s1;
	s25 =	simm.s32 $0xD00;
	[dreg:$0x17] =	wrdreg s22  }
0x19: {  	s20 =	smul.u32 $0x50000, s9;
	s28 =	simm.s32 $0x3C0;
	[dreg:$0x19] =	wrdreg s25  }
0x1a: {  	s26 =	sshll.u32 s9, $0x6;
	s9 =	simm.s32 $0xD80;
	[dreg:$0x1a] =	wrdreg s28  }
0x1b: {  	s1 =	ssub.s32 $0x2, s1;
	s11 =	simm.s32 $0xE00;
	[dreg:$0x1b] =	wrdreg s9  }
0x1c: {  	s13 =	simm.s32 $0x460;
	s14 =	simm.s32 $0xE80;
	[dreg:$0x1d] =	wrdreg s11  }
0x1d: {  	s15 =	simm.s32 $0x4B0;
	s16 =	simm.s32 $0xF00;
	[dreg:$0x1e] =	wrdreg s13  }
0x1e: {  	s17 =	simm.s32 $0x500;
	s19 =	simm.s32 $0x550;
	[dreg:$0x1f] =	wrdreg s14  }
0x1f: {  	s4 =	sadd.s32 s4, s0;
	s18 =	sshrl.u32 s1, $0x1;
	[smem:$0x7EF] =	sst s15  }
0x20: {  	s10 =	simm.s32 $0x410;
	s11 =	simm.s32 $0x9;
	[smem:$0x7F0] =	sst s16  }
0x21: {  	s13 =	simm.s32 $0x50;
	s14 =	simm.s32 $0x1800;
	[smem:$0x7F1] =	sst s17  }
0x22: {  	s15 =	simm.s32 $0x4000;
	s16 =	simm.s32 $0x1;
	[smem:$0x7F3] =	sst s19  }
0x23: {  	s17 =	simm.s32 $0x6800;
	s21 =	simm.s32 $0x5A0;
	s22 =	simm.s32 $0x1080  }
0x24: {  	s19 =	simm.s32 $0x9000;
	s25 =	simm.s32 $0x640;
	s28 =	simm.s32 $0x690  }
0x25: {  	s9 =	simm.s32 $0x0;
	s4 =	sadd.s32 s5, s4;
	[dreg:$0x1c] =	wrdreg s10  }
0x26: {  	s5 =	sadd.s32 s6, s24;
	s7 =	sadd.s32 s7, s8;
	[smem:$0x7F5] =	sst s21  }
0x27: {  	s1 =	ssub.s32 s1, s18;
	s23 =	sshrl.u32 s20, $0x2;
	[smem:$0x7F6] =	sst s22  }
0x28: {  	s24 =	simm.s32 $0x370;
	s8 =	sor.u32 $0x1C09, s26;
	[smem:$0x7F9] =	sst s25  }
0x29: {  	s18 =	simm.s32 $0xF80;
	s20 =	simm.s32 $0x1000;
	[smem:$0x7FB] =	sst s28  }
0x2a: {  	s21 =	simm.s32 $0x5;
	s22 =	simm.s32 $0x4;
	[dreg:$0x18] =	wrdreg s24  }
0x2b: {  	s26 =	simm.s32 $0x1180;
	s25 =	simm.s32 $0x8;
	[smem:$0x7F2] =	sst s18  }
0x2c: {  	s4 =	sadd.s32 $0x1A000, s4;
	s5 =	sshrl.u32 s5, $0x3;
	[smem:$0x7F4] =	sst s20  }
0x2d: {  	s1 =	smax.u32 s1, $0x1;
	s18 =	simm.s32 $0x2;
	[smem:$0x7FA] =	sst s26  }
0x2e: {  	s20 =	simm.s32 $0x3;
	s24 =	simm.s32 $0x1100;
	[smem:$0x7FC] =	sst s8  }
0x2f: {  	[dreg:$0x3] =	wrdreg s4;
	s5 =	sadd.s32 s5, s0;
	s4 =	sadd.s32 $0x78400, s0  }
0x30: {  	s0 =	sadd.s32 s7, s0;
	s7 =	sadd.s32 s23, s2;
	[smem:$0x7ED] =	sst s1  }
0x31: {  	s23 =	simm.s32 $0x5F0;
	[smem:$0x7F8] =	sst s24;
	s24 =	simm.s32 $0x7  }
0x32: {  	s1 =	simm.s32 $0x1380;
	s0 =	sadd.s32 $0xA1E00, s0;
	[smem:$0x7F7] =	sst s23  }
0x33: {  	s12 =	sadd.s32 $0x5E00, s5;
	s7 =	sshrl.u32 s7, $0x3;
	[smem:$0x7EC] =	sst s0  }
0x34: {  	s23 =	simm.s32 $0x6;
	s5 =	simm.s32 $0x1400;
	[smem:$0x7EE] =	sst s12  }
0x35: {  	s12 =	simm.s32 $0x800;
	s0 =	simm.s32 $0x780;
	[smem:$0x7FD] =	sst s7  }
.LBB2_1:
0x36: {  	s6 =	sld [smem:$0x7EB];
	_ =	sdelay $0x1  }
0x37: {  	[smem:$0x7EA] =	sst s9  }
0x38: {  	[spmem:s7], [sflag:s8] =	dma.local [hbm:s6], $0x2800  }
0x39: {  	_ =	swait.ge [sflag:s11], $0x2800  }
0x3a: {  	[sflag:s11] =	ssyncset.done $0x0  }
0x3b: {  	[sflag:s11] =	ssyncadd.s32 $0xFFFFD800  }
0x3c: {  	[bflag:$0x0] =	sbarrier.arrive $0xFFFF  }
0x3d: {  	s7 =	rddreg [dreg:$0x5]  }
0x3e: {  	s9 =	rddreg [dreg:$0x3]  }
0x3f: {  	s10 =	rddreg [dreg:$0x4];
	s8 =	sadd.s32 $0x0, s9  }
0x40: {  	[tilespmem:s3], [sflag:$0x9] =	stream.strided.gather [hbm4b:s8+s10], $0x800, s7, s10, $0x38;
	[tilespmem:$0x1F800] =	vst v63  }
0x41: {  	_ =	swait.ge [sflag:s11], $0x800  }
0x42: {  	s9 =	sld [smem:$0x7EE]  }
0x43: {  	[sflag:s11] =	ssyncset.done $0x0  }
0x44: {  	[sflag:s11] =	ssyncadd.s32 $0xFFFFF800  }
0x45: {  	[tilespmem:s12], [sflag:$0x9] =	stream.linear.gather [hbm4b:s9+s3], $0xC80, $0x38;
	[tilespmem:$0x1F800] =	vst v63  }
0x46: {  	_ =	swait.ge [sflag:s11], $0xC80  }
0x47: {  	[sflag:s11] =	ssyncset.done $0x0  }
0x48: {  	[sflag:s11] =	ssyncadd.s32 $0xFFFFF380  }
0x49: {  	[tilespmem:s14], [sflag:$0x1] =	stream.indirect.gather [hbm4b:s4+s13], $0x80, s3, s13, $0xb8;
	[tilespmem:$0x1F800] =	vst v63  }
0x4a: {  	_ = 	snop  }
0x4b: {  	[tilespmem:s15], [sflag:$0x2] =	stream.indirect.gather [hbm4b:s4+s13], $0x80, s13, s13, $0xb8;
	[tilespmem:$0x1F800] =	vst v63  }
0x4c: {  	_ =	swait.ge [sflag:s16], $0x2800  }
0x4d: {  	[sflag:s16] =	ssyncset.done $0x0  }
0x4e: {  	[sflag:s16] =	ssyncadd.s32 $0xFFFFD800  }
0x4f: {  	[spmem:s2] =	stream.indirect.scatter.add.f32 [tilespmem:s14], [sflag:$0x5], $0x80, s12, s13, $0xb8;
	[tilespmem:$0x1F800] =	vst v63  }
0x50: {  	s26 =	rddreg [dreg:$0x6]  }
0x51: {  	[tilespmem:s17], [sflag:$0x3] =	stream.indirect.gather [hbm4b:s4+s13], $0x80, s26, s13, $0xb8;
	[tilespmem:$0x1F800] =	vst v63  }
0x52: {  	_ =	swait.ge [sflag:s18], $0x2800  }
0x53: {  	[sflag:s18] =	ssyncset.done $0x0  }
0x54: {  	s28 =	rddreg [dreg:$0x7];
	[sflag:s18] =	ssyncadd.s32 $0xFFFFD800  }
0x55: {  	[spmem:s2] =	stream.indirect.scatter.add.f32 [tilespmem:s15], [sflag:$0x6], $0x80, s28, s13, $0xb8;
	[tilespmem:$0x1F800] =	vst v63  }
0x56: {  	s7 =	rddreg [dreg:$0x8]  }
0x57: {  	[tilespmem:s19], [sflag:$0x4] =	stream.indirect.gather [hbm4b:s4+s13], $0x80, s7, s13, $0xb8;
	[tilespmem:$0x1F800] =	vst v63  }
0x58: {  	_ =	swait.ge [sflag:s20], $0x2800  }
0x59: {  	[sflag:s20] =	ssyncset.done $0x0  }
0x5a: {  	s10 =	rddreg [dreg:$0x9];
	[sflag:s20] =	ssyncadd.s32 $0xFFFFD800  }
0x5b: {  	[spmem:s2] =	stream.indirect.scatter.add.f32 [tilespmem:s17], [sflag:$0x7], $0x80, s10, s13, $0xb8;
	[tilespmem:$0x1F800] =	vst v63  }
0x5c: {  	_ =	swait.ge [sflag:s21], $0x2800  }
0x5d: {  	[sflag:s21] =	ssyncset.done $0x0  }
0x5e: {  	s26 =	rddreg [dreg:$0xa];
	[sflag:s21] =	ssyncadd.s32 $0xFFFFD800  }
0x5f: {  	[tilespmem:s14], [sflag:$0x1] =	stream.indirect.gather [hbm4b:s4+s13], $0x80, s26, s13, $0xb8;
	[tilespmem:$0x1F800] =	vst v63  }
0x60: {  	_ =	swait.ge [sflag:s22], $0x2800  }
0x61: {  	[sflag:s22] =	ssyncset.done $0x0  }
0x62: {  	s28 =	rddreg [dreg:$0xb];
	[sflag:s22] =	ssyncadd.s32 $0xFFFFD800  }
0x63: {  	[spmem:s2] =	stream.indirect.scatter.add.f32 [tilespmem:s19], [sflag:$0x8], $0x80, s28, s13, $0xb8;
	[tilespmem:$0x1F800] =	vst v63  }
0x64: {  	_ =	swait.ge [sflag:s23], $0x2800  }
0x65: {  	[sflag:s23] =	ssyncset.done $0x0  }
0x66: {  	s7 =	rddreg [dreg:$0xc];
	[sflag:s23] =	ssyncadd.s32 $0xFFFFD800  }
0x67: {  	[tilespmem:s15], [sflag:$0x2] =	stream.indirect.gather [hbm4b:s4+s13], $0x80, s7, s13, $0xb8;
	[tilespmem:$0x1F800] =	vst v63  }
0x68: {  	_ =	swait.ge [sflag:s16], $0x2800  }
0x69: {  	[sflag:s16] =	ssyncset.done $0x0  }
0x6a: {  	s8 =	rddreg [dreg:$0xd];
	[sflag:s16] =	ssyncadd.s32 $0xFFFFD800  }
0x6b: {  	[spmem:s2] =	stream.indirect.scatter.add.f32 [tilespmem:s14], [sflag:$0x5], $0x80, s8, s13, $0xb8;
	[tilespmem:$0x1F800] =	vst v63  }
0x6c: {  	_ =	swait.ge [sflag:s24], $0x2800  }
0x6d: {  	[sflag:s24] =	ssyncset.done $0x0  }
0x6e: {  	s10 =	rddreg [dreg:$0xe];
	[sflag:s24] =	ssyncadd.s32 $0xFFFFD800  }
0x6f: {  	[tilespmem:s17], [sflag:$0x3] =	stream.indirect.gather [hbm4b:s4+s13], $0x80, s10, s13, $0xb8;
	[tilespmem:$0x1F800] =	vst v63  }
0x70: {  	_ =	swait.ge [sflag:s18], $0x2800  }
0x71: {  	[sflag:s18] =	ssyncset.done $0x0  }
0x72: {  	s26 =	rddreg [dreg:$0xf];
	[sflag:s18] =	ssyncadd.s32 $0xFFFFD800  }
0x73: {  	[spmem:s2] =	stream.indirect.scatter.add.f32 [tilespmem:s15], [sflag:$0x6], $0x80, s26, s13, $0xb8;
	[tilespmem:$0x1F800] =	vst v63  }
0x74: {  	_ =	swait.ge [sflag:s25], $0x2800  }
0x75: {  	[sflag:s25] =	ssyncset.done $0x0  }
0x76: {  	s28 =	rddreg [dreg:$0x10];
	[sflag:s25] =	ssyncadd.s32 $0xFFFFD800  }
0x77: {  	[tilespmem:s19], [sflag:$0x4] =	stream.indirect.gather [hbm4b:s4+s13], $0x80, s28, s13, $0xb8;
	[tilespmem:$0x1F800] =	vst v63  }
0x78: {  	_ =	swait.ge [sflag:s20], $0x2800  }
0x79: {  	[sflag:s20] =	ssyncset.done $0x0  }
0x7a: {  	s7 =	rddreg [dreg:$0x11];
	[sflag:s20] =	ssyncadd.s32 $0xFFFFD800  }
0x7b: {  	[spmem:s2] =	stream.indirect.scatter.add.f32 [tilespmem:s17], [sflag:$0x7], $0x80, s7, s13, $0xb8;
	[tilespmem:$0x1F800] =	vst v63  }
0x7c: {  	_ =	swait.ge [sflag:s21], $0x2800  }
0x7d: {  	[sflag:s21] =	ssyncset.done $0x0  }
0x7e: {  	s8 =	rddreg [dreg:$0x12];
	[sflag:s21] =	ssyncadd.s32 $0xFFFFD800  }
0x7f: {  	[tilespmem:s14], [sflag:$0x1] =	stream.indirect.gather [hbm4b:s4+s13], $0x80, s8, s13, $0xb8;
	[tilespmem:$0x1F800] =	vst v63  }
0x80: {  	_ =	swait.ge [sflag:s22], $0x2800  }
0x81: {  	[sflag:s22] =	ssyncset.done $0x0  }
0x82: {  	s10 =	rddreg [dreg:$0x13];
	[sflag:s22] =	ssyncadd.s32 $0xFFFFD800  }
0x83: {  	[spmem:s2] =	stream.indirect.scatter.add.f32 [tilespmem:s19], [sflag:$0x8], $0x80, s10, s13, $0xb8;
	[tilespmem:$0x1F800] =	vst v63  }
0x84: {  	_ =	swait.ge [sflag:s23], $0x2800  }
0x85: {  	[sflag:s23] =	ssyncset.done $0x0  }
0x86: {  	s26 =	rddreg [dreg:$0x14];
	[sflag:s23] =	ssyncadd.s32 $0xFFFFD800  }
0x87: {  	[tilespmem:s15], [sflag:$0x2] =	stream.indirect.gather [hbm4b:s4+s13], $0x80, s26, s13, $0xb8;
	[tilespmem:$0x1F800] =	vst v63  }
0x88: {  	_ =	swait.ge [sflag:s16], $0x2800  }
0x89: {  	[sflag:s16] =	ssyncset.done $0x0  }
0x8a: {  	s28 =	rddreg [dreg:$0x15];
	[sflag:s16] =	ssyncadd.s32 $0xFFFFD800  }
0x8b: {  	[spmem:s2] =	stream.indirect.scatter.add.f32 [tilespmem:s14], [sflag:$0x5], $0x80, s28, s13, $0xb8;
	[tilespmem:$0x1F800] =	vst v63  }
0x8c: {  	_ =	swait.ge [sflag:s24], $0x2800  }
0x8d: {  	[sflag:s24] =	ssyncset.done $0x0  }
0x8e: {  	s7 =	rddreg [dreg:$0x16];
	[sflag:s24] =	ssyncadd.s32 $0xFFFFD800  }
0x8f: {  	[tilespmem:s17], [sflag:$0x3] =	stream.indirect.gather [hbm4b:s4+s13], $0x80, s7, s13, $0xb8;
	[tilespmem:$0x1F800] =	vst v63  }
0x90: {  	_ =	swait.ge [sflag:s18], $0x2800  }
0x91: {  	[sflag:s18] =	ssyncset.done $0x0  }
0x92: {  	s8 =	rddreg [dreg:$0x17];
	[sflag:s18] =	ssyncadd.s32 $0xFFFFD800  }
0x93: {  	[spmem:s2] =	stream.indirect.scatter.add.f32 [tilespmem:s15], [sflag:$0x6], $0x80, s8, s13, $0xb8;
	[tilespmem:$0x1F800] =	vst v63  }
0x94: {  	_ =	swait.ge [sflag:s25], $0x2800  }
0x95: {  	[sflag:s25] =	ssyncset.done $0x0  }
0x96: {  	s10 =	rddreg [dreg:$0x18];
	[sflag:s25] =	ssyncadd.s32 $0xFFFFD800  }
0x97: {  	[tilespmem:s19], [sflag:$0x4] =	stream.indirect.gather [hbm4b:s4+s13], $0x80, s10, s13, $0xb8;
	[tilespmem:$0x1F800] =	vst v63  }
0x98: {  	_ =	swait.ge [sflag:s20], $0x2800  }
0x99: {  	[sflag:s20] =	ssyncset.done $0x0  }
0x9a: {  	s26 =	rddreg [dreg:$0x19];
	[sflag:s20] =	ssyncadd.s32 $0xFFFFD800  }
0x9b: {  	[spmem:s2] =	stream.indirect.scatter.add.f32 [tilespmem:s17], [sflag:$0x7], $0x80, s26, s13, $0xb8;
	[tilespmem:$0x1F800] =	vst v63  }
0x9c: {  	_ =	swait.ge [sflag:s21], $0x2800  }
0x9d: {  	[sflag:s21] =	ssyncset.done $0x0  }
0x9e: {  	s28 =	rddreg [dreg:$0x1a];
	[sflag:s21] =	ssyncadd.s32 $0xFFFFD800  }
0x9f: {  	[tilespmem:s14], [sflag:$0x1] =	stream.indirect.gather [hbm4b:s4+s13], $0x80, s28, s13, $0xb8;
	[tilespmem:$0x1F800] =	vst v63  }
0xa0: {  	_ =	swait.ge [sflag:s22], $0x2800  }
0xa1: {  	[sflag:s22] =	ssyncset.done $0x0  }
0xa2: {  	s7 =	rddreg [dreg:$0x1b];
	[sflag:s22] =	ssyncadd.s32 $0xFFFFD800  }
0xa3: {  	[spmem:s2] =	stream.indirect.scatter.add.f32 [tilespmem:s19], [sflag:$0x8], $0x80, s7, s13, $0xb8;
	[tilespmem:$0x1F800] =	vst v63  }
0xa4: {  	_ =	swait.ge [sflag:s23], $0x2800  }
0xa5: {  	[sflag:s23] =	ssyncset.done $0x0  }
0xa6: {  	s8 =	rddreg [dreg:$0x1c];
	[sflag:s23] =	ssyncadd.s32 $0xFFFFD800  }
0xa7: {  	[tilespmem:s15], [sflag:$0x2] =	stream.indirect.gather [hbm4b:s4+s13], $0x80, s8, s13, $0xb8;
	[tilespmem:$0x1F800] =	vst v63  }
0xa8: {  	_ =	swait.ge [sflag:s16], $0x2800  }
0xa9: {  	[sflag:s16] =	ssyncset.done $0x0  }
0xaa: {  	s10 =	rddreg [dreg:$0x1d];
	[sflag:s16] =	ssyncadd.s32 $0xFFFFD800  }
0xab: {  	[spmem:s2] =	stream.indirect.scatter.add.f32 [tilespmem:s14], [sflag:$0x5], $0x80, s10, s13, $0xb8;
	[tilespmem:$0x1F800] =	vst v63  }
0xac: {  	_ =	swait.ge [sflag:s24], $0x2800  }
0xad: {  	[sflag:s24] =	ssyncset.done $0x0  }
0xae: {  	s26 =	rddreg [dreg:$0x1e];
	[sflag:s24] =	ssyncadd.s32 $0xFFFFD800  }
0xaf: {  	[tilespmem:s17], [sflag:$0x3] =	stream.indirect.gather [hbm4b:s4+s13], $0x80, s26, s13, $0xb8;
	[tilespmem:$0x1F800] =	vst v63  }
0xb0: {  	_ =	swait.ge [sflag:s18], $0x2800  }
0xb1: {  	[sflag:s18] =	ssyncset.done $0x0  }
0xb2: {  	s28 =	rddreg [dreg:$0x1f];
	[sflag:s18] =	ssyncadd.s32 $0xFFFFD800  }
0xb3: {  	[spmem:s2] =	stream.indirect.scatter.add.f32 [tilespmem:s15], [sflag:$0x6], $0x80, s28, s13, $0xb8;
	[tilespmem:$0x1F800] =	vst v63  }
0xb4: {  	_ =	swait.ge [sflag:s25], $0x2800  }
0xb5: {  	s7 =	sld [smem:$0x7EF]  }
0xb6: {  	[sflag:s25] =	ssyncset.done $0x0  }
0xb7: {  	[sflag:s25] =	ssyncadd.s32 $0xFFFFD800  }
0xb8: {  	[tilespmem:s19], [sflag:$0x4] =	stream.indirect.gather [hbm4b:s4+s13], $0x80, s7, s13, $0xb8;
	[tilespmem:$0x1F800] =	vst v63  }
0xb9: {  	_ =	swait.ge [sflag:s20], $0x2800  }
0xba: {  	s8 =	sld [smem:$0x7F0]  }
0xbb: {  	[sflag:s20] =	ssyncset.done $0x0  }
0xbc: {  	[sflag:s20] =	ssyncadd.s32 $0xFFFFD800  }
0xbd: {  	[spmem:s2] =	stream.indirect.scatter.add.f32 [tilespmem:s17], [sflag:$0x7], $0x80, s8, s13, $0xb8;
	[tilespmem:$0x1F800] =	vst v63  }
0xbe: {  	_ =	swait.ge [sflag:s21], $0x2800  }
0xbf: {  	s10 =	sld [smem:$0x7F1]  }
0xc0: {  	[sflag:s21] =	ssyncset.done $0x0  }
0xc1: {  	[sflag:s21] =	ssyncadd.s32 $0xFFFFD800  }
0xc2: {  	[tilespmem:s14], [sflag:$0x1] =	stream.indirect.gather [hbm4b:s4+s13], $0x80, s10, s13, $0xb8;
	[tilespmem:$0x1F800] =	vst v63  }
0xc3: {  	_ =	swait.ge [sflag:s22], $0x2800  }
0xc4: {  	s26 =	sld [smem:$0x7F2]  }
0xc5: {  	[sflag:s22] =	ssyncset.done $0x0  }
0xc6: {  	[sflag:s22] =	ssyncadd.s32 $0xFFFFD800  }
0xc7: {  	[spmem:s2] =	stream.indirect.scatter.add.f32 [tilespmem:s19], [sflag:$0x8], $0x80, s26, s13, $0xb8;
	[tilespmem:$0x1F800] =	vst v63  }
0xc8: {  	_ =	swait.ge [sflag:s23], $0x2800  }
0xc9: {  	s28 =	sld [smem:$0x7F3]  }
0xca: {  	[sflag:s23] =	ssyncset.done $0x0  }
0xcb: {  	[sflag:s23] =	ssyncadd.s32 $0xFFFFD800  }
0xcc: {  	[tilespmem:s15], [sflag:$0x2] =	stream.indirect.gather [hbm4b:s4+s13], $0x80, s28, s13, $0xb8;
	[tilespmem:$0x1F800] =	vst v63  }
0xcd: {  	_ =	swait.ge [sflag:s16], $0x2800  }
0xce: {  	s7 =	sld [smem:$0x7F4]  }
0xcf: {  	[sflag:s16] =	ssyncset.done $0x0  }
0xd0: {  	[sflag:s16] =	ssyncadd.s32 $0xFFFFD800  }
0xd1: {  	[spmem:s2] =	stream.indirect.scatter.add.f32 [tilespmem:s14], [sflag:$0x5], $0x80, s7, s13, $0xb8;
	[tilespmem:$0x1F800] =	vst v63  }
0xd2: {  	_ =	swait.ge [sflag:s24], $0x2800  }
0xd3: {  	s8 =	sld [smem:$0x7F5]  }
0xd4: {  	[sflag:s24] =	ssyncset.done $0x0  }
0xd5: {  	[sflag:s24] =	ssyncadd.s32 $0xFFFFD800  }
0xd6: {  	[tilespmem:s17], [sflag:$0x3] =	stream.indirect.gather [hbm4b:s4+s13], $0x80, s8, s13, $0xb8;
	[tilespmem:$0x1F800] =	vst v63  }
0xd7: {  	_ =	swait.ge [sflag:s18], $0x2800  }
0xd8: {  	s10 =	sld [smem:$0x7F6]  }
0xd9: {  	[sflag:s18] =	ssyncset.done $0x0  }
0xda: {  	[sflag:s18] =	ssyncadd.s32 $0xFFFFD800  }
0xdb: {  	[spmem:s2] =	stream.indirect.scatter.add.f32 [tilespmem:s15], [sflag:$0x6], $0x80, s10, s13, $0xb8;
	[tilespmem:$0x1F800] =	vst v63  }
0xdc: {  	_ =	swait.ge [sflag:s25], $0x2800  }
0xdd: {  	s26 =	sld [smem:$0x7F7]  }
0xde: {  	[sflag:s25] =	ssyncset.done $0x0  }
0xdf: {  	[sflag:s25] =	ssyncadd.s32 $0xFFFFD800  }
0xe0: {  	[tilespmem:s19], [sflag:$0x4] =	stream.indirect.gather [hbm4b:s4+s13], $0x80, s26, s13, $0xb8;
	[tilespmem:$0x1F800] =	vst v63  }
0xe1: {  	_ =	swait.ge [sflag:s20], $0x2800  }
0xe2: {  	s28 =	sld [smem:$0x7F8]  }
0xe3: {  	[sflag:s20] =	ssyncset.done $0x0  }
0xe4: {  	[sflag:s20] =	ssyncadd.s32 $0xFFFFD800  }
0xe5: {  	[spmem:s2] =	stream.indirect.scatter.add.f32 [tilespmem:s17], [sflag:$0x7], $0x80, s28, s13, $0xb8;
	[tilespmem:$0x1F800] =	vst v63  }
0xe6: {  	_ =	swait.ge [sflag:s21], $0x2800  }
0xe7: {  	s7 =	sld [smem:$0x7F9]  }
0xe8: {  	[sflag:s21] =	ssyncset.done $0x0  }
0xe9: {  	[sflag:s21] =	ssyncadd.s32 $0xFFFFD800  }
0xea: {  	[tilespmem:s14], [sflag:$0x1] =	stream.indirect.gather [hbm4b:s4+s13], $0x80, s7, s13, $0xb8;
	[tilespmem:$0x1F800] =	vst v63  }
0xeb: {  	_ =	swait.ge [sflag:s22], $0x2800  }
0xec: {  	s8 =	sld [smem:$0x7FA]  }
0xed: {  	[sflag:s22] =	ssyncset.done $0x0  }
0xee: {  	[sflag:s22] =	ssyncadd.s32 $0xFFFFD800  }
0xef: {  	[spmem:s2] =	stream.indirect.scatter.add.f32 [tilespmem:s19], [sflag:$0x8], $0x80, s8, s13, $0xb8;
	[tilespmem:$0x1F800] =	vst v63  }
0xf0: {  	_ =	swait.ge [sflag:s23], $0x2800  }
0xf1: {  	s10 =	sld [smem:$0x7FB]  }
0xf2: {  	[sflag:s23] =	ssyncset.done $0x0  }
0xf3: {  	[sflag:s23] =	ssyncadd.s32 $0xFFFFD800  }
0xf4: {  	[tilespmem:s15], [sflag:$0x2] =	stream.indirect.gather [hbm4b:s4+s13], $0x80, s10, s13, $0xb8;
	[tilespmem:$0x1F800] =	vst v63  }
0xf5: {  	_ =	swait.ge [sflag:s16], $0x2800  }
0xf6: {  	[sflag:s16] =	ssyncset.done $0x0  }
0xf7: {  	s26 =	simm.s32 $0x1200;
	[sflag:s16] =	ssyncadd.s32 $0xFFFFD800  }
0xf8: {  	[spmem:s2] =	stream.indirect.scatter.add.f32 [tilespmem:s14], [sflag:$0x5], $0x80, s26, s13, $0xb8;
	[tilespmem:$0x1F800] =	vst v63  }
0xf9: {  	_ =	swait.ge [sflag:s24], $0x2800  }
0xfa: {  	[sflag:s24] =	ssyncset.done $0x0  }
0xfb: {  	s28 =	simm.s32 $0x6E0;
	[sflag:s24] =	ssyncadd.s32 $0xFFFFD800  }
0xfc: {  	[tilespmem:s17], [sflag:$0x3] =	stream.indirect.gather [hbm4b:s4+s13], $0x80, s28, s13, $0xb8;
	[tilespmem:$0x1F800] =	vst v63  }
0xfd: {  	_ =	swait.ge [sflag:s18], $0x2800  }
0xfe: {  	[sflag:s18] =	ssyncset.done $0x0  }
0xff: {  	[sflag:s18] =	ssyncadd.s32 $0xFFFFD800  }
0x100: {  	[spmem:s2] =	stream.indirect.scatter.add.f32 [tilespmem:s15], [sflag:$0x6], $0x80, s29, s13, $0xb8;
	[tilespmem:$0x1F800] =	vst v63  }
0x101: {  	_ =	swait.ge [sflag:s25], $0x2800  }
0x102: {  	[sflag:s25] =	ssyncset.done $0x0  }
0x103: {  	[sflag:s25] =	ssyncadd.s32 $0xFFFFD800  }
0x104: {  	[tilespmem:s19], [sflag:$0x4] =	stream.indirect.gather [hbm4b:s4+s13], $0x80, s30, s13, $0xb8;
	[tilespmem:$0x1F800] =	vst v63  }
0x105: {  	_ =	swait.ge [sflag:s20], $0x2800  }
0x106: {  	[sflag:s20] =	ssyncset.done $0x0  }
0x107: {  	[sflag:s20] =	ssyncadd.s32 $0xFFFFD800  }
0x108: {  	[spmem:s2] =	stream.indirect.scatter.add.f32 [tilespmem:s17], [sflag:$0x7], $0x80, s31, s13, $0xb8;
	[tilespmem:$0x1F800] =	vst v63  }
0x109: {  	_ =	swait.ge [sflag:s21], $0x2800  }
0x10a: {  	[sflag:s21] =	ssyncset.done $0x0  }
0x10b: {  	[sflag:s21] =	ssyncadd.s32 $0xFFFFD800  }
0x10c: {  	[tilespmem:s14], [sflag:$0x1] =	stream.indirect.gather [hbm4b:s4+s13], $0x80, s0, s13, $0xb8;
	[tilespmem:$0x1F800] =	vst v63  }
0x10d: {  	_ =	swait.ge [sflag:s22], $0x2800  }
0x10e: {  	[sflag:s22] =	ssyncset.done $0x0  }
0x10f: {  	[sflag:s22] =	ssyncadd.s32 $0xFFFFD800  }
0x110: {  	[spmem:s2] =	stream.indirect.scatter.add.f32 [tilespmem:s19], [sflag:$0x8], $0x80, s1, s13, $0xb8;
	[tilespmem:$0x1F800] =	vst v63  }
0x111: {  	_ =	swait.ge [sflag:s23], $0x2800  }
0x112: {  	[sflag:s23] =	ssyncset.done $0x0  }
0x113: {  	[sflag:s23] =	ssyncadd.s32 $0xFFFFD800  }
0x114: {  	_ =	swait.ge [sflag:s16], $0x2800  }
0x115: {  	[sflag:s16] =	ssyncset.done $0x0  }
0x116: {  	[sflag:s16] =	ssyncadd.s32 $0xFFFFD800  }
0x117: {  	[spmem:s2] =	stream.indirect.scatter.add.f32 [tilespmem:s14], [sflag:$0x5], $0x80, s5, s13, $0xb8;
	[tilespmem:$0x1F800] =	vst v63  }
0x118: {  	_ =	swait.ge [sflag:s24], $0x2800  }
0x119: {  	[sflag:s24] =	ssyncset.done $0x0  }
0x11a: {  	[sflag:s24] =	ssyncadd.s32 $0xFFFFD800  }
0x11b: {  	_ =	swait.ge [sflag:s25], $0x2800  }
0x11c: {  	[sflag:s25] =	ssyncset.done $0x0  }
0x11d: {  	[sflag:s25] =	ssyncadd.s32 $0xFFFFD800  }
0x11e: {  	s6 =	simm.s32 $0x10;
	_ =	swait.ge [sflag:s21], $0x2800  }
0x11f: {  	s10 =	simm.s32 $0x20;
	s8 =	rddreg [dreg:$0x5];
	[sflag:s21] =	ssyncset.done $0x0  }
.LBB2_2:
0x120: {  	s7 =	rddreg [dreg:$0x3]  }
0x121: {  	[sflag:s21] =	ssyncadd.s32 $0xFFFFD800;
	s28 =	rddreg [dreg:$0x4];
	s7 =	sadd.s32 s6, s7  }
0x122: {  	[tilespmem:s3], [sflag:$0x9] =	stream.strided.gather [hbm4b:s7+s28], $0x800, s8, s28, $0x38;
	[tilespmem:$0x1F800] =	vst v63  }
0x123: {  	_ =	swait.ge [sflag:s11], $0x800  }
0x124: {  	[sflag:s11] =	ssyncset.done $0x0  }
0x125: {  	s9 =	sadd.s32 $0x200, s9;
	[sflag:s11] =	ssyncadd.s32 $0xFFFFF800  }
0x126: {  	[tilespmem:s12], [sflag:$0x9] =	stream.linear.gather [hbm4b:s9+s3], $0xC80, $0x38;
	[tilespmem:$0x1F800] =	vst v63  }
0x127: {  	_ =	swait.ge [sflag:s11], $0xC80  }
0x128: {  	[sflag:s11] =	ssyncset.done $0x0  }
0x129: {  	[sflag:s11] =	ssyncadd.s32 $0xFFFFF380  }
0x12a: {  	[tilespmem:s14], [sflag:$0x1] =	stream.indirect.gather [hbm4b:s4+s13], $0x80, s3, s13, $0xb8;
	[tilespmem:$0x1F800] =	vst v63  }
0x12b: {  	_ = 	snop  }
0x12c: {  	[tilespmem:s15], [sflag:$0x2] =	stream.indirect.gather [hbm4b:s4+s13], $0x80, s13, s13, $0xb8;
	[tilespmem:$0x1F800] =	vst v63  }
0x12d: {  	_ =	swait.ge [sflag:s16], $0x2800  }
0x12e: {  	[sflag:s16] =	ssyncset.done $0x0  }
0x12f: {  	[sflag:s16] =	ssyncadd.s32 $0xFFFFD800  }
0x130: {  	[spmem:s2] =	stream.indirect.scatter.add.f32 [tilespmem:s14], [sflag:$0x5], $0x80, s12, s13, $0xb8;
	[tilespmem:$0x1F800] =	vst v63  }
0x131: {  	s8 =	rddreg [dreg:$0x6]  }
0x132: {  	[tilespmem:s17], [sflag:$0x3] =	stream.indirect.gather [hbm4b:s4+s13], $0x80, s8, s13, $0xb8;
	[tilespmem:$0x1F800] =	vst v63  }
0x133: {  	_ =	swait.ge [sflag:s18], $0x2800  }
0x134: {  	s26 =	smov.u32 s10;
	[sflag:s18] =	ssyncset.done $0x0  }
0x135: {  	s6 =	smov.u32 s26;
	s26 =	rddreg [dreg:$0x7];
	[sflag:s18] =	ssyncadd.s32 $0xFFFFD800  }
0x136: {  	[spmem:s2] =	stream.indirect.scatter.add.f32 [tilespmem:s15], [sflag:$0x6], $0x80, s26, s13, $0xb8;
	[tilespmem:$0x1F800] =	vst v63  }
0x137: {  	s28 =	rddreg [dreg:$0x8]  }
0x138: {  	[tilespmem:s19], [sflag:$0x4] =	stream.indirect.gather [hbm4b:s4+s13], $0x80, s28, s13, $0xb8;
	[tilespmem:$0x1F800] =	vst v63  }
0x139: {  	_ =	swait.ge [sflag:s20], $0x2800  }
0x13a: {  	[sflag:s20] =	ssyncset.done $0x0  }
0x13b: {  	s26 =	rddreg [dreg:$0x9];
	[sflag:s20] =	ssyncadd.s32 $0xFFFFD800  }
0x13c: {  	[spmem:s2] =	stream.indirect.scatter.add.f32 [tilespmem:s17], [sflag:$0x7], $0x80, s26, s13, $0xb8;
	[tilespmem:$0x1F800] =	vst v63  }
0x13d: {  	_ =	swait.ge [sflag:s21], $0x2800  }
0x13e: {  	[sflag:s21] =	ssyncset.done $0x0  }
0x13f: {  	s28 =	rddreg [dreg:$0xa];
	[sflag:s21] =	ssyncadd.s32 $0xFFFFD800  }
0x140: {  	[tilespmem:s14], [sflag:$0x1] =	stream.indirect.gather [hbm4b:s4+s13], $0x80, s28, s13, $0xb8;
	[tilespmem:$0x1F800] =	vst v63  }
0x141: {  	_ =	swait.ge [sflag:s22], $0x2800  }
0x142: {  	[sflag:s22] =	ssyncset.done $0x0  }
0x143: {  	s8 =	rddreg [dreg:$0xb];
	[sflag:s22] =	ssyncadd.s32 $0xFFFFD800  }
0x144: {  	[spmem:s2] =	stream.indirect.scatter.add.f32 [tilespmem:s19], [sflag:$0x8], $0x80, s8, s13, $0xb8;
	[tilespmem:$0x1F800] =	vst v63  }
0x145: {  	_ =	swait.ge [sflag:s23], $0x2800  }
0x146: {  	[sflag:s23] =	ssyncset.done $0x0  }
0x147: {  	s26 =	rddreg [dreg:$0xc];
	[sflag:s23] =	ssyncadd.s32 $0xFFFFD800  }
0x148: {  	[tilespmem:s15], [sflag:$0x2] =	stream.indirect.gather [hbm4b:s4+s13], $0x80, s26, s13, $0xb8;
	[tilespmem:$0x1F800] =	vst v63  }
0x149: {  	_ =	swait.ge [sflag:s16], $0x2800  }
0x14a: {  	[sflag:s16] =	ssyncset.done $0x0  }
0x14b: {  	s28 =	rddreg [dreg:$0xd];
	[sflag:s16] =	ssyncadd.s32 $0xFFFFD800  }
0x14c: {  	[spmem:s2] =	stream.indirect.scatter.add.f32 [tilespmem:s14], [sflag:$0x5], $0x80, s28, s13, $0xb8;
	[tilespmem:$0x1F800] =	vst v63  }
0x14d: {  	_ =	swait.ge [sflag:s24], $0x2800  }
0x14e: {  	[sflag:s24] =	ssyncset.done $0x0  }
0x14f: {  	s8 =	rddreg [dreg:$0xe];
	[sflag:s24] =	ssyncadd.s32 $0xFFFFD800  }
0x150: {  	[tilespmem:s17], [sflag:$0x3] =	stream.indirect.gather [hbm4b:s4+s13], $0x80, s8, s13, $0xb8;
	[tilespmem:$0x1F800] =	vst v63  }
0x151: {  	_ =	swait.ge [sflag:s18], $0x2800  }
0x152: {  	[sflag:s18] =	ssyncset.done $0x0  }
0x153: {  	s26 =	rddreg [dreg:$0xf];
	[sflag:s18] =	ssyncadd.s32 $0xFFFFD800  }
0x154: {  	[spmem:s2] =	stream.indirect.scatter.add.f32 [tilespmem:s15], [sflag:$0x6], $0x80, s26, s13, $0xb8;
	[tilespmem:$0x1F800] =	vst v63  }
0x155: {  	_ =	swait.ge [sflag:s25], $0x2800  }
0x156: {  	[sflag:s25] =	ssyncset.done $0x0  }
0x157: {  	s28 =	rddreg [dreg:$0x10];
	[sflag:s25] =	ssyncadd.s32 $0xFFFFD800  }
0x158: {  	[tilespmem:s19], [sflag:$0x4] =	stream.indirect.gather [hbm4b:s4+s13], $0x80, s28, s13, $0xb8;
	[tilespmem:$0x1F800] =	vst v63  }
0x159: {  	_ =	swait.ge [sflag:s20], $0x2800  }
0x15a: {  	[sflag:s20] =	ssyncset.done $0x0  }
0x15b: {  	s8 =	rddreg [dreg:$0x11];
	[sflag:s20] =	ssyncadd.s32 $0xFFFFD800  }
0x15c: {  	[spmem:s2] =	stream.indirect.scatter.add.f32 [tilespmem:s17], [sflag:$0x7], $0x80, s8, s13, $0xb8;
	[tilespmem:$0x1F800] =	vst v63  }
0x15d: {  	_ =	swait.ge [sflag:s21], $0x2800  }
0x15e: {  	[sflag:s21] =	ssyncset.done $0x0  }
0x15f: {  	s26 =	rddreg [dreg:$0x12];
	[sflag:s21] =	ssyncadd.s32 $0xFFFFD800  }
0x160: {  	[tilespmem:s14], [sflag:$0x1] =	stream.indirect.gather [hbm4b:s4+s13], $0x80, s26, s13, $0xb8;
	[tilespmem:$0x1F800] =	vst v63  }
0x161: {  	_ =	swait.ge [sflag:s22], $0x2800  }
0x162: {  	[sflag:s22] =	ssyncset.done $0x0  }
0x163: {  	s28 =	rddreg [dreg:$0x13];
	[sflag:s22] =	ssyncadd.s32 $0xFFFFD800  }
0x164: {  	[spmem:s2] =	stream.indirect.scatter.add.f32 [tilespmem:s19], [sflag:$0x8], $0x80, s28, s13, $0xb8;
	[tilespmem:$0x1F800] =	vst v63  }
0x165: {  	_ =	swait.ge [sflag:s23], $0x2800  }
0x166: {  	[sflag:s23] =	ssyncset.done $0x0  }
0x167: {  	s8 =	rddreg [dreg:$0x14];
	[sflag:s23] =	ssyncadd.s32 $0xFFFFD800  }
0x168: {  	[tilespmem:s15], [sflag:$0x2] =	stream.indirect.gather [hbm4b:s4+s13], $0x80, s8, s13, $0xb8;
	[tilespmem:$0x1F800] =	vst v63  }
0x169: {  	_ =	swait.ge [sflag:s16], $0x2800  }
0x16a: {  	[sflag:s16] =	ssyncset.done $0x0  }
0x16b: {  	s26 =	rddreg [dreg:$0x15];
	[sflag:s16] =	ssyncadd.s32 $0xFFFFD800  }
0x16c: {  	[spmem:s2] =	stream.indirect.scatter.add.f32 [tilespmem:s14], [sflag:$0x5], $0x80, s26, s13, $0xb8;
	[tilespmem:$0x1F800] =	vst v63  }
0x16d: {  	_ =	swait.ge [sflag:s24], $0x2800  }
0x16e: {  	[sflag:s24] =	ssyncset.done $0x0  }
0x16f: {  	s28 =	rddreg [dreg:$0x16];
	[sflag:s24] =	ssyncadd.s32 $0xFFFFD800  }
0x170: {  	[tilespmem:s17], [sflag:$0x3] =	stream.indirect.gather [hbm4b:s4+s13], $0x80, s28, s13, $0xb8;
	[tilespmem:$0x1F800] =	vst v63  }
0x171: {  	_ =	swait.ge [sflag:s18], $0x2800  }
0x172: {  	[sflag:s18] =	ssyncset.done $0x0  }
0x173: {  	s8 =	rddreg [dreg:$0x17];
	[sflag:s18] =	ssyncadd.s32 $0xFFFFD800  }
0x174: {  	[spmem:s2] =	stream.indirect.scatter.add.f32 [tilespmem:s15], [sflag:$0x6], $0x80, s8, s13, $0xb8;
	[tilespmem:$0x1F800] =	vst v63  }
0x175: {  	_ =	swait.ge [sflag:s25], $0x2800  }
0x176: {  	[sflag:s25] =	ssyncset.done $0x0  }
0x177: {  	s26 =	rddreg [dreg:$0x18];
	[sflag:s25] =	ssyncadd.s32 $0xFFFFD800  }
0x178: {  	[tilespmem:s19], [sflag:$0x4] =	stream.indirect.gather [hbm4b:s4+s13], $0x80, s26, s13, $0xb8;
	[tilespmem:$0x1F800] =	vst v63  }
0x179: {  	_ =	swait.ge [sflag:s20], $0x2800  }
0x17a: {  	[sflag:s20] =	ssyncset.done $0x0  }
0x17b: {  	s28 =	rddreg [dreg:$0x19];
	[sflag:s20] =	ssyncadd.s32 $0xFFFFD800  }
0x17c: {  	[spmem:s2] =	stream.indirect.scatter.add.f32 [tilespmem:s17], [sflag:$0x7], $0x80, s28, s13, $0xb8;
	[tilespmem:$0x1F800] =	vst v63  }
0x17d: {  	_ =	swait.ge [sflag:s21], $0x2800  }
0x17e: {  	[sflag:s21] =	ssyncset.done $0x0  }
0x17f: {  	s8 =	rddreg [dreg:$0x1a];
	[sflag:s21] =	ssyncadd.s32 $0xFFFFD800  }
0x180: {  	[tilespmem:s14], [sflag:$0x1] =	stream.indirect.gather [hbm4b:s4+s13], $0x80, s8, s13, $0xb8;
	[tilespmem:$0x1F800] =	vst v63  }
0x181: {  	_ =	swait.ge [sflag:s22], $0x2800  }
0x182: {  	[sflag:s22] =	ssyncset.done $0x0  }
0x183: {  	s26 =	rddreg [dreg:$0x1b];
	[sflag:s22] =	ssyncadd.s32 $0xFFFFD800  }
0x184: {  	[spmem:s2] =	stream.indirect.scatter.add.f32 [tilespmem:s19], [sflag:$0x8], $0x80, s26, s13, $0xb8;
	[tilespmem:$0x1F800] =	vst v63  }
0x185: {  	_ =	swait.ge [sflag:s23], $0x2800  }
0x186: {  	[sflag:s23] =	ssyncset.done $0x0  }
0x187: {  	s28 =	rddreg [dreg:$0x1c];
	[sflag:s23] =	ssyncadd.s32 $0xFFFFD800  }
0x188: {  	[tilespmem:s15], [sflag:$0x2] =	stream.indirect.gather [hbm4b:s4+s13], $0x80, s28, s13, $0xb8;
	[tilespmem:$0x1F800] =	vst v63  }
0x189: {  	_ =	swait.ge [sflag:s16], $0x2800  }
0x18a: {  	[sflag:s16] =	ssyncset.done $0x0  }
0x18b: {  	s8 =	rddreg [dreg:$0x1d];
	[sflag:s16] =	ssyncadd.s32 $0xFFFFD800  }
0x18c: {  	[spmem:s2] =	stream.indirect.scatter.add.f32 [tilespmem:s14], [sflag:$0x5], $0x80, s8, s13, $0xb8;
	[tilespmem:$0x1F800] =	vst v63  }
0x18d: {  	_ =	swait.ge [sflag:s24], $0x2800  }
0x18e: {  	[sflag:s24] =	ssyncset.done $0x0  }
0x18f: {  	s26 =	rddreg [dreg:$0x1e];
	[sflag:s24] =	ssyncadd.s32 $0xFFFFD800  }
0x190: {  	[tilespmem:s17], [sflag:$0x3] =	stream.indirect.gather [hbm4b:s4+s13], $0x80, s26, s13, $0xb8;
	[tilespmem:$0x1F800] =	vst v63  }
0x191: {  	_ =	swait.ge [sflag:s18], $0x2800  }
0x192: {  	[sflag:s18] =	ssyncset.done $0x0  }
0x193: {  	s28 =	rddreg [dreg:$0x1f];
	[sflag:s18] =	ssyncadd.s32 $0xFFFFD800  }
0x194: {  	[spmem:s2] =	stream.indirect.scatter.add.f32 [tilespmem:s15], [sflag:$0x6], $0x80, s28, s13, $0xb8;
	[tilespmem:$0x1F800] =	vst v63  }
0x195: {  	_ =	swait.ge [sflag:s25], $0x2800  }
0x196: {  	s8 =	sld [smem:$0x7EF]  }
0x197: {  	[sflag:s25] =	ssyncset.done $0x0  }
0x198: {  	[sflag:s25] =	ssyncadd.s32 $0xFFFFD800  }
0x199: {  	[tilespmem:s19], [sflag:$0x4] =	stream.indirect.gather [hbm4b:s4+s13], $0x80, s8, s13, $0xb8;
	[tilespmem:$0x1F800] =	vst v63  }
0x19a: {  	_ =	swait.ge [sflag:s20], $0x2800  }
0x19b: {  	s26 =	sld [smem:$0x7F0]  }
0x19c: {  	[sflag:s20] =	ssyncset.done $0x0  }
0x19d: {  	[sflag:s20] =	ssyncadd.s32 $0xFFFFD800  }
0x19e: {  	[spmem:s2] =	stream.indirect.scatter.add.f32 [tilespmem:s17], [sflag:$0x7], $0x80, s26, s13, $0xb8;
	[tilespmem:$0x1F800] =	vst v63  }
0x19f: {  	_ =	swait.ge [sflag:s21], $0x2800  }
0x1a0: {  	s28 =	sld [smem:$0x7F1]  }
0x1a1: {  	[sflag:s21] =	ssyncset.done $0x0  }
0x1a2: {  	[sflag:s21] =	ssyncadd.s32 $0xFFFFD800  }
0x1a3: {  	[tilespmem:s14], [sflag:$0x1] =	stream.indirect.gather [hbm4b:s4+s13], $0x80, s28, s13, $0xb8;
	[tilespmem:$0x1F800] =	vst v63  }
0x1a4: {  	_ =	swait.ge [sflag:s22], $0x2800  }
0x1a5: {  	s8 =	sld [smem:$0x7F2]  }
0x1a6: {  	[sflag:s22] =	ssyncset.done $0x0  }
0x1a7: {  	[sflag:s22] =	ssyncadd.s32 $0xFFFFD800  }
0x1a8: {  	[spmem:s2] =	stream.indirect.scatter.add.f32 [tilespmem:s19], [sflag:$0x8], $0x80, s8, s13, $0xb8;
	[tilespmem:$0x1F800] =	vst v63  }
0x1a9: {  	_ =	swait.ge [sflag:s23], $0x2800  }
0x1aa: {  	s26 =	sld [smem:$0x7F3]  }
0x1ab: {  	[sflag:s23] =	ssyncset.done $0x0  }
0x1ac: {  	[sflag:s23] =	ssyncadd.s32 $0xFFFFD800  }
0x1ad: {  	[tilespmem:s15], [sflag:$0x2] =	stream.indirect.gather [hbm4b:s4+s13], $0x80, s26, s13, $0xb8;
	[tilespmem:$0x1F800] =	vst v63  }
0x1ae: {  	_ =	swait.ge [sflag:s16], $0x2800  }
0x1af: {  	s28 =	sld [smem:$0x7F4]  }
0x1b0: {  	[sflag:s16] =	ssyncset.done $0x0  }
0x1b1: {  	[sflag:s16] =	ssyncadd.s32 $0xFFFFD800  }
0x1b2: {  	[spmem:s2] =	stream.indirect.scatter.add.f32 [tilespmem:s14], [sflag:$0x5], $0x80, s28, s13, $0xb8;
	[tilespmem:$0x1F800] =	vst v63  }
0x1b3: {  	_ =	swait.ge [sflag:s24], $0x2800  }
0x1b4: {  	s8 =	sld [smem:$0x7F5]  }
0x1b5: {  	[sflag:s24] =	ssyncset.done $0x0  }
0x1b6: {  	[sflag:s24] =	ssyncadd.s32 $0xFFFFD800  }
0x1b7: {  	[tilespmem:s17], [sflag:$0x3] =	stream.indirect.gather [hbm4b:s4+s13], $0x80, s8, s13, $0xb8;
	[tilespmem:$0x1F800] =	vst v63  }
0x1b8: {  	_ =	swait.ge [sflag:s18], $0x2800  }
0x1b9: {  	s26 =	sld [smem:$0x7F6]  }
0x1ba: {  	[sflag:s18] =	ssyncset.done $0x0  }
0x1bb: {  	[sflag:s18] =	ssyncadd.s32 $0xFFFFD800  }
0x1bc: {  	[spmem:s2] =	stream.indirect.scatter.add.f32 [tilespmem:s15], [sflag:$0x6], $0x80, s26, s13, $0xb8;
	[tilespmem:$0x1F800] =	vst v63  }
0x1bd: {  	_ =	swait.ge [sflag:s25], $0x2800  }
0x1be: {  	s28 =	sld [smem:$0x7F7]  }
0x1bf: {  	[sflag:s25] =	ssyncset.done $0x0  }
0x1c0: {  	[sflag:s25] =	ssyncadd.s32 $0xFFFFD800  }
0x1c1: {  	[tilespmem:s19], [sflag:$0x4] =	stream.indirect.gather [hbm4b:s4+s13], $0x80, s28, s13, $0xb8;
	[tilespmem:$0x1F800] =	vst v63  }
0x1c2: {  	_ =	swait.ge [sflag:s20], $0x2800  }
0x1c3: {  	s8 =	sld [smem:$0x7F8]  }
0x1c4: {  	[sflag:s20] =	ssyncset.done $0x0  }
0x1c5: {  	[sflag:s20] =	ssyncadd.s32 $0xFFFFD800  }
0x1c6: {  	[spmem:s2] =	stream.indirect.scatter.add.f32 [tilespmem:s17], [sflag:$0x7], $0x80, s8, s13, $0xb8;
	[tilespmem:$0x1F800] =	vst v63  }
0x1c7: {  	_ =	swait.ge [sflag:s21], $0x2800  }
0x1c8: {  	s26 =	sld [smem:$0x7F9]  }
0x1c9: {  	[sflag:s21] =	ssyncset.done $0x0  }
0x1ca: {  	[sflag:s21] =	ssyncadd.s32 $0xFFFFD800  }
0x1cb: {  	[tilespmem:s14], [sflag:$0x1] =	stream.indirect.gather [hbm4b:s4+s13], $0x80, s26, s13, $0xb8;
	[tilespmem:$0x1F800] =	vst v63  }
0x1cc: {  	_ =	swait.ge [sflag:s22], $0x2800  }
0x1cd: {  	s28 =	sld [smem:$0x7FA]  }
0x1ce: {  	[sflag:s22] =	ssyncset.done $0x0  }
0x1cf: {  	[sflag:s22] =	ssyncadd.s32 $0xFFFFD800  }
0x1d0: {  	[spmem:s2] =	stream.indirect.scatter.add.f32 [tilespmem:s19], [sflag:$0x8], $0x80, s28, s13, $0xb8;
	[tilespmem:$0x1F800] =	vst v63  }
0x1d1: {  	_ =	swait.ge [sflag:s23], $0x2800  }
0x1d2: {  	s8 =	sld [smem:$0x7FB]  }
0x1d3: {  	[sflag:s23] =	ssyncset.done $0x0  }
0x1d4: {  	[sflag:s23] =	ssyncadd.s32 $0xFFFFD800  }
0x1d5: {  	[tilespmem:s15], [sflag:$0x2] =	stream.indirect.gather [hbm4b:s4+s13], $0x80, s8, s13, $0xb8;
	[tilespmem:$0x1F800] =	vst v63  }
0x1d6: {  	_ =	swait.ge [sflag:s16], $0x2800  }
0x1d7: {  	[sflag:s16] =	ssyncset.done $0x0  }
0x1d8: {  	s26 =	simm.s32 $0x1200;
	[sflag:s16] =	ssyncadd.s32 $0xFFFFD800  }
0x1d9: {  	[spmem:s2] =	stream.indirect.scatter.add.f32 [tilespmem:s14], [sflag:$0x5], $0x80, s26, s13, $0xb8;
	[tilespmem:$0x1F800] =	vst v63  }
0x1da: {  	_ =	swait.ge [sflag:s24], $0x2800  }
0x1db: {  	[sflag:s24] =	ssyncset.done $0x0  }
0x1dc: {  	s28 =	simm.s32 $0x6E0;
	[sflag:s24] =	ssyncadd.s32 $0xFFFFD800  }
0x1dd: {  	[tilespmem:s17], [sflag:$0x3] =	stream.indirect.gather [hbm4b:s4+s13], $0x80, s28, s13, $0xb8;
	[tilespmem:$0x1F800] =	vst v63  }
0x1de: {  	_ =	swait.ge [sflag:s18], $0x2800  }
0x1df: {  	[sflag:s18] =	ssyncset.done $0x0  }
0x1e0: {  	[sflag:s18] =	ssyncadd.s32 $0xFFFFD800  }
0x1e1: {  	[spmem:s2] =	stream.indirect.scatter.add.f32 [tilespmem:s15], [sflag:$0x6], $0x80, s29, s13, $0xb8;
	[tilespmem:$0x1F800] =	vst v63  }
0x1e2: {  	_ =	swait.ge [sflag:s25], $0x2800  }
0x1e3: {  	[sflag:s25] =	ssyncset.done $0x0  }
0x1e4: {  	[sflag:s25] =	ssyncadd.s32 $0xFFFFD800  }
0x1e5: {  	[tilespmem:s19], [sflag:$0x4] =	stream.indirect.gather [hbm4b:s4+s13], $0x80, s30, s13, $0xb8;
	[tilespmem:$0x1F800] =	vst v63  }
0x1e6: {  	_ =	swait.ge [sflag:s20], $0x2800  }
0x1e7: {  	[sflag:s20] =	ssyncset.done $0x0  }
0x1e8: {  	[sflag:s20] =	ssyncadd.s32 $0xFFFFD800  }
0x1e9: {  	[spmem:s2] =	stream.indirect.scatter.add.f32 [tilespmem:s17], [sflag:$0x7], $0x80, s31, s13, $0xb8;
	[tilespmem:$0x1F800] =	vst v63  }
0x1ea: {  	_ =	swait.ge [sflag:s21], $0x2800  }
0x1eb: {  	[sflag:s21] =	ssyncset.done $0x0  }
0x1ec: {  	[sflag:s21] =	ssyncadd.s32 $0xFFFFD800  }
0x1ed: {  	[tilespmem:s14], [sflag:$0x1] =	stream.indirect.gather [hbm4b:s4+s13], $0x80, s0, s13, $0xb8;
	[tilespmem:$0x1F800] =	vst v63  }
0x1ee: {  	_ =	swait.ge [sflag:s22], $0x2800  }
0x1ef: {  	[sflag:s22] =	ssyncset.done $0x0  }
0x1f0: {  	[sflag:s22] =	ssyncadd.s32 $0xFFFFD800  }
0x1f1: {  	[spmem:s2] =	stream.indirect.scatter.add.f32 [tilespmem:s19], [sflag:$0x8], $0x80, s1, s13, $0xb8;
	[tilespmem:$0x1F800] =	vst v63  }
0x1f2: {  	_ =	swait.ge [sflag:s23], $0x2800  }
0x1f3: {  	[sflag:s23] =	ssyncset.done $0x0  }
0x1f4: {  	[sflag:s23] =	ssyncadd.s32 $0xFFFFD800  }
0x1f5: {  	_ =	swait.ge [sflag:s16], $0x2800  }
0x1f6: {  	[sflag:s16] =	ssyncset.done $0x0  }
0x1f7: {  	[sflag:s16] =	ssyncadd.s32 $0xFFFFD800  }
0x1f8: {  	[spmem:s2] =	stream.indirect.scatter.add.f32 [tilespmem:s14], [sflag:$0x5], $0x80, s5, s13, $0xb8;
	[tilespmem:$0x1F800] =	vst v63  }
0x1f9: {  	_ =	swait.ge [sflag:s24], $0x2800  }
0x1fa: {  	[sflag:s24] =	ssyncset.done $0x0  }
0x1fb: {  	p0 =	sne.s32 s10, $0x40;
	[sflag:s24] =	ssyncadd.s32 $0xFFFFD800  }
.Ltmp0:
0x1fc: {  	_ =	swait.ge [sflag:s25], $0x2800;
	(pc) =	sbr.rel @p0 .LBB2_2-.Ltmp0, $4  }
0x1fd: {  	[sflag:s25] =	ssyncset.done $0x0  }
0x1fe: {  	[sflag:s25] =	ssyncadd.s32 $0xFFFFD800  }
0x1ff: {  	_ =	swait.ge [sflag:s21], $0x2800  }
0x200: {  	s10 =	sadd.s32 $0x10, s10;
	s8 =	rddreg [dreg:$0x5];
	[sflag:s21] =	ssyncset.done $0x0  }
0x201: {  	s7 =	rddreg [dreg:$0x3]  }
0x202: {  	s10 =	rddreg [dreg:$0x4];
	[sflag:s21] =	ssyncadd.s32 $0xFFFFD800;
	s6 =	sadd.s32 s6, s7  }
0x203: {  	[tilespmem:s3], [sflag:$0x9] =	stream.strided.gather [hbm4b:s6+s10], $0x800, s8, s10, $0x38;
	[tilespmem:$0x1F800] =	vst v63  }
0x204: {  	_ =	swait.ge [sflag:s11], $0x800  }
0x205: {  	[sflag:s11] =	ssyncset.done $0x0  }
0x206: {  	s9 =	sadd.s32 $0x200, s9;
	[sflag:s11] =	ssyncadd.s32 $0xFFFFF800  }
0x207: {  	[tilespmem:s12], [sflag:$0x9] =	stream.linear.gather [hbm4b:s9+s3], $0xC80, $0x38;
	[tilespmem:$0x1F800] =	vst v63  }
0x208: {  	_ =	swait.ge [sflag:s11], $0xC80  }
0x209: {  	[sflag:s11] =	ssyncset.done $0x0  }
0x20a: {  	[sflag:s11] =	ssyncadd.s32 $0xFFFFF380  }
0x20b: {  	[tilespmem:s14], [sflag:$0x1] =	stream.indirect.gather [hbm4b:s4+s13], $0x80, s3, s13, $0xb8;
	[tilespmem:$0x1F800] =	vst v63  }
0x20c: {  	_ = 	snop  }
0x20d: {  	[tilespmem:s15], [sflag:$0x2] =	stream.indirect.gather [hbm4b:s4+s13], $0x80, s13, s13, $0xb8;
	[tilespmem:$0x1F800] =	vst v63  }
0x20e: {  	_ =	swait.ge [sflag:s16], $0x2800  }
0x20f: {  	[sflag:s16] =	ssyncset.done $0x0  }
0x210: {  	[sflag:s16] =	ssyncadd.s32 $0xFFFFD800  }
0x211: {  	[spmem:s2] =	stream.indirect.scatter.add.f32 [tilespmem:s14], [sflag:$0x5], $0x80, s12, s13, $0xb8;
	[tilespmem:$0x1F800] =	vst v63  }
0x212: {  	s10 =	rddreg [dreg:$0x6]  }
0x213: {  	[tilespmem:s17], [sflag:$0x3] =	stream.indirect.gather [hbm4b:s4+s13], $0x80, s10, s13, $0xb8;
	[tilespmem:$0x1F800] =	vst v63  }
0x214: {  	_ =	swait.ge [sflag:s18], $0x2800  }
0x215: {  	[sflag:s18] =	ssyncset.done $0x0  }
0x216: {  	s26 =	rddreg [dreg:$0x7];
	[sflag:s18] =	ssyncadd.s32 $0xFFFFD800  }
0x217: {  	[spmem:s2] =	stream.indirect.scatter.add.f32 [tilespmem:s15], [sflag:$0x6], $0x80, s26, s13, $0xb8;
	[tilespmem:$0x1F800] =	vst v63  }
0x218: {  	s28 =	rddreg [dreg:$0x8]  }
0x219: {  	[tilespmem:s19], [sflag:$0x4] =	stream.indirect.gather [hbm4b:s4+s13], $0x80, s28, s13, $0xb8;
	[tilespmem:$0x1F800] =	vst v63  }
0x21a: {  	_ =	swait.ge [sflag:s20], $0x2800  }
0x21b: {  	[sflag:s20] =	ssyncset.done $0x0  }
0x21c: {  	s8 =	rddreg [dreg:$0x9];
	[sflag:s20] =	ssyncadd.s32 $0xFFFFD800  }
0x21d: {  	[spmem:s2] =	stream.indirect.scatter.add.f32 [tilespmem:s17], [sflag:$0x7], $0x80, s8, s13, $0xb8;
	[tilespmem:$0x1F800] =	vst v63  }
0x21e: {  	_ =	swait.ge [sflag:s21], $0x2800  }
0x21f: {  	[sflag:s21] =	ssyncset.done $0x0  }
0x220: {  	s9 =	rddreg [dreg:$0xa];
	[sflag:s21] =	ssyncadd.s32 $0xFFFFD800  }
0x221: {  	[tilespmem:s14], [sflag:$0x1] =	stream.indirect.gather [hbm4b:s4+s13], $0x80, s9, s13, $0xb8;
	[tilespmem:$0x1F800] =	vst v63  }
0x222: {  	_ =	swait.ge [sflag:s22], $0x2800  }
0x223: {  	[sflag:s22] =	ssyncset.done $0x0  }
0x224: {  	s10 =	rddreg [dreg:$0xb];
	[sflag:s22] =	ssyncadd.s32 $0xFFFFD800  }
0x225: {  	[spmem:s2] =	stream.indirect.scatter.add.f32 [tilespmem:s19], [sflag:$0x8], $0x80, s10, s13, $0xb8;
	[tilespmem:$0x1F800] =	vst v63  }
0x226: {  	_ =	swait.ge [sflag:s23], $0x2800  }
0x227: {  	[sflag:s23] =	ssyncset.done $0x0  }
0x228: {  	s26 =	rddreg [dreg:$0xc];
	[sflag:s23] =	ssyncadd.s32 $0xFFFFD800  }
0x229: {  	[tilespmem:s15], [sflag:$0x2] =	stream.indirect.gather [hbm4b:s4+s13], $0x80, s26, s13, $0xb8;
	[tilespmem:$0x1F800] =	vst v63  }
0x22a: {  	_ =	swait.ge [sflag:s16], $0x2800  }
0x22b: {  	[sflag:s16] =	ssyncset.done $0x0  }
0x22c: {  	s28 =	rddreg [dreg:$0xd];
	[sflag:s16] =	ssyncadd.s32 $0xFFFFD800  }
0x22d: {  	[spmem:s2] =	stream.indirect.scatter.add.f32 [tilespmem:s14], [sflag:$0x5], $0x80, s28, s13, $0xb8;
	[tilespmem:$0x1F800] =	vst v63  }
0x22e: {  	_ =	swait.ge [sflag:s24], $0x2800  }
0x22f: {  	[sflag:s24] =	ssyncset.done $0x0  }
0x230: {  	s7 =	rddreg [dreg:$0xe];
	[sflag:s24] =	ssyncadd.s32 $0xFFFFD800  }
0x231: {  	[tilespmem:s17], [sflag:$0x3] =	stream.indirect.gather [hbm4b:s4+s13], $0x80, s7, s13, $0xb8;
	[tilespmem:$0x1F800] =	vst v63  }
0x232: {  	_ =	swait.ge [sflag:s18], $0x2800  }
0x233: {  	[sflag:s18] =	ssyncset.done $0x0  }
0x234: {  	s8 =	rddreg [dreg:$0xf];
	[sflag:s18] =	ssyncadd.s32 $0xFFFFD800  }
0x235: {  	[spmem:s2] =	stream.indirect.scatter.add.f32 [tilespmem:s15], [sflag:$0x6], $0x80, s8, s13, $0xb8;
	[tilespmem:$0x1F800] =	vst v63  }
0x236: {  	_ =	swait.ge [sflag:s25], $0x2800  }
0x237: {  	[sflag:s25] =	ssyncset.done $0x0  }
0x238: {  	s9 =	rddreg [dreg:$0x10];
	[sflag:s25] =	ssyncadd.s32 $0xFFFFD800  }
0x239: {  	[tilespmem:s19], [sflag:$0x4] =	stream.indirect.gather [hbm4b:s4+s13], $0x80, s9, s13, $0xb8;
	[tilespmem:$0x1F800] =	vst v63  }
0x23a: {  	_ =	swait.ge [sflag:s20], $0x2800  }
0x23b: {  	[sflag:s20] =	ssyncset.done $0x0  }
0x23c: {  	s10 =	rddreg [dreg:$0x11];
	[sflag:s20] =	ssyncadd.s32 $0xFFFFD800  }
0x23d: {  	[spmem:s2] =	stream.indirect.scatter.add.f32 [tilespmem:s17], [sflag:$0x7], $0x80, s10, s13, $0xb8;
	[tilespmem:$0x1F800] =	vst v63  }
0x23e: {  	_ =	swait.ge [sflag:s21], $0x2800  }
0x23f: {  	[sflag:s21] =	ssyncset.done $0x0  }
0x240: {  	s26 =	rddreg [dreg:$0x12];
	[sflag:s21] =	ssyncadd.s32 $0xFFFFD800  }
0x241: {  	[tilespmem:s14], [sflag:$0x1] =	stream.indirect.gather [hbm4b:s4+s13], $0x80, s26, s13, $0xb8;
	[tilespmem:$0x1F800] =	vst v63  }
0x242: {  	_ =	swait.ge [sflag:s22], $0x2800  }
0x243: {  	[sflag:s22] =	ssyncset.done $0x0  }
0x244: {  	s28 =	rddreg [dreg:$0x13];
	[sflag:s22] =	ssyncadd.s32 $0xFFFFD800  }
0x245: {  	[spmem:s2] =	stream.indirect.scatter.add.f32 [tilespmem:s19], [sflag:$0x8], $0x80, s28, s13, $0xb8;
	[tilespmem:$0x1F800] =	vst v63  }
0x246: {  	_ =	swait.ge [sflag:s23], $0x2800  }
0x247: {  	[sflag:s23] =	ssyncset.done $0x0  }
0x248: {  	s7 =	rddreg [dreg:$0x14];
	[sflag:s23] =	ssyncadd.s32 $0xFFFFD800  }
0x249: {  	[tilespmem:s15], [sflag:$0x2] =	stream.indirect.gather [hbm4b:s4+s13], $0x80, s7, s13, $0xb8;
	[tilespmem:$0x1F800] =	vst v63  }
0x24a: {  	_ =	swait.ge [sflag:s16], $0x2800  }
0x24b: {  	[sflag:s16] =	ssyncset.done $0x0  }
0x24c: {  	s8 =	rddreg [dreg:$0x15];
	[sflag:s16] =	ssyncadd.s32 $0xFFFFD800  }
0x24d: {  	[spmem:s2] =	stream.indirect.scatter.add.f32 [tilespmem:s14], [sflag:$0x5], $0x80, s8, s13, $0xb8;
	[tilespmem:$0x1F800] =	vst v63  }
0x24e: {  	_ =	swait.ge [sflag:s24], $0x2800  }
0x24f: {  	[sflag:s24] =	ssyncset.done $0x0  }
0x250: {  	s9 =	rddreg [dreg:$0x16];
	[sflag:s24] =	ssyncadd.s32 $0xFFFFD800  }
0x251: {  	[tilespmem:s17], [sflag:$0x3] =	stream.indirect.gather [hbm4b:s4+s13], $0x80, s9, s13, $0xb8;
	[tilespmem:$0x1F800] =	vst v63  }
0x252: {  	_ =	swait.ge [sflag:s18], $0x2800  }
0x253: {  	[sflag:s18] =	ssyncset.done $0x0  }
0x254: {  	s10 =	rddreg [dreg:$0x17];
	[sflag:s18] =	ssyncadd.s32 $0xFFFFD800  }
0x255: {  	[spmem:s2] =	stream.indirect.scatter.add.f32 [tilespmem:s15], [sflag:$0x6], $0x80, s10, s13, $0xb8;
	[tilespmem:$0x1F800] =	vst v63  }
0x256: {  	_ =	swait.ge [sflag:s25], $0x2800  }
0x257: {  	[sflag:s25] =	ssyncset.done $0x0  }
0x258: {  	s26 =	rddreg [dreg:$0x18];
	[sflag:s25] =	ssyncadd.s32 $0xFFFFD800  }
0x259: {  	[tilespmem:s19], [sflag:$0x4] =	stream.indirect.gather [hbm4b:s4+s13], $0x80, s26, s13, $0xb8;
	[tilespmem:$0x1F800] =	vst v63  }
0x25a: {  	_ =	swait.ge [sflag:s20], $0x2800  }
0x25b: {  	[sflag:s20] =	ssyncset.done $0x0  }
0x25c: {  	s28 =	rddreg [dreg:$0x19];
	[sflag:s20] =	ssyncadd.s32 $0xFFFFD800  }
0x25d: {  	[spmem:s2] =	stream.indirect.scatter.add.f32 [tilespmem:s17], [sflag:$0x7], $0x80, s28, s13, $0xb8;
	[tilespmem:$0x1F800] =	vst v63  }
0x25e: {  	_ =	swait.ge [sflag:s21], $0x2800  }
0x25f: {  	[sflag:s21] =	ssyncset.done $0x0  }
0x260: {  	s7 =	rddreg [dreg:$0x1a];
	[sflag:s21] =	ssyncadd.s32 $0xFFFFD800  }
0x261: {  	[tilespmem:s14], [sflag:$0x1] =	stream.indirect.gather [hbm4b:s4+s13], $0x80, s7, s13, $0xb8;
	[tilespmem:$0x1F800] =	vst v63  }
0x262: {  	_ =	swait.ge [sflag:s22], $0x2800  }
0x263: {  	[sflag:s22] =	ssyncset.done $0x0  }
0x264: {  	s8 =	rddreg [dreg:$0x1b];
	[sflag:s22] =	ssyncadd.s32 $0xFFFFD800  }
0x265: {  	[spmem:s2] =	stream.indirect.scatter.add.f32 [tilespmem:s19], [sflag:$0x8], $0x80, s8, s13, $0xb8;
	[tilespmem:$0x1F800] =	vst v63  }
0x266: {  	_ =	swait.ge [sflag:s23], $0x2800  }
0x267: {  	[sflag:s23] =	ssyncset.done $0x0  }
0x268: {  	s9 =	rddreg [dreg:$0x1c];
	[sflag:s23] =	ssyncadd.s32 $0xFFFFD800  }
0x269: {  	[tilespmem:s15], [sflag:$0x2] =	stream.indirect.gather [hbm4b:s4+s13], $0x80, s9, s13, $0xb8;
	[tilespmem:$0x1F800] =	vst v63  }
0x26a: {  	_ =	swait.ge [sflag:s16], $0x2800  }
0x26b: {  	[sflag:s16] =	ssyncset.done $0x0  }
0x26c: {  	s10 =	rddreg [dreg:$0x1d];
	[sflag:s16] =	ssyncadd.s32 $0xFFFFD800  }
0x26d: {  	[spmem:s2] =	stream.indirect.scatter.add.f32 [tilespmem:s14], [sflag:$0x5], $0x80, s10, s13, $0xb8;
	[tilespmem:$0x1F800] =	vst v63  }
0x26e: {  	_ =	swait.ge [sflag:s24], $0x2800  }
0x26f: {  	[sflag:s24] =	ssyncset.done $0x0  }
0x270: {  	s26 =	rddreg [dreg:$0x1e];
	[sflag:s24] =	ssyncadd.s32 $0xFFFFD800  }
0x271: {  	[tilespmem:s17], [sflag:$0x3] =	stream.indirect.gather [hbm4b:s4+s13], $0x80, s26, s13, $0xb8;
	[tilespmem:$0x1F800] =	vst v63  }
0x272: {  	_ =	swait.ge [sflag:s18], $0x2800  }
0x273: {  	[sflag:s18] =	ssyncset.done $0x0  }
0x274: {  	s28 =	rddreg [dreg:$0x1f];
	[sflag:s18] =	ssyncadd.s32 $0xFFFFD800  }
0x275: {  	[spmem:s2] =	stream.indirect.scatter.add.f32 [tilespmem:s15], [sflag:$0x6], $0x80, s28, s13, $0xb8;
	[tilespmem:$0x1F800] =	vst v63  }
0x276: {  	_ =	swait.ge [sflag:s25], $0x2800  }
0x277: {  	s7 =	sld [smem:$0x7EF]  }
0x278: {  	[sflag:s25] =	ssyncset.done $0x0  }
0x279: {  	[sflag:s25] =	ssyncadd.s32 $0xFFFFD800  }
0x27a: {  	[tilespmem:s19], [sflag:$0x4] =	stream.indirect.gather [hbm4b:s4+s13], $0x80, s7, s13, $0xb8;
	[tilespmem:$0x1F800] =	vst v63  }
0x27b: {  	_ =	swait.ge [sflag:s20], $0x2800  }
0x27c: {  	s8 =	sld [smem:$0x7F0]  }
0x27d: {  	[sflag:s20] =	ssyncset.done $0x0  }
0x27e: {  	[sflag:s20] =	ssyncadd.s32 $0xFFFFD800  }
0x27f: {  	[spmem:s2] =	stream.indirect.scatter.add.f32 [tilespmem:s17], [sflag:$0x7], $0x80, s8, s13, $0xb8;
	[tilespmem:$0x1F800] =	vst v63  }
0x280: {  	_ =	swait.ge [sflag:s21], $0x2800  }
0x281: {  	s9 =	sld [smem:$0x7F1]  }
0x282: {  	[sflag:s21] =	ssyncset.done $0x0  }
0x283: {  	[sflag:s21] =	ssyncadd.s32 $0xFFFFD800  }
0x284: {  	[tilespmem:s14], [sflag:$0x1] =	stream.indirect.gather [hbm4b:s4+s13], $0x80, s9, s13, $0xb8;
	[tilespmem:$0x1F800] =	vst v63  }
0x285: {  	_ =	swait.ge [sflag:s22], $0x2800  }
0x286: {  	s10 =	sld [smem:$0x7F2]  }
0x287: {  	[sflag:s22] =	ssyncset.done $0x0  }
0x288: {  	[sflag:s22] =	ssyncadd.s32 $0xFFFFD800  }
0x289: {  	[spmem:s2] =	stream.indirect.scatter.add.f32 [tilespmem:s19], [sflag:$0x8], $0x80, s10, s13, $0xb8;
	[tilespmem:$0x1F800] =	vst v63  }
0x28a: {  	_ =	swait.ge [sflag:s23], $0x2800  }
0x28b: {  	s26 =	sld [smem:$0x7F3]  }
0x28c: {  	[sflag:s23] =	ssyncset.done $0x0  }
0x28d: {  	[sflag:s23] =	ssyncadd.s32 $0xFFFFD800  }
0x28e: {  	[tilespmem:s15], [sflag:$0x2] =	stream.indirect.gather [hbm4b:s4+s13], $0x80, s26, s13, $0xb8;
	[tilespmem:$0x1F800] =	vst v63  }
0x28f: {  	_ =	swait.ge [sflag:s16], $0x2800  }
0x290: {  	s28 =	sld [smem:$0x7F4]  }
0x291: {  	[sflag:s16] =	ssyncset.done $0x0  }
0x292: {  	[sflag:s16] =	ssyncadd.s32 $0xFFFFD800  }
0x293: {  	[spmem:s2] =	stream.indirect.scatter.add.f32 [tilespmem:s14], [sflag:$0x5], $0x80, s28, s13, $0xb8;
	[tilespmem:$0x1F800] =	vst v63  }
0x294: {  	_ =	swait.ge [sflag:s24], $0x2800  }
0x295: {  	s7 =	sld [smem:$0x7F5]  }
0x296: {  	[sflag:s24] =	ssyncset.done $0x0  }
0x297: {  	[sflag:s24] =	ssyncadd.s32 $0xFFFFD800  }
0x298: {  	[tilespmem:s17], [sflag:$0x3] =	stream.indirect.gather [hbm4b:s4+s13], $0x80, s7, s13, $0xb8;
	[tilespmem:$0x1F800] =	vst v63  }
0x299: {  	_ =	swait.ge [sflag:s18], $0x2800  }
0x29a: {  	s8 =	sld [smem:$0x7F6]  }
0x29b: {  	[sflag:s18] =	ssyncset.done $0x0  }
0x29c: {  	[sflag:s18] =	ssyncadd.s32 $0xFFFFD800  }
0x29d: {  	[spmem:s2] =	stream.indirect.scatter.add.f32 [tilespmem:s15], [sflag:$0x6], $0x80, s8, s13, $0xb8;
	[tilespmem:$0x1F800] =	vst v63  }
0x29e: {  	_ =	swait.ge [sflag:s25], $0x2800  }
0x29f: {  	s9 =	sld [smem:$0x7F7]  }
0x2a0: {  	[sflag:s25] =	ssyncset.done $0x0  }
0x2a1: {  	[sflag:s25] =	ssyncadd.s32 $0xFFFFD800  }
0x2a2: {  	[tilespmem:s19], [sflag:$0x4] =	stream.indirect.gather [hbm4b:s4+s13], $0x80, s9, s13, $0xb8;
	[tilespmem:$0x1F800] =	vst v63  }
0x2a3: {  	_ =	swait.ge [sflag:s20], $0x2800  }
0x2a4: {  	s10 =	sld [smem:$0x7F8]  }
0x2a5: {  	[sflag:s20] =	ssyncset.done $0x0  }
0x2a6: {  	[sflag:s20] =	ssyncadd.s32 $0xFFFFD800  }
0x2a7: {  	[spmem:s2] =	stream.indirect.scatter.add.f32 [tilespmem:s17], [sflag:$0x7], $0x80, s10, s13, $0xb8;
	[tilespmem:$0x1F800] =	vst v63  }
0x2a8: {  	_ =	swait.ge [sflag:s21], $0x2800  }
0x2a9: {  	s26 =	sld [smem:$0x7F9]  }
0x2aa: {  	[sflag:s21] =	ssyncset.done $0x0  }
0x2ab: {  	[sflag:s21] =	ssyncadd.s32 $0xFFFFD800  }
0x2ac: {  	[tilespmem:s14], [sflag:$0x1] =	stream.indirect.gather [hbm4b:s4+s13], $0x80, s26, s13, $0xb8;
	[tilespmem:$0x1F800] =	vst v63  }
0x2ad: {  	_ =	swait.ge [sflag:s22], $0x2800  }
0x2ae: {  	s28 =	sld [smem:$0x7FA]  }
0x2af: {  	[sflag:s22] =	ssyncset.done $0x0  }
0x2b0: {  	[sflag:s22] =	ssyncadd.s32 $0xFFFFD800  }
0x2b1: {  	[spmem:s2] =	stream.indirect.scatter.add.f32 [tilespmem:s19], [sflag:$0x8], $0x80, s28, s13, $0xb8;
	[tilespmem:$0x1F800] =	vst v63  }
0x2b2: {  	_ =	swait.ge [sflag:s23], $0x2800  }
0x2b3: {  	s7 =	sld [smem:$0x7FB]  }
0x2b4: {  	[sflag:s23] =	ssyncset.done $0x0  }
0x2b5: {  	[sflag:s23] =	ssyncadd.s32 $0xFFFFD800  }
0x2b6: {  	[tilespmem:s15], [sflag:$0x2] =	stream.indirect.gather [hbm4b:s4+s13], $0x80, s7, s13, $0xb8;
	[tilespmem:$0x1F800] =	vst v63  }
0x2b7: {  	_ =	swait.ge [sflag:s16], $0x2800  }
0x2b8: {  	[sflag:s16] =	ssyncset.done $0x0  }
0x2b9: {  	s8 =	simm.s32 $0x1200;
	[sflag:s16] =	ssyncadd.s32 $0xFFFFD800  }
0x2ba: {  	[spmem:s2] =	stream.indirect.scatter.add.f32 [tilespmem:s14], [sflag:$0x5], $0x80, s8, s13, $0xb8;
	[tilespmem:$0x1F800] =	vst v63  }
0x2bb: {  	_ =	swait.ge [sflag:s24], $0x2800  }
0x2bc: {  	[sflag:s24] =	ssyncset.done $0x0  }
0x2bd: {  	s9 =	simm.s32 $0x6E0;
	[sflag:s24] =	ssyncadd.s32 $0xFFFFD800  }
0x2be: {  	[tilespmem:s17], [sflag:$0x3] =	stream.indirect.gather [hbm4b:s4+s13], $0x80, s9, s13, $0xb8;
	[tilespmem:$0x1F800] =	vst v63  }
0x2bf: {  	_ =	swait.ge [sflag:s18], $0x2800  }
0x2c0: {  	[sflag:s18] =	ssyncset.done $0x0  }
0x2c1: {  	[sflag:s18] =	ssyncadd.s32 $0xFFFFD800  }
0x2c2: {  	[spmem:s2] =	stream.indirect.scatter.add.f32 [tilespmem:s15], [sflag:$0x6], $0x80, s29, s13, $0xb8;
	[tilespmem:$0x1F800] =	vst v63  }
0x2c3: {  	_ =	swait.ge [sflag:s25], $0x2800  }
0x2c4: {  	[sflag:s25] =	ssyncset.done $0x0  }
0x2c5: {  	[sflag:s25] =	ssyncadd.s32 $0xFFFFD800  }
0x2c6: {  	[tilespmem:s19], [sflag:$0x4] =	stream.indirect.gather [hbm4b:s4+s13], $0x80, s30, s13, $0xb8;
	[tilespmem:$0x1F800] =	vst v63  }
0x2c7: {  	_ =	swait.ge [sflag:s20], $0x2800  }
0x2c8: {  	[sflag:s20] =	ssyncset.done $0x0  }
0x2c9: {  	[sflag:s20] =	ssyncadd.s32 $0xFFFFD800  }
0x2ca: {  	[spmem:s2] =	stream.indirect.scatter.add.f32 [tilespmem:s17], [sflag:$0x7], $0x80, s31, s13, $0xb8;
	[tilespmem:$0x1F800] =	vst v63  }
0x2cb: {  	_ =	swait.ge [sflag:s21], $0x2800  }
0x2cc: {  	[sflag:s21] =	ssyncset.done $0x0  }
0x2cd: {  	[sflag:s21] =	ssyncadd.s32 $0xFFFFD800  }
0x2ce: {  	[tilespmem:s14], [sflag:$0x1] =	stream.indirect.gather [hbm4b:s4+s13], $0x80, s0, s13, $0xb8;
	[tilespmem:$0x1F800] =	vst v63  }
0x2cf: {  	_ =	swait.ge [sflag:s22], $0x2800  }
0x2d0: {  	[sflag:s22] =	ssyncset.done $0x0  }
0x2d1: {  	[sflag:s22] =	ssyncadd.s32 $0xFFFFD800  }
0x2d2: {  	[spmem:s2] =	stream.indirect.scatter.add.f32 [tilespmem:s19], [sflag:$0x8], $0x80, s1, s13, $0xb8;
	[tilespmem:$0x1F800] =	vst v63  }
0x2d3: {  	_ =	swait.ge [sflag:s23], $0x2800  }
0x2d4: {  	[sflag:s23] =	ssyncset.done $0x0  }
0x2d5: {  	[sflag:s23] =	ssyncadd.s32 $0xFFFFD800  }
0x2d6: {  	_ =	swait.ge [sflag:s16], $0x2800  }
0x2d7: {  	[sflag:s16] =	ssyncset.done $0x0  }
0x2d8: {  	[sflag:s16] =	ssyncadd.s32 $0xFFFFD800  }
0x2d9: {  	[spmem:s2] =	stream.indirect.scatter.add.f32 [tilespmem:s14], [sflag:$0x5], $0x80, s5, s13, $0xb8;
	[tilespmem:$0x1F800] =	vst v63  }
0x2da: {  	_ =	swait.ge [sflag:s24], $0x2800  }
0x2db: {  	[sflag:s24] =	ssyncset.done $0x0  }
0x2dc: {  	[sflag:s24] =	ssyncadd.s32 $0xFFFFD800  }
0x2dd: {  	_ =	swait.ge [sflag:s25], $0x2800  }
0x2de: {  	[sflag:s25] =	ssyncset.done $0x0  }
0x2df: {  	[sflag:s25] =	ssyncadd.s32 $0xFFFFD800  }
0x2e0: {  	_ =	swait.ge [sflag:s21], $0x2800  }
0x2e1: {  	[sflag:s21] =	ssyncset.done $0x0  }
0x2e2: {  	[sflag:s21] =	ssyncadd.s32 $0xFFFFD800  }
0x2e3: {  	[bflag:$0x0] =	sbarrier.arrive $0xFFFF  }
0x2e4: {  	s8 =	sld [smem:$0x7FC]  }
0x2e5: {  	s10 =	sld [smem:$0x7EC]  }
0x2e6: {  	s7 =	sld [smem:$0x7FD];
	_ =	sdelay $0x2  }
0x2e7: {  	[hbm:s10], [sflag:s8] =	dma.local [spmem:s7], $0x2800  }
0x2e8: {  	_ =	swait.ge [sflag:s11], $0x2800  }
0x2e9: {  	s26 =	sld [smem:$0x7EA]  }
0x2ea: {  	s28 =	sld [smem:$0x7ED];
	_ =	sdelay $0x1  }
0x2eb: {  	s9 =	sadd.s32 $0x1, s26  }
0x2ec: {  	p0 =	sne.s32 s9, s28  }
.Ltmp1:
0x2ed: {  	_ = 	snop;
	(pc) =	sbr.rel @p0 .LBB2_1-.Ltmp1, $3  }
0x2ee: {  	_ =	sdelay $0x1  }
0x2ef: {  	[sflag:s11] =	ssyncset.done $0x0  }
0x2f0: {  	[sflag:s11] =	ssyncadd.s32 $0xFFFFD800  }
0x2f1: {  	_ =	sfence.sel $0x180000  }
0x2f2: {  	[bflag:$0x0] =	sbarrier.arrive $0xFFFF  }
0x2f3: {  	_ =	strace $0x9000004D  }
0x2f4: {  	s0 =	stileid.u32;
	[bflag:$0x2] =	sbarrier.arrive $0xFFFF  }
0x2f5: {  	p0 =	sne.s32 s0, $0x0;
	s0 =	rddreg [dreg:$0x2]  }
0x2f6: {  	s0 =	sadd.s32 @!p0 $0x100000, s0  }
0x2f7: {  	[sflag:s0] =	ssyncadd.tile.s32 @!p0 $0x1;
	_ =	shalt  }
.Lfunc_end2:
_tile_overlayer_lowered:
.L_overlay_start_2:
0x2f8: {  	(tag) =	ssettag $0x2  }
0x2f9: {  	s0 =	rddreg [dreg:$0x0];
	s2 =	stileid.u32  }
0x2fa: {  	s1 =	rddreg [dreg:$0x1];
	p0 =	sne.s32 s2, $0x0  }
0x2fb: {  	s3 =	rddreg [dreg:$0x2];
	[bflag:$0x3] =	sbarrier.arrive $0xFFFF;
	s2 =	simm.s32 @!p0 $0x1C09  }
0x2fc: {  	[timem:s3], [sflag:s2] =	dma.local @!p0 [hbm:s0], s1  }
0x2fd: {  	s0 =	simm.s32 @!p0 $0x9  }
0x2fe: {  	_ =	swait.ge @!p0 [sflag:s0], s1  }
0x2ff: {  	s1 =	ssub.s32 @!p0 $0x0, s1;
	[sflag:s0] =	ssyncset.done @!p0 $0x0  }
0x300: {  	[sflag:s0] =	ssyncadd.s32 @!p0 s1  }
0x301: {  	[bflag:$0x3] =	sbarrier.arrive $0xFFFF  }
0x302: {  	_ =	shalt  }

// kernel: kernel.8.cloned.1.call-start
scs
__scs_entry_jumppad:
0x0: {  	(pc) =	sbr.rel $0x88, $3  }
0x1: {  	(tag) =	ssettag $0x0;
	lr =	simm.s32 $0x1  }
0x2: {  	[smem:$0x3F83] =	sst lr;
	_ =	strace $0xD0000000  }
0x3: {  	_ = 	snop  }
0x4: {  	_ = 	snop  }
0x5: {  	_ = 	snop  }
0x6: {  	_ = 	snop  }
0x7: {  	_ = 	snop  }
__scs_overlays_trampoline_lowered:
0x8: {  	[smem:$0x3F92] =	sst s0  }
0x9: {  	[smem:$0x3F93] =	sst s1  }
0xa: {  	[smem:$0x3F94] =	sst s2  }
0xb: {  	[smem:$0x3F95] =	sst s3  }
0xc: {  	[smem:$0x3F96] =	sst s4  }
0xd: {  	[smem:$0x3F97] =	sst s5  }
0xe: {  	[smem:$0x3F98] =	sst s6  }
0xf: {  	[smem:$0x3F99] =	sst s7  }
0x10: {  	[smem:$0x3F9A] =	sst s8  }
0x11: {  	[smem:$0x3F9B] =	sst s9;
	s0 =	simm.s32 @!p0 $0x0  }
0x12: {  	s1 =	sld [smem:$0x3F81];
	s0 =	simm.s32 @p0 $0x1  }
0x13: {  	[smem:$0x3F9C] =	sst s0;
	s0 =	simm.s32 @!p1 $0x0  }
0x14: {  	s2 =	sld [smem:$0x3F80];
	s0 =	simm.s32 @p1 $0x1  }
0x15: {  	[smem:$0x3F9D] =	sst s0;
	s0 =	simm.s32 @!p2 $0x0  }
0x16: {  	s3 =	sld [smem:$0x3FDB];
	s0 =	simm.s32 @p2 $0x1  }
0x17: {  	s4 =	simm.s32 $0x1BF5;
	[smem:$0x3F9F] =	sst s0  }
0x18: {  	s0 =	sld [smem:$0x3F82];
	_ =	swait.ge [sflag:s4], $0x0  }
0x19: {  	s7 =	sld [smem:$0x3F83]  }
0x1a: {  	s8 =	sadd.s32 $0xFFFFE003, lr  }
0x1b: {  	s9 =	sadd.s32 $0xFFFFFEF7, lr;
	s5 =	simm.s32 $0xFFFFFFFF;
	p2 =	slt.u32 s8, $0xFFFFF086  }
0x1c: {  	p1 =	slt.u32 s9, $0xF7A;
	s5 =	simm.s32 @!p2 $0x0  }
0x1d: {  	s5 =	simm.s32 @p1 $0x1;
	p0 =	seq.s32 s7, s2  }
0x1e: {  	s7 =	smul.u32 @!p0 $0xF7A, s2;
	p2 =	seq.s32 @!p0 s5, $0x0  }
0x1f: {  	s9 =	smul.u32 $0xF7A, s1;
	s8 =	simm.s32 @!p0 $0x1BF5;
	p2 =	por !p2, p0  }
0x20: {  	[sflag:s8] =	ssyncset.s32 @!p0 $0xFFFFF086;
	s6 =	sadd.s32 @!p0 s3, s7;
	s7 =	simm.s32 @!p0 $0x108  }
0x21: {  	s3 =	sadd.s32 s3, s9;
	s6 =	sadd.s32 @!p0 $0x88, s6;
	s7 =	simm.s32 @p2 $0x1082  }
0x22: {  	[simem:s7], [sflag:s8] =	dma.local @!p0 [hbm:s6], $0xF7A  }
0x23: {  	s9 =	sor.u32 $0xD0000000, s2;
	s6 =	simm.s32 $0x108;
	_ =	swait.ge @!p0 [sflag:s8], $0x0  }
0x24: {  	s3 =	sadd.s32 $0x88, s3;
	s6 =	simm.s32 @!p1 $0x1082;
	[sflag:s4] =	ssyncset.s32 $0xFFFFF086  }
0x25: {  	[simem:s6], [sflag:s4] =	dma.local [hbm:s3], $0xF7A  }
0x26: {  	[smem:$0x3F83] =	sst s1;
	(tag) =	ssettag s2;
	_ =	strace s9  }
0x27: {  	s1 =	sld [smem:$0x3F93]  }
0x28: {  	s2 =	sld [smem:$0x3F94]  }
0x29: {  	s4 =	sld [smem:$0x3F96]  }
0x2a: {  	p0 =	seq.s32 s5, $0x0;
	s5 =	sld [smem:$0x3F97]  }
0x2b: {  	s6 =	sld [smem:$0x3F98]  }
0x2c: {  	s7 =	sld [smem:$0x3F99]  }
0x2d: {  	s3 =	simm.s32 $0x108;
	s8 =	sld [smem:$0x3F9A]  }
0x2e: {  	s3 =	simm.s32 @!p0 $0x1082;
	s9 =	sld [smem:$0x3F9B]  }
0x2f: {  	lr =	sadd.s32 s0, s3;
	s0 =	sld [smem:$0x3F92]  }
0x30: {  	s3 =	sld [smem:$0x3F95]  }
0x31: {  	[smem:$0x3F9E] =	sst s10  }
0x32: {  	s10 =	sld [smem:$0x3F9C];
	_ =	sdelay $0x3  }
0x33: {  	p0 =	seq.s32 s10, $0x1;
	s10 =	sld [smem:$0x3F9E];
	_ =	sdelay $0x3  }
0x34: {  	[smem:$0x3F9E] =	sst s10  }
0x35: {  	s10 =	sld [smem:$0x3F9D];
	_ =	sdelay $0x3  }
0x36: {  	p1 =	seq.s32 s10, $0x1;
	s10 =	sld [smem:$0x3F9E];
	_ =	sdelay $0x3  }
0x37: {  	[smem:$0x3F9E] =	sst s10  }
0x38: {  	s10 =	sld [smem:$0x3F9F]  }
0x39: {  	_ = 	snop;
	(pc) =	sbr.ind lr, $3  }
0x3a: {  	_ = 	snop  }
0x3b: {  	_ = 	snop  }
0x3c: {  	p2 =	seq.s32 s10, $0x1;
	s10 =	sld [smem:$0x3F9E]  }
0x3d: {  	_ =	shalt  }
0x3e: {  	_ =	shalt  }
0x3f: {  	_ =	shalt  }
0x40: {  	_ =	shalt  }
0x41: {  	_ =	shalt  }
0x42: {  	_ =	shalt  }
0x43: {  	_ =	shalt  }
0x44: {  	_ =	shalt  }
0x45: {  	_ =	shalt  }
0x46: {  	_ =	shalt  }
0x47: {  	_ =	shalt  }
0x48: {  	_ =	shalt  }
0x49: {  	_ =	shalt  }
0x4a: {  	_ =	shalt  }
0x4b: {  	_ =	shalt  }
0x4c: {  	_ =	shalt  }
0x4d: {  	_ =	shalt  }
0x4e: {  	_ =	shalt  }
0x4f: {  	_ =	shalt  }
0x50: {  	_ =	shalt  }
0x51: {  	_ =	shalt  }
0x52: {  	_ =	shalt  }
0x53: {  	_ =	shalt  }
0x54: {  	_ =	shalt  }
0x55: {  	_ =	shalt  }
0x56: {  	_ =	shalt  }
0x57: {  	_ =	shalt  }
0x58: {  	_ =	shalt  }
0x59: {  	_ =	shalt  }
0x5a: {  	_ =	shalt  }
0x5b: {  	_ =	shalt  }
0x5c: {  	_ =	shalt  }
0x5d: {  	_ =	shalt  }
0x5e: {  	_ =	shalt  }
0x5f: {  	_ =	shalt  }
0x60: {  	_ =	shalt  }
0x61: {  	_ =	shalt  }
0x62: {  	_ =	shalt  }
0x63: {  	_ =	shalt  }
0x64: {  	_ =	shalt  }
0x65: {  	_ =	shalt  }
0x66: {  	_ =	shalt  }
0x67: {  	_ =	shalt  }
0x68: {  	_ =	shalt  }
0x69: {  	_ =	shalt  }
0x6a: {  	_ =	shalt  }
0x6b: {  	_ =	shalt  }
0x6c: {  	_ =	shalt  }
0x6d: {  	_ =	shalt  }
0x6e: {  	_ =	shalt  }
0x6f: {  	_ =	shalt  }
0x70: {  	_ =	shalt  }
0x71: {  	_ =	shalt  }
0x72: {  	_ =	shalt  }
0x73: {  	_ =	shalt  }
0x74: {  	_ =	shalt  }
0x75: {  	_ =	shalt  }
0x76: {  	_ =	shalt  }
0x77: {  	_ =	shalt  }
0x78: {  	_ =	shalt  }
0x79: {  	_ =	shalt  }
0x7a: {  	_ =	shalt  }
0x7b: {  	_ =	shalt  }
0x7c: {  	_ =	shalt  }
0x7d: {  	_ =	shalt  }
0x7e: {  	_ =	shalt  }
0x7f: {  	_ =	shalt  }
0x80: {  	_ =	shalt  }
0x81: {  	_ =	shalt  }
0x82: {  	_ =	shalt  }
0x83: {  	_ =	shalt  }
0x84: {  	_ =	shalt  }
0x85: {  	_ =	shalt  }
0x86: {  	_ =	shalt  }
0x87: {  	_ =	shalt  }
.Lfunc_end0:
.L_simem_size_0:
called_computation_lowered:
.L_overlay_start_0:
0x88: {  	s2 =	sld [smem:$0x3FD9]  }
0x89: {  	s3 =	sld [smem:$0x3FFE];
	_ =	sdelay $0x1  }
0x8a: {  	s1 =	srdreg.scid  }
0x8b: {  	s0 =	sand.u32 $0x1, s1  }
0x8c: {  	s14 =	sshll.u32 s0, $0xA;
	s2 =	sadd.s32 s3, s2  }
0x8d: {  	s2 =	sadd.s32 s2, s14  }
0x8e: {  	[smem:$0x3FAA] =	sst s2  }
0x8f: {  	_ = 	snop  }
0x90: {  	s2 =	sld [smem:$0x3FD0];
	_ =	sdelay $0x2  }
0x91: {  	s15 =	simm.s32 $0xA;
	s4 =	simm.s32 $0x10  }
0x92: {  	[smem:s4], [sflag:s15] =	dma.local [hbm:s2], $0x1  }
0x93: {  	_ =	swait.eq [sflag:s15], $0x1  }
0x94: {  	[sflag:s15] =	ssyncset.done $0x0  }
0x95: {  	s16 =	sld [smem:$0x10];
	[sflag:s15] =	ssyncadd.s32 $0xFFFFFFFF  }
0x96: {  	s17 =	sld [smem:$0x11];
	(tm) =	ssettm $0x1  }
0x97: {  	s18 =	sld [smem:$0x3FFB];
	_ =	sdelay $0x3  }
0x98: {  	_ =	strace s18  }
0x99: {  	s4 =	sld [smem:$0x3FFC];
	_ =	sdelay $0x3  }
0x9a: {  	_ =	strace s4  }
0x9b: {  	s4 =	sld [smem:$0x3FFD];
	_ =	sdelay $0x3  }
0x9c: {  	_ =	strace s4  }
0x9d: {  	_ =	strace $0x8FFFFFFF  }
0x9e: {  	s19 =	sld [smem:$0x3FDB];
	_ =	sdelay $0x1  }
0x9f: {  	s5 =	simm.s32 $_scs_section_size  }
0xa0: {  	s6 =	simm.s32 $_size__tile_overlayer_lowered;
	s7 =	simm.s32 $_tile_overlayer_lowered  }
0xa1: {  	s22 =	simm.s32 $0x1BFF;
	s21 =	sshll.u32 s7, $0x1;
	s4 =	sadd.s32 s5, s19  }
0xa2: {  	s8 =	simm.s32 $0x0;
	s20 =	sshll.u32 s6, $0x1;
	s6 =	sadd.s32 s21, s4  }
0xa3: {  	[timem:s8], [sflag:s22] =	dma.local [hbm:s6], s20  }
0xa4: {  	_ =	swait.ge [sflag:s22], s20  }
0xa5: {  	s5 =	ssub.s32 $0x0, s20;
	[sflag:s22] =	ssyncset.done $0x0  }
0xa6: {  	[sflag:s22] =	ssyncadd.s32 s5;
	_ =	sdelay $0x1  }
0xa7: {  	s23 =	simm.s32 $0x1B8B  }
0xa8: {  	_ =	swait.ge [sflag:s23], $0x1  }
0xa9: {  	[sflag:s23] =	ssyncset.done $0x0  }
0xaa: {  	s25 =	simm.s32 $0x1B8E;
	s24 =	sld [smem:$0x3FFE];
	[sflag:s23] =	ssyncadd.s32 $0xFFFFFFFF  }
0xab: {  	s26 =	simm.s32 $execute0_lowered;
	[smem:$0x3FD2] =	sst s25  }
0xac: {  	s6 =	sshll.u32 s26, $0x1;
	_ =	strace $0x80000046;
	[dreg:$0x1] =	wrdreg $0xFFFFFFFF  }
0xad: {  	s28 =	simm.s32 $_size_execute0_lowered;
	s4 =	sadd.s32 s4, s6;
	[dreg:$0x0] =	wrdreg $0x0  }
0xae: {  	s6 =	sshll.u32 s28, $0x1;
	[dreg:$0x2] =	wrdreg s4  }
0xaf: {  	[dreg:$0x3] =	wrdreg s6  }
0xb0: {  	[dreg:$0x4] =	wrdreg $0xC0  }
0xb1: {  	_ =	task [dreg:s8], $0x5FFFF  }
0xb2: {  	[dreg:$0x1] =	wrdreg $0xFFFFFFFF  }
0xb3: {  	[dreg:$0x0] =	wrdreg $0x60  }
0xb4: {  	[dreg:$0x2] =	wrdreg s24  }
0xb5: {  	[dreg:$0x3] =	wrdreg s17  }
0xb6: {  	[dreg:$0x4] =	wrdreg s16  }
0xb7: {  	[dreg:$0x5] =	wrdreg $0x10800  }
0xb8: {  	[dreg:$0x6] =	wrdreg $0x9  }
0xb9: {  	_ =	task.clear_ibuf [dreg:s8], $0x7FFFF;
	_ =	strace $0x90000046  }
0xba: {  	s29 =	simm.s32 $0x9;
	_ =	strace $0x80000048  }
0xbb: {  	_ =	swait.ge [sflag:s29], $0x1  }
0xbc: {  	[sflag:s29] =	ssyncadd.s32 $0xFFFFFFFF  }
0xbd: {  	_ =	strace $0x90000048  }
0xbe: {  	_ =	sfence  }
0xbf: {  	s30 =	sld [smem:$0x0];
	_ =	sdelay $0x2  }
0xc0: {  	s31 =	sshll.u32 s1, $0xD;
	s1 =	sshrl.u32 s1, $0x2  }
0xc1: {  	s3 =	sand.u32 $0x4000, s31;
	s1 =	sadd.s32 s1, s30  }
0xc2: {  	s0 =	sor.u32 s3, s0;
	s1 =	sshll.u32 s1, $0x11  }
0xc3: {  	s0 =	sor.u32 s1, s0  }
0xc4: {  	s0 =	sadd.s32 $0x8F2B, s0  }
0xc5: {  	[sflag:s0] =	ssyncadd.remote.s32 $0x1  }
0xc6: {  	_ =	sfence.sel $0xFFFF  }
0xc7: {  	[dreg:$0x0] =	wrdreg $0xFFFFFFFF;
	(pc) =	sbr.abs _section_cstart, $3  }
0xc8: {  	[dreg:$0x1] =	wrdreg $0xFFFFFFFF  }
0xc9: {  	_ =	task.clear_ibuf [dreg:s8], $0x2FFFF;
	_ =	strace $0x9FFFFFFF  }
0xca: {  	(tm) =	ssettm $0x7FFFFFFF  }
0xcb: {  	_ =	shalt  }
tec
execute0_lowered:
.L_overlay_start_1:
0x0: {  	(tag) =	ssettag $0x1  }
0x1: {  	s0 =	rddreg [dreg:$0x0]  }
0x2: {  	s1 =	rddreg [dreg:$0x2];
	s2 =	srdreg.scid  }
0x3: {  	s3 =	rddreg [dreg:$0x3];
	s8 =	stileid.u32  }
0x4: {  	s4 =	simm.s32 $0x0;
	s25 =	simm.s32 $0x80;
	s10 =	simm.s32 $0x2  }
0x5: {  	s26 =	simm.s32 $0x100;
	s11 =	simm.s32 $0x1000;
	s12 =	simm.s32 $0x50  }
0x6: {  	s14 =	simm.s32 $0x200;
	s15 =	simm.s32 $0x1;
	s16 =	simm.s32 $0x280  }
0x7: {  	s17 =	simm.s32 $0x300;
	s18 =	simm.s32 $0x380;
	s19 =	simm.s32 $0x400  }
0x8: {  	s20 =	simm.s32 $0x480;
	s28 =	simm.s32 $0x800;
	s29 =	simm.s32 $0x880  }
0x9: {  	s30 =	simm.s32 $0x900;
	s31 =	simm.s32 $0x980;
	s6 =	smul.u32 $0x5000, s8  }
0xa: {  	s13 =	simm.s32 $0x0;
	s2 =	sand.u32 $0x1, s2;
	s21 =	smul.u32 $0x280, s8  }
0xb: {  	[smem:$0x7FF] =	sst s4;
	s23 =	sshll.u32 s8, $0x6;
	s5 =	smul.u32 $0x50000, s2  }
0xc: {  	_ =	strace $0x80000047;
	s7 =	ssub.s32 $0x2, s2;
	[dreg:$0x6] =	wrdreg s25  }
0xd: {  	s2 =	smul.u32 $0x2800, s2;
	s8 =	sor.u32 $0x1C02, s23;
	[dreg:$0x7] =	wrdreg s26  }
0xe: {  	s23 =	simm.s32 $0x600;
	s25 =	simm.s32 $0x700;
	s26 =	simm.s32 $0x780  }
0xf: {  	s22 =	sshrl.u32 s7, $0x1;
	[dreg:$0x9] =	wrdreg s8;
	s5 =	sadd.s32 s6, s5  }
0x10: {  	s2 =	sadd.s32 s21, s2;
	s6 =	sadd.s32 s21, s3;
	s21 =	simm.s32 $0x500  }
0x11: {  	s5 =	sshrl.u32 s5, $0x3;
	s2 =	sshrl.u32 s2, $0x3;
	s9 =	sshrl.u32 s6, $0x3  }
0x12: {  	s5 =	sadd.s32 s5, s0;
	s0 =	sadd.s32 $0x19E00, s0;
	[dreg:$0xc] =	wrdreg s9  }
0x13: {  	s1 =	sadd.s32 s1, s2;
	s2 =	simm.s32 $0xA80;
	[dreg:$0x8] =	wrdreg s0  }
0x14: {  	s0 =	ssub.s32 s7, s22;
	[dreg:$0xa] =	wrdreg s1;
	s24 =	sadd.s32 $0x5E00, s5  }
0x15: {  	s22 =	simm.s32 $0x580;
	s1 =	simm.s32 $0xA00;
	s5 =	simm.s32 $0xB80  }
0x16: {  	s7 =	simm.s32 $0xC00;
	s0 =	smax.u32 s0, $0x1;
	[dreg:$0x5] =	wrdreg s24  }
0x17: {  	s24 =	simm.s32 $0x680;
	[dreg:$0xb] =	wrdreg s0;
	s0 =	simm.s32 $0xB00  }
.LBB2_1:
0x18: {  	[dreg:$0xd] =	wrdreg s13  }
0x19: {  	s6 =	rddreg [dreg:$0x1]  }
0x1a: {  	[spmem:s9], [sflag:s8] =	dma.local [hbm:s6], $0x50  }
0x1b: {  	_ =	swait.ge [sflag:s10], $0x50  }
0x1c: {  	[sflag:s10] =	ssyncset.done $0x0  }
0x1d: {  	s9 =	rddreg [dreg:$0x8];
	[sflag:s10] =	ssyncadd.s32 $0xFFFFFFB0  }
0x1e: {  	[tilespmem:s11], [sflag:$0x2] =	stream.linear.gather [hbm4b:s9+s4], $0x80, $0x38;
	[tilespmem:$0x1300] =	vst v63  }
0x1f: {  	_ =	swait.ge [sflag:s10], $0x80  }
0x20: {  	[sflag:s10] =	ssyncset.done $0x0  }
0x21: {  	[sflag:s10] =	ssyncadd.s32 $0xFFFFFF80  }
0x22: {  	[bflag:$0x0] =	sbarrier.arrive $0xFFFF  }
0x23: {  	s13 =	rddreg [dreg:$0x5]  }
0x24: {  	s6 =	sadd.s32 $0x0, s13  }
0x25: {  	[tilespmem:s4], [sflag:$0x2] =	stream.linear.gather [hbm4b:s6+s4], $0xC80, $0x38;
	[tilespmem:$0x1300] =	vst v63  }
0x26: {  	_ =	swait.ge [sflag:s10], $0xC80  }
0x27: {  	[sflag:s10] =	ssyncset.done $0x0  }
0x28: {  	[sflag:s10] =	ssyncadd.s32 $0xFFFFF380  }
0x29: {  	[spmem:s3] =	stream.indirect.scatter.add.f32 [tilespmem:s11], [sflag:$0x1], $0x1, s4, s12, $0xb8;
	[tilespmem:$0x1300] =	vst v63  }
0x2a: {  	s8 =	rddreg [dreg:$0x6]  }
0x2b: {  	[spmem:s3] =	stream.indirect.scatter.add.f32 [tilespmem:s11], [sflag:$0x1], $0x1, s8, s12, $0xb8;
	[tilespmem:$0x1300] =	vst v63  }
0x2c: {  	s9 =	rddreg [dreg:$0x7]  }
0x2d: {  	[spmem:s3] =	stream.indirect.scatter.add.f32 [tilespmem:s11], [sflag:$0x1], $0x1, s9, s12, $0xb8;
	[tilespmem:$0x1300] =	vst v63  }
0x2e: {  	s13 =	simm.s32 $0x180  }
0x2f: {  	[spmem:s3] =	stream.indirect.scatter.add.f32 [tilespmem:s11], [sflag:$0x1], $0x1, s13, s12, $0xb8;
	[tilespmem:$0x1300] =	vst v63  }
0x30: {  	_ = 	snop  }
0x31: {  	[spmem:s3] =	stream.indirect.scatter.add.f32 [tilespmem:s11], [sflag:$0x1], $0x1, s14, s12, $0xb8;
	[tilespmem:$0x1300] =	vst v63  }
0x32: {  	_ =	swait.ge [sflag:s15], $0x50  }
0x33: {  	[sflag:s15] =	ssyncset.done $0x0  }
0x34: {  	[sflag:s15] =	ssyncadd.s32 $0xFFFFFFB0  }
0x35: {  	_ =	swait.ge [sflag:s15], $0x50  }
0x36: {  	[sflag:s15] =	ssyncset.done $0x0  }
0x37: {  	[sflag:s15] =	ssyncadd.s32 $0xFFFFFFB0  }
0x38: {  	_ =	swait.ge [sflag:s15], $0x50  }
0x39: {  	[sflag:s15] =	ssyncset.done $0x0  }
0x3a: {  	[sflag:s15] =	ssyncadd.s32 $0xFFFFFFB0  }
0x3b: {  	_ =	swait.ge [sflag:s15], $0x50  }
0x3c: {  	[sflag:s15] =	ssyncset.done $0x0  }
0x3d: {  	[sflag:s15] =	ssyncadd.s32 $0xFFFFFFB0  }
0x3e: {  	_ =	swait.ge [sflag:s15], $0x50  }
0x3f: {  	[sflag:s15] =	ssyncset.done $0x0  }
0x40: {  	[sflag:s15] =	ssyncadd.s32 $0xFFFFFFB0  }
0x41: {  	[spmem:s3] =	stream.indirect.scatter.add.f32 [tilespmem:s11], [sflag:$0x1], $0x1, s16, s12, $0xb8;
	[tilespmem:$0x1300] =	vst v63  }
0x42: {  	_ = 	snop  }
0x43: {  	[spmem:s3] =	stream.indirect.scatter.add.f32 [tilespmem:s11], [sflag:$0x1], $0x1, s17, s12, $0xb8;
	[tilespmem:$0x1300] =	vst v63  }
0x44: {  	_ = 	snop  }
0x45: {  	[spmem:s3] =	stream.indirect.scatter.add.f32 [tilespmem:s11], [sflag:$0x1], $0x1, s18, s12, $0xb8;
	[tilespmem:$0x1300] =	vst v63  }
0x46: {  	_ = 	snop  }
0x47: {  	[spmem:s3] =	stream.indirect.scatter.add.f32 [tilespmem:s11], [sflag:$0x1], $0x1, s19, s12, $0xb8;
	[tilespmem:$0x1300] =	vst v63  }
0x48: {  	_ = 	snop  }
0x49: {  	[spmem:s3] =	stream.indirect.scatter.add.f32 [tilespmem:s11], [sflag:$0x1], $0x1, s20, s12, $0xb8;
	[tilespmem:$0x1300] =	vst v63  }
0x4a: {  	_ =	swait.ge [sflag:s15], $0x50  }
0x4b: {  	[sflag:s15] =	ssyncset.done $0x0  }
0x4c: {  	[sflag:s15] =	ssyncadd.s32 $0xFFFFFFB0  }
0x4d: {  	_ =	swait.ge [sflag:s15], $0x50  }
0x4e: {  	[sflag:s15] =	ssyncset.done $0x0  }
0x4f: {  	[sflag:s15] =	ssyncadd.s32 $0xFFFFFFB0  }
0x50: {  	_ =	swait.ge [sflag:s15], $0x50  }
0x51: {  	[sflag:s15] =	ssyncset.done $0x0  }
0x52: {  	[sflag:s15] =	ssyncadd.s32 $0xFFFFFFB0  }
0x53: {  	_ =	swait.ge [sflag:s15], $0x50  }
0x54: {  	[sflag:s15] =	ssyncset.done $0x0  }
0x55: {  	[sflag:s15] =	ssyncadd.s32 $0xFFFFFFB0  }
0x56: {  	_ =	swait.ge [sflag:s15], $0x50  }
0x57: {  	[sflag:s15] =	ssyncset.done $0x0  }
0x58: {  	[sflag:s15] =	ssyncadd.s32 $0xFFFFFFB0  }
0x59: {  	[spmem:s3] =	stream.indirect.scatter.add.f32 [tilespmem:s11], [sflag:$0x1], $0x1, s21, s12, $0xb8;
	[tilespmem:$0x1300] =	vst v63  }
0x5a: {  	_ = 	snop  }
0x5b: {  	[spmem:s3] =	stream.indirect.scatter.add.f32 [tilespmem:s11], [sflag:$0x1], $0x1, s22, s12, $0xb8;
	[tilespmem:$0x1300] =	vst v63  }
0x5c: {  	_ = 	snop  }
0x5d: {  	[spmem:s3] =	stream.indirect.scatter.add.f32 [tilespmem:s11], [sflag:$0x1], $0x1, s23, s12, $0xb8;
	[tilespmem:$0x1300] =	vst v63  }
0x5e: {  	_ = 	snop  }
0x5f: {  	[spmem:s3] =	stream.indirect.scatter.add.f32 [tilespmem:s11], [sflag:$0x1], $0x1, s24, s12, $0xb8;
	[tilespmem:$0x1300] =	vst v63  }
0x60: {  	_ = 	snop  }
0x61: {  	[spmem:s3] =	stream.indirect.scatter.add.f32 [tilespmem:s11], [sflag:$0x1], $0x1, s25, s12, $0xb8;
	[tilespmem:$0x1300] =	vst v63  }
0x62: {  	_ =	swait.ge [sflag:s15], $0x50  }
0x63: {  	[sflag:s15] =	ssyncset.done $0x0  }
0x64: {  	[sflag:s15] =	ssyncadd.s32 $0xFFFFFFB0  }
0x65: {  	_ =	swait.ge [sflag:s15], $0x50  }
0x66: {  	[sflag:s15] =	ssyncset.done $0x0  }
0x67: {  	[sflag:s15] =	ssyncadd.s32 $0xFFFFFFB0  }
0x68: {  	_ =	swait.ge [sflag:s15], $0x50  }
0x69: {  	[sflag:s15] =	ssyncset.done $0x0  }
0x6a: {  	[sflag:s15] =	ssyncadd.s32 $0xFFFFFFB0  }
0x6b: {  	_ =	swait.ge [sflag:s15], $0x50  }
0x6c: {  	[sflag:s15] =	ssyncset.done $0x0  }
0x6d: {  	[sflag:s15] =	ssyncadd.s32 $0xFFFFFFB0  }
0x6e: {  	_ =	swait.ge [sflag:s15], $0x50  }
0x6f: {  	[sflag:s15] =	ssyncset.done $0x0  }
0x70: {  	[sflag:s15] =	ssyncadd.s32 $0xFFFFFFB0  }
0x71: {  	[spmem:s3] =	stream.indirect.scatter.add.f32 [tilespmem:s11], [sflag:$0x1], $0x1, s26, s12, $0xb8;
	[tilespmem:$0x1300] =	vst v63  }
0x72: {  	_ = 	snop  }
0x73: {  	[spmem:s3] =	stream.indirect.scatter.add.f32 [tilespmem:s11], [sflag:$0x1], $0x1, s28, s12, $0xb8;
	[tilespmem:$0x1300] =	vst v63  }
0x74: {  	_ = 	snop  }
0x75: {  	[spmem:s3] =	stream.indirect.scatter.add.f32 [tilespmem:s11], [sflag:$0x1], $0x1, s29, s12, $0xb8;
	[tilespmem:$0x1300] =	vst v63  }
0x76: {  	_ = 	snop  }
0x77: {  	[spmem:s3] =	stream.indirect.scatter.add.f32 [tilespmem:s11], [sflag:$0x1], $0x1, s30, s12, $0xb8;
	[tilespmem:$0x1300] =	vst v63  }
0x78: {  	_ = 	snop  }
0x79: {  	[spmem:s3] =	stream.indirect.scatter.add.f32 [tilespmem:s11], [sflag:$0x1], $0x1, s31, s12, $0xb8;
	[tilespmem:$0x1300] =	vst v63  }
0x7a: {  	_ =	swait.ge [sflag:s15], $0x50  }
0x7b: {  	[sflag:s15] =	ssyncset.done $0x0  }
0x7c: {  	[sflag:s15] =	ssyncadd.s32 $0xFFFFFFB0  }
0x7d: {  	_ =	swait.ge [sflag:s15], $0x50  }
0x7e: {  	[sflag:s15] =	ssyncset.done $0x0  }
0x7f: {  	[sflag:s15] =	ssyncadd.s32 $0xFFFFFFB0  }
0x80: {  	_ =	swait.ge [sflag:s15], $0x50  }
0x81: {  	[sflag:s15] =	ssyncset.done $0x0  }
0x82: {  	[sflag:s15] =	ssyncadd.s32 $0xFFFFFFB0  }
0x83: {  	_ =	swait.ge [sflag:s15], $0x50  }
0x84: {  	[sflag:s15] =	ssyncset.done $0x0  }
0x85: {  	[sflag:s15] =	ssyncadd.s32 $0xFFFFFFB0  }
0x86: {  	_ =	swait.ge [sflag:s15], $0x50  }
0x87: {  	[sflag:s15] =	ssyncset.done $0x0  }
0x88: {  	[sflag:s15] =	ssyncadd.s32 $0xFFFFFFB0  }
0x89: {  	[spmem:s3] =	stream.indirect.scatter.add.f32 [tilespmem:s11], [sflag:$0x1], $0x1, s1, s12, $0xb8;
	[tilespmem:$0x1300] =	vst v63  }
0x8a: {  	_ = 	snop  }
0x8b: {  	[spmem:s3] =	stream.indirect.scatter.add.f32 [tilespmem:s11], [sflag:$0x1], $0x1, s2, s12, $0xb8;
	[tilespmem:$0x1300] =	vst v63  }
0x8c: {  	_ = 	snop  }
0x8d: {  	[spmem:s3] =	stream.indirect.scatter.add.f32 [tilespmem:s11], [sflag:$0x1], $0x1, s0, s12, $0xb8;
	[tilespmem:$0x1300] =	vst v63  }
0x8e: {  	_ = 	snop  }
0x8f: {  	[spmem:s3] =	stream.indirect.scatter.add.f32 [tilespmem:s11], [sflag:$0x1], $0x1, s5, s12, $0xb8;
	[tilespmem:$0x1300] =	vst v63  }
0x90: {  	_ = 	snop  }
0x91: {  	[spmem:s3] =	stream.indirect.scatter.add.f32 [tilespmem:s11], [sflag:$0x1], $0x1, s7, s12, $0xb8;
	[tilespmem:$0x1300] =	vst v63  }
0x92: {  	_ =	swait.ge [sflag:s15], $0x50  }
0x93: {  	[sflag:s15] =	ssyncset.done $0x0  }
0x94: {  	[sflag:s15] =	ssyncadd.s32 $0xFFFFFFB0  }
0x95: {  	_ =	swait.ge [sflag:s15], $0x50  }
0x96: {  	[sflag:s15] =	ssyncset.done $0x0  }
0x97: {  	[sflag:s15] =	ssyncadd.s32 $0xFFFFFFB0  }
0x98: {  	_ =	swait.ge [sflag:s15], $0x50  }
0x99: {  	[sflag:s15] =	ssyncset.done $0x0  }
0x9a: {  	[sflag:s15] =	ssyncadd.s32 $0xFFFFFFB0  }
0x9b: {  	_ =	swait.ge [sflag:s15], $0x50  }
0x9c: {  	[sflag:s15] =	ssyncset.done $0x0  }
0x9d: {  	[sflag:s15] =	ssyncadd.s32 $0xFFFFFFB0  }
0x9e: {  	s6 =	simm.s32 $0x200;
	_ =	swait.ge [sflag:s15], $0x50  }
0x9f: {  	s9 =	simm.s32 $0x400;
	s8 =	rddreg [dreg:$0x5];
	[sflag:s15] =	ssyncset.done $0x0  }
.LBB2_2:
0xa0: {  	[sflag:s15] =	ssyncadd.s32 $0xFFFFFFB0;
	s8 =	sadd.s32 s6, s8  }
0xa1: {  	[tilespmem:s4], [sflag:$0x2] =	stream.linear.gather [hbm4b:s8+s4], $0xC80, $0x38;
	[tilespmem:$0x1300] =	vst v63  }
0xa2: {  	_ =	swait.ge [sflag:s10], $0xC80  }
0xa3: {  	[sflag:s10] =	ssyncset.done $0x0  }
0xa4: {  	[sflag:s10] =	ssyncadd.s32 $0xFFFFF380  }
0xa5: {  	[spmem:s3] =	stream.indirect.scatter.add.f32 [tilespmem:s11], [sflag:$0x1], $0x1, s4, s12, $0xb8;
	[tilespmem:$0x1300] =	vst v63  }
0xa6: {  	s13 =	smov.u32 s9;
	s8 =	rddreg [dreg:$0x6]  }
0xa7: {  	[spmem:s3] =	stream.indirect.scatter.add.f32 [tilespmem:s11], [sflag:$0x1], $0x1, s8, s12, $0xb8;
	[tilespmem:$0x1300] =	vst v63  }
0xa8: {  	s6 =	smov.u32 s13;
	s13 =	rddreg [dreg:$0x7]  }
0xa9: {  	[spmem:s3] =	stream.indirect.scatter.add.f32 [tilespmem:s11], [sflag:$0x1], $0x1, s13, s12, $0xb8;
	[tilespmem:$0x1300] =	vst v63  }
0xaa: {  	s13 =	simm.s32 $0x180  }
0xab: {  	[spmem:s3] =	stream.indirect.scatter.add.f32 [tilespmem:s11], [sflag:$0x1], $0x1, s13, s12, $0xb8;
	[tilespmem:$0x1300] =	vst v63  }
0xac: {  	_ = 	snop  }
0xad: {  	[spmem:s3] =	stream.indirect.scatter.add.f32 [tilespmem:s11], [sflag:$0x1], $0x1, s14, s12, $0xb8;
	[tilespmem:$0x1300] =	vst v63  }
0xae: {  	_ =	swait.ge [sflag:s15], $0x50  }
0xaf: {  	[sflag:s15] =	ssyncset.done $0x0  }
0xb0: {  	[sflag:s15] =	ssyncadd.s32 $0xFFFFFFB0  }
0xb1: {  	_ =	swait.ge [sflag:s15], $0x50  }
0xb2: {  	[sflag:s15] =	ssyncset.done $0x0  }
0xb3: {  	[sflag:s15] =	ssyncadd.s32 $0xFFFFFFB0  }
0xb4: {  	_ =	swait.ge [sflag:s15], $0x50  }
0xb5: {  	[sflag:s15] =	ssyncset.done $0x0  }
0xb6: {  	[sflag:s15] =	ssyncadd.s32 $0xFFFFFFB0  }
0xb7: {  	_ =	swait.ge [sflag:s15], $0x50  }
0xb8: {  	[sflag:s15] =	ssyncset.done $0x0  }
0xb9: {  	[sflag:s15] =	ssyncadd.s32 $0xFFFFFFB0  }
0xba: {  	_ =	swait.ge [sflag:s15], $0x50  }
0xbb: {  	[sflag:s15] =	ssyncset.done $0x0  }
0xbc: {  	[sflag:s15] =	ssyncadd.s32 $0xFFFFFFB0  }
0xbd: {  	[spmem:s3] =	stream.indirect.scatter.add.f32 [tilespmem:s11], [sflag:$0x1], $0x1, s16, s12, $0xb8;
	[tilespmem:$0x1300] =	vst v63  }
0xbe: {  	_ = 	snop  }
0xbf: {  	[spmem:s3] =	stream.indirect.scatter.add.f32 [tilespmem:s11], [sflag:$0x1], $0x1, s17, s12, $0xb8;
	[tilespmem:$0x1300] =	vst v63  }
0xc0: {  	_ = 	snop  }
0xc1: {  	[spmem:s3] =	stream.indirect.scatter.add.f32 [tilespmem:s11], [sflag:$0x1], $0x1, s18, s12, $0xb8;
	[tilespmem:$0x1300] =	vst v63  }
0xc2: {  	_ = 	snop  }
0xc3: {  	[spmem:s3] =	stream.indirect.scatter.add.f32 [tilespmem:s11], [sflag:$0x1], $0x1, s19, s12, $0xb8;
	[tilespmem:$0x1300] =	vst v63  }
0xc4: {  	_ = 	snop  }
0xc5: {  	[spmem:s3] =	stream.indirect.scatter.add.f32 [tilespmem:s11], [sflag:$0x1], $0x1, s20, s12, $0xb8;
	[tilespmem:$0x1300] =	vst v63  }
0xc6: {  	_ =	swait.ge [sflag:s15], $0x50  }
0xc7: {  	[sflag:s15] =	ssyncset.done $0x0  }
0xc8: {  	[sflag:s15] =	ssyncadd.s32 $0xFFFFFFB0  }
0xc9: {  	_ =	swait.ge [sflag:s15], $0x50  }
0xca: {  	[sflag:s15] =	ssyncset.done $0x0  }
0xcb: {  	[sflag:s15] =	ssyncadd.s32 $0xFFFFFFB0  }
0xcc: {  	_ =	swait.ge [sflag:s15], $0x50  }
0xcd: {  	[sflag:s15] =	ssyncset.done $0x0  }
0xce: {  	[sflag:s15] =	ssyncadd.s32 $0xFFFFFFB0  }
0xcf: {  	_ =	swait.ge [sflag:s15], $0x50  }
0xd0: {  	[sflag:s15] =	ssyncset.done $0x0  }
0xd1: {  	[sflag:s15] =	ssyncadd.s32 $0xFFFFFFB0  }
0xd2: {  	_ =	swait.ge [sflag:s15], $0x50  }
0xd3: {  	[sflag:s15] =	ssyncset.done $0x0  }
0xd4: {  	[sflag:s15] =	ssyncadd.s32 $0xFFFFFFB0  }
0xd5: {  	[spmem:s3] =	stream.indirect.scatter.add.f32 [tilespmem:s11], [sflag:$0x1], $0x1, s21, s12, $0xb8;
	[tilespmem:$0x1300] =	vst v63  }
0xd6: {  	_ = 	snop  }
0xd7: {  	[spmem:s3] =	stream.indirect.scatter.add.f32 [tilespmem:s11], [sflag:$0x1], $0x1, s22, s12, $0xb8;
	[tilespmem:$0x1300] =	vst v63  }
0xd8: {  	_ = 	snop  }
0xd9: {  	[spmem:s3] =	stream.indirect.scatter.add.f32 [tilespmem:s11], [sflag:$0x1], $0x1, s23, s12, $0xb8;
	[tilespmem:$0x1300] =	vst v63  }
0xda: {  	_ = 	snop  }
0xdb: {  	[spmem:s3] =	stream.indirect.scatter.add.f32 [tilespmem:s11], [sflag:$0x1], $0x1, s24, s12, $0xb8;
	[tilespmem:$0x1300] =	vst v63  }
0xdc: {  	_ = 	snop  }
0xdd: {  	[spmem:s3] =	stream.indirect.scatter.add.f32 [tilespmem:s11], [sflag:$0x1], $0x1, s25, s12, $0xb8;
	[tilespmem:$0x1300] =	vst v63  }
0xde: {  	_ =	swait.ge [sflag:s15], $0x50  }
0xdf: {  	[sflag:s15] =	ssyncset.done $0x0  }
0xe0: {  	[sflag:s15] =	ssyncadd.s32 $0xFFFFFFB0  }
0xe1: {  	_ =	swait.ge [sflag:s15], $0x50  }
0xe2: {  	[sflag:s15] =	ssyncset.done $0x0  }
0xe3: {  	[sflag:s15] =	ssyncadd.s32 $0xFFFFFFB0  }
0xe4: {  	_ =	swait.ge [sflag:s15], $0x50  }
0xe5: {  	[sflag:s15] =	ssyncset.done $0x0  }
0xe6: {  	[sflag:s15] =	ssyncadd.s32 $0xFFFFFFB0  }
0xe7: {  	_ =	swait.ge [sflag:s15], $0x50  }
0xe8: {  	[sflag:s15] =	ssyncset.done $0x0  }
0xe9: {  	[sflag:s15] =	ssyncadd.s32 $0xFFFFFFB0  }
0xea: {  	_ =	swait.ge [sflag:s15], $0x50  }
0xeb: {  	[sflag:s15] =	ssyncset.done $0x0  }
0xec: {  	[sflag:s15] =	ssyncadd.s32 $0xFFFFFFB0  }
0xed: {  	[spmem:s3] =	stream.indirect.scatter.add.f32 [tilespmem:s11], [sflag:$0x1], $0x1, s26, s12, $0xb8;
	[tilespmem:$0x1300] =	vst v63  }
0xee: {  	_ = 	snop  }
0xef: {  	[spmem:s3] =	stream.indirect.scatter.add.f32 [tilespmem:s11], [sflag:$0x1], $0x1, s28, s12, $0xb8;
	[tilespmem:$0x1300] =	vst v63  }
0xf0: {  	_ = 	snop  }
0xf1: {  	[spmem:s3] =	stream.indirect.scatter.add.f32 [tilespmem:s11], [sflag:$0x1], $0x1, s29, s12, $0xb8;
	[tilespmem:$0x1300] =	vst v63  }
0xf2: {  	_ = 	snop  }
0xf3: {  	[spmem:s3] =	stream.indirect.scatter.add.f32 [tilespmem:s11], [sflag:$0x1], $0x1, s30, s12, $0xb8;
	[tilespmem:$0x1300] =	vst v63  }
0xf4: {  	_ = 	snop  }
0xf5: {  	[spmem:s3] =	stream.indirect.scatter.add.f32 [tilespmem:s11], [sflag:$0x1], $0x1, s31, s12, $0xb8;
	[tilespmem:$0x1300] =	vst v63  }
0xf6: {  	_ =	swait.ge [sflag:s15], $0x50  }
0xf7: {  	[sflag:s15] =	ssyncset.done $0x0  }
0xf8: {  	[sflag:s15] =	ssyncadd.s32 $0xFFFFFFB0  }
0xf9: {  	_ =	swait.ge [sflag:s15], $0x50  }
0xfa: {  	[sflag:s15] =	ssyncset.done $0x0  }
0xfb: {  	[sflag:s15] =	ssyncadd.s32 $0xFFFFFFB0  }
0xfc: {  	_ =	swait.ge [sflag:s15], $0x50  }
0xfd: {  	[sflag:s15] =	ssyncset.done $0x0  }
0xfe: {  	[sflag:s15] =	ssyncadd.s32 $0xFFFFFFB0  }
0xff: {  	_ =	swait.ge [sflag:s15], $0x50  }
0x100: {  	[sflag:s15] =	ssyncset.done $0x0  }
0x101: {  	[sflag:s15] =	ssyncadd.s32 $0xFFFFFFB0  }
0x102: {  	_ =	swait.ge [sflag:s15], $0x50  }
0x103: {  	[sflag:s15] =	ssyncset.done $0x0  }
0x104: {  	[sflag:s15] =	ssyncadd.s32 $0xFFFFFFB0  }
0x105: {  	[spmem:s3] =	stream.indirect.scatter.add.f32 [tilespmem:s11], [sflag:$0x1], $0x1, s1, s12, $0xb8;
	[tilespmem:$0x1300] =	vst v63  }
0x106: {  	_ = 	snop  }
0x107: {  	[spmem:s3] =	stream.indirect.scatter.add.f32 [tilespmem:s11], [sflag:$0x1], $0x1, s2, s12, $0xb8;
	[tilespmem:$0x1300] =	vst v63  }
0x108: {  	_ = 	snop  }
0x109: {  	[spmem:s3] =	stream.indirect.scatter.add.f32 [tilespmem:s11], [sflag:$0x1], $0x1, s0, s12, $0xb8;
	[tilespmem:$0x1300] =	vst v63  }
0x10a: {  	_ = 	snop  }
0x10b: {  	[spmem:s3] =	stream.indirect.scatter.add.f32 [tilespmem:s11], [sflag:$0x1], $0x1, s5, s12, $0xb8;
	[tilespmem:$0x1300] =	vst v63  }
0x10c: {  	_ = 	snop  }
0x10d: {  	[spmem:s3] =	stream.indirect.scatter.add.f32 [tilespmem:s11], [sflag:$0x1], $0x1, s7, s12, $0xb8;
	[tilespmem:$0x1300] =	vst v63  }
0x10e: {  	_ =	swait.ge [sflag:s15], $0x50  }
0x10f: {  	[sflag:s15] =	ssyncset.done $0x0  }
0x110: {  	[sflag:s15] =	ssyncadd.s32 $0xFFFFFFB0  }
0x111: {  	_ =	swait.ge [sflag:s15], $0x50  }
0x112: {  	[sflag:s15] =	ssyncset.done $0x0  }
0x113: {  	[sflag:s15] =	ssyncadd.s32 $0xFFFFFFB0  }
0x114: {  	_ =	swait.ge [sflag:s15], $0x50  }
0x115: {  	[sflag:s15] =	ssyncset.done $0x0  }
0x116: {  	p0 =	sne.s32 s9, $0x800;
	[sflag:s15] =	ssyncadd.s32 $0xFFFFFFB0  }
.Ltmp0:
0x117: {  	_ =	swait.ge [sflag:s15], $0x50;
	(pc) =	sbr.rel @p0 .LBB2_2-.Ltmp0, $4  }
0x118: {  	[sflag:s15] =	ssyncset.done $0x0  }
0x119: {  	[sflag:s15] =	ssyncadd.s32 $0xFFFFFFB0  }
0x11a: {  	_ =	swait.ge [sflag:s15], $0x50  }
0x11b: {  	s9 =	sadd.s32 $0x200, s9;
	s8 =	rddreg [dreg:$0x5];
	[sflag:s15] =	ssyncset.done $0x0  }
0x11c: {  	[sflag:s15] =	ssyncadd.s32 $0xFFFFFFB0;
	s6 =	sadd.s32 s6, s8  }
0x11d: {  	[tilespmem:s4], [sflag:$0x2] =	stream.linear.gather [hbm4b:s6+s4], $0xC80, $0x38;
	[tilespmem:$0x1300] =	vst v63  }
0x11e: {  	_ =	swait.ge [sflag:s10], $0xC80  }
0x11f: {  	[sflag:s10] =	ssyncset.done $0x0  }
0x120: {  	[sflag:s10] =	ssyncadd.s32 $0xFFFFF380  }
0x121: {  	[spmem:s3] =	stream.indirect.scatter.add.f32 [tilespmem:s11], [sflag:$0x1], $0x1, s4, s12, $0xb8;
	[tilespmem:$0x1300] =	vst v63  }
0x122: {  	s9 =	rddreg [dreg:$0x6]  }
0x123: {  	[spmem:s3] =	stream.indirect.scatter.add.f32 [tilespmem:s11], [sflag:$0x1], $0x1, s9, s12, $0xb8;
	[tilespmem:$0x1300] =	vst v63  }
0x124: {  	s13 =	rddreg [dreg:$0x7]  }
0x125: {  	[spmem:s3] =	stream.indirect.scatter.add.f32 [tilespmem:s11], [sflag:$0x1], $0x1, s13, s12, $0xb8;
	[tilespmem:$0x1300] =	vst v63  }
0x126: {  	s9 =	simm.s32 $0x180  }
0x127: {  	[spmem:s3] =	stream.indirect.scatter.add.f32 [tilespmem:s11], [sflag:$0x1], $0x1, s9, s12, $0xb8;
	[tilespmem:$0x1300] =	vst v63  }
0x128: {  	_ = 	snop  }
0x129: {  	[spmem:s3] =	stream.indirect.scatter.add.f32 [tilespmem:s11], [sflag:$0x1], $0x1, s14, s12, $0xb8;
	[tilespmem:$0x1300] =	vst v63  }
0x12a: {  	_ =	swait.ge [sflag:s15], $0x50  }
0x12b: {  	[sflag:s15] =	ssyncset.done $0x0  }
0x12c: {  	[sflag:s15] =	ssyncadd.s32 $0xFFFFFFB0  }
0x12d: {  	_ =	swait.ge [sflag:s15], $0x50  }
0x12e: {  	[sflag:s15] =	ssyncset.done $0x0  }
0x12f: {  	[sflag:s15] =	ssyncadd.s32 $0xFFFFFFB0  }
0x130: {  	_ =	swait.ge [sflag:s15], $0x50  }
0x131: {  	[sflag:s15] =	ssyncset.done $0x0  }
0x132: {  	[sflag:s15] =	ssyncadd.s32 $0xFFFFFFB0  }
0x133: {  	_ =	swait.ge [sflag:s15], $0x50  }
0x134: {  	[sflag:s15] =	ssyncset.done $0x0  }
0x135: {  	[sflag:s15] =	ssyncadd.s32 $0xFFFFFFB0  }
0x136: {  	_ =	swait.ge [sflag:s15], $0x50  }
0x137: {  	[sflag:s15] =	ssyncset.done $0x0  }
0x138: {  	[sflag:s15] =	ssyncadd.s32 $0xFFFFFFB0  }
0x139: {  	[spmem:s3] =	stream.indirect.scatter.add.f32 [tilespmem:s11], [sflag:$0x1], $0x1, s16, s12, $0xb8;
	[tilespmem:$0x1300] =	vst v63  }
0x13a: {  	_ = 	snop  }
0x13b: {  	[spmem:s3] =	stream.indirect.scatter.add.f32 [tilespmem:s11], [sflag:$0x1], $0x1, s17, s12, $0xb8;
	[tilespmem:$0x1300] =	vst v63  }
0x13c: {  	_ = 	snop  }
0x13d: {  	[spmem:s3] =	stream.indirect.scatter.add.f32 [tilespmem:s11], [sflag:$0x1], $0x1, s18, s12, $0xb8;
	[tilespmem:$0x1300] =	vst v63  }
0x13e: {  	_ = 	snop  }
0x13f: {  	[spmem:s3] =	stream.indirect.scatter.add.f32 [tilespmem:s11], [sflag:$0x1], $0x1, s19, s12, $0xb8;
	[tilespmem:$0x1300] =	vst v63  }
0x140: {  	_ = 	snop  }
0x141: {  	[spmem:s3] =	stream.indirect.scatter.add.f32 [tilespmem:s11], [sflag:$0x1], $0x1, s20, s12, $0xb8;
	[tilespmem:$0x1300] =	vst v63  }
0x142: {  	_ =	swait.ge [sflag:s15], $0x50  }
0x143: {  	[sflag:s15] =	ssyncset.done $0x0  }
0x144: {  	[sflag:s15] =	ssyncadd.s32 $0xFFFFFFB0  }
0x145: {  	_ =	swait.ge [sflag:s15], $0x50  }
0x146: {  	[sflag:s15] =	ssyncset.done $0x0  }
0x147: {  	[sflag:s15] =	ssyncadd.s32 $0xFFFFFFB0  }
0x148: {  	_ =	swait.ge [sflag:s15], $0x50  }
0x149: {  	[sflag:s15] =	ssyncset.done $0x0  }
0x14a: {  	[sflag:s15] =	ssyncadd.s32 $0xFFFFFFB0  }
0x14b: {  	_ =	swait.ge [sflag:s15], $0x50  }
0x14c: {  	[sflag:s15] =	ssyncset.done $0x0  }
0x14d: {  	[sflag:s15] =	ssyncadd.s32 $0xFFFFFFB0  }
0x14e: {  	_ =	swait.ge [sflag:s15], $0x50  }
0x14f: {  	[sflag:s15] =	ssyncset.done $0x0  }
0x150: {  	[sflag:s15] =	ssyncadd.s32 $0xFFFFFFB0  }
0x151: {  	[spmem:s3] =	stream.indirect.scatter.add.f32 [tilespmem:s11], [sflag:$0x1], $0x1, s21, s12, $0xb8;
	[tilespmem:$0x1300] =	vst v63  }
0x152: {  	_ = 	snop  }
0x153: {  	[spmem:s3] =	stream.indirect.scatter.add.f32 [tilespmem:s11], [sflag:$0x1], $0x1, s22, s12, $0xb8;
	[tilespmem:$0x1300] =	vst v63  }
0x154: {  	_ = 	snop  }
0x155: {  	[spmem:s3] =	stream.indirect.scatter.add.f32 [tilespmem:s11], [sflag:$0x1], $0x1, s23, s12, $0xb8;
	[tilespmem:$0x1300] =	vst v63  }
0x156: {  	_ = 	snop  }
0x157: {  	[spmem:s3] =	stream.indirect.scatter.add.f32 [tilespmem:s11], [sflag:$0x1], $0x1, s24, s12, $0xb8;
	[tilespmem:$0x1300] =	vst v63  }
0x158: {  	_ = 	snop  }
0x159: {  	[spmem:s3] =	stream.indirect.scatter.add.f32 [tilespmem:s11], [sflag:$0x1], $0x1, s25, s12, $0xb8;
	[tilespmem:$0x1300] =	vst v63  }
0x15a: {  	_ =	swait.ge [sflag:s15], $0x50  }
0x15b: {  	[sflag:s15] =	ssyncset.done $0x0  }
0x15c: {  	[sflag:s15] =	ssyncadd.s32 $0xFFFFFFB0  }
0x15d: {  	_ =	swait.ge [sflag:s15], $0x50  }
0x15e: {  	[sflag:s15] =	ssyncset.done $0x0  }
0x15f: {  	[sflag:s15] =	ssyncadd.s32 $0xFFFFFFB0  }
0x160: {  	_ =	swait.ge [sflag:s15], $0x50  }
0x161: {  	[sflag:s15] =	ssyncset.done $0x0  }
0x162: {  	[sflag:s15] =	ssyncadd.s32 $0xFFFFFFB0  }
0x163: {  	_ =	swait.ge [sflag:s15], $0x50  }
0x164: {  	[sflag:s15] =	ssyncset.done $0x0  }
0x165: {  	[sflag:s15] =	ssyncadd.s32 $0xFFFFFFB0  }
0x166: {  	_ =	swait.ge [sflag:s15], $0x50  }
0x167: {  	[sflag:s15] =	ssyncset.done $0x0  }
0x168: {  	[sflag:s15] =	ssyncadd.s32 $0xFFFFFFB0  }
0x169: {  	[spmem:s3] =	stream.indirect.scatter.add.f32 [tilespmem:s11], [sflag:$0x1], $0x1, s26, s12, $0xb8;
	[tilespmem:$0x1300] =	vst v63  }
0x16a: {  	_ = 	snop  }
0x16b: {  	[spmem:s3] =	stream.indirect.scatter.add.f32 [tilespmem:s11], [sflag:$0x1], $0x1, s28, s12, $0xb8;
	[tilespmem:$0x1300] =	vst v63  }
0x16c: {  	_ = 	snop  }
0x16d: {  	[spmem:s3] =	stream.indirect.scatter.add.f32 [tilespmem:s11], [sflag:$0x1], $0x1, s29, s12, $0xb8;
	[tilespmem:$0x1300] =	vst v63  }
0x16e: {  	_ = 	snop  }
0x16f: {  	[spmem:s3] =	stream.indirect.scatter.add.f32 [tilespmem:s11], [sflag:$0x1], $0x1, s30, s12, $0xb8;
	[tilespmem:$0x1300] =	vst v63  }
0x170: {  	_ = 	snop  }
0x171: {  	[spmem:s3] =	stream.indirect.scatter.add.f32 [tilespmem:s11], [sflag:$0x1], $0x1, s31, s12, $0xb8;
	[tilespmem:$0x1300] =	vst v63  }
0x172: {  	_ =	swait.ge [sflag:s15], $0x50  }
0x173: {  	[sflag:s15] =	ssyncset.done $0x0  }
0x174: {  	[sflag:s15] =	ssyncadd.s32 $0xFFFFFFB0  }
0x175: {  	_ =	swait.ge [sflag:s15], $0x50  }
0x176: {  	[sflag:s15] =	ssyncset.done $0x0  }
0x177: {  	[sflag:s15] =	ssyncadd.s32 $0xFFFFFFB0  }
0x178: {  	_ =	swait.ge [sflag:s15], $0x50  }
0x179: {  	[sflag:s15] =	ssyncset.done $0x0  }
0x17a: {  	[sflag:s15] =	ssyncadd.s32 $0xFFFFFFB0  }
0x17b: {  	_ =	swait.ge [sflag:s15], $0x50  }
0x17c: {  	[sflag:s15] =	ssyncset.done $0x0  }
0x17d: {  	[sflag:s15] =	ssyncadd.s32 $0xFFFFFFB0  }
0x17e: {  	_ =	swait.ge [sflag:s15], $0x50  }
0x17f: {  	[sflag:s15] =	ssyncset.done $0x0  }
0x180: {  	[sflag:s15] =	ssyncadd.s32 $0xFFFFFFB0  }
0x181: {  	[spmem:s3] =	stream.indirect.scatter.add.f32 [tilespmem:s11], [sflag:$0x1], $0x1, s1, s12, $0xb8;
	[tilespmem:$0x1300] =	vst v63  }
0x182: {  	_ = 	snop  }
0x183: {  	[spmem:s3] =	stream.indirect.scatter.add.f32 [tilespmem:s11], [sflag:$0x1], $0x1, s2, s12, $0xb8;
	[tilespmem:$0x1300] =	vst v63  }
0x184: {  	_ = 	snop  }
0x185: {  	[spmem:s3] =	stream.indirect.scatter.add.f32 [tilespmem:s11], [sflag:$0x1], $0x1, s0, s12, $0xb8;
	[tilespmem:$0x1300] =	vst v63  }
0x186: {  	_ = 	snop  }
0x187: {  	[spmem:s3] =	stream.indirect.scatter.add.f32 [tilespmem:s11], [sflag:$0x1], $0x1, s5, s12, $0xb8;
	[tilespmem:$0x1300] =	vst v63  }
0x188: {  	_ = 	snop  }
0x189: {  	[spmem:s3] =	stream.indirect.scatter.add.f32 [tilespmem:s11], [sflag:$0x1], $0x1, s7, s12, $0xb8;
	[tilespmem:$0x1300] =	vst v63  }
0x18a: {  	_ =	swait.ge [sflag:s15], $0x50  }
0x18b: {  	[sflag:s15] =	ssyncset.done $0x0  }
0x18c: {  	[sflag:s15] =	ssyncadd.s32 $0xFFFFFFB0  }
0x18d: {  	_ =	swait.ge [sflag:s15], $0x50  }
0x18e: {  	[sflag:s15] =	ssyncset.done $0x0  }
0x18f: {  	[sflag:s15] =	ssyncadd.s32 $0xFFFFFFB0  }
0x190: {  	_ =	swait.ge [sflag:s15], $0x50  }
0x191: {  	[sflag:s15] =	ssyncset.done $0x0  }
0x192: {  	[sflag:s15] =	ssyncadd.s32 $0xFFFFFFB0  }
0x193: {  	_ =	swait.ge [sflag:s15], $0x50  }
0x194: {  	[sflag:s15] =	ssyncset.done $0x0  }
0x195: {  	[sflag:s15] =	ssyncadd.s32 $0xFFFFFFB0  }
0x196: {  	_ =	swait.ge [sflag:s15], $0x50  }
0x197: {  	[sflag:s15] =	ssyncset.done $0x0  }
0x198: {  	[sflag:s15] =	ssyncadd.s32 $0xFFFFFFB0  }
0x199: {  	[bflag:$0x0] =	sbarrier.arrive $0xFFFF  }
0x19a: {  	s8 =	rddreg [dreg:$0x9]  }
0x19b: {  	s13 =	rddreg [dreg:$0xa]  }
0x19c: {  	s9 =	rddreg [dreg:$0xc]  }
0x19d: {  	[hbm:s13], [sflag:s8] =	dma.local [spmem:s9], $0x50  }
0x19e: {  	_ =	swait.ge [sflag:s10], $0x50  }
0x19f: {  	s13 =	rddreg [dreg:$0xd]  }
0x1a0: {  	s6 =	rddreg [dreg:$0xb];
	s13 =	sadd.s32 $0x1, s13  }
0x1a1: {  	p0 =	sne.s32 s13, s6  }
.Ltmp1:
0x1a2: {  	_ = 	snop;
	(pc) =	sbr.rel @p0 .LBB2_1-.Ltmp1, $3  }
0x1a3: {  	_ =	sdelay $0x1  }
0x1a4: {  	[sflag:s10] =	ssyncset.done $0x0  }
0x1a5: {  	[sflag:s10] =	ssyncadd.s32 $0xFFFFFFB0  }
0x1a6: {  	_ =	sfence.sel $0x180000  }
0x1a7: {  	[bflag:$0x0] =	sbarrier.arrive $0xFFFF  }
0x1a8: {  	_ =	strace $0x90000047  }
0x1a9: {  	s0 =	stileid.u32;
	[bflag:$0x2] =	sbarrier.arrive $0xFFFF  }
0x1aa: {  	p0 =	sne.s32 s0, $0x0;
	s0 =	rddreg [dreg:$0x4]  }
0x1ab: {  	s0 =	sadd.s32 @!p0 $0x100000, s0  }
0x1ac: {  	[sflag:s0] =	ssyncadd.tile.s32 @!p0 $0x1;
	_ =	shalt  }
.Lfunc_end2:
_tile_overlayer_lowered:
.L_overlay_start_2:
0x1ad: {  	(tag) =	ssettag $0x2  }
0x1ae: {  	s0 =	rddreg [dreg:$0x0];
	s2 =	stileid.u32  }
0x1af: {  	s1 =	rddreg [dreg:$0x1];
	p0 =	sne.s32 s2, $0x0  }
0x1b0: {  	s3 =	rddreg [dreg:$0x2];
	[bflag:$0x3] =	sbarrier.arrive $0xFFFF;
	s2 =	simm.s32 @!p0 $0x1C02  }
0x1b1: {  	[timem:s3], [sflag:s2] =	dma.local @!p0 [hbm:s0], s1  }
0x1b2: {  	s0 =	simm.s32 @!p0 $0x2  }
0x1b3: {  	_ =	swait.ge @!p0 [sflag:s0], s1  }
0x1b4: {  	s1 =	ssub.s32 @!p0 $0x0, s1;
	[sflag:s0] =	ssyncset.done @!p0 $0x0  }
0x1b5: {  	[sflag:s0] =	ssyncadd.s32 @!p0 s1  }
0x1b6: {  	[bflag:$0x3] =	sbarrier.arrive $0xFFFF  }
0x1b7: {  	_ =	shalt  }

</sc_bundles>
